<compile_context>
chip_gen: v7x
topology: tpu7x:2x2x1
jax: 0.10.2.dev20260603
libtpu: 0.0.44.dev20260713+nightly
codegen_flags: <defaults>
</compile_context>

<pallas_src>
import functools

import jax
import jax.numpy as jnp
from jax import lax
from jax.experimental import pallas as pl
from jax.experimental.pallas import tpu as pltpu
from jax.experimental.pallas import tpu_sc as plsc

_NC = 2
_NS = 16
_LANES = 16


def _stats_body(x_ref, s_ref):
    @pl.when(pl.program_id(0) == 0)
    def _():
        s_ref[...] = jnp.zeros_like(s_ref)

    xb = x_ref[...]
    s0 = jnp.sum(xb, axis=0)
    s1 = jnp.sum(xb * xb, axis=0)
    s_ref[...] += jnp.stack([s0, s1])


def _bn_stats(x, nblk):
    n, f = x.shape
    rows = n // nblk
    return pl.pallas_call(
        _stats_body,
        grid=(nblk,),
        in_specs=[pl.BlockSpec((rows, f), lambda i: (i, 0))],
        out_specs=pl.BlockSpec((2, f), lambda i: (0, 0)),
        out_shape=jax.ShapeDtypeStruct((2, f), jnp.float32),
    )(x)


def _norm_silu_body(n_rows, x_ref, s_ref, g_ref, b_ref, h_ref):
    s = s_ref[...]
    mean = s[0] / n_rows
    var = s[1] / n_rows - mean * mean
    scale = g_ref[0] * lax.rsqrt(var + 1e-5)
    shift = b_ref[0] - mean * scale
    t = x_ref[...] * scale + shift
    h_ref[...] = t * jax.nn.sigmoid(t)


def _norm_silu(x, sums, gamma, beta, nblk):
    n, f = x.shape
    rows = n // nblk
    return pl.pallas_call(
        functools.partial(_norm_silu_body, float(n)),
        grid=(nblk,),
        in_specs=[
            pl.BlockSpec((rows, f), lambda i: (i, 0)),
            pl.BlockSpec((2, f), lambda i: (0, 0)),
            pl.BlockSpec((1, f), lambda i: (0, 0)),
            pl.BlockSpec((1, f), lambda i: (0, 0)),
        ],
        out_specs=pl.BlockSpec((rows, f), lambda i: (i, 0)),
        out_shape=jax.ShapeDtypeStruct((n, f), jnp.float32),
    )(x, sums, gamma.reshape(1, f), beta.reshape(1, f))


def _sc_gather(h, in_pad, ep):
    n, f = h.shape
    chunk = 128
    nbuf = 6
    per_w = ep // (_NC * _NS)
    iters = per_w // chunk
    mesh = plsc.VectorSubcoreMesh(core_axis_name="c", subcore_axis_name="s")

    @functools.partial(
        pl.kernel,
        mesh=mesh,
        out_type=jax.ShapeDtypeStruct((ep, f), jnp.float32),
        scratch_types=[
            pltpu.VMEM((per_w,), jnp.int32),
            *[pltpu.VMEM((chunk, f), jnp.float32) for _ in range(nbuf)],
            *[pltpu.SemaphoreType.DMA for _ in range(2 * nbuf)],
        ],
    )
    def gather_k(h_hbm, idx_hbm, out_hbm, idx_all, *bufs_sems):
        rows = bufs_sems[:nbuf]
        gsem = bufs_sems[nbuf:2 * nbuf]
        ssem = bufs_sems[2 * nbuf:]
        wid = lax.axis_index("s") * _NC + lax.axis_index("c")
        base = wid * per_w

        pltpu.sync_copy(idx_hbm.at[pl.ds(base, per_w)], idx_all)

        depth = nbuf - 1
        ghandles = [None] * nbuf
        shandles = [None] * nbuf

        def issue_gather(j):
            p = j % nbuf
            ghandles[p] = pltpu.async_copy(
                h_hbm.at[idx_all.at[pl.ds(j * chunk, chunk)]],
                rows[p], gsem[p])

        for j in range(min(depth, iters)):
            issue_gather(j)
        for i in range(iters):
            p = i % nbuf
            ghandles[p].wait()
            shandles[p] = pltpu.async_copy(
                rows[p], out_hbm.at[pl.ds(base + i * chunk, chunk)], ssem[p])
            j = i + depth
            if j < iters:
                pj = j % nbuf
                if shandles[pj] is not None:
                    shandles[pj].wait()
                issue_gather(j)
        for p in range(nbuf):
            if shandles[p] is not None:
                shandles[p].wait()

    return gather_k(h, in_pad)


def _mm_body(bk_ref, x_ref, w_ref, y_ref):
    del bk_ref
    y_ref[...] = jnp.dot(x_ref[...], w_ref[0],
                         preferred_element_type=jnp.float32)


def _grouped_matmul(h_src, w, block_k, blk):
    ep, f = h_src.shape
    fout = w.shape[-1]
    nb = ep // blk
    grid_spec = pltpu.PrefetchScalarGridSpec(
        num_scalar_prefetch=1,
        grid=(nb,),
        in_specs=[
            pl.BlockSpec((blk, f), lambda b, bk: (b, 0)),
            pl.BlockSpec((1, f, fout), lambda b, bk: (bk[b], 0, 0)),
        ],
        out_specs=pl.BlockSpec((blk, fout), lambda b, bk: (b, 0)),
    )
    return pl.pallas_call(
        _mm_body,
        grid_spec=grid_spec,
        out_shape=jax.ShapeDtypeStruct((ep, fout), jnp.float32),
    )(block_k, h_src, w)


def _sc_scatter_add(y, out_pad, n_pad):
    ep, f = y.shape
    chunk = 32
    nranges = 4
    nr = n_pad // nranges
    region = nr + 8
    dump = nr
    lch = 512
    nch = nr // lch
    rem = ep - n_pad
    per_s = rem // _NS
    iters = per_s // chunk
    nbuf = 4
    outer = iters // nbuf
    mesh = plsc.VectorSubcoreMesh(core_axis_name="c", subcore_axis_name="s")

    @functools.partial(
        pl.kernel,
        mesh=mesh,
        out_type=jax.ShapeDtypeStruct((n_pad, f), jnp.float32),
        scratch_types=[
            pltpu.VMEM((nbuf, chunk), jnp.int32),
            pltpu.VMEM((nbuf, chunk), jnp.int32),
            pltpu.VMEM_SHARED((region, f), jnp.float32),
            *[pltpu.VMEM((chunk, f), jnp.float32) for _ in range(nbuf)],
            *[pltpu.SemaphoreType.DMA for _ in range(3 * nbuf)],
        ],
    )
    def scatter_k(y_hbm, opad_hbm, out_hbm, idx_raw, idx_loc, shared,
                  *bufs_sems):
        rows = bufs_sems[:nbuf]
        lsem = bufs_sems[nbuf:2 * nbuf]
        isem = bufs_sems[2 * nbuf:3 * nbuf]
        asem = bufs_sems[3 * nbuf:]
        c = lax.axis_index("c")
        s = lax.axis_index("s")
        base = n_pad + s * per_s

        for j in range(nranges // _NC):
            r = c * (nranges // _NC) + j
            r_base = r * nr

            for t in range((nch + _NS - 1) // _NS):
                cid = t * _NS + s

                @pl.when(cid < nch)
                def _():
                    pltpu.sync_copy(
                        y_hbm.at[pl.ds(r_base + cid * lch, lch)],
                        shared.at[pl.ds(cid * lch, lch)])
            plsc.subcore_barrier()

            depth = nbuf // 2

            def issue_load(k, p):
                pltpu.async_copy(
                    opad_hbm.at[pl.ds(base + k * chunk, chunk)],
                    idx_raw.at[p], isem[p])
                pltpu.async_copy(
                    y_hbm.at[pl.ds(base + k * chunk, chunk)],
                    rows[p], lsem[p])

            def drain_add(q):
                pltpu.make_async_copy(
                    rows[q], shared.at[idx_loc.at[q]], asem[q]).wait()

            for b in range(depth):
                issue_load(b, b)

            def ring_body(g, _):
                for b in range(nbuf):
                    i = g * nbuf + b
                    pltpu.make_async_copy(
                        opad_hbm.at[pl.ds(0, chunk)], idx_raw.at[b],
                        isem[b]).wait()
                    for v in range(chunk // _LANES):
                        d = idx_raw[b, pl.ds(v * _LANES, _LANES)]
                        lo = d - r_base
                        ok = (lo >= 0) & (lo < nr)
                        idx_loc[b, pl.ds(v * _LANES, _LANES)] = jnp.where(
                            ok, lo, dump)
                    pltpu.make_async_copy(
                        y_hbm.at[pl.ds(0, chunk)], rows[b],
                        lsem[b]).wait()
                    pltpu.async_copy(rows[b], shared.at[idx_loc.at[b]],
                                     asem[b], add=True)
                    q = (b - depth) % nbuf
                    if b >= depth:
                        drain_add(q)
                    else:
                        @pl.when(g > 0)
                        def _():
                            drain_add(q)

                    @pl.when(i + depth < iters)
                    def _():
                        issue_load(i + depth, q)
                return 0

            lax.fori_loop(0, outer, ring_body, 0)
            for t in range(depth):
                drain_add((iters - depth + t) % nbuf)
            plsc.subcore_barrier()

            for t in range((nch + _NS - 1) // _NS):
                cid = t * _NS + s

                @pl.when(cid < nch)
                def _():
                    pltpu.sync_copy(
                        shared.at[pl.ds(cid * lch, lch)],
                        out_hbm.at[pl.ds(r_base + cid * lch, lch)])
            plsc.subcore_barrier()

    return scatter_k(y, out_pad)


def kernel(x, bn_gamma, bn_beta, W, in_idx, out_idx, kmap_sizes):
    n, f = x.shape
    kvol, _, fout = W.shape
    e = in_idx.shape[0]
    blk = 128
    center = kvol // 2

    nranges = 4
    nr = ((n + nranges * 512 - 1) // (nranges * 512)) * 512
    n_pad = nranges * nr
    rem_max = (e - n) + (kvol - 1) * (blk - 1)
    s_rem = ((rem_max + 2047) // 2048) * 2048
    while (n_pad + s_rem) % 4096:
        s_rem += 2048
    ep = n_pad + s_rem

    nblk = 25
    sums = _bn_stats(x, nblk)
    h = _norm_silu(x, sums, bn_gamma, bn_beta, nblk)

    perm_k = jnp.array([center] + [k for k in range(kvol) if k != center],
                       dtype=jnp.int32)
    sizes = kmap_sizes.astype(jnp.int32)
    csum = jnp.cumsum(sizes)
    cexcl = csum - sizes
    sizes_ord = sizes[perm_k]
    cexcl_ord = cexcl[perm_k]
    padded_ord = jnp.concatenate([
        jnp.array([n_pad], dtype=jnp.int32),
        ((sizes_ord[1:] + blk - 1) // blk) * blk,
    ])
    ostart = jnp.cumsum(padded_ord) - padded_ord
    p = jnp.arange(ep, dtype=jnp.int32)

    ostart_p = jnp.full((ep,), 0, jnp.int32)
    cexcl_p = jnp.broadcast_to(cexcl_ord[0], (ep,))
    size_p = jnp.broadcast_to(sizes_ord[0], (ep,))
    for k in range(1, kvol):
        sel = p >= ostart[k]
        ostart_p = jnp.where(sel, ostart[k], ostart_p)
        cexcl_p = jnp.where(sel, cexcl_ord[k], cexcl_p)
        size_p = jnp.where(sel, sizes_ord[k], size_p)
    rel = p - ostart_p
    edge = rel + cexcl_p
    valid = rel < size_p
    ec = jnp.clip(edge, 0, e - 1)
    in_pad = jnp.where(valid, in_idx[ec], 0).astype(jnp.int32)
    out_pad = jnp.where(valid, out_idx[ec], -1).astype(jnp.int32)
    pb = jnp.arange(ep // blk, dtype=jnp.int32) * blk
    block_k = jnp.broadcast_to(perm_k[0], (ep // blk,))
    for k in range(1, kvol):
        block_k = jnp.where(pb >= ostart[k], perm_k[k], block_k)

    h_src = _sc_gather(h, in_pad, ep)
    y = _grouped_matmul(h_src, W, block_k, blk)
    out = _sc_scatter_add(y, out_pad, n_pad)
    return out[:n]

# --- scband reference (transcript-rebuilt; emitter-appended) ---
"""Pipeline reference for scband-sparse-conv3-dblock-3058016715333 (READ-ONLY COPY).

The authoritative reference and input builder live on the scoring server;
editing this copy changes nothing except your own understanding.
"""

import jax, jax.numpy as jnp
import numpy as np

G = 128
N = 50000
FIN = 128
FOUT = 128
KVOL = 27

def _build_kmaps(coords):
    key = (coords[:, 0].astype(np.int64) * G + coords[:, 1].astype(np.int64)) * G + coords[:, 2].astype(np.int64)
    uk, first_idx = np.unique(key, return_index=True)
    in_list, out_list, sizes = [], [], []
    offs = [(dx, dy, dz) for dx in (-1, 0, 1) for dy in (-1, 0, 1) for dz in (-1, 0, 1)]
    for (dx, dy, dz) in offs:
        nb = coords.astype(np.int64) + np.array([dx, dy, dz], dtype=np.int64)
        valid = np.all((nb >= 0) & (nb < G), axis=1)
        nbkey = (nb[:, 0] * G + nb[:, 1]) * G + nb[:, 2]
        pos = np.searchsorted(uk, nbkey)
        pos = np.clip(pos, 0, len(uk) - 1)
        found = valid & (uk[pos] == nbkey)
        src = first_idx[pos[found]]
        dst = np.nonzero(found)[0]
        in_list.append(src.astype(np.int32))
        out_list.append(dst.astype(np.int32))
        sizes.append(int(dst.shape[0]))
    return np.concatenate(in_list), np.concatenate(out_list), np.array(sizes, dtype=np.int64)

def setup_inputs(seed: int = 0):
    key = jax.random.key(seed)
    k1, k2 = jax.random.split(key)
    rng = np.random.default_rng(0)
    coords = rng.integers(0, G, size=(N, 3)).astype(np.int32)
    in_idx, out_idx, kmap_sizes = _build_kmaps(coords)
    x = jax.random.normal(k1, (N, FIN), dtype=jnp.float32)
    W = jax.random.normal(k2, (KVOL, FIN, FOUT), dtype=jnp.float32) * 0.02
    bn_gamma = jnp.ones((FIN,), dtype=jnp.float32)
    bn_beta = jnp.zeros((FIN,), dtype=jnp.float32)
    return {"x": x, "bn_gamma": bn_gamma, "bn_beta": bn_beta, "W": W,
            "in_idx": jnp.asarray(in_idx), "out_idx": jnp.asarray(out_idx),
            "kmap_sizes": kmap_sizes}

def reference(x, bn_gamma, bn_beta, W, in_idx, out_idx, kmap_sizes):
    # spnn.BatchNorm (training-mode stats over active sites)
    mean = jnp.mean(x, axis=0)
    var = jnp.var(x, axis=0)
    h = bn_gamma * (x - mean) * jax.lax.rsqrt(var + 1e-5) + bn_beta
    # spnn.SiLU
    h = h * jax.nn.sigmoid(h)
    # spnn.Conv3d(kernel_size=3): gather per kernel offset, matmul with per-offset weight, scatter-add to dst
    out = jnp.zeros((x.shape[0], W.shape[-1]), dtype=x.dtype)
    csum = jnp.cumsum(jnp.asarray(kmap_sizes))
    edge_pos = jnp.arange(in_idx.shape[0])
    kidx = jnp.searchsorted(csum, edge_pos, side='right')
    h_src = h[in_idx]
    for k in range(W.shape[0]):
        mask = (kidx == k)
        y = jnp.where(mask[:, None], h_src, 0.0) @ W[k]
        out = out.at[out_idx].add(y)
    return out

if __name__ == "__main__":
    import jax
    _d = setup_inputs()
    print(jax.jit(kernel)(*tuple(_d.values())))

</pallas_src>

<mosaic_0001>
#map = affine_map<(d0, d1) -> (0, 0)>
#map1 = affine_map<(d0, d1) -> (0)>
module attributes {stable_mosaic.version = 14 : i64} {
  func.func @gather_k(%arg0: i32, %arg1: i32, %arg2: memref<50000x128xf32, #tpu.memory_space<hbm>>, %arg3: memref<86016xi32, #tpu.memory_space<hbm>>, %arg4: memref<86016x128xf32, #tpu.memory_space<hbm>>, %arg5: memref<2688xi32, #tpu.memory_space<vmem>>, %arg6: memref<128x128xf32, #tpu.memory_space<vmem>>, %arg7: memref<128x128xf32, #tpu.memory_space<vmem>>, %arg8: memref<128x128xf32, #tpu.memory_space<vmem>>, %arg9: memref<128x128xf32, #tpu.memory_space<vmem>>, %arg10: memref<128x128xf32, #tpu.memory_space<vmem>>, %arg11: memref<128x128xf32, #tpu.memory_space<vmem>>, %arg12: memref<!tpu.dma_semaphore, #tpu.memory_space<semaphore_mem>>, %arg13: memref<!tpu.dma_semaphore, #tpu.memory_space<semaphore_mem>>, %arg14: memref<!tpu.dma_semaphore, #tpu.memory_space<semaphore_mem>>, %arg15: memref<!tpu.dma_semaphore, #tpu.memory_space<semaphore_mem>>, %arg16: memref<!tpu.dma_semaphore, #tpu.memory_space<semaphore_mem>>, %arg17: memref<!tpu.dma_semaphore, #tpu.memory_space<semaphore_mem>>, %arg18: memref<!tpu.dma_semaphore, #tpu.memory_space<semaphore_mem>>, %arg19: memref<!tpu.dma_semaphore, #tpu.memory_space<semaphore_mem>>, %arg20: memref<!tpu.dma_semaphore, #tpu.memory_space<semaphore_mem>>, %arg21: memref<!tpu.dma_semaphore, #tpu.memory_space<semaphore_mem>>, %arg22: memref<!tpu.dma_semaphore, #tpu.memory_space<semaphore_mem>>, %arg23: memref<!tpu.dma_semaphore, #tpu.memory_space<semaphore_mem>>) attributes {dimension_semantics = [#tpu.dimension_semantics<core_parallel>, #tpu.dimension_semantics<subcore_parallel>], iteration_bounds = array<i64: 2, 16>, scalar_prefetch = 0 : i64, scratch_operands = 19 : i64, tpu.core_type = #tpu.core_type<sc_vector_subcore>, window_params = [{transform_indices = #map}, {transform_indices = #map1}, {transform_indices = #map}]} {
    %mul3A = arith.constant 2 : i32
    %mul3A_0 = arith.muli %arg1, %mul3A : i32
    %add3A = arith.addi %mul3A_0, %arg0 : i32
    %mul3A_1 = arith.constant 2688 : i32
    %mul3A_2 = arith.muli %add3A, %mul3A_1 : i32
    "tpu.region"() ({
      %run_scoped3A = tpu.sem_alloc : memref<!tpu.dma_semaphore, #tpu.memory_space<semaphore_mem>>
      %dma_start3A_421 = tpu.memref_slice %arg3[%mul3A_2] : memref<86016xi32, #tpu.memory_space<hbm>> -> memref<2688xi32, #tpu.memory_space<hbm>>
      %dma_start3A_422 = tpu.memref_slice %arg3[%mul3A_2] : memref<86016xi32, #tpu.memory_space<hbm>> -> memref<2688xi32, #tpu.memory_space<hbm>>
      tpu.enqueue_dma source(%dma_start3A_422 : memref<2688xi32, #tpu.memory_space<hbm>>) target(%arg5 : memref<2688xi32, #tpu.memory_space<vmem>>) target_semaphore(%run_scoped3A : memref<!tpu.dma_semaphore, #tpu.memory_space<semaphore_mem>>)
      %dma_wait3A_423 = tpu.memref_slice %arg3[%mul3A_2] : memref<86016xi32, #tpu.memory_space<hbm>> -> memref<2688xi32, #tpu.memory_space<hbm>>
      %dma_wait3A_424 = tpu.memref_slice %arg3[%mul3A_2] : memref<86016xi32, #tpu.memory_space<hbm>> -> memref<2688xi32, #tpu.memory_space<hbm>>
      tpu.wait_dma2 semaphore(%run_scoped3A : memref<!tpu.dma_semaphore, #tpu.memory_space<semaphore_mem>>) src(%dma_wait3A_424 : memref<2688xi32, #tpu.memory_space<hbm>>) dst(%arg5 : memref<2688xi32, #tpu.memory_space<vmem>>)
      tpu.yield
    }) : () -> ()
    %dma_start3A = arith.constant 0 : i32
    %dma_start3A_3 = tpu.memref_slice %arg5[%dma_start3A] : memref<2688xi32, #tpu.memory_space<vmem>> -> memref<128xi32, #tpu.memory_space<vmem>>
    %dma_start3A_4 = arith.constant 0 : i32
    %dma_start3A_5 = arith.constant 0 : i32
    %dma_start3A_6 = tpu.memref_slice %arg2[%dma_start3A_4, %dma_start3A_5] : memref<50000x128xf32, #tpu.memory_space<hbm>> -> memref<50000x128xf32, #tpu.memory_space<hbm>>
    tpu.enqueue_indirect_dma source(%dma_start3A_6 : memref<50000x128xf32, #tpu.memory_space<hbm>>) target(%arg6 : memref<128x128xf32, #tpu.memory_space<vmem>>) offsets(%dma_start3A_3 : memref<128xi32, #tpu.memory_space<vmem>>) semaphore(%arg12 : memref<!tpu.dma_semaphore, #tpu.memory_space<semaphore_mem>>)
    %dma_start3A_7 = arith.constant 128 : i32
    %dma_start3A_8 = tpu.memref_slice %arg5[%dma_start3A_7] : memref<2688xi32, #tpu.memory_space<vmem>> -> memref<128xi32, #tpu.memory_space<vmem>>
    %dma_start3A_9 = arith.constant 0 : i32
    %dma_start3A_10 = arith.constant 0 : i32
    %dma_start3A_11 = tpu.memref_slice %arg2[%dma_start3A_9, %dma_start3A_10] : memref<50000x128xf32, #tpu.memory_space<hbm>> -> memref<50000x128xf32, #tpu.memory_space<hbm>>
    tpu.enqueue_indirect_dma source(%dma_start3A_11 : memref<50000x128xf32, #tpu.memory_space<hbm>>) target(%arg7 : memref<128x128xf32, #tpu.memory_space<vmem>>) offsets(%dma_start3A_8 : memref<128xi32, #tpu.memory_space<vmem>>) semaphore(%arg13 : memref<!tpu.dma_semaphore, #tpu.memory_space<semaphore_mem>>)
    %dma_start3A_12 = arith.constant 256 : i32
    %dma_start3A_13 = tpu.memref_slice %arg5[%dma_start3A_12] : memref<2688xi32, #tpu.memory_space<vmem>> -> memref<128xi32, #tpu.memory_space<vmem>>
    %dma_start3A_14 = arith.constant 0 : i32
    %dma_start3A_15 = arith.constant 0 : i32
    %dma_start3A_16 = tpu.memref_slice %arg2[%dma_start3A_14, %dma_start3A_15] : memref<50000x128xf32, #tpu.memory_space<hbm>> -> memref<50000x128xf32, #tpu.memory_space<hbm>>
    tpu.enqueue_indirect_dma source(%dma_start3A_16 : memref<50000x128xf32, #tpu.memory_space<hbm>>) target(%arg8 : memref<128x128xf32, #tpu.memory_space<vmem>>) offsets(%dma_start3A_13 : memref<128xi32, #tpu.memory_space<vmem>>) semaphore(%arg14 : memref<!tpu.dma_semaphore, #tpu.memory_space<semaphore_mem>>)
    %dma_start3A_17 = arith.constant 384 : i32
    %dma_start3A_18 = tpu.memref_slice %arg5[%dma_start3A_17] : memref<2688xi32, #tpu.memory_space<vmem>> -> memref<128xi32, #tpu.memory_space<vmem>>
    %dma_start3A_19 = arith.constant 0 : i32
    %dma_start3A_20 = arith.constant 0 : i32
    %dma_start3A_21 = tpu.memref_slice %arg2[%dma_start3A_19, %dma_start3A_20] : memref<50000x128xf32, #tpu.memory_space<hbm>> -> memref<50000x128xf32, #tpu.memory_space<hbm>>
    tpu.enqueue_indirect_dma source(%dma_start3A_21 : memref<50000x128xf32, #tpu.memory_space<hbm>>) target(%arg9 : memref<128x128xf32, #tpu.memory_space<vmem>>) offsets(%dma_start3A_18 : memref<128xi32, #tpu.memory_space<vmem>>) semaphore(%arg15 : memref<!tpu.dma_semaphore, #tpu.memory_space<semaphore_mem>>)
    %dma_start3A_22 = arith.constant 512 : i32
    %dma_start3A_23 = tpu.memref_slice %arg5[%dma_start3A_22] : memref<2688xi32, #tpu.memory_space<vmem>> -> memref<128xi32, #tpu.memory_space<vmem>>
    %dma_start3A_24 = arith.constant 0 : i32
    %dma_start3A_25 = arith.constant 0 : i32
    %dma_start3A_26 = tpu.memref_slice %arg2[%dma_start3A_24, %dma_start3A_25] : memref<50000x128xf32, #tpu.memory_space<hbm>> -> memref<50000x128xf32, #tpu.memory_space<hbm>>
    tpu.enqueue_indirect_dma source(%dma_start3A_26 : memref<50000x128xf32, #tpu.memory_space<hbm>>) target(%arg10 : memref<128x128xf32, #tpu.memory_space<vmem>>) offsets(%dma_start3A_23 : memref<128xi32, #tpu.memory_space<vmem>>) semaphore(%arg16 : memref<!tpu.dma_semaphore, #tpu.memory_space<semaphore_mem>>)
    %dma_wait3A = arith.constant 0 : i32
    %dma_wait3A_27 = tpu.memref_slice %arg5[%dma_wait3A] : memref<2688xi32, #tpu.memory_space<vmem>> -> memref<128xi32, #tpu.memory_space<vmem>>
    %dma_wait3A_28 = arith.constant 0 : i32
    %dma_wait3A_29 = arith.constant 0 : i32
    %dma_wait3A_30 = tpu.memref_slice %arg2[%dma_wait3A_28, %dma_wait3A_29] : memref<50000x128xf32, #tpu.memory_space<hbm>> -> memref<50000x128xf32, #tpu.memory_space<hbm>>
    tpu.wait_indirect_dma semaphore(%arg12 : memref<!tpu.dma_semaphore, #tpu.memory_space<semaphore_mem>>) src(%dma_wait3A_30 : memref<50000x128xf32, #tpu.memory_space<hbm>>) dst(%arg6 : memref<128x128xf32, #tpu.memory_space<vmem>>)
    %add3A_31 = arith.constant 0 : i32
    %add3A_32 = arith.addi %mul3A_2, %add3A_31 : i32
    %dma_start3A_33 = arith.constant 0 : i32
    %dma_start3A_34 = tpu.memref_slice %arg4[%add3A_32, %dma_start3A_33] : memref<86016x128xf32, #tpu.memory_space<hbm>> -> memref<128x128xf32, #tpu.memory_space<hbm>>
    %dma_start3A_35 = arith.constant 0 : i32
    %dma_start3A_36 = tpu.memref_slice %arg4[%add3A_32, %dma_start3A_35] : memref<86016x128xf32, #tpu.memory_space<hbm>> -> memref<128x128xf32, #tpu.memory_space<hbm>>
    tpu.enqueue_dma source(%arg6 : memref<128x128xf32, #tpu.memory_space<vmem>>) target(%dma_start3A_36 : memref<128x128xf32, #tpu.memory_space<hbm>>) target_semaphore(%arg18 : memref<!tpu.dma_semaphore, #tpu.memory_space<semaphore_mem>>)
    %dma_start3A_37 = arith.constant 640 : i32
    %dma_start3A_38 = tpu.memref_slice %arg5[%dma_start3A_37] : memref<2688xi32, #tpu.memory_space<vmem>> -> memref<128xi32, #tpu.memory_space<vmem>>
    %dma_start3A_39 = arith.constant 0 : i32
    %dma_start3A_40 = arith.constant 0 : i32
    %dma_start3A_41 = tpu.memref_slice %arg2[%dma_start3A_39, %dma_start3A_40] : memref<50000x128xf32, #tpu.memory_space<hbm>> -> memref<50000x128xf32, #tpu.memory_space<hbm>>
    tpu.enqueue_indirect_dma source(%dma_start3A_41 : memref<50000x128xf32, #tpu.memory_space<hbm>>) target(%arg11 : memref<128x128xf32, #tpu.memory_space<vmem>>) offsets(%dma_start3A_38 : memref<128xi32, #tpu.memory_space<vmem>>) semaphore(%arg17 : memref<!tpu.dma_semaphore, #tpu.memory_space<semaphore_mem>>)
    %dma_wait3A_42 = arith.constant 128 : i32
    %dma_wait3A_43 = tpu.memref_slice %arg5[%dma_wait3A_42] : memref<2688xi32, #tpu.memory_space<vmem>> -> memref<128xi32, #tpu.memory_space<vmem>>
    %dma_wait3A_44 = arith.constant 0 : i32
    %dma_wait3A_45 = arith.constant 0 : i32
    %dma_wait3A_46 = tpu.memref_slice %arg2[%dma_wait3A_44, %dma_wait3A_45] : memref<50000x128xf32, #tpu.memory_space<hbm>> -> memref<50000x128xf32, #tpu.memory_space<hbm>>
    tpu.wait_indirect_dma semaphore(%arg13 : memref<!tpu.dma_semaphore, #tpu.memory_space<semaphore_mem>>) src(%dma_wait3A_46 : memref<50000x128xf32, #tpu.memory_space<hbm>>) dst(%arg7 : memref<128x128xf32, #tpu.memory_space<vmem>>)
    %add3A_47 = arith.constant 128 : i32
    %add3A_48 = arith.addi %mul3A_2, %add3A_47 : i32
    %dma_start3A_49 = arith.constant 0 : i32
    %dma_start3A_50 = tpu.memref_slice %arg4[%add3A_48, %dma_start3A_49] : memref<86016x128xf32, #tpu.memory_space<hbm>> -> memref<128x128xf32, #tpu.memory_space<hbm>>
    %dma_start3A_51 = arith.constant 0 : i32
    %dma_start3A_52 = tpu.memref_slice %arg4[%add3A_48, %dma_start3A_51] : memref<86016x128xf32, #tpu.memory_space<hbm>> -> memref<128x128xf32, #tpu.memory_space<hbm>>
    tpu.enqueue_dma source(%arg7 : memref<128x128xf32, #tpu.memory_space<vmem>>) target(%dma_start3A_52 : memref<128x128xf32, #tpu.memory_space<hbm>>) target_semaphore(%arg19 : memref<!tpu.dma_semaphore, #tpu.memory_space<semaphore_mem>>)
    %dma_wait3A_53 = arith.constant 0 : i32
    %dma_wait3A_54 = tpu.memref_slice %arg4[%add3A_32, %dma_wait3A_53] : memref<86016x128xf32, #tpu.memory_space<hbm>> -> memref<128x128xf32, #tpu.memory_space<hbm>>
    %dma_wait3A_55 = arith.constant 0 : i32
    %dma_wait3A_56 = tpu.memref_slice %arg4[%add3A_32, %dma_wait3A_55] : memref<86016x128xf32, #tpu.memory_space<hbm>> -> memref<128x128xf32, #tpu.memory_space<hbm>>
    tpu.wait_dma2 semaphore(%arg18 : memref<!tpu.dma_semaphore, #tpu.memory_space<semaphore_mem>>) src(%arg6 : memref<128x128xf32, #tpu.memory_space<vmem>>) dst(%dma_wait3A_56 : memref<128x128xf32, #tpu.memory_space<hbm>>)
    %dma_start3A_57 = arith.constant 768 : i32
    %dma_start3A_58 = tpu.memref_slice %arg5[%dma_start3A_57] : memref<2688xi32, #tpu.memory_space<vmem>> -> memref<128xi32, #tpu.memory_space<vmem>>
    %dma_start3A_59 = arith.constant 0 : i32
    %dma_start3A_60 = arith.constant 0 : i32
    %dma_start3A_61 = tpu.memref_slice %arg2[%dma_start3A_59, %dma_start3A_60] : memref<50000x128xf32, #tpu.memory_space<hbm>> -> memref<50000x128xf32, #tpu.memory_space<hbm>>
    tpu.enqueue_indirect_dma source(%dma_start3A_61 : memref<50000x128xf32, #tpu.memory_space<hbm>>) target(%arg6 : memref<128x128xf32, #tpu.memory_space<vmem>>) offsets(%dma_start3A_58 : memref<128xi32, #tpu.memory_space<vmem>>) semaphore(%arg12 : memref<!tpu.dma_semaphore, #tpu.memory_space<semaphore_mem>>)
    %dma_wait3A_62 = arith.constant 256 : i32
    %dma_wait3A_63 = tpu.memref_slice %arg5[%dma_wait3A_62] : memref<2688xi32, #tpu.memory_space<vmem>> -> memref<128xi32, #tpu.memory_space<vmem>>
    %dma_wait3A_64 = arith.constant 0 : i32
    %dma_wait3A_65 = arith.constant 0 : i32
    %dma_wait3A_66 = tpu.memref_slice %arg2[%dma_wait3A_64, %dma_wait3A_65] : memref<50000x128xf32, #tpu.memory_space<hbm>> -> memref<50000x128xf32, #tpu.memory_space<hbm>>
    tpu.wait_indirect_dma semaphore(%arg14 : memref<!tpu.dma_semaphore, #tpu.memory_space<semaphore_mem>>) src(%dma_wait3A_66 : memref<50000x128xf32, #tpu.memory_space<hbm>>) dst(%arg8 : memref<128x128xf32, #tpu.memory_space<vmem>>)
    %add3A_67 = arith.constant 256 : i32
    %add3A_68 = arith.addi %mul3A_2, %add3A_67 : i32
    %dma_start3A_69 = arith.constant 0 : i32
    %dma_start3A_70 = tpu.memref_slice %arg4[%add3A_68, %dma_start3A_69] : memref<86016x128xf32, #tpu.memory_space<hbm>> -> memref<128x128xf32, #tpu.memory_space<hbm>>
    %dma_start3A_71 = arith.constant 0 : i32
    %dma_start3A_72 = tpu.memref_slice %arg4[%add3A_68, %dma_start3A_71] : memref<86016x128xf32, #tpu.memory_space<hbm>> -> memref<128x128xf32, #tpu.memory_space<hbm>>
    tpu.enqueue_dma source(%arg8 : memref<128x128xf32, #tpu.memory_space<vmem>>) target(%dma_start3A_72 : memref<128x128xf32, #tpu.memory_space<hbm>>) target_semaphore(%arg20 : memref<!tpu.dma_semaphore, #tpu.memory_space<semaphore_mem>>)
    %dma_wait3A_73 = arith.constant 0 : i32
    %dma_wait3A_74 = tpu.memref_slice %arg4[%add3A_48, %dma_wait3A_73] : memref<86016x128xf32, #tpu.memory_space<hbm>> -> memref<128x128xf32, #tpu.memory_space<hbm>>
    %dma_wait3A_75 = arith.constant 0 : i32
    %dma_wait3A_76 = tpu.memref_slice %arg4[%add3A_48, %dma_wait3A_75] : memref<86016x128xf32, #tpu.memory_space<hbm>> -> memref<128x128xf32, #tpu.memory_space<hbm>>
    tpu.wait_dma2 semaphore(%arg19 : memref<!tpu.dma_semaphore, #tpu.memory_space<semaphore_mem>>) src(%arg7 : memref<128x128xf32, #tpu.memory_space<vmem>>) dst(%dma_wait3A_76 : memref<128x128xf32, #tpu.memory_space<hbm>>)
    %dma_start3A_77 = arith.constant 896 : i32
    %dma_start3A_78 = tpu.memref_slice %arg5[%dma_start3A_77] : memref<2688xi32, #tpu.memory_space<vmem>> -> memref<128xi32, #tpu.memory_space<vmem>>
    %dma_start3A_79 = arith.constant 0 : i32
    %dma_start3A_80 = arith.constant 0 : i32
    %dma_start3A_81 = tpu.memref_slice %arg2[%dma_start3A_79, %dma_start3A_80] : memref<50000x128xf32, #tpu.memory_space<hbm>> -> memref<50000x128xf32, #tpu.memory_space<hbm>>
    tpu.enqueue_indirect_dma source(%dma_start3A_81 : memref<50000x128xf32, #tpu.memory_space<hbm>>) target(%arg7 : memref<128x128xf32, #tpu.memory_space<vmem>>) offsets(%dma_start3A_78 : memref<128xi32, #tpu.memory_space<vmem>>) semaphore(%arg13 : memref<!tpu.dma_semaphore, #tpu.memory_space<semaphore_mem>>)
    %dma_wait3A_82 = arith.constant 384 : i32
    %dma_wait3A_83 = tpu.memref_slice %arg5[%dma_wait3A_82] : memref<2688xi32, #tpu.memory_space<vmem>> -> memref<128xi32, #tpu.memory_space<vmem>>
    %dma_wait3A_84 = arith.constant 0 : i32
    %dma_wait3A_85 = arith.constant 0 : i32
    %dma_wait3A_86 = tpu.memref_slice %arg2[%dma_wait3A_84, %dma_wait3A_85] : memref<50000x128xf32, #tpu.memory_space<hbm>> -> memref<50000x128xf32, #tpu.memory_space<hbm>>
    tpu.wait_indirect_dma semaphore(%arg15 : memref<!tpu.dma_semaphore, #tpu.memory_space<semaphore_mem>>) src(%dma_wait3A_86 : memref<50000x128xf32, #tpu.memory_space<hbm>>) dst(%arg9 : memref<128x128xf32, #tpu.memory_space<vmem>>)
    %add3A_87 = arith.constant 384 : i32
    %add3A_88 = arith.addi %mul3A_2, %add3A_87 : i32
    %dma_start3A_89 = arith.constant 0 : i32
    %dma_start3A_90 = tpu.memref_slice %arg4[%add3A_88, %dma_start3A_89] : memref<86016x128xf32, #tpu.memory_space<hbm>> -> memref<128x128xf32, #tpu.memory_space<hbm>>
    %dma_start3A_91 = arith.constant 0 : i32
    %dma_start3A_92 = tpu.memref_slice %arg4[%add3A_88, %dma_start3A_91] : memref<86016x128xf32, #tpu.memory_space<hbm>> -> memref<128x128xf32, #tpu.memory_space<hbm>>
    tpu.enqueue_dma source(%arg9 : memref<128x128xf32, #tpu.memory_space<vmem>>) target(%dma_start3A_92 : memref<128x128xf32, #tpu.memory_space<hbm>>) target_semaphore(%arg21 : memref<!tpu.dma_semaphore, #tpu.memory_space<semaphore_mem>>)
    %dma_wait3A_93 = arith.constant 0 : i32
    %dma_wait3A_94 = tpu.memref_slice %arg4[%add3A_68, %dma_wait3A_93] : memref<86016x128xf32, #tpu.memory_space<hbm>> -> memref<128x128xf32, #tpu.memory_space<hbm>>
    %dma_wait3A_95 = arith.constant 0 : i32
    %dma_wait3A_96 = tpu.memref_slice %arg4[%add3A_68, %dma_wait3A_95] : memref<86016x128xf32, #tpu.memory_space<hbm>> -> memref<128x128xf32, #tpu.memory_space<hbm>>
    tpu.wait_dma2 semaphore(%arg20 : memref<!tpu.dma_semaphore, #tpu.memory_space<semaphore_mem>>) src(%arg8 : memref<128x128xf32, #tpu.memory_space<vmem>>) dst(%dma_wait3A_96 : memref<128x128xf32, #tpu.memory_space<hbm>>)
    %dma_start3A_97 = arith.constant 1024 : i32
    %dma_start3A_98 = tpu.memref_slice %arg5[%dma_start3A_97] : memref<2688xi32, #tpu.memory_space<vmem>> -> memref<128xi32, #tpu.memory_space<vmem>>
    %dma_start3A_99 = arith.constant 0 : i32
    %dma_start3A_100 = arith.constant 0 : i32
    %dma_start3A_101 = tpu.memref_slice %arg2[%dma_start3A_99, %dma_start3A_100] : memref<50000x128xf32, #tpu.memory_space<hbm>> -> memref<50000x128xf32, #tpu.memory_space<hbm>>
    tpu.enqueue_indirect_dma source(%dma_start3A_101 : memref<50000x128xf32, #tpu.memory_space<hbm>>) target(%arg8 : memref<128x128xf32, #tpu.memory_space<vmem>>) offsets(%dma_start3A_98 : memref<128xi32, #tpu.memory_space<vmem>>) semaphore(%arg14 : memref<!tpu.dma_semaphore, #tpu.memory_space<semaphore_mem>>)
    %dma_wait3A_102 = arith.constant 512 : i32
    %dma_wait3A_103 = tpu.memref_slice %arg5[%dma_wait3A_102] : memref<2688xi32, #tpu.memory_space<vmem>> -> memref<128xi32, #tpu.memory_space<vmem>>
    %dma_wait3A_104 = arith.constant 0 : i32
    %dma_wait3A_105 = arith.constant 0 : i32
    %dma_wait3A_106 = tpu.memref_slice %arg2[%dma_wait3A_104, %dma_wait3A_105] : memref<50000x128xf32, #tpu.memory_space<hbm>> -> memref<50000x128xf32, #tpu.memory_space<hbm>>
    tpu.wait_indirect_dma semaphore(%arg16 : memref<!tpu.dma_semaphore, #tpu.memory_space<semaphore_mem>>) src(%dma_wait3A_106 : memref<50000x128xf32, #tpu.memory_space<hbm>>) dst(%arg10 : memref<128x128xf32, #tpu.memory_space<vmem>>)
    %add3A_107 = arith.constant 512 : i32
    %add3A_108 = arith.addi %mul3A_2, %add3A_107 : i32
    %dma_start3A_109 = arith.constant 0 : i32
    %dma_start3A_110 = tpu.memref_slice %arg4[%add3A_108, %dma_start3A_109] : memref<86016x128xf32, #tpu.memory_space<hbm>> -> memref<128x128xf32, #tpu.memory_space<hbm>>
    %dma_start3A_111 = arith.constant 0 : i32
    %dma_start3A_112 = tpu.memref_slice %arg4[%add3A_108, %dma_start3A_111] : memref<86016x128xf32, #tpu.memory_space<hbm>> -> memref<128x128xf32, #tpu.memory_space<hbm>>
    tpu.enqueue_dma source(%arg10 : memref<128x128xf32, #tpu.memory_space<vmem>>) target(%dma_start3A_112 : memref<128x128xf32, #tpu.memory_space<hbm>>) target_semaphore(%arg22 : memref<!tpu.dma_semaphore, #tpu.memory_space<semaphore_mem>>)
    %dma_wait3A_113 = arith.constant 0 : i32
    %dma_wait3A_114 = tpu.memref_slice %arg4[%add3A_88, %dma_wait3A_113] : memref<86016x128xf32, #tpu.memory_space<hbm>> -> memref<128x128xf32, #tpu.memory_space<hbm>>
    %dma_wait3A_115 = arith.constant 0 : i32
    %dma_wait3A_116 = tpu.memref_slice %arg4[%add3A_88, %dma_wait3A_115] : memref<86016x128xf32, #tpu.memory_space<hbm>> -> memref<128x128xf32, #tpu.memory_space<hbm>>
    tpu.wait_dma2 semaphore(%arg21 : memref<!tpu.dma_semaphore, #tpu.memory_space<semaphore_mem>>) src(%arg9 : memref<128x128xf32, #tpu.memory_space<vmem>>) dst(%dma_wait3A_116 : memref<128x128xf32, #tpu.memory_space<hbm>>)
    %dma_start3A_117 = arith.constant 1152 : i32
    %dma_start3A_118 = tpu.memref_slice %arg5[%dma_start3A_117] : memref<2688xi32, #tpu.memory_space<vmem>> -> memref<128xi32, #tpu.memory_space<vmem>>
    %dma_start3A_119 = arith.constant 0 : i32
    %dma_start3A_120 = arith.constant 0 : i32
    %dma_start3A_121 = tpu.memref_slice %arg2[%dma_start3A_119, %dma_start3A_120] : memref<50000x128xf32, #tpu.memory_space<hbm>> -> memref<50000x128xf32, #tpu.memory_space<hbm>>
    tpu.enqueue_indirect_dma source(%dma_start3A_121 : memref<50000x128xf32, #tpu.memory_space<hbm>>) target(%arg9 : memref<128x128xf32, #tpu.memory_space<vmem>>) offsets(%dma_start3A_118 : memref<128xi32, #tpu.memory_space<vmem>>) semaphore(%arg15 : memref<!tpu.dma_semaphore, #tpu.memory_space<semaphore_mem>>)
    %dma_wait3A_122 = arith.constant 640 : i32
    %dma_wait3A_123 = tpu.memref_slice %arg5[%dma_wait3A_122] : memref<2688xi32, #tpu.memory_space<vmem>> -> memref<128xi32, #tpu.memory_space<vmem>>
    %dma_wait3A_124 = arith.constant 0 : i32
    %dma_wait3A_125 = arith.constant 0 : i32
    %dma_wait3A_126 = tpu.memref_slice %arg2[%dma_wait3A_124, %dma_wait3A_125] : memref<50000x128xf32, #tpu.memory_space<hbm>> -> memref<50000x128xf32, #tpu.memory_space<hbm>>
    tpu.wait_indirect_dma semaphore(%arg17 : memref<!tpu.dma_semaphore, #tpu.memory_space<semaphore_mem>>) src(%dma_wait3A_126 : memref<50000x128xf32, #tpu.memory_space<hbm>>) dst(%arg11 : memref<128x128xf32, #tpu.memory_space<vmem>>)
    %add3A_127 = arith.constant 640 : i32
    %add3A_128 = arith.addi %mul3A_2, %add3A_127 : i32
    %dma_start3A_129 = arith.constant 0 : i32
    %dma_start3A_130 = tpu.memref_slice %arg4[%add3A_128, %dma_start3A_129] : memref<86016x128xf32, #tpu.memory_space<hbm>> -> memref<128x128xf32, #tpu.memory_space<hbm>>
    %dma_start3A_131 = arith.constant 0 : i32
    %dma_start3A_132 = tpu.memref_slice %arg4[%add3A_128, %dma_start3A_131] : memref<86016x128xf32, #tpu.memory_space<hbm>> -> memref<128x128xf32, #tpu.memory_space<hbm>>
    tpu.enqueue_dma source(%arg11 : memref<128x128xf32, #tpu.memory_space<vmem>>) target(%dma_start3A_132 : memref<128x128xf32, #tpu.memory_space<hbm>>) target_semaphore(%arg23 : memref<!tpu.dma_semaphore, #tpu.memory_space<semaphore_mem>>)
    %dma_wait3A_133 = arith.constant 0 : i32
    %dma_wait3A_134 = tpu.memref_slice %arg4[%add3A_108, %dma_wait3A_133] : memref<86016x128xf32, #tpu.memory_space<hbm>> -> memref<128x128xf32, #tpu.memory_space<hbm>>
    %dma_wait3A_135 = arith.constant 0 : i32
    %dma_wait3A_136 = tpu.memref_slice %arg4[%add3A_108, %dma_wait3A_135] : memref<86016x128xf32, #tpu.memory_space<hbm>> -> memref<128x128xf32, #tpu.memory_space<hbm>>
    tpu.wait_dma2 semaphore(%arg22 : memref<!tpu.dma_semaphore, #tpu.memory_space<semaphore_mem>>) src(%arg10 : memref<128x128xf32, #tpu.memory_space<vmem>>) dst(%dma_wait3A_136 : memref<128x128xf32, #tpu.memory_space<hbm>>)
    %dma_start3A_137 = arith.constant 1280 : i32
    %dma_start3A_138 = tpu.memref_slice %arg5[%dma_start3A_137] : memref<2688xi32, #tpu.memory_space<vmem>> -> memref<128xi32, #tpu.memory_space<vmem>>
    %dma_start3A_139 = arith.constant 0 : i32
    %dma_start3A_140 = arith.constant 0 : i32
    %dma_start3A_141 = tpu.memref_slice %arg2[%dma_start3A_139, %dma_start3A_140] : memref<50000x128xf32, #tpu.memory_space<hbm>> -> memref<50000x128xf32, #tpu.memory_space<hbm>>
    tpu.enqueue_indirect_dma source(%dma_start3A_141 : memref<50000x128xf32, #tpu.memory_space<hbm>>) target(%arg10 : memref<128x128xf32, #tpu.memory_space<vmem>>) offsets(%dma_start3A_138 : memref<128xi32, #tpu.memory_space<vmem>>) semaphore(%arg16 : memref<!tpu.dma_semaphore, #tpu.memory_space<semaphore_mem>>)
    %dma_wait3A_142 = arith.constant 768 : i32
    %dma_wait3A_143 = tpu.memref_slice %arg5[%dma_wait3A_142] : memref<2688xi32, #tpu.memory_space<vmem>> -> memref<128xi32, #tpu.memory_space<vmem>>
    %dma_wait3A_144 = arith.constant 0 : i32
    %dma_wait3A_145 = arith.constant 0 : i32
    %dma_wait3A_146 = tpu.memref_slice %arg2[%dma_wait3A_144, %dma_wait3A_145] : memref<50000x128xf32, #tpu.memory_space<hbm>> -> memref<50000x128xf32, #tpu.memory_space<hbm>>
    tpu.wait_indirect_dma semaphore(%arg12 : memref<!tpu.dma_semaphore, #tpu.memory_space<semaphore_mem>>) src(%dma_wait3A_146 : memref<50000x128xf32, #tpu.memory_space<hbm>>) dst(%arg6 : memref<128x128xf32, #tpu.memory_space<vmem>>)
    %add3A_147 = arith.constant 768 : i32
    %add3A_148 = arith.addi %mul3A_2, %add3A_147 : i32
    %dma_start3A_149 = arith.constant 0 : i32
    %dma_start3A_150 = tpu.memref_slice %arg4[%add3A_148, %dma_start3A_149] : memref<86016x128xf32, #tpu.memory_space<hbm>> -> memref<128x128xf32, #tpu.memory_space<hbm>>
    %dma_start3A_151 = arith.constant 0 : i32
    %dma_start3A_152 = tpu.memref_slice %arg4[%add3A_148, %dma_start3A_151] : memref<86016x128xf32, #tpu.memory_space<hbm>> -> memref<128x128xf32, #tpu.memory_space<hbm>>
    tpu.enqueue_dma source(%arg6 : memref<128x128xf32, #tpu.memory_space<vmem>>) target(%dma_start3A_152 : memref<128x128xf32, #tpu.memory_space<hbm>>) target_semaphore(%arg18 : memref<!tpu.dma_semaphore, #tpu.memory_space<semaphore_mem>>)
    %dma_wait3A_153 = arith.constant 0 : i32
    %dma_wait3A_154 = tpu.memref_slice %arg4[%add3A_128, %dma_wait3A_153] : memref<86016x128xf32, #tpu.memory_space<hbm>> -> memref<128x128xf32, #tpu.memory_space<hbm>>
    %dma_wait3A_155 = arith.constant 0 : i32
    %dma_wait3A_156 = tpu.memref_slice %arg4[%add3A_128, %dma_wait3A_155] : memref<86016x128xf32, #tpu.memory_space<hbm>> -> memref<128x128xf32, #tpu.memory_space<hbm>>
    tpu.wait_dma2 semaphore(%arg23 : memref<!tpu.dma_semaphore, #tpu.memory_space<semaphore_mem>>) src(%arg11 : memref<128x128xf32, #tpu.memory_space<vmem>>) dst(%dma_wait3A_156 : memref<128x128xf32, #tpu.memory_space<hbm>>)
    %dma_start3A_157 = arith.constant 1408 : i32
    %dma_start3A_158 = tpu.memref_slice %arg5[%dma_start3A_157] : memref<2688xi32, #tpu.memory_space<vmem>> -> memref<128xi32, #tpu.memory_space<vmem>>
    %dma_start3A_159 = arith.constant 0 : i32
    %dma_start3A_160 = arith.constant 0 : i32
    %dma_start3A_161 = tpu.memref_slice %arg2[%dma_start3A_159, %dma_start3A_160] : memref<50000x128xf32, #tpu.memory_space<hbm>> -> memref<50000x128xf32, #tpu.memory_space<hbm>>
    tpu.enqueue_indirect_dma source(%dma_start3A_161 : memref<50000x128xf32, #tpu.memory_space<hbm>>) target(%arg11 : memref<128x128xf32, #tpu.memory_space<vmem>>) offsets(%dma_start3A_158 : memref<128xi32, #tpu.memory_space<vmem>>) semaphore(%arg17 : memref<!tpu.dma_semaphore, #tpu.memory_space<semaphore_mem>>)
    %dma_wait3A_162 = arith.constant 896 : i32
    %dma_wait3A_163 = tpu.memref_slice %arg5[%dma_wait3A_162] : memref<2688xi32, #tpu.memory_space<vmem>> -> memref<128xi32, #tpu.memory_space<vmem>>
    %dma_wait3A_164 = arith.constant 0 : i32
    %dma_wait3A_165 = arith.constant 0 : i32
    %dma_wait3A_166 = tpu.memref_slice %arg2[%dma_wait3A_164, %dma_wait3A_165] : memref<50000x128xf32, #tpu.memory_space<hbm>> -> memref<50000x128xf32, #tpu.memory_space<hbm>>
    tpu.wait_indirect_dma semaphore(%arg13 : memref<!tpu.dma_semaphore, #tpu.memory_space<semaphore_mem>>) src(%dma_wait3A_166 : memref<50000x128xf32, #tpu.memory_space<hbm>>) dst(%arg7 : memref<128x128xf32, #tpu.memory_space<vmem>>)
    %add3A_167 = arith.constant 896 : i32
    %add3A_168 = arith.addi %mul3A_2, %add3A_167 : i32
    %dma_start3A_169 = arith.constant 0 : i32
    %dma_start3A_170 = tpu.memref_slice %arg4[%add3A_168, %dma_start3A_169] : memref<86016x128xf32, #tpu.memory_space<hbm>> -> memref<128x128xf32, #tpu.memory_space<hbm>>
    %dma_start3A_171 = arith.constant 0 : i32
    %dma_start3A_172 = tpu.memref_slice %arg4[%add3A_168, %dma_start3A_171] : memref<86016x128xf32, #tpu.memory_space<hbm>> -> memref<128x128xf32, #tpu.memory_space<hbm>>
    tpu.enqueue_dma source(%arg7 : memref<128x128xf32, #tpu.memory_space<vmem>>) target(%dma_start3A_172 : memref<128x128xf32, #tpu.memory_space<hbm>>) target_semaphore(%arg19 : memref<!tpu.dma_semaphore, #tpu.memory_space<semaphore_mem>>)
    %dma_wait3A_173 = arith.constant 0 : i32
    %dma_wait3A_174 = tpu.memref_slice %arg4[%add3A_148, %dma_wait3A_173] : memref<86016x128xf32, #tpu.memory_space<hbm>> -> memref<128x128xf32, #tpu.memory_space<hbm>>
    %dma_wait3A_175 = arith.constant 0 : i32
    %dma_wait3A_176 = tpu.memref_slice %arg4[%add3A_148, %dma_wait3A_175] : memref<86016x128xf32, #tpu.memory_space<hbm>> -> memref<128x128xf32, #tpu.memory_space<hbm>>
    tpu.wait_dma2 semaphore(%arg18 : memref<!tpu.dma_semaphore, #tpu.memory_space<semaphore_mem>>) src(%arg6 : memref<128x128xf32, #tpu.memory_space<vmem>>) dst(%dma_wait3A_176 : memref<128x128xf32, #tpu.memory_space<hbm>>)
    %dma_start3A_177 = arith.constant 1536 : i32
    %dma_start3A_178 = tpu.memref_slice %arg5[%dma_start3A_177] : memref<2688xi32, #tpu.memory_space<vmem>> -> memref<128xi32, #tpu.memory_space<vmem>>
    %dma_start3A_179 = arith.constant 0 : i32
    %dma_start3A_180 = arith.constant 0 : i32
    %dma_start3A_181 = tpu.memref_slice %arg2[%dma_start3A_179, %dma_start3A_180] : memref<50000x128xf32, #tpu.memory_space<hbm>> -> memref<50000x128xf32, #tpu.memory_space<hbm>>
    tpu.enqueue_indirect_dma source(%dma_start3A_181 : memref<50000x128xf32, #tpu.memory_space<hbm>>) target(%arg6 : memref<128x128xf32, #tpu.memory_space<vmem>>) offsets(%dma_start3A_178 : memref<128xi32, #tpu.memory_space<vmem>>) semaphore(%arg12 : memref<!tpu.dma_semaphore, #tpu.memory_space<semaphore_mem>>)
    %dma_wait3A_182 = arith.constant 1024 : i32
    %dma_wait3A_183 = tpu.memref_slice %arg5[%dma_wait3A_182] : memref<2688xi32, #tpu.memory_space<vmem>> -> memref<128xi32, #tpu.memory_space<vmem>>
    %dma_wait3A_184 = arith.constant 0 : i32
    %dma_wait3A_185 = arith.constant 0 : i32
    %dma_wait3A_186 = tpu.memref_slice %arg2[%dma_wait3A_184, %dma_wait3A_185] : memref<50000x128xf32, #tpu.memory_space<hbm>> -> memref<50000x128xf32, #tpu.memory_space<hbm>>
    tpu.wait_indirect_dma semaphore(%arg14 : memref<!tpu.dma_semaphore, #tpu.memory_space<semaphore_mem>>) src(%dma_wait3A_186 : memref<50000x128xf32, #tpu.memory_space<hbm>>) dst(%arg8 : memref<128x128xf32, #tpu.memory_space<vmem>>)
    %add3A_187 = arith.constant 1024 : i32
    %add3A_188 = arith.addi %mul3A_2, %add3A_187 : i32
    %dma_start3A_189 = arith.constant 0 : i32
    %dma_start3A_190 = tpu.memref_slice %arg4[%add3A_188, %dma_start3A_189] : memref<86016x128xf32, #tpu.memory_space<hbm>> -> memref<128x128xf32, #tpu.memory_space<hbm>>
    %dma_start3A_191 = arith.constant 0 : i32
    %dma_start3A_192 = tpu.memref_slice %arg4[%add3A_188, %dma_start3A_191] : memref<86016x128xf32, #tpu.memory_space<hbm>> -> memref<128x128xf32, #tpu.memory_space<hbm>>
    tpu.enqueue_dma source(%arg8 : memref<128x128xf32, #tpu.memory_space<vmem>>) target(%dma_start3A_192 : memref<128x128xf32, #tpu.memory_space<hbm>>) target_semaphore(%arg20 : memref<!tpu.dma_semaphore, #tpu.memory_space<semaphore_mem>>)
    %dma_wait3A_193 = arith.constant 0 : i32
    %dma_wait3A_194 = tpu.memref_slice %arg4[%add3A_168, %dma_wait3A_193] : memref<86016x128xf32, #tpu.memory_space<hbm>> -> memref<128x128xf32, #tpu.memory_space<hbm>>
    %dma_wait3A_195 = arith.constant 0 : i32
    %dma_wait3A_196 = tpu.memref_slice %arg4[%add3A_168, %dma_wait3A_195] : memref<86016x128xf32, #tpu.memory_space<hbm>> -> memref<128x128xf32, #tpu.memory_space<hbm>>
    tpu.wait_dma2 semaphore(%arg19 : memref<!tpu.dma_semaphore, #tpu.memory_space<semaphore_mem>>) src(%arg7 : memref<128x128xf32, #tpu.memory_space<vmem>>) dst(%dma_wait3A_196 : memref<128x128xf32, #tpu.memory_space<hbm>>)
    %dma_start3A_197 = arith.constant 1664 : i32
    %dma_start3A_198 = tpu.memref_slice %arg5[%dma_start3A_197] : memref<2688xi32, #tpu.memory_space<vmem>> -> memref<128xi32, #tpu.memory_space<vmem>>
    %dma_start3A_199 = arith.constant 0 : i32
    %dma_start3A_200 = arith.constant 0 : i32
    %dma_start3A_201 = tpu.memref_slice %arg2[%dma_start3A_199, %dma_start3A_200] : memref<50000x128xf32, #tpu.memory_space<hbm>> -> memref<50000x128xf32, #tpu.memory_space<hbm>>
    tpu.enqueue_indirect_dma source(%dma_start3A_201 : memref<50000x128xf32, #tpu.memory_space<hbm>>) target(%arg7 : memref<128x128xf32, #tpu.memory_space<vmem>>) offsets(%dma_start3A_198 : memref<128xi32, #tpu.memory_space<vmem>>) semaphore(%arg13 : memref<!tpu.dma_semaphore, #tpu.memory_space<semaphore_mem>>)
    %dma_wait3A_202 = arith.constant 1152 : i32
    %dma_wait3A_203 = tpu.memref_slice %arg5[%dma_wait3A_202] : memref<2688xi32, #tpu.memory_space<vmem>> -> memref<128xi32, #tpu.memory_space<vmem>>
    %dma_wait3A_204 = arith.constant 0 : i32
    %dma_wait3A_205 = arith.constant 0 : i32
    %dma_wait3A_206 = tpu.memref_slice %arg2[%dma_wait3A_204, %dma_wait3A_205] : memref<50000x128xf32, #tpu.memory_space<hbm>> -> memref<50000x128xf32, #tpu.memory_space<hbm>>
    tpu.wait_indirect_dma semaphore(%arg15 : memref<!tpu.dma_semaphore, #tpu.memory_space<semaphore_mem>>) src(%dma_wait3A_206 : memref<50000x128xf32, #tpu.memory_space<hbm>>) dst(%arg9 : memref<128x128xf32, #tpu.memory_space<vmem>>)
    %add3A_207 = arith.constant 1152 : i32
    %add3A_208 = arith.addi %mul3A_2, %add3A_207 : i32
    %dma_start3A_209 = arith.constant 0 : i32
    %dma_start3A_210 = tpu.memref_slice %arg4[%add3A_208, %dma_start3A_209] : memref<86016x128xf32, #tpu.memory_space<hbm>> -> memref<128x128xf32, #tpu.memory_space<hbm>>
    %dma_start3A_211 = arith.constant 0 : i32
    %dma_start3A_212 = tpu.memref_slice %arg4[%add3A_208, %dma_start3A_211] : memref<86016x128xf32, #tpu.memory_space<hbm>> -> memref<128x128xf32, #tpu.memory_space<hbm>>
    tpu.enqueue_dma source(%arg9 : memref<128x128xf32, #tpu.memory_space<vmem>>) target(%dma_start3A_212 : memref<128x128xf32, #tpu.memory_space<hbm>>) target_semaphore(%arg21 : memref<!tpu.dma_semaphore, #tpu.memory_space<semaphore_mem>>)
    %dma_wait3A_213 = arith.constant 0 : i32
    %dma_wait3A_214 = tpu.memref_slice %arg4[%add3A_188, %dma_wait3A_213] : memref<86016x128xf32, #tpu.memory_space<hbm>> -> memref<128x128xf32, #tpu.memory_space<hbm>>
    %dma_wait3A_215 = arith.constant 0 : i32
    %dma_wait3A_216 = tpu.memref_slice %arg4[%add3A_188, %dma_wait3A_215] : memref<86016x128xf32, #tpu.memory_space<hbm>> -> memref<128x128xf32, #tpu.memory_space<hbm>>
    tpu.wait_dma2 semaphore(%arg20 : memref<!tpu.dma_semaphore, #tpu.memory_space<semaphore_mem>>) src(%arg8 : memref<128x128xf32, #tpu.memory_space<vmem>>) dst(%dma_wait3A_216 : memref<128x128xf32, #tpu.memory_space<hbm>>)
    %dma_start3A_217 = arith.constant 1792 : i32
    %dma_start3A_218 = tpu.memref_slice %arg5[%dma_start3A_217] : memref<2688xi32, #tpu.memory_space<vmem>> -> memref<128xi32, #tpu.memory_space<vmem>>
    %dma_start3A_219 = arith.constant 0 : i32
    %dma_start3A_220 = arith.constant 0 : i32
    %dma_start3A_221 = tpu.memref_slice %arg2[%dma_start3A_219, %dma_start3A_220] : memref<50000x128xf32, #tpu.memory_space<hbm>> -> memref<50000x128xf32, #tpu.memory_space<hbm>>
    tpu.enqueue_indirect_dma source(%dma_start3A_221 : memref<50000x128xf32, #tpu.memory_space<hbm>>) target(%arg8 : memref<128x128xf32, #tpu.memory_space<vmem>>) offsets(%dma_start3A_218 : memref<128xi32, #tpu.memory_space<vmem>>) semaphore(%arg14 : memref<!tpu.dma_semaphore, #tpu.memory_space<semaphore_mem>>)
    %dma_wait3A_222 = arith.constant 1280 : i32
    %dma_wait3A_223 = tpu.memref_slice %arg5[%dma_wait3A_222] : memref<2688xi32, #tpu.memory_space<vmem>> -> memref<128xi32, #tpu.memory_space<vmem>>
    %dma_wait3A_224 = arith.constant 0 : i32
    %dma_wait3A_225 = arith.constant 0 : i32
    %dma_wait3A_226 = tpu.memref_slice %arg2[%dma_wait3A_224, %dma_wait3A_225] : memref<50000x128xf32, #tpu.memory_space<hbm>> -> memref<50000x128xf32, #tpu.memory_space<hbm>>
    tpu.wait_indirect_dma semaphore(%arg16 : memref<!tpu.dma_semaphore, #tpu.memory_space<semaphore_mem>>) src(%dma_wait3A_226 : memref<50000x128xf32, #tpu.memory_space<hbm>>) dst(%arg10 : memref<128x128xf32, #tpu.memory_space<vmem>>)
    %add3A_227 = arith.constant 1280 : i32
    %add3A_228 = arith.addi %mul3A_2, %add3A_227 : i32
    %dma_start3A_229 = arith.constant 0 : i32
    %dma_start3A_230 = tpu.memref_slice %arg4[%add3A_228, %dma_start3A_229] : memref<86016x128xf32, #tpu.memory_space<hbm>> -> memref<128x128xf32, #tpu.memory_space<hbm>>
    %dma_start3A_231 = arith.constant 0 : i32
    %dma_start3A_232 = tpu.memref_slice %arg4[%add3A_228, %dma_start3A_231] : memref<86016x128xf32, #tpu.memory_space<hbm>> -> memref<128x128xf32, #tpu.memory_space<hbm>>
    tpu.enqueue_dma source(%arg10 : memref<128x128xf32, #tpu.memory_space<vmem>>) target(%dma_start3A_232 : memref<128x128xf32, #tpu.memory_space<hbm>>) target_semaphore(%arg22 : memref<!tpu.dma_semaphore, #tpu.memory_space<semaphore_mem>>)
    %dma_wait3A_233 = arith.constant 0 : i32
    %dma_wait3A_234 = tpu.memref_slice %arg4[%add3A_208, %dma_wait3A_233] : memref<86016x128xf32, #tpu.memory_space<hbm>> -> memref<128x128xf32, #tpu.memory_space<hbm>>
    %dma_wait3A_235 = arith.constant 0 : i32
    %dma_wait3A_236 = tpu.memref_slice %arg4[%add3A_208, %dma_wait3A_235] : memref<86016x128xf32, #tpu.memory_space<hbm>> -> memref<128x128xf32, #tpu.memory_space<hbm>>
    tpu.wait_dma2 semaphore(%arg21 : memref<!tpu.dma_semaphore, #tpu.memory_space<semaphore_mem>>) src(%arg9 : memref<128x128xf32, #tpu.memory_space<vmem>>) dst(%dma_wait3A_236 : memref<128x128xf32, #tpu.memory_space<hbm>>)
    %dma_start3A_237 = arith.constant 1920 : i32
    %dma_start3A_238 = tpu.memref_slice %arg5[%dma_start3A_237] : memref<2688xi32, #tpu.memory_space<vmem>> -> memref<128xi32, #tpu.memory_space<vmem>>
    %dma_start3A_239 = arith.constant 0 : i32
    %dma_start3A_240 = arith.constant 0 : i32
    %dma_start3A_241 = tpu.memref_slice %arg2[%dma_start3A_239, %dma_start3A_240] : memref<50000x128xf32, #tpu.memory_space<hbm>> -> memref<50000x128xf32, #tpu.memory_space<hbm>>
    tpu.enqueue_indirect_dma source(%dma_start3A_241 : memref<50000x128xf32, #tpu.memory_space<hbm>>) target(%arg9 : memref<128x128xf32, #tpu.memory_space<vmem>>) offsets(%dma_start3A_238 : memref<128xi32, #tpu.memory_space<vmem>>) semaphore(%arg15 : memref<!tpu.dma_semaphore, #tpu.memory_space<semaphore_mem>>)
    %dma_wait3A_242 = arith.constant 1408 : i32
    %dma_wait3A_243 = tpu.memref_slice %arg5[%dma_wait3A_242] : memref<2688xi32, #tpu.memory_space<vmem>> -> memref<128xi32, #tpu.memory_space<vmem>>
    %dma_wait3A_244 = arith.constant 0 : i32
    %dma_wait3A_245 = arith.constant 0 : i32
    %dma_wait3A_246 = tpu.memref_slice %arg2[%dma_wait3A_244, %dma_wait3A_245] : memref<50000x128xf32, #tpu.memory_space<hbm>> -> memref<50000x128xf32, #tpu.memory_space<hbm>>
    tpu.wait_indirect_dma semaphore(%arg17 : memref<!tpu.dma_semaphore, #tpu.memory_space<semaphore_mem>>) src(%dma_wait3A_246 : memref<50000x128xf32, #tpu.memory_space<hbm>>) dst(%arg11 : memref<128x128xf32, #tpu.memory_space<vmem>>)
    %add3A_247 = arith.constant 1408 : i32
    %add3A_248 = arith.addi %mul3A_2, %add3A_247 : i32
    %dma_start3A_249 = arith.constant 0 : i32
    %dma_start3A_250 = tpu.memref_slice %arg4[%add3A_248, %dma_start3A_249] : memref<86016x128xf32, #tpu.memory_space<hbm>> -> memref<128x128xf32, #tpu.memory_space<hbm>>
    %dma_start3A_251 = arith.constant 0 : i32
    %dma_start3A_252 = tpu.memref_slice %arg4[%add3A_248, %dma_start3A_251] : memref<86016x128xf32, #tpu.memory_space<hbm>> -> memref<128x128xf32, #tpu.memory_space<hbm>>
    tpu.enqueue_dma source(%arg11 : memref<128x128xf32, #tpu.memory_space<vmem>>) target(%dma_start3A_252 : memref<128x128xf32, #tpu.memory_space<hbm>>) target_semaphore(%arg23 : memref<!tpu.dma_semaphore, #tpu.memory_space<semaphore_mem>>)
    %dma_wait3A_253 = arith.constant 0 : i32
    %dma_wait3A_254 = tpu.memref_slice %arg4[%add3A_228, %dma_wait3A_253] : memref<86016x128xf32, #tpu.memory_space<hbm>> -> memref<128x128xf32, #tpu.memory_space<hbm>>
    %dma_wait3A_255 = arith.constant 0 : i32
    %dma_wait3A_256 = tpu.memref_slice %arg4[%add3A_228, %dma_wait3A_255] : memref<86016x128xf32, #tpu.memory_space<hbm>> -> memref<128x128xf32, #tpu.memory_space<hbm>>
    tpu.wait_dma2 semaphore(%arg22 : memref<!tpu.dma_semaphore, #tpu.memory_space<semaphore_mem>>) src(%arg10 : memref<128x128xf32, #tpu.memory_space<vmem>>) dst(%dma_wait3A_256 : memref<128x128xf32, #tpu.memory_space<hbm>>)
    %dma_start3A_257 = arith.constant 2048 : i32
    %dma_start3A_258 = tpu.memref_slice %arg5[%dma_start3A_257] : memref<2688xi32, #tpu.memory_space<vmem>> -> memref<128xi32, #tpu.memory_space<vmem>>
    %dma_start3A_259 = arith.constant 0 : i32
    %dma_start3A_260 = arith.constant 0 : i32
    %dma_start3A_261 = tpu.memref_slice %arg2[%dma_start3A_259, %dma_start3A_260] : memref<50000x128xf32, #tpu.memory_space<hbm>> -> memref<50000x128xf32, #tpu.memory_space<hbm>>
    tpu.enqueue_indirect_dma source(%dma_start3A_261 : memref<50000x128xf32, #tpu.memory_space<hbm>>) target(%arg10 : memref<128x128xf32, #tpu.memory_space<vmem>>) offsets(%dma_start3A_258 : memref<128xi32, #tpu.memory_space<vmem>>) semaphore(%arg16 : memref<!tpu.dma_semaphore, #tpu.memory_space<semaphore_mem>>)
    %dma_wait3A_262 = arith.constant 1536 : i32
    %dma_wait3A_263 = tpu.memref_slice %arg5[%dma_wait3A_262] : memref<2688xi32, #tpu.memory_space<vmem>> -> memref<128xi32, #tpu.memory_space<vmem>>
    %dma_wait3A_264 = arith.constant 0 : i32
    %dma_wait3A_265 = arith.constant 0 : i32
    %dma_wait3A_266 = tpu.memref_slice %arg2[%dma_wait3A_264, %dma_wait3A_265] : memref<50000x128xf32, #tpu.memory_space<hbm>> -> memref<50000x128xf32, #tpu.memory_space<hbm>>
    tpu.wait_indirect_dma semaphore(%arg12 : memref<!tpu.dma_semaphore, #tpu.memory_space<semaphore_mem>>) src(%dma_wait3A_266 : memref<50000x128xf32, #tpu.memory_space<hbm>>) dst(%arg6 : memref<128x128xf32, #tpu.memory_space<vmem>>)
    %add3A_267 = arith.constant 1536 : i32
    %add3A_268 = arith.addi %mul3A_2, %add3A_267 : i32
    %dma_start3A_269 = arith.constant 0 : i32
    %dma_start3A_270 = tpu.memref_slice %arg4[%add3A_268, %dma_start3A_269] : memref<86016x128xf32, #tpu.memory_space<hbm>> -> memref<128x128xf32, #tpu.memory_space<hbm>>
    %dma_start3A_271 = arith.constant 0 : i32
    %dma_start3A_272 = tpu.memref_slice %arg4[%add3A_268, %dma_start3A_271] : memref<86016x128xf32, #tpu.memory_space<hbm>> -> memref<128x128xf32, #tpu.memory_space<hbm>>
    tpu.enqueue_dma source(%arg6 : memref<128x128xf32, #tpu.memory_space<vmem>>) target(%dma_start3A_272 : memref<128x128xf32, #tpu.memory_space<hbm>>) target_semaphore(%arg18 : memref<!tpu.dma_semaphore, #tpu.memory_space<semaphore_mem>>)
    %dma_wait3A_273 = arith.constant 0 : i32
    %dma_wait3A_274 = tpu.memref_slice %arg4[%add3A_248, %dma_wait3A_273] : memref<86016x128xf32, #tpu.memory_space<hbm>> -> memref<128x128xf32, #tpu.memory_space<hbm>>
    %dma_wait3A_275 = arith.constant 0 : i32
    %dma_wait3A_276 = tpu.memref_slice %arg4[%add3A_248, %dma_wait3A_275] : memref<86016x128xf32, #tpu.memory_space<hbm>> -> memref<128x128xf32, #tpu.memory_space<hbm>>
    tpu.wait_dma2 semaphore(%arg23 : memref<!tpu.dma_semaphore, #tpu.memory_space<semaphore_mem>>) src(%arg11 : memref<128x128xf32, #tpu.memory_space<vmem>>) dst(%dma_wait3A_276 : memref<128x128xf32, #tpu.memory_space<hbm>>)
    %dma_start3A_277 = arith.constant 2176 : i32
    %dma_start3A_278 = tpu.memref_slice %arg5[%dma_start3A_277] : memref<2688xi32, #tpu.memory_space<vmem>> -> memref<128xi32, #tpu.memory_space<vmem>>
    %dma_start3A_279 = arith.constant 0 : i32
    %dma_start3A_280 = arith.constant 0 : i32
    %dma_start3A_281 = tpu.memref_slice %arg2[%dma_start3A_279, %dma_start3A_280] : memref<50000x128xf32, #tpu.memory_space<hbm>> -> memref<50000x128xf32, #tpu.memory_space<hbm>>
    tpu.enqueue_indirect_dma source(%dma_start3A_281 : memref<50000x128xf32, #tpu.memory_space<hbm>>) target(%arg11 : memref<128x128xf32, #tpu.memory_space<vmem>>) offsets(%dma_start3A_278 : memref<128xi32, #tpu.memory_space<vmem>>) semaphore(%arg17 : memref<!tpu.dma_semaphore, #tpu.memory_space<semaphore_mem>>)
    %dma_wait3A_282 = arith.constant 1664 : i32
    %dma_wait3A_283 = tpu.memref_slice %arg5[%dma_wait3A_282] : memref<2688xi32, #tpu.memory_space<vmem>> -> memref<128xi32, #tpu.memory_space<vmem>>
    %dma_wait3A_284 = arith.constant 0 : i32
    %dma_wait3A_285 = arith.constant 0 : i32
    %dma_wait3A_286 = tpu.memref_slice %arg2[%dma_wait3A_284, %dma_wait3A_285] : memref<50000x128xf32, #tpu.memory_space<hbm>> -> memref<50000x128xf32, #tpu.memory_space<hbm>>
    tpu.wait_indirect_dma semaphore(%arg13 : memref<!tpu.dma_semaphore, #tpu.memory_space<semaphore_mem>>) src(%dma_wait3A_286 : memref<50000x128xf32, #tpu.memory_space<hbm>>) dst(%arg7 : memref<128x128xf32, #tpu.memory_space<vmem>>)
    %add3A_287 = arith.constant 1664 : i32
    %add3A_288 = arith.addi %mul3A_2, %add3A_287 : i32
    %dma_start3A_289 = arith.constant 0 : i32
    %dma_start3A_290 = tpu.memref_slice %arg4[%add3A_288, %dma_start3A_289] : memref<86016x128xf32, #tpu.memory_space<hbm>> -> memref<128x128xf32, #tpu.memory_space<hbm>>
    %dma_start3A_291 = arith.constant 0 : i32
    %dma_start3A_292 = tpu.memref_slice %arg4[%add3A_288, %dma_start3A_291] : memref<86016x128xf32, #tpu.memory_space<hbm>> -> memref<128x128xf32, #tpu.memory_space<hbm>>
    tpu.enqueue_dma source(%arg7 : memref<128x128xf32, #tpu.memory_space<vmem>>) target(%dma_start3A_292 : memref<128x128xf32, #tpu.memory_space<hbm>>) target_semaphore(%arg19 : memref<!tpu.dma_semaphore, #tpu.memory_space<semaphore_mem>>)
    %dma_wait3A_293 = arith.constant 0 : i32
    %dma_wait3A_294 = tpu.memref_slice %arg4[%add3A_268, %dma_wait3A_293] : memref<86016x128xf32, #tpu.memory_space<hbm>> -> memref<128x128xf32, #tpu.memory_space<hbm>>
    %dma_wait3A_295 = arith.constant 0 : i32
    %dma_wait3A_296 = tpu.memref_slice %arg4[%add3A_268, %dma_wait3A_295] : memref<86016x128xf32, #tpu.memory_space<hbm>> -> memref<128x128xf32, #tpu.memory_space<hbm>>
    tpu.wait_dma2 semaphore(%arg18 : memref<!tpu.dma_semaphore, #tpu.memory_space<semaphore_mem>>) src(%arg6 : memref<128x128xf32, #tpu.memory_space<vmem>>) dst(%dma_wait3A_296 : memref<128x128xf32, #tpu.memory_space<hbm>>)
    %dma_start3A_297 = arith.constant 2304 : i32
    %dma_start3A_298 = tpu.memref_slice %arg5[%dma_start3A_297] : memref<2688xi32, #tpu.memory_space<vmem>> -> memref<128xi32, #tpu.memory_space<vmem>>
    %dma_start3A_299 = arith.constant 0 : i32
    %dma_start3A_300 = arith.constant 0 : i32
    %dma_start3A_301 = tpu.memref_slice %arg2[%dma_start3A_299, %dma_start3A_300] : memref<50000x128xf32, #tpu.memory_space<hbm>> -> memref<50000x128xf32, #tpu.memory_space<hbm>>
    tpu.enqueue_indirect_dma source(%dma_start3A_301 : memref<50000x128xf32, #tpu.memory_space<hbm>>) target(%arg6 : memref<128x128xf32, #tpu.memory_space<vmem>>) offsets(%dma_start3A_298 : memref<128xi32, #tpu.memory_space<vmem>>) semaphore(%arg12 : memref<!tpu.dma_semaphore, #tpu.memory_space<semaphore_mem>>)
    %dma_wait3A_302 = arith.constant 1792 : i32
    %dma_wait3A_303 = tpu.memref_slice %arg5[%dma_wait3A_302] : memref<2688xi32, #tpu.memory_space<vmem>> -> memref<128xi32, #tpu.memory_space<vmem>>
    %dma_wait3A_304 = arith.constant 0 : i32
    %dma_wait3A_305 = arith.constant 0 : i32
    %dma_wait3A_306 = tpu.memref_slice %arg2[%dma_wait3A_304, %dma_wait3A_305] : memref<50000x128xf32, #tpu.memory_space<hbm>> -> memref<50000x128xf32, #tpu.memory_space<hbm>>
    tpu.wait_indirect_dma semaphore(%arg14 : memref<!tpu.dma_semaphore, #tpu.memory_space<semaphore_mem>>) src(%dma_wait3A_306 : memref<50000x128xf32, #tpu.memory_space<hbm>>) dst(%arg8 : memref<128x128xf32, #tpu.memory_space<vmem>>)
    %add3A_307 = arith.constant 1792 : i32
    %add3A_308 = arith.addi %mul3A_2, %add3A_307 : i32
    %dma_start3A_309 = arith.constant 0 : i32
    %dma_start3A_310 = tpu.memref_slice %arg4[%add3A_308, %dma_start3A_309] : memref<86016x128xf32, #tpu.memory_space<hbm>> -> memref<128x128xf32, #tpu.memory_space<hbm>>
    %dma_start3A_311 = arith.constant 0 : i32
    %dma_start3A_312 = tpu.memref_slice %arg4[%add3A_308, %dma_start3A_311] : memref<86016x128xf32, #tpu.memory_space<hbm>> -> memref<128x128xf32, #tpu.memory_space<hbm>>
    tpu.enqueue_dma source(%arg8 : memref<128x128xf32, #tpu.memory_space<vmem>>) target(%dma_start3A_312 : memref<128x128xf32, #tpu.memory_space<hbm>>) target_semaphore(%arg20 : memref<!tpu.dma_semaphore, #tpu.memory_space<semaphore_mem>>)
    %dma_wait3A_313 = arith.constant 0 : i32
    %dma_wait3A_314 = tpu.memref_slice %arg4[%add3A_288, %dma_wait3A_313] : memref<86016x128xf32, #tpu.memory_space<hbm>> -> memref<128x128xf32, #tpu.memory_space<hbm>>
    %dma_wait3A_315 = arith.constant 0 : i32
    %dma_wait3A_316 = tpu.memref_slice %arg4[%add3A_288, %dma_wait3A_315] : memref<86016x128xf32, #tpu.memory_space<hbm>> -> memref<128x128xf32, #tpu.memory_space<hbm>>
    tpu.wait_dma2 semaphore(%arg19 : memref<!tpu.dma_semaphore, #tpu.memory_space<semaphore_mem>>) src(%arg7 : memref<128x128xf32, #tpu.memory_space<vmem>>) dst(%dma_wait3A_316 : memref<128x128xf32, #tpu.memory_space<hbm>>)
    %dma_start3A_317 = arith.constant 2432 : i32
    %dma_start3A_318 = tpu.memref_slice %arg5[%dma_start3A_317] : memref<2688xi32, #tpu.memory_space<vmem>> -> memref<128xi32, #tpu.memory_space<vmem>>
    %dma_start3A_319 = arith.constant 0 : i32
    %dma_start3A_320 = arith.constant 0 : i32
    %dma_start3A_321 = tpu.memref_slice %arg2[%dma_start3A_319, %dma_start3A_320] : memref<50000x128xf32, #tpu.memory_space<hbm>> -> memref<50000x128xf32, #tpu.memory_space<hbm>>
    tpu.enqueue_indirect_dma source(%dma_start3A_321 : memref<50000x128xf32, #tpu.memory_space<hbm>>) target(%arg7 : memref<128x128xf32, #tpu.memory_space<vmem>>) offsets(%dma_start3A_318 : memref<128xi32, #tpu.memory_space<vmem>>) semaphore(%arg13 : memref<!tpu.dma_semaphore, #tpu.memory_space<semaphore_mem>>)
    %dma_wait3A_322 = arith.constant 1920 : i32
    %dma_wait3A_323 = tpu.memref_slice %arg5[%dma_wait3A_322] : memref<2688xi32, #tpu.memory_space<vmem>> -> memref<128xi32, #tpu.memory_space<vmem>>
    %dma_wait3A_324 = arith.constant 0 : i32
    %dma_wait3A_325 = arith.constant 0 : i32
    %dma_wait3A_326 = tpu.memref_slice %arg2[%dma_wait3A_324, %dma_wait3A_325] : memref<50000x128xf32, #tpu.memory_space<hbm>> -> memref<50000x128xf32, #tpu.memory_space<hbm>>
    tpu.wait_indirect_dma semaphore(%arg15 : memref<!tpu.dma_semaphore, #tpu.memory_space<semaphore_mem>>) src(%dma_wait3A_326 : memref<50000x128xf32, #tpu.memory_space<hbm>>) dst(%arg9 : memref<128x128xf32, #tpu.memory_space<vmem>>)
    %add3A_327 = arith.constant 1920 : i32
    %add3A_328 = arith.addi %mul3A_2, %add3A_327 : i32
    %dma_start3A_329 = arith.constant 0 : i32
    %dma_start3A_330 = tpu.memref_slice %arg4[%add3A_328, %dma_start3A_329] : memref<86016x128xf32, #tpu.memory_space<hbm>> -> memref<128x128xf32, #tpu.memory_space<hbm>>
    %dma_start3A_331 = arith.constant 0 : i32
    %dma_start3A_332 = tpu.memref_slice %arg4[%add3A_328, %dma_start3A_331] : memref<86016x128xf32, #tpu.memory_space<hbm>> -> memref<128x128xf32, #tpu.memory_space<hbm>>
    tpu.enqueue_dma source(%arg9 : memref<128x128xf32, #tpu.memory_space<vmem>>) target(%dma_start3A_332 : memref<128x128xf32, #tpu.memory_space<hbm>>) target_semaphore(%arg21 : memref<!tpu.dma_semaphore, #tpu.memory_space<semaphore_mem>>)
    %dma_wait3A_333 = arith.constant 0 : i32
    %dma_wait3A_334 = tpu.memref_slice %arg4[%add3A_308, %dma_wait3A_333] : memref<86016x128xf32, #tpu.memory_space<hbm>> -> memref<128x128xf32, #tpu.memory_space<hbm>>
    %dma_wait3A_335 = arith.constant 0 : i32
    %dma_wait3A_336 = tpu.memref_slice %arg4[%add3A_308, %dma_wait3A_335] : memref<86016x128xf32, #tpu.memory_space<hbm>> -> memref<128x128xf32, #tpu.memory_space<hbm>>
    tpu.wait_dma2 semaphore(%arg20 : memref<!tpu.dma_semaphore, #tpu.memory_space<semaphore_mem>>) src(%arg8 : memref<128x128xf32, #tpu.memory_space<vmem>>) dst(%dma_wait3A_336 : memref<128x128xf32, #tpu.memory_space<hbm>>)
    %dma_start3A_337 = arith.constant 2560 : i32
    %dma_start3A_338 = tpu.memref_slice %arg5[%dma_start3A_337] : memref<2688xi32, #tpu.memory_space<vmem>> -> memref<128xi32, #tpu.memory_space<vmem>>
    %dma_start3A_339 = arith.constant 0 : i32
    %dma_start3A_340 = arith.constant 0 : i32
    %dma_start3A_341 = tpu.memref_slice %arg2[%dma_start3A_339, %dma_start3A_340] : memref<50000x128xf32, #tpu.memory_space<hbm>> -> memref<50000x128xf32, #tpu.memory_space<hbm>>
    tpu.enqueue_indirect_dma source(%dma_start3A_341 : memref<50000x128xf32, #tpu.memory_space<hbm>>) target(%arg8 : memref<128x128xf32, #tpu.memory_space<vmem>>) offsets(%dma_start3A_338 : memref<128xi32, #tpu.memory_space<vmem>>) semaphore(%arg14 : memref<!tpu.dma_semaphore, #tpu.memory_space<semaphore_mem>>)
    %dma_wait3A_342 = arith.constant 2048 : i32
    %dma_wait3A_343 = tpu.memref_slice %arg5[%dma_wait3A_342] : memref<2688xi32, #tpu.memory_space<vmem>> -> memref<128xi32, #tpu.memory_space<vmem>>
    %dma_wait3A_344 = arith.constant 0 : i32
    %dma_wait3A_345 = arith.constant 0 : i32
    %dma_wait3A_346 = tpu.memref_slice %arg2[%dma_wait3A_344, %dma_wait3A_345] : memref<50000x128xf32, #tpu.memory_space<hbm>> -> memref<50000x128xf32, #tpu.memory_space<hbm>>
    tpu.wait_indirect_dma semaphore(%arg16 : memref<!tpu.dma_semaphore, #tpu.memory_space<semaphore_mem>>) src(%dma_wait3A_346 : memref<50000x128xf32, #tpu.memory_space<hbm>>) dst(%arg10 : memref<128x128xf32, #tpu.memory_space<vmem>>)
    %add3A_347 = arith.constant 2048 : i32
    %add3A_348 = arith.addi %mul3A_2, %add3A_347 : i32
    %dma_start3A_349 = arith.constant 0 : i32
    %dma_start3A_350 = tpu.memref_slice %arg4[%add3A_348, %dma_start3A_349] : memref<86016x128xf32, #tpu.memory_space<hbm>> -> memref<128x128xf32, #tpu.memory_space<hbm>>
    %dma_start3A_351 = arith.constant 0 : i32
    %dma_start3A_352 = tpu.memref_slice %arg4[%add3A_348, %dma_start3A_351] : memref<86016x128xf32, #tpu.memory_space<hbm>> -> memref<128x128xf32, #tpu.memory_space<hbm>>
    tpu.enqueue_dma source(%arg10 : memref<128x128xf32, #tpu.memory_space<vmem>>) target(%dma_start3A_352 : memref<128x128xf32, #tpu.memory_space<hbm>>) target_semaphore(%arg22 : memref<!tpu.dma_semaphore, #tpu.memory_space<semaphore_mem>>)
    %dma_wait3A_353 = arith.constant 2176 : i32
    %dma_wait3A_354 = tpu.memref_slice %arg5[%dma_wait3A_353] : memref<2688xi32, #tpu.memory_space<vmem>> -> memref<128xi32, #tpu.memory_space<vmem>>
    %dma_wait3A_355 = arith.constant 0 : i32
    %dma_wait3A_356 = arith.constant 0 : i32
    %dma_wait3A_357 = tpu.memref_slice %arg2[%dma_wait3A_355, %dma_wait3A_356] : memref<50000x128xf32, #tpu.memory_space<hbm>> -> memref<50000x128xf32, #tpu.memory_space<hbm>>
    tpu.wait_indirect_dma semaphore(%arg17 : memref<!tpu.dma_semaphore, #tpu.memory_space<semaphore_mem>>) src(%dma_wait3A_357 : memref<50000x128xf32, #tpu.memory_space<hbm>>) dst(%arg11 : memref<128x128xf32, #tpu.memory_space<vmem>>)
    %add3A_358 = arith.constant 2176 : i32
    %add3A_359 = arith.addi %mul3A_2, %add3A_358 : i32
    %dma_start3A_360 = arith.constant 0 : i32
    %dma_start3A_361 = tpu.memref_slice %arg4[%add3A_359, %dma_start3A_360] : memref<86016x128xf32, #tpu.memory_space<hbm>> -> memref<128x128xf32, #tpu.memory_space<hbm>>
    %dma_start3A_362 = arith.constant 0 : i32
    %dma_start3A_363 = tpu.memref_slice %arg4[%add3A_359, %dma_start3A_362] : memref<86016x128xf32, #tpu.memory_space<hbm>> -> memref<128x128xf32, #tpu.memory_space<hbm>>
    tpu.enqueue_dma source(%arg11 : memref<128x128xf32, #tpu.memory_space<vmem>>) target(%dma_start3A_363 : memref<128x128xf32, #tpu.memory_space<hbm>>) target_semaphore(%arg23 : memref<!tpu.dma_semaphore, #tpu.memory_space<semaphore_mem>>)
    %dma_wait3A_364 = arith.constant 2304 : i32
    %dma_wait3A_365 = tpu.memref_slice %arg5[%dma_wait3A_364] : memref<2688xi32, #tpu.memory_space<vmem>> -> memref<128xi32, #tpu.memory_space<vmem>>
    %dma_wait3A_366 = arith.constant 0 : i32
    %dma_wait3A_367 = arith.constant 0 : i32
    %dma_wait3A_368 = tpu.memref_slice %arg2[%dma_wait3A_366, %dma_wait3A_367] : memref<50000x128xf32, #tpu.memory_space<hbm>> -> memref<50000x128xf32, #tpu.memory_space<hbm>>
    tpu.wait_indirect_dma semaphore(%arg12 : memref<!tpu.dma_semaphore, #tpu.memory_space<semaphore_mem>>) src(%dma_wait3A_368 : memref<50000x128xf32, #tpu.memory_space<hbm>>) dst(%arg6 : memref<128x128xf32, #tpu.memory_space<vmem>>)
    %add3A_369 = arith.constant 2304 : i32
    %add3A_370 = arith.addi %mul3A_2, %add3A_369 : i32
    %dma_start3A_371 = arith.constant 0 : i32
    %dma_start3A_372 = tpu.memref_slice %arg4[%add3A_370, %dma_start3A_371] : memref<86016x128xf32, #tpu.memory_space<hbm>> -> memref<128x128xf32, #tpu.memory_space<hbm>>
    %dma_start3A_373 = arith.constant 0 : i32
    %dma_start3A_374 = tpu.memref_slice %arg4[%add3A_370, %dma_start3A_373] : memref<86016x128xf32, #tpu.memory_space<hbm>> -> memref<128x128xf32, #tpu.memory_space<hbm>>
    tpu.enqueue_dma source(%arg6 : memref<128x128xf32, #tpu.memory_space<vmem>>) target(%dma_start3A_374 : memref<128x128xf32, #tpu.memory_space<hbm>>) target_semaphore(%arg18 : memref<!tpu.dma_semaphore, #tpu.memory_space<semaphore_mem>>)
    %dma_wait3A_375 = arith.constant 2432 : i32
    %dma_wait3A_376 = tpu.memref_slice %arg5[%dma_wait3A_375] : memref<2688xi32, #tpu.memory_space<vmem>> -> memref<128xi32, #tpu.memory_space<vmem>>
    %dma_wait3A_377 = arith.constant 0 : i32
    %dma_wait3A_378 = arith.constant 0 : i32
    %dma_wait3A_379 = tpu.memref_slice %arg2[%dma_wait3A_377, %dma_wait3A_378] : memref<50000x128xf32, #tpu.memory_space<hbm>> -> memref<50000x128xf32, #tpu.memory_space<hbm>>
    tpu.wait_indirect_dma semaphore(%arg13 : memref<!tpu.dma_semaphore, #tpu.memory_space<semaphore_mem>>) src(%dma_wait3A_379 : memref<50000x128xf32, #tpu.memory_space<hbm>>) dst(%arg7 : memref<128x128xf32, #tpu.memory_space<vmem>>)
    %add3A_380 = arith.constant 2432 : i32
    %add3A_381 = arith.addi %mul3A_2, %add3A_380 : i32
    %dma_start3A_382 = arith.constant 0 : i32
    %dma_start3A_383 = tpu.memref_slice %arg4[%add3A_381, %dma_start3A_382] : memref<86016x128xf32, #tpu.memory_space<hbm>> -> memref<128x128xf32, #tpu.memory_space<hbm>>
    %dma_start3A_384 = arith.constant 0 : i32
    %dma_start3A_385 = tpu.memref_slice %arg4[%add3A_381, %dma_start3A_384] : memref<86016x128xf32, #tpu.memory_space<hbm>> -> memref<128x128xf32, #tpu.memory_space<hbm>>
    tpu.enqueue_dma source(%arg7 : memref<128x128xf32, #tpu.memory_space<vmem>>) target(%dma_start3A_385 : memref<128x128xf32, #tpu.memory_space<hbm>>) target_semaphore(%arg19 : memref<!tpu.dma_semaphore, #tpu.memory_space<semaphore_mem>>)
    %dma_wait3A_386 = arith.constant 2560 : i32
    %dma_wait3A_387 = tpu.memref_slice %arg5[%dma_wait3A_386] : memref<2688xi32, #tpu.memory_space<vmem>> -> memref<128xi32, #tpu.memory_space<vmem>>
    %dma_wait3A_388 = arith.constant 0 : i32
    %dma_wait3A_389 = arith.constant 0 : i32
    %dma_wait3A_390 = tpu.memref_slice %arg2[%dma_wait3A_388, %dma_wait3A_389] : memref<50000x128xf32, #tpu.memory_space<hbm>> -> memref<50000x128xf32, #tpu.memory_space<hbm>>
    tpu.wait_indirect_dma semaphore(%arg14 : memref<!tpu.dma_semaphore, #tpu.memory_space<semaphore_mem>>) src(%dma_wait3A_390 : memref<50000x128xf32, #tpu.memory_space<hbm>>) dst(%arg8 : memref<128x128xf32, #tpu.memory_space<vmem>>)
    %add3A_391 = arith.constant 2560 : i32
    %add3A_392 = arith.addi %mul3A_2, %add3A_391 : i32
    %dma_start3A_393 = arith.constant 0 : i32
    %dma_start3A_394 = tpu.memref_slice %arg4[%add3A_392, %dma_start3A_393] : memref<86016x128xf32, #tpu.memory_space<hbm>> -> memref<128x128xf32, #tpu.memory_space<hbm>>
    %dma_start3A_395 = arith.constant 0 : i32
    %dma_start3A_396 = tpu.memref_slice %arg4[%add3A_392, %dma_start3A_395] : memref<86016x128xf32, #tpu.memory_space<hbm>> -> memref<128x128xf32, #tpu.memory_space<hbm>>
    tpu.enqueue_dma source(%arg8 : memref<128x128xf32, #tpu.memory_space<vmem>>) target(%dma_start3A_396 : memref<128x128xf32, #tpu.memory_space<hbm>>) target_semaphore(%arg20 : memref<!tpu.dma_semaphore, #tpu.memory_space<semaphore_mem>>)
    %dma_wait3A_397 = arith.constant 0 : i32
    %dma_wait3A_398 = tpu.memref_slice %arg4[%add3A_370, %dma_wait3A_397] : memref<86016x128xf32, #tpu.memory_space<hbm>> -> memref<128x128xf32, #tpu.memory_space<hbm>>
    %dma_wait3A_399 = arith.constant 0 : i32
    %dma_wait3A_400 = tpu.memref_slice %arg4[%add3A_370, %dma_wait3A_399] : memref<86016x128xf32, #tpu.memory_space<hbm>> -> memref<128x128xf32, #tpu.memory_space<hbm>>
    tpu.wait_dma2 semaphore(%arg18 : memref<!tpu.dma_semaphore, #tpu.memory_space<semaphore_mem>>) src(%arg6 : memref<128x128xf32, #tpu.memory_space<vmem>>) dst(%dma_wait3A_400 : memref<128x128xf32, #tpu.memory_space<hbm>>)
    %dma_wait3A_401 = arith.constant 0 : i32
    %dma_wait3A_402 = tpu.memref_slice %arg4[%add3A_381, %dma_wait3A_401] : memref<86016x128xf32, #tpu.memory_space<hbm>> -> memref<128x128xf32, #tpu.memory_space<hbm>>
    %dma_wait3A_403 = arith.constant 0 : i32
    %dma_wait3A_404 = tpu.memref_slice %arg4[%add3A_381, %dma_wait3A_403] : memref<86016x128xf32, #tpu.memory_space<hbm>> -> memref<128x128xf32, #tpu.memory_space<hbm>>
    tpu.wait_dma2 semaphore(%arg19 : memref<!tpu.dma_semaphore, #tpu.memory_space<semaphore_mem>>) src(%arg7 : memref<128x128xf32, #tpu.memory_space<vmem>>) dst(%dma_wait3A_404 : memref<128x128xf32, #tpu.memory_space<hbm>>)
    %dma_wait3A_405 = arith.constant 0 : i32
    %dma_wait3A_406 = tpu.memref_slice %arg4[%add3A_392, %dma_wait3A_405] : memref<86016x128xf32, #tpu.memory_space<hbm>> -> memref<128x128xf32, #tpu.memory_space<hbm>>
    %dma_wait3A_407 = arith.constant 0 : i32
    %dma_wait3A_408 = tpu.memref_slice %arg4[%add3A_392, %dma_wait3A_407] : memref<86016x128xf32, #tpu.memory_space<hbm>> -> memref<128x128xf32, #tpu.memory_space<hbm>>
    tpu.wait_dma2 semaphore(%arg20 : memref<!tpu.dma_semaphore, #tpu.memory_space<semaphore_mem>>) src(%arg8 : memref<128x128xf32, #tpu.memory_space<vmem>>) dst(%dma_wait3A_408 : memref<128x128xf32, #tpu.memory_space<hbm>>)
    %dma_wait3A_409 = arith.constant 0 : i32
    %dma_wait3A_410 = tpu.memref_slice %arg4[%add3A_328, %dma_wait3A_409] : memref<86016x128xf32, #tpu.memory_space<hbm>> -> memref<128x128xf32, #tpu.memory_space<hbm>>
    %dma_wait3A_411 = arith.constant 0 : i32
    %dma_wait3A_412 = tpu.memref_slice %arg4[%add3A_328, %dma_wait3A_411] : memref<86016x128xf32, #tpu.memory_space<hbm>> -> memref<128x128xf32, #tpu.memory_space<hbm>>
    tpu.wait_dma2 semaphore(%arg21 : memref<!tpu.dma_semaphore, #tpu.memory_space<semaphore_mem>>) src(%arg9 : memref<128x128xf32, #tpu.memory_space<vmem>>) dst(%dma_wait3A_412 : memref<128x128xf32, #tpu.memory_space<hbm>>)
    %dma_wait3A_413 = arith.constant 0 : i32
    %dma_wait3A_414 = tpu.memref_slice %arg4[%add3A_348, %dma_wait3A_413] : memref<86016x128xf32, #tpu.memory_space<hbm>> -> memref<128x128xf32, #tpu.memory_space<hbm>>
    %dma_wait3A_415 = arith.constant 0 : i32
    %dma_wait3A_416 = tpu.memref_slice %arg4[%add3A_348, %dma_wait3A_415] : memref<86016x128xf32, #tpu.memory_space<hbm>> -> memref<128x128xf32, #tpu.memory_space<hbm>>
    tpu.wait_dma2 semaphore(%arg22 : memref<!tpu.dma_semaphore, #tpu.memory_space<semaphore_mem>>) src(%arg10 : memref<128x128xf32, #tpu.memory_space<vmem>>) dst(%dma_wait3A_416 : memref<128x128xf32, #tpu.memory_space<hbm>>)
    %dma_wait3A_417 = arith.constant 0 : i32
    %dma_wait3A_418 = tpu.memref_slice %arg4[%add3A_359, %dma_wait3A_417] : memref<86016x128xf32, #tpu.memory_space<hbm>> -> memref<128x128xf32, #tpu.memory_space<hbm>>
    %dma_wait3A_419 = arith.constant 0 : i32
    %dma_wait3A_420 = tpu.memref_slice %arg4[%add3A_359, %dma_wait3A_419] : memref<86016x128xf32, #tpu.memory_space<hbm>> -> memref<128x128xf32, #tpu.memory_space<hbm>>
    tpu.wait_dma2 semaphore(%arg23 : memref<!tpu.dma_semaphore, #tpu.memory_space<semaphore_mem>>) src(%arg11 : memref<128x128xf32, #tpu.memory_space<vmem>>) dst(%dma_wait3A_420 : memref<128x128xf32, #tpu.memory_space<hbm>>)
    return
  }
}

#map = affine_map<(d0, d1) -> (0, 0)>
#map1 = affine_map<(d0, d1) -> (0)>
module attributes {stable_mosaic.version = 14 : i64} {
  func.func @scatter_k(%arg0: i32, %arg1: i32, %arg2: memref<86016x128xf32, #tpu.memory_space<hbm>>, %arg3: memref<86016xi32, #tpu.memory_space<hbm>>, %arg4: memref<51200x128xf32, #tpu.memory_space<hbm>>, %arg5: memref<4x32xi32, #tpu.memory_space<vmem>>, %arg6: memref<4x32xi32, #tpu.memory_space<vmem>>, %arg7: memref<12808x128xf32, #tpu.memory_space<vmem_shared>>, %arg8: memref<32x128xf32, #tpu.memory_space<vmem>>, %arg9: memref<32x128xf32, #tpu.memory_space<vmem>>, %arg10: memref<32x128xf32, #tpu.memory_space<vmem>>, %arg11: memref<32x128xf32, #tpu.memory_space<vmem>>, %arg12: memref<!tpu.dma_semaphore, #tpu.memory_space<semaphore_mem>>, %arg13: memref<!tpu.dma_semaphore, #tpu.memory_space<semaphore_mem>>, %arg14: memref<!tpu.dma_semaphore, #tpu.memory_space<semaphore_mem>>, %arg15: memref<!tpu.dma_semaphore, #tpu.memory_space<semaphore_mem>>, %arg16: memref<!tpu.dma_semaphore, #tpu.memory_space<semaphore_mem>>, %arg17: memref<!tpu.dma_semaphore, #tpu.memory_space<semaphore_mem>>, %arg18: memref<!tpu.dma_semaphore, #tpu.memory_space<semaphore_mem>>, %arg19: memref<!tpu.dma_semaphore, #tpu.memory_space<semaphore_mem>>, %arg20: memref<!tpu.dma_semaphore, #tpu.memory_space<semaphore_mem>>, %arg21: memref<!tpu.dma_semaphore, #tpu.memory_space<semaphore_mem>>, %arg22: memref<!tpu.dma_semaphore, #tpu.memory_space<semaphore_mem>>, %arg23: memref<!tpu.dma_semaphore, #tpu.memory_space<semaphore_mem>>) attributes {dimension_semantics = [#tpu.dimension_semantics<core_parallel>, #tpu.dimension_semantics<subcore_parallel>], iteration_bounds = array<i64: 2, 16>, scalar_prefetch = 0 : i64, scratch_operands = 19 : i64, tpu.core_type = #tpu.core_type<sc_vector_subcore>, window_params = [{transform_indices = #map}, {transform_indices = #map1}, {transform_indices = #map}]} {
    %mul3A = arith.constant 2176 : i32
    %mul3A_0 = arith.muli %arg1, %mul3A : i32
    %add3A = arith.constant 51200 : i32
    %add3A_1 = arith.addi %add3A, %mul3A_0 : i32
    %mul3A_2 = arith.constant 2 : i32
    %mul3A_3 = arith.muli %arg0, %mul3A_2 : i32
    %add3A_4 = arith.constant 0 : i32
    %add3A_5 = arith.addi %mul3A_3, %add3A_4 : i32
    %mul3A_6 = arith.constant 12800 : i32
    %mul3A_7 = arith.muli %add3A_5, %mul3A_6 : i32
    %add3A_8 = arith.constant 0 : i32
    %add3A_9 = arith.addi %add3A_8, %arg1 : i32
    %lt3A = arith.constant 25 : i32
    %lt3A_10 = arith.cmpi slt, %add3A_9, %lt3A : i32
    %convert_element_type3A = arith.extui %lt3A_10 : i1 to i32
    %cond3A = arith.constant 0 : i32
    %cond3A_11 = arith.cmpi ne, %convert_element_type3A, %cond3A : i32
    scf.if %cond3A_11 {
      %mul3A_179 = arith.constant 512 : i32
      %mul3A_180 = arith.muli %add3A_9, %mul3A_179 : i32
      %add3A_181 = arith.addi %mul3A_7, %mul3A_180 : i32
      %mul3A_182 = arith.constant 512 : i32
      %mul3A_183 = arith.muli %add3A_9, %mul3A_182 : i32
      "tpu.region"() ({
        %run_scoped3A = tpu.sem_alloc : memref<!tpu.dma_semaphore, #tpu.memory_space<semaphore_mem>>
        %dma_start3A_184 = arith.constant 0 : i32
        %dma_start3A_185 = tpu.memref_slice %arg7[%mul3A_183, %dma_start3A_184] : memref<12808x128xf32, #tpu.memory_space<vmem_shared>> -> memref<512x128xf32, #tpu.memory_space<vmem_shared>>
        %dma_start3A_186 = arith.constant 0 : i32
        %dma_start3A_187 = tpu.memref_slice %arg2[%add3A_181, %dma_start3A_186] : memref<86016x128xf32, #tpu.memory_space<hbm>> -> memref<512x128xf32, #tpu.memory_space<hbm>>
        tpu.enqueue_dma source(%dma_start3A_187 : memref<512x128xf32, #tpu.memory_space<hbm>>) target(%dma_start3A_185 : memref<512x128xf32, #tpu.memory_space<vmem_shared>>) target_semaphore(%run_scoped3A : memref<!tpu.dma_semaphore, #tpu.memory_space<semaphore_mem>>)
        %dma_wait3A_188 = arith.constant 0 : i32
        %dma_wait3A_189 = tpu.memref_slice %arg7[%mul3A_183, %dma_wait3A_188] : memref<12808x128xf32, #tpu.memory_space<vmem_shared>> -> memref<512x128xf32, #tpu.memory_space<vmem_shared>>
        %dma_wait3A_190 = arith.constant 0 : i32
        %dma_wait3A_191 = tpu.memref_slice %arg2[%add3A_181, %dma_wait3A_190] : memref<86016x128xf32, #tpu.memory_space<hbm>> -> memref<512x128xf32, #tpu.memory_space<hbm>>
        tpu.wait_dma2 semaphore(%run_scoped3A : memref<!tpu.dma_semaphore, #tpu.memory_space<semaphore_mem>>) src(%dma_wait3A_191 : memref<512x128xf32, #tpu.memory_space<hbm>>) dst(%dma_wait3A_189 : memref<512x128xf32, #tpu.memory_space<vmem_shared>>)
        tpu.yield
      }) : () -> ()
    } else {
    }
    %add3A_12 = arith.constant 16 : i32
    %add3A_13 = arith.addi %add3A_12, %arg1 : i32
    %lt3A_14 = arith.constant 25 : i32
    %lt3A_15 = arith.cmpi slt, %add3A_13, %lt3A_14 : i32
    %convert_element_type3A_16 = arith.extui %lt3A_15 : i1 to i32
    %cond3A_17 = arith.constant 0 : i32
    %cond3A_18 = arith.cmpi ne, %convert_element_type3A_16, %cond3A_17 : i32
    scf.if %cond3A_18 {
      %mul3A_179 = arith.constant 512 : i32
      %mul3A_180 = arith.muli %add3A_13, %mul3A_179 : i32
      %add3A_181 = arith.addi %mul3A_7, %mul3A_180 : i32
      %mul3A_182 = arith.constant 512 : i32
      %mul3A_183 = arith.muli %add3A_13, %mul3A_182 : i32
      "tpu.region"() ({
        %run_scoped3A = tpu.sem_alloc : memref<!tpu.dma_semaphore, #tpu.memory_space<semaphore_mem>>
        %dma_start3A_184 = arith.constant 0 : i32
        %dma_start3A_185 = tpu.memref_slice %arg7[%mul3A_183, %dma_start3A_184] : memref<12808x128xf32, #tpu.memory_space<vmem_shared>> -> memref<512x128xf32, #tpu.memory_space<vmem_shared>>
        %dma_start3A_186 = arith.constant 0 : i32
        %dma_start3A_187 = tpu.memref_slice %arg2[%add3A_181, %dma_start3A_186] : memref<86016x128xf32, #tpu.memory_space<hbm>> -> memref<512x128xf32, #tpu.memory_space<hbm>>
        tpu.enqueue_dma source(%dma_start3A_187 : memref<512x128xf32, #tpu.memory_space<hbm>>) target(%dma_start3A_185 : memref<512x128xf32, #tpu.memory_space<vmem_shared>>) target_semaphore(%run_scoped3A : memref<!tpu.dma_semaphore, #tpu.memory_space<semaphore_mem>>)
        %dma_wait3A_188 = arith.constant 0 : i32
        %dma_wait3A_189 = tpu.memref_slice %arg7[%mul3A_183, %dma_wait3A_188] : memref<12808x128xf32, #tpu.memory_space<vmem_shared>> -> memref<512x128xf32, #tpu.memory_space<vmem_shared>>
        %dma_wait3A_190 = arith.constant 0 : i32
        %dma_wait3A_191 = tpu.memref_slice %arg2[%add3A_181, %dma_wait3A_190] : memref<86016x128xf32, #tpu.memory_space<hbm>> -> memref<512x128xf32, #tpu.memory_space<hbm>>
        tpu.wait_dma2 semaphore(%run_scoped3A : memref<!tpu.dma_semaphore, #tpu.memory_space<semaphore_mem>>) src(%dma_wait3A_191 : memref<512x128xf32, #tpu.memory_space<hbm>>) dst(%dma_wait3A_189 : memref<512x128xf32, #tpu.memory_space<vmem_shared>>)
        tpu.yield
      }) : () -> ()
    } else {
    }
    %barrier3A = arith.constant 0 : index
    tpu.barrier barrier_id(%barrier3A)
    %add3A_19 = arith.constant 0 : i32
    %add3A_20 = arith.addi %add3A_1, %add3A_19 : i32
    %dma_start3A = arith.constant 0 : i32
    %dma_start3A_21 = arith.constant 0 : i32
    %dma_start3A_22 = tpu.memref_slice %arg5[%dma_start3A, %dma_start3A_21] : memref<4x32xi32, #tpu.memory_space<vmem>> -> memref<1x32xi32, #tpu.memory_space<vmem>>
    %dma_start3A_23 = tpu.memref_squeeze %dma_start3A_22 : memref<1x32xi32, #tpu.memory_space<vmem>> -> memref<32xi32, #tpu.memory_space<vmem>>
    %dma_start3A_24 = tpu.memref_slice %arg3[%add3A_20] : memref<86016xi32, #tpu.memory_space<hbm>> -> memref<32xi32, #tpu.memory_space<hbm>>
    %dma_start3A_25 = arith.constant 0 : i32
    %dma_start3A_26 = tpu.memref_slice %arg5[%dma_start3A, %dma_start3A_25] : memref<4x32xi32, #tpu.memory_space<vmem>> -> memref<1x32xi32, #tpu.memory_space<vmem>>
    %dma_start3A_27 = tpu.memref_squeeze %dma_start3A_26 : memref<1x32xi32, #tpu.memory_space<vmem>> -> memref<32xi32, #tpu.memory_space<vmem>>
    %dma_start3A_28 = tpu.memref_slice %arg3[%add3A_20] : memref<86016xi32, #tpu.memory_space<hbm>> -> memref<32xi32, #tpu.memory_space<hbm>>
    tpu.enqueue_dma source(%dma_start3A_28 : memref<32xi32, #tpu.memory_space<hbm>>) target(%dma_start3A_27 : memref<32xi32, #tpu.memory_space<vmem>>) target_semaphore(%arg16 : memref<!tpu.dma_semaphore, #tpu.memory_space<semaphore_mem>>)
    %add3A_29 = arith.constant 0 : i32
    %add3A_30 = arith.addi %add3A_1, %add3A_29 : i32
    %dma_start3A_31 = arith.constant 0 : i32
    %dma_start3A_32 = tpu.memref_slice %arg2[%add3A_30, %dma_start3A_31] : memref<86016x128xf32, #tpu.memory_space<hbm>> -> memref<32x128xf32, #tpu.memory_space<hbm>>
    %dma_start3A_33 = arith.constant 0 : i32
    %dma_start3A_34 = tpu.memref_slice %arg2[%add3A_30, %dma_start3A_33] : memref<86016x128xf32, #tpu.memory_space<hbm>> -> memref<32x128xf32, #tpu.memory_space<hbm>>
    tpu.enqueue_dma source(%dma_start3A_34 : memref<32x128xf32, #tpu.memory_space<hbm>>) target(%arg8 : memref<32x128xf32, #tpu.memory_space<vmem>>) target_semaphore(%arg12 : memref<!tpu.dma_semaphore, #tpu.memory_space<semaphore_mem>>)
    %add3A_35 = arith.constant 32 : i32
    %add3A_36 = arith.addi %add3A_1, %add3A_35 : i32
    %dma_start3A_37 = arith.constant 1 : i32
    %dma_start3A_38 = arith.constant 0 : i32
    %dma_start3A_39 = tpu.memref_slice %arg5[%dma_start3A_37, %dma_start3A_38] : memref<4x32xi32, #tpu.memory_space<vmem>> -> memref<1x32xi32, #tpu.memory_space<vmem>>
    %dma_start3A_40 = tpu.memref_squeeze %dma_start3A_39 : memref<1x32xi32, #tpu.memory_space<vmem>> -> memref<32xi32, #tpu.memory_space<vmem>>
    %dma_start3A_41 = tpu.memref_slice %arg3[%add3A_36] : memref<86016xi32, #tpu.memory_space<hbm>> -> memref<32xi32, #tpu.memory_space<hbm>>
    %dma_start3A_42 = arith.constant 0 : i32
    %dma_start3A_43 = tpu.memref_slice %arg5[%dma_start3A_37, %dma_start3A_42] : memref<4x32xi32, #tpu.memory_space<vmem>> -> memref<1x32xi32, #tpu.memory_space<vmem>>
    %dma_start3A_44 = tpu.memref_squeeze %dma_start3A_43 : memref<1x32xi32, #tpu.memory_space<vmem>> -> memref<32xi32, #tpu.memory_space<vmem>>
    %dma_start3A_45 = tpu.memref_slice %arg3[%add3A_36] : memref<86016xi32, #tpu.memory_space<hbm>> -> memref<32xi32, #tpu.memory_space<hbm>>
    tpu.enqueue_dma source(%dma_start3A_45 : memref<32xi32, #tpu.memory_space<hbm>>) target(%dma_start3A_44 : memref<32xi32, #tpu.memory_space<vmem>>) target_semaphore(%arg17 : memref<!tpu.dma_semaphore, #tpu.memory_space<semaphore_mem>>)
    %add3A_46 = arith.constant 32 : i32
    %add3A_47 = arith.addi %add3A_1, %add3A_46 : i32
    %dma_start3A_48 = arith.constant 0 : i32
    %dma_start3A_49 = tpu.memref_slice %arg2[%add3A_47, %dma_start3A_48] : memref<86016x128xf32, #tpu.memory_space<hbm>> -> memref<32x128xf32, #tpu.memory_space<hbm>>
    %dma_start3A_50 = arith.constant 0 : i32
    %dma_start3A_51 = tpu.memref_slice %arg2[%add3A_47, %dma_start3A_50] : memref<86016x128xf32, #tpu.memory_space<hbm>> -> memref<32x128xf32, #tpu.memory_space<hbm>>
    tpu.enqueue_dma source(%dma_start3A_51 : memref<32x128xf32, #tpu.memory_space<hbm>>) target(%arg9 : memref<32x128xf32, #tpu.memory_space<vmem>>) target_semaphore(%arg13 : memref<!tpu.dma_semaphore, #tpu.memory_space<semaphore_mem>>)
    %scan3A = arith.constant 0 : i32
    %scan3A_52 = arith.constant 0 : i32
    %scan3A_53 = arith.constant 17 : i32
    %scan3A_54 = arith.addi %scan3A_52, %scan3A_53 : i32
    %scan3A_55 = arith.constant 1 : i32
    %scan3A_56 = scf.for %scan3A_179 = %scan3A_52 to %scan3A_54 step %scan3A_55 iter_args(%scan3A_180 = %scan3A) -> (i32)  : i32 {
      %mul3A_181 = arith.constant 4 : i32
      %mul3A_182 = arith.muli %scan3A_179, %mul3A_181 : i32
      %add3A_183 = arith.constant 0 : i32
      %add3A_184 = arith.addi %mul3A_182, %add3A_183 : i32
      %dma_wait3A_185 = arith.constant 0 : i32
      %dma_wait3A_186 = arith.constant 0 : i32
      %dma_wait3A_187 = tpu.memref_slice %arg5[%dma_wait3A_185, %dma_wait3A_186] : memref<4x32xi32, #tpu.memory_space<vmem>> -> memref<1x32xi32, #tpu.memory_space<vmem>>
      %dma_wait3A_188 = tpu.memref_squeeze %dma_wait3A_187 : memref<1x32xi32, #tpu.memory_space<vmem>> -> memref<32xi32, #tpu.memory_space<vmem>>
      %dma_wait3A_189 = arith.constant 0 : i32
      %dma_wait3A_190 = tpu.memref_slice %arg3[%dma_wait3A_189] : memref<86016xi32, #tpu.memory_space<hbm>> -> memref<32xi32, #tpu.memory_space<hbm>>
      %dma_wait3A_191 = arith.constant 0 : i32
      %dma_wait3A_192 = tpu.memref_slice %arg5[%dma_wait3A_185, %dma_wait3A_191] : memref<4x32xi32, #tpu.memory_space<vmem>> -> memref<1x32xi32, #tpu.memory_space<vmem>>
      %dma_wait3A_193 = tpu.memref_squeeze %dma_wait3A_192 : memref<1x32xi32, #tpu.memory_space<vmem>> -> memref<32xi32, #tpu.memory_space<vmem>>
      %dma_wait3A_194 = arith.constant 0 : i32
      %dma_wait3A_195 = tpu.memref_slice %arg3[%dma_wait3A_194] : memref<86016xi32, #tpu.memory_space<hbm>> -> memref<32xi32, #tpu.memory_space<hbm>>
      tpu.wait_dma2 semaphore(%arg16 : memref<!tpu.dma_semaphore, #tpu.memory_space<semaphore_mem>>) src(%dma_wait3A_195 : memref<32xi32, #tpu.memory_space<hbm>>) dst(%dma_wait3A_193 : memref<32xi32, #tpu.memory_space<vmem>>)
      %get3A = arith.constant 0 : i32
      %get3A_196 = arith.index_cast %get3A : i32 to index
      %get3A_197 = arith.constant 0 : index
      %get3A_198 = tpu.vector_load %arg5[%get3A_196, %get3A_197] {strides = array<i32>} : memref<4x32xi32, #tpu.memory_space<vmem>>, vector<1x16xi32>,
      %get3A_199 = vector.shape_cast %get3A_198 : vector<1x16xi32> to vector<16xi32>
      %sub3A = vector.broadcast %mul3A_7 : i32 to vector<16xi32>
      %sub3A_200 = arith.subi %get3A_199, %sub3A : vector<16xi32>
      %ge3A = arith.constant 0 : i32
      %ge3A_201 = vector.broadcast %ge3A : i32 to vector<16xi32>
      %ge3A_202 = arith.cmpi sge, %sub3A_200, %ge3A_201 : vector<16xi32>
      %lt3A_203 = arith.constant 12800 : i32
      %lt3A_204 = vector.broadcast %lt3A_203 : i32 to vector<16xi32>
      %lt3A_205 = arith.cmpi slt, %sub3A_200, %lt3A_204 : vector<16xi32>
      %and3A = arith.andi %ge3A_202, %lt3A_205 : vector<16xi1>
      %jit3A = arith.constant 12800 : i32
      %broadcast_in_dim3A = vector.broadcast %jit3A : i32 to vector<16xi32>
      %select_n3A = arith.select %and3A, %sub3A_200, %broadcast_in_dim3A : vector<16xi1>, vector<16xi32>
      %swap3A = arith.constant 0 : i32
      %swap3A_206 = arith.index_cast %swap3A : i32 to index
      %swap3A_207 = arith.constant 0 : index
      %swap3A_208 = tpu.vector_load %arg6[%swap3A_206, %swap3A_207] {strides = array<i32>} : memref<4x32xi32, #tpu.memory_space<vmem>>, vector<1x16xi32>,
      %swap3A_209 = vector.shape_cast %swap3A_208 : vector<1x16xi32> to vector<16xi32>
      %swap3A_210 = vector.shape_cast %select_n3A : vector<16xi32> to vector<1x16xi32>
      tpu.vector_store %arg6[%swap3A_206, %swap3A_207], %swap3A_210 {strides = array<i32>} : memref<4x32xi32, #tpu.memory_space<vmem>>, vector<1x16xi32>,
      %get3A_211 = arith.constant 0 : i32
      %get3A_212 = arith.index_cast %get3A_211 : i32 to index
      %get3A_213 = arith.constant 16 : index
      %get3A_214 = tpu.vector_load %arg5[%get3A_212, %get3A_213] {strides = array<i32>} : memref<4x32xi32, #tpu.memory_space<vmem>>, vector<1x16xi32>,
      %get3A_215 = vector.shape_cast %get3A_214 : vector<1x16xi32> to vector<16xi32>
      %sub3A_216 = vector.broadcast %mul3A_7 : i32 to vector<16xi32>
      %sub3A_217 = arith.subi %get3A_215, %sub3A_216 : vector<16xi32>
      %ge3A_218 = arith.constant 0 : i32
      %ge3A_219 = vector.broadcast %ge3A_218 : i32 to vector<16xi32>
      %ge3A_220 = arith.cmpi sge, %sub3A_217, %ge3A_219 : vector<16xi32>
      %lt3A_221 = arith.constant 12800 : i32
      %lt3A_222 = vector.broadcast %lt3A_221 : i32 to vector<16xi32>
      %lt3A_223 = arith.cmpi slt, %sub3A_217, %lt3A_222 : vector<16xi32>
      %and3A_224 = arith.andi %ge3A_220, %lt3A_223 : vector<16xi1>
      %jit3A_225 = arith.constant 12800 : i32
      %broadcast_in_dim3A_226 = vector.broadcast %jit3A_225 : i32 to vector<16xi32>
      %select_n3A_227 = arith.select %and3A_224, %sub3A_217, %broadcast_in_dim3A_226 : vector<16xi1>, vector<16xi32>
      %swap3A_228 = arith.constant 0 : i32
      %swap3A_229 = arith.index_cast %swap3A_228 : i32 to index
      %swap3A_230 = arith.constant 16 : index
      %swap3A_231 = tpu.vector_load %arg6[%swap3A_229, %swap3A_230] {strides = array<i32>} : memref<4x32xi32, #tpu.memory_space<vmem>>, vector<1x16xi32>,
      %swap3A_232 = vector.shape_cast %swap3A_231 : vector<1x16xi32> to vector<16xi32>
      %swap3A_233 = vector.shape_cast %select_n3A_227 : vector<16xi32> to vector<1x16xi32>
      tpu.vector_store %arg6[%swap3A_229, %swap3A_230], %swap3A_233 {strides = array<i32>} : memref<4x32xi32, #tpu.memory_space<vmem>>, vector<1x16xi32>,
      %dma_wait3A_234 = arith.constant 0 : i32
      %dma_wait3A_235 = arith.constant 0 : i32
      %dma_wait3A_236 = tpu.memref_slice %arg2[%dma_wait3A_234, %dma_wait3A_235] : memref<86016x128xf32, #tpu.memory_space<hbm>> -> memref<32x128xf32, #tpu.memory_space<hbm>>
      %dma_wait3A_237 = arith.constant 0 : i32
      %dma_wait3A_238 = arith.constant 0 : i32
      %dma_wait3A_239 = tpu.memref_slice %arg2[%dma_wait3A_237, %dma_wait3A_238] : memref<86016x128xf32, #tpu.memory_space<hbm>> -> memref<32x128xf32, #tpu.memory_space<hbm>>
      tpu.wait_dma2 semaphore(%arg12 : memref<!tpu.dma_semaphore, #tpu.memory_space<semaphore_mem>>) src(%dma_wait3A_239 : memref<32x128xf32, #tpu.memory_space<hbm>>) dst(%arg8 : memref<32x128xf32, #tpu.memory_space<vmem>>)
      %dma_start3A_240 = arith.constant 0 : i32
      %dma_start3A_241 = arith.constant 0 : i32
      %dma_start3A_242 = tpu.memref_slice %arg6[%dma_start3A_240, %dma_start3A_241] : memref<4x32xi32, #tpu.memory_space<vmem>> -> memref<1x32xi32, #tpu.memory_space<vmem>>
      %dma_start3A_243 = tpu.memref_squeeze %dma_start3A_242 : memref<1x32xi32, #tpu.memory_space<vmem>> -> memref<32xi32, #tpu.memory_space<vmem>>
      %dma_start3A_244 = arith.constant 0 : i32
      %dma_start3A_245 = arith.constant 0 : i32
      %dma_start3A_246 = tpu.memref_slice %arg7[%dma_start3A_244, %dma_start3A_245] : memref<12808x128xf32, #tpu.memory_space<vmem_shared>> -> memref<12808x128xf32, #tpu.memory_space<vmem_shared>>
      tpu.enqueue_indirect_dma source(%arg8 : memref<32x128xf32, #tpu.memory_space<vmem>>) target(%dma_start3A_246 : memref<12808x128xf32, #tpu.memory_space<vmem_shared>>) offsets(%dma_start3A_243 : memref<32xi32, #tpu.memory_space<vmem>>) semaphore(%arg20 : memref<!tpu.dma_semaphore, #tpu.memory_space<semaphore_mem>>) {add = true}
      %gt3A = arith.constant 0 : i32
      %gt3A_247 = arith.cmpi sgt, %scan3A_179, %gt3A : i32
      %convert_element_type3A_248 = arith.extui %gt3A_247 : i1 to i32
      %cond3A_249 = arith.constant 0 : i32
      %cond3A_250 = arith.cmpi ne, %convert_element_type3A_248, %cond3A_249 : i32
      scf.if %cond3A_250 {
        %dma_wait3A_521 = arith.constant 2 : i32
        %dma_wait3A_522 = arith.constant 0 : i32
        %dma_wait3A_523 = tpu.memref_slice %arg6[%dma_wait3A_521, %dma_wait3A_522] : memref<4x32xi32, #tpu.memory_space<vmem>> -> memref<1x32xi32, #tpu.memory_space<vmem>>
        %dma_wait3A_524 = tpu.memref_squeeze %dma_wait3A_523 : memref<1x32xi32, #tpu.memory_space<vmem>> -> memref<32xi32, #tpu.memory_space<vmem>>
        %dma_wait3A_525 = arith.constant 0 : i32
        %dma_wait3A_526 = arith.constant 0 : i32
        %dma_wait3A_527 = tpu.memref_slice %arg7[%dma_wait3A_525, %dma_wait3A_526] : memref<12808x128xf32, #tpu.memory_space<vmem_shared>> -> memref<12808x128xf32, #tpu.memory_space<vmem_shared>>
        tpu.wait_indirect_dma semaphore(%arg22 : memref<!tpu.dma_semaphore, #tpu.memory_space<semaphore_mem>>) src(%arg10 : memref<32x128xf32, #tpu.memory_space<vmem>>) dst(%dma_wait3A_527 : memref<12808x128xf32, #tpu.memory_space<vmem_shared>>)
      } else {
      }
      %add3A_251 = arith.constant 2 : i32
      %add3A_252 = arith.addi %add3A_184, %add3A_251 : i32
      %lt3A_253 = arith.constant 68 : i32
      %lt3A_254 = arith.cmpi slt, %add3A_252, %lt3A_253 : i32
      %convert_element_type3A_255 = arith.extui %lt3A_254 : i1 to i32
      %cond3A_256 = arith.constant 0 : i32
      %cond3A_257 = arith.cmpi ne, %convert_element_type3A_255, %cond3A_256 : i32
      scf.if %cond3A_257 {
        %add3A_521 = arith.constant 2 : i32
        %add3A_522 = arith.addi %add3A_184, %add3A_521 : i32
        %mul3A_523 = arith.constant 32 : i32
        %mul3A_524 = arith.muli %add3A_522, %mul3A_523 : i32
        %add3A_525 = arith.addi %add3A_1, %mul3A_524 : i32
        %dma_start3A_526 = arith.constant 2 : i32
        %dma_start3A_527 = arith.constant 0 : i32
        %dma_start3A_528 = tpu.memref_slice %arg5[%dma_start3A_526, %dma_start3A_527] : memref<4x32xi32, #tpu.memory_space<vmem>> -> memref<1x32xi32, #tpu.memory_space<vmem>>
        %dma_start3A_529 = tpu.memref_squeeze %dma_start3A_528 : memref<1x32xi32, #tpu.memory_space<vmem>> -> memref<32xi32, #tpu.memory_space<vmem>>
        %dma_start3A_530 = tpu.memref_slice %arg3[%add3A_525] : memref<86016xi32, #tpu.memory_space<hbm>> -> memref<32xi32, #tpu.memory_space<hbm>>
        %dma_start3A_531 = arith.constant 0 : i32
        %dma_start3A_532 = tpu.memref_slice %arg5[%dma_start3A_526, %dma_start3A_531] : memref<4x32xi32, #tpu.memory_space<vmem>> -> memref<1x32xi32, #tpu.memory_space<vmem>>
        %dma_start3A_533 = tpu.memref_squeeze %dma_start3A_532 : memref<1x32xi32, #tpu.memory_space<vmem>> -> memref<32xi32, #tpu.memory_space<vmem>>
        %dma_start3A_534 = tpu.memref_slice %arg3[%add3A_525] : memref<86016xi32, #tpu.memory_space<hbm>> -> memref<32xi32, #tpu.memory_space<hbm>>
        tpu.enqueue_dma source(%dma_start3A_534 : memref<32xi32, #tpu.memory_space<hbm>>) target(%dma_start3A_533 : memref<32xi32, #tpu.memory_space<vmem>>) target_semaphore(%arg18 : memref<!tpu.dma_semaphore, #tpu.memory_space<semaphore_mem>>)
        %mul3A_535 = arith.constant 32 : i32
        %mul3A_536 = arith.muli %add3A_522, %mul3A_535 : i32
        %add3A_537 = arith.addi %add3A_1, %mul3A_536 : i32
        %dma_start3A_538 = arith.constant 0 : i32
        %dma_start3A_539 = tpu.memref_slice %arg2[%add3A_537, %dma_start3A_538] : memref<86016x128xf32, #tpu.memory_space<hbm>> -> memref<32x128xf32, #tpu.memory_space<hbm>>
        %dma_start3A_540 = arith.constant 0 : i32
        %dma_start3A_541 = tpu.memref_slice %arg2[%add3A_537, %dma_start3A_540] : memref<86016x128xf32, #tpu.memory_space<hbm>> -> memref<32x128xf32, #tpu.memory_space<hbm>>
        tpu.enqueue_dma source(%dma_start3A_541 : memref<32x128xf32, #tpu.memory_space<hbm>>) target(%arg10 : memref<32x128xf32, #tpu.memory_space<vmem>>) target_semaphore(%arg14 : memref<!tpu.dma_semaphore, #tpu.memory_space<semaphore_mem>>)
      } else {
      }
      %mul3A_258 = arith.constant 4 : i32
      %mul3A_259 = arith.muli %scan3A_179, %mul3A_258 : i32
      %add3A_260 = arith.constant 1 : i32
      %add3A_261 = arith.addi %mul3A_259, %add3A_260 : i32
      %dma_wait3A_262 = arith.constant 1 : i32
      %dma_wait3A_263 = arith.constant 0 : i32
      %dma_wait3A_264 = tpu.memref_slice %arg5[%dma_wait3A_262, %dma_wait3A_263] : memref<4x32xi32, #tpu.memory_space<vmem>> -> memref<1x32xi32, #tpu.memory_space<vmem>>
      %dma_wait3A_265 = tpu.memref_squeeze %dma_wait3A_264 : memref<1x32xi32, #tpu.memory_space<vmem>> -> memref<32xi32, #tpu.memory_space<vmem>>
      %dma_wait3A_266 = arith.constant 0 : i32
      %dma_wait3A_267 = tpu.memref_slice %arg3[%dma_wait3A_266] : memref<86016xi32, #tpu.memory_space<hbm>> -> memref<32xi32, #tpu.memory_space<hbm>>
      %dma_wait3A_268 = arith.constant 0 : i32
      %dma_wait3A_269 = tpu.memref_slice %arg5[%dma_wait3A_262, %dma_wait3A_268] : memref<4x32xi32, #tpu.memory_space<vmem>> -> memref<1x32xi32, #tpu.memory_space<vmem>>
      %dma_wait3A_270 = tpu.memref_squeeze %dma_wait3A_269 : memref<1x32xi32, #tpu.memory_space<vmem>> -> memref<32xi32, #tpu.memory_space<vmem>>
      %dma_wait3A_271 = arith.constant 0 : i32
      %dma_wait3A_272 = tpu.memref_slice %arg3[%dma_wait3A_271] : memref<86016xi32, #tpu.memory_space<hbm>> -> memref<32xi32, #tpu.memory_space<hbm>>
      tpu.wait_dma2 semaphore(%arg17 : memref<!tpu.dma_semaphore, #tpu.memory_space<semaphore_mem>>) src(%dma_wait3A_272 : memref<32xi32, #tpu.memory_space<hbm>>) dst(%dma_wait3A_270 : memref<32xi32, #tpu.memory_space<vmem>>)
      %get3A_273 = arith.constant 1 : i32
      %get3A_274 = arith.index_cast %get3A_273 : i32 to index
      %get3A_275 = arith.constant 0 : index
      %get3A_276 = tpu.vector_load %arg5[%get3A_274, %get3A_275] {strides = array<i32>} : memref<4x32xi32, #tpu.memory_space<vmem>>, vector<1x16xi32>,
      %get3A_277 = vector.shape_cast %get3A_276 : vector<1x16xi32> to vector<16xi32>
      %sub3A_278 = vector.broadcast %mul3A_7 : i32 to vector<16xi32>
      %sub3A_279 = arith.subi %get3A_277, %sub3A_278 : vector<16xi32>
      %ge3A_280 = arith.constant 0 : i32
      %ge3A_281 = vector.broadcast %ge3A_280 : i32 to vector<16xi32>
      %ge3A_282 = arith.cmpi sge, %sub3A_279, %ge3A_281 : vector<16xi32>
      %lt3A_283 = arith.constant 12800 : i32
      %lt3A_284 = vector.broadcast %lt3A_283 : i32 to vector<16xi32>
      %lt3A_285 = arith.cmpi slt, %sub3A_279, %lt3A_284 : vector<16xi32>
      %and3A_286 = arith.andi %ge3A_282, %lt3A_285 : vector<16xi1>
      %jit3A_287 = arith.constant 12800 : i32
      %broadcast_in_dim3A_288 = vector.broadcast %jit3A_287 : i32 to vector<16xi32>
      %select_n3A_289 = arith.select %and3A_286, %sub3A_279, %broadcast_in_dim3A_288 : vector<16xi1>, vector<16xi32>
      %swap3A_290 = arith.constant 1 : i32
      %swap3A_291 = arith.index_cast %swap3A_290 : i32 to index
      %swap3A_292 = arith.constant 0 : index
      %swap3A_293 = tpu.vector_load %arg6[%swap3A_291, %swap3A_292] {strides = array<i32>} : memref<4x32xi32, #tpu.memory_space<vmem>>, vector<1x16xi32>,
      %swap3A_294 = vector.shape_cast %swap3A_293 : vector<1x16xi32> to vector<16xi32>
      %swap3A_295 = vector.shape_cast %select_n3A_289 : vector<16xi32> to vector<1x16xi32>
      tpu.vector_store %arg6[%swap3A_291, %swap3A_292], %swap3A_295 {strides = array<i32>} : memref<4x32xi32, #tpu.memory_space<vmem>>, vector<1x16xi32>,
      %get3A_296 = arith.constant 1 : i32
      %get3A_297 = arith.index_cast %get3A_296 : i32 to index
      %get3A_298 = arith.constant 16 : index
      %get3A_299 = tpu.vector_load %arg5[%get3A_297, %get3A_298] {strides = array<i32>} : memref<4x32xi32, #tpu.memory_space<vmem>>, vector<1x16xi32>,
      %get3A_300 = vector.shape_cast %get3A_299 : vector<1x16xi32> to vector<16xi32>
      %sub3A_301 = vector.broadcast %mul3A_7 : i32 to vector<16xi32>
      %sub3A_302 = arith.subi %get3A_300, %sub3A_301 : vector<16xi32>
      %ge3A_303 = arith.constant 0 : i32
      %ge3A_304 = vector.broadcast %ge3A_303 : i32 to vector<16xi32>
      %ge3A_305 = arith.cmpi sge, %sub3A_302, %ge3A_304 : vector<16xi32>
      %lt3A_306 = arith.constant 12800 : i32
      %lt3A_307 = vector.broadcast %lt3A_306 : i32 to vector<16xi32>
      %lt3A_308 = arith.cmpi slt, %sub3A_302, %lt3A_307 : vector<16xi32>
      %and3A_309 = arith.andi %ge3A_305, %lt3A_308 : vector<16xi1>
      %jit3A_310 = arith.constant 12800 : i32
      %broadcast_in_dim3A_311 = vector.broadcast %jit3A_310 : i32 to vector<16xi32>
      %select_n3A_312 = arith.select %and3A_309, %sub3A_302, %broadcast_in_dim3A_311 : vector<16xi1>, vector<16xi32>
      %swap3A_313 = arith.constant 1 : i32
      %swap3A_314 = arith.index_cast %swap3A_313 : i32 to index
      %swap3A_315 = arith.constant 16 : index
      %swap3A_316 = tpu.vector_load %arg6[%swap3A_314, %swap3A_315] {strides = array<i32>} : memref<4x32xi32, #tpu.memory_space<vmem>>, vector<1x16xi32>,
      %swap3A_317 = vector.shape_cast %swap3A_316 : vector<1x16xi32> to vector<16xi32>
      %swap3A_318 = vector.shape_cast %select_n3A_312 : vector<16xi32> to vector<1x16xi32>
      tpu.vector_store %arg6[%swap3A_314, %swap3A_315], %swap3A_318 {strides = array<i32>} : memref<4x32xi32, #tpu.memory_space<vmem>>, vector<1x16xi32>,
      %dma_wait3A_319 = arith.constant 0 : i32
      %dma_wait3A_320 = arith.constant 0 : i32
      %dma_wait3A_321 = tpu.memref_slice %arg2[%dma_wait3A_319, %dma_wait3A_320] : memref<86016x128xf32, #tpu.memory_space<hbm>> -> memref<32x128xf32, #tpu.memory_space<hbm>>
      %dma_wait3A_322 = arith.constant 0 : i32
      %dma_wait3A_323 = arith.constant 0 : i32
      %dma_wait3A_324 = tpu.memref_slice %arg2[%dma_wait3A_322, %dma_wait3A_323] : memref<86016x128xf32, #tpu.memory_space<hbm>> -> memref<32x128xf32, #tpu.memory_space<hbm>>
      tpu.wait_dma2 semaphore(%arg13 : memref<!tpu.dma_semaphore, #tpu.memory_space<semaphore_mem>>) src(%dma_wait3A_324 : memref<32x128xf32, #tpu.memory_space<hbm>>) dst(%arg9 : memref<32x128xf32, #tpu.memory_space<vmem>>)
      %dma_start3A_325 = arith.constant 1 : i32
      %dma_start3A_326 = arith.constant 0 : i32
      %dma_start3A_327 = tpu.memref_slice %arg6[%dma_start3A_325, %dma_start3A_326] : memref<4x32xi32, #tpu.memory_space<vmem>> -> memref<1x32xi32, #tpu.memory_space<vmem>>
      %dma_start3A_328 = tpu.memref_squeeze %dma_start3A_327 : memref<1x32xi32, #tpu.memory_space<vmem>> -> memref<32xi32, #tpu.memory_space<vmem>>
      %dma_start3A_329 = arith.constant 0 : i32
      %dma_start3A_330 = arith.constant 0 : i32
      %dma_start3A_331 = tpu.memref_slice %arg7[%dma_start3A_329, %dma_start3A_330] : memref<12808x128xf32, #tpu.memory_space<vmem_shared>> -> memref<12808x128xf32, #tpu.memory_space<vmem_shared>>
      tpu.enqueue_indirect_dma source(%arg9 : memref<32x128xf32, #tpu.memory_space<vmem>>) target(%dma_start3A_331 : memref<12808x128xf32, #tpu.memory_space<vmem_shared>>) offsets(%dma_start3A_328 : memref<32xi32, #tpu.memory_space<vmem>>) semaphore(%arg21 : memref<!tpu.dma_semaphore, #tpu.memory_space<semaphore_mem>>) {add = true}
      %gt3A_332 = arith.constant 0 : i32
      %gt3A_333 = arith.cmpi sgt, %scan3A_179, %gt3A_332 : i32
      %convert_element_type3A_334 = arith.extui %gt3A_333 : i1 to i32
      %cond3A_335 = arith.constant 0 : i32
      %cond3A_336 = arith.cmpi ne, %convert_element_type3A_334, %cond3A_335 : i32
      scf.if %cond3A_336 {
        %dma_wait3A_521 = arith.constant 3 : i32
        %dma_wait3A_522 = arith.constant 0 : i32
        %dma_wait3A_523 = tpu.memref_slice %arg6[%dma_wait3A_521, %dma_wait3A_522] : memref<4x32xi32, #tpu.memory_space<vmem>> -> memref<1x32xi32, #tpu.memory_space<vmem>>
        %dma_wait3A_524 = tpu.memref_squeeze %dma_wait3A_523 : memref<1x32xi32, #tpu.memory_space<vmem>> -> memref<32xi32, #tpu.memory_space<vmem>>
        %dma_wait3A_525 = arith.constant 0 : i32
        %dma_wait3A_526 = arith.constant 0 : i32
        %dma_wait3A_527 = tpu.memref_slice %arg7[%dma_wait3A_525, %dma_wait3A_526] : memref<12808x128xf32, #tpu.memory_space<vmem_shared>> -> memref<12808x128xf32, #tpu.memory_space<vmem_shared>>
        tpu.wait_indirect_dma semaphore(%arg23 : memref<!tpu.dma_semaphore, #tpu.memory_space<semaphore_mem>>) src(%arg11 : memref<32x128xf32, #tpu.memory_space<vmem>>) dst(%dma_wait3A_527 : memref<12808x128xf32, #tpu.memory_space<vmem_shared>>)
      } else {
      }
      %add3A_337 = arith.constant 2 : i32
      %add3A_338 = arith.addi %add3A_261, %add3A_337 : i32
      %lt3A_339 = arith.constant 68 : i32
      %lt3A_340 = arith.cmpi slt, %add3A_338, %lt3A_339 : i32
      %convert_element_type3A_341 = arith.extui %lt3A_340 : i1 to i32
      %cond3A_342 = arith.constant 0 : i32
      %cond3A_343 = arith.cmpi ne, %convert_element_type3A_341, %cond3A_342 : i32
      scf.if %cond3A_343 {
        %add3A_521 = arith.constant 2 : i32
        %add3A_522 = arith.addi %add3A_261, %add3A_521 : i32
        %mul3A_523 = arith.constant 32 : i32
        %mul3A_524 = arith.muli %add3A_522, %mul3A_523 : i32
        %add3A_525 = arith.addi %add3A_1, %mul3A_524 : i32
        %dma_start3A_526 = arith.constant 3 : i32
        %dma_start3A_527 = arith.constant 0 : i32
        %dma_start3A_528 = tpu.memref_slice %arg5[%dma_start3A_526, %dma_start3A_527] : memref<4x32xi32, #tpu.memory_space<vmem>> -> memref<1x32xi32, #tpu.memory_space<vmem>>
        %dma_start3A_529 = tpu.memref_squeeze %dma_start3A_528 : memref<1x32xi32, #tpu.memory_space<vmem>> -> memref<32xi32, #tpu.memory_space<vmem>>
        %dma_start3A_530 = tpu.memref_slice %arg3[%add3A_525] : memref<86016xi32, #tpu.memory_space<hbm>> -> memref<32xi32, #tpu.memory_space<hbm>>
        %dma_start3A_531 = arith.constant 0 : i32
        %dma_start3A_532 = tpu.memref_slice %arg5[%dma_start3A_526, %dma_start3A_531] : memref<4x32xi32, #tpu.memory_space<vmem>> -> memref<1x32xi32, #tpu.memory_space<vmem>>
        %dma_start3A_533 = tpu.memref_squeeze %dma_start3A_532 : memref<1x32xi32, #tpu.memory_space<vmem>> -> memref<32xi32, #tpu.memory_space<vmem>>
        %dma_start3A_534 = tpu.memref_slice %arg3[%add3A_525] : memref<86016xi32, #tpu.memory_space<hbm>> -> memref<32xi32, #tpu.memory_space<hbm>>
        tpu.enqueue_dma source(%dma_start3A_534 : memref<32xi32, #tpu.memory_space<hbm>>) target(%dma_start3A_533 : memref<32xi32, #tpu.memory_space<vmem>>) target_semaphore(%arg19 : memref<!tpu.dma_semaphore, #tpu.memory_space<semaphore_mem>>)
        %mul3A_535 = arith.constant 32 : i32
        %mul3A_536 = arith.muli %add3A_522, %mul3A_535 : i32
        %add3A_537 = arith.addi %add3A_1, %mul3A_536 : i32
        %dma_start3A_538 = arith.constant 0 : i32
        %dma_start3A_539 = tpu.memref_slice %arg2[%add3A_537, %dma_start3A_538] : memref<86016x128xf32, #tpu.memory_space<hbm>> -> memref<32x128xf32, #tpu.memory_space<hbm>>
        %dma_start3A_540 = arith.constant 0 : i32
        %dma_start3A_541 = tpu.memref_slice %arg2[%add3A_537, %dma_start3A_540] : memref<86016x128xf32, #tpu.memory_space<hbm>> -> memref<32x128xf32, #tpu.memory_space<hbm>>
        tpu.enqueue_dma source(%dma_start3A_541 : memref<32x128xf32, #tpu.memory_space<hbm>>) target(%arg11 : memref<32x128xf32, #tpu.memory_space<vmem>>) target_semaphore(%arg15 : memref<!tpu.dma_semaphore, #tpu.memory_space<semaphore_mem>>)
      } else {
      }
      %mul3A_344 = arith.constant 4 : i32
      %mul3A_345 = arith.muli %scan3A_179, %mul3A_344 : i32
      %add3A_346 = arith.constant 2 : i32
      %add3A_347 = arith.addi %mul3A_345, %add3A_346 : i32
      %dma_wait3A_348 = arith.constant 2 : i32
      %dma_wait3A_349 = arith.constant 0 : i32
      %dma_wait3A_350 = tpu.memref_slice %arg5[%dma_wait3A_348, %dma_wait3A_349] : memref<4x32xi32, #tpu.memory_space<vmem>> -> memref<1x32xi32, #tpu.memory_space<vmem>>
      %dma_wait3A_351 = tpu.memref_squeeze %dma_wait3A_350 : memref<1x32xi32, #tpu.memory_space<vmem>> -> memref<32xi32, #tpu.memory_space<vmem>>
      %dma_wait3A_352 = arith.constant 0 : i32
      %dma_wait3A_353 = tpu.memref_slice %arg3[%dma_wait3A_352] : memref<86016xi32, #tpu.memory_space<hbm>> -> memref<32xi32, #tpu.memory_space<hbm>>
      %dma_wait3A_354 = arith.constant 0 : i32
      %dma_wait3A_355 = tpu.memref_slice %arg5[%dma_wait3A_348, %dma_wait3A_354] : memref<4x32xi32, #tpu.memory_space<vmem>> -> memref<1x32xi32, #tpu.memory_space<vmem>>
      %dma_wait3A_356 = tpu.memref_squeeze %dma_wait3A_355 : memref<1x32xi32, #tpu.memory_space<vmem>> -> memref<32xi32, #tpu.memory_space<vmem>>
      %dma_wait3A_357 = arith.constant 0 : i32
      %dma_wait3A_358 = tpu.memref_slice %arg3[%dma_wait3A_357] : memref<86016xi32, #tpu.memory_space<hbm>> -> memref<32xi32, #tpu.memory_space<hbm>>
      tpu.wait_dma2 semaphore(%arg18 : memref<!tpu.dma_semaphore, #tpu.memory_space<semaphore_mem>>) src(%dma_wait3A_358 : memref<32xi32, #tpu.memory_space<hbm>>) dst(%dma_wait3A_356 : memref<32xi32, #tpu.memory_space<vmem>>)
      %get3A_359 = arith.constant 2 : i32
      %get3A_360 = arith.index_cast %get3A_359 : i32 to index
      %get3A_361 = arith.constant 0 : index
      %get3A_362 = tpu.vector_load %arg5[%get3A_360, %get3A_361] {strides = array<i32>} : memref<4x32xi32, #tpu.memory_space<vmem>>, vector<1x16xi32>,
      %get3A_363 = vector.shape_cast %get3A_362 : vector<1x16xi32> to vector<16xi32>
      %sub3A_364 = vector.broadcast %mul3A_7 : i32 to vector<16xi32>
      %sub3A_365 = arith.subi %get3A_363, %sub3A_364 : vector<16xi32>
      %ge3A_366 = arith.constant 0 : i32
      %ge3A_367 = vector.broadcast %ge3A_366 : i32 to vector<16xi32>
      %ge3A_368 = arith.cmpi sge, %sub3A_365, %ge3A_367 : vector<16xi32>
      %lt3A_369 = arith.constant 12800 : i32
      %lt3A_370 = vector.broadcast %lt3A_369 : i32 to vector<16xi32>
      %lt3A_371 = arith.cmpi slt, %sub3A_365, %lt3A_370 : vector<16xi32>
      %and3A_372 = arith.andi %ge3A_368, %lt3A_371 : vector<16xi1>
      %jit3A_373 = arith.constant 12800 : i32
      %broadcast_in_dim3A_374 = vector.broadcast %jit3A_373 : i32 to vector<16xi32>
      %select_n3A_375 = arith.select %and3A_372, %sub3A_365, %broadcast_in_dim3A_374 : vector<16xi1>, vector<16xi32>
      %swap3A_376 = arith.constant 2 : i32
      %swap3A_377 = arith.index_cast %swap3A_376 : i32 to index
      %swap3A_378 = arith.constant 0 : index
      %swap3A_379 = tpu.vector_load %arg6[%swap3A_377, %swap3A_378] {strides = array<i32>} : memref<4x32xi32, #tpu.memory_space<vmem>>, vector<1x16xi32>,
      %swap3A_380 = vector.shape_cast %swap3A_379 : vector<1x16xi32> to vector<16xi32>
      %swap3A_381 = vector.shape_cast %select_n3A_375 : vector<16xi32> to vector<1x16xi32>
      tpu.vector_store %arg6[%swap3A_377, %swap3A_378], %swap3A_381 {strides = array<i32>} : memref<4x32xi32, #tpu.memory_space<vmem>>, vector<1x16xi32>,
      %get3A_382 = arith.constant 2 : i32
      %get3A_383 = arith.index_cast %get3A_382 : i32 to index
      %get3A_384 = arith.constant 16 : index
      %get3A_385 = tpu.vector_load %arg5[%get3A_383, %get3A_384] {strides = array<i32>} : memref<4x32xi32, #tpu.memory_space<vmem>>, vector<1x16xi32>,
      %get3A_386 = vector.shape_cast %get3A_385 : vector<1x16xi32> to vector<16xi32>
      %sub3A_387 = vector.broadcast %mul3A_7 : i32 to vector<16xi32>
      %sub3A_388 = arith.subi %get3A_386, %sub3A_387 : vector<16xi32>
      %ge3A_389 = arith.constant 0 : i32
      %ge3A_390 = vector.broadcast %ge3A_389 : i32 to vector<16xi32>
      %ge3A_391 = arith.cmpi sge, %sub3A_388, %ge3A_390 : vector<16xi32>
      %lt3A_392 = arith.constant 12800 : i32
      %lt3A_393 = vector.broadcast %lt3A_392 : i32 to vector<16xi32>
      %lt3A_394 = arith.cmpi slt, %sub3A_388, %lt3A_393 : vector<16xi32>
      %and3A_395 = arith.andi %ge3A_391, %lt3A_394 : vector<16xi1>
      %jit3A_396 = arith.constant 12800 : i32
      %broadcast_in_dim3A_397 = vector.broadcast %jit3A_396 : i32 to vector<16xi32>
      %select_n3A_398 = arith.select %and3A_395, %sub3A_388, %broadcast_in_dim3A_397 : vector<16xi1>, vector<16xi32>
      %swap3A_399 = arith.constant 2 : i32
      %swap3A_400 = arith.index_cast %swap3A_399 : i32 to index
      %swap3A_401 = arith.constant 16 : index
      %swap3A_402 = tpu.vector_load %arg6[%swap3A_400, %swap3A_401] {strides = array<i32>} : memref<4x32xi32, #tpu.memory_space<vmem>>, vector<1x16xi32>,
      %swap3A_403 = vector.shape_cast %swap3A_402 : vector<1x16xi32> to vector<16xi32>
      %swap3A_404 = vector.shape_cast %select_n3A_398 : vector<16xi32> to vector<1x16xi32>
      tpu.vector_store %arg6[%swap3A_400, %swap3A_401], %swap3A_404 {strides = array<i32>} : memref<4x32xi32, #tpu.memory_space<vmem>>, vector<1x16xi32>,
      %dma_wait3A_405 = arith.constant 0 : i32
      %dma_wait3A_406 = arith.constant 0 : i32
      %dma_wait3A_407 = tpu.memref_slice %arg2[%dma_wait3A_405, %dma_wait3A_406] : memref<86016x128xf32, #tpu.memory_space<hbm>> -> memref<32x128xf32, #tpu.memory_space<hbm>>
      %dma_wait3A_408 = arith.constant 0 : i32
      %dma_wait3A_409 = arith.constant 0 : i32
      %dma_wait3A_410 = tpu.memref_slice %arg2[%dma_wait3A_408, %dma_wait3A_409] : memref<86016x128xf32, #tpu.memory_space<hbm>> -> memref<32x128xf32, #tpu.memory_space<hbm>>
      tpu.wait_dma2 semaphore(%arg14 : memref<!tpu.dma_semaphore, #tpu.memory_space<semaphore_mem>>) src(%dma_wait3A_410 : memref<32x128xf32, #tpu.memory_space<hbm>>) dst(%arg10 : memref<32x128xf32, #tpu.memory_space<vmem>>)
      %dma_start3A_411 = arith.constant 2 : i32
      %dma_start3A_412 = arith.constant 0 : i32
      %dma_start3A_413 = tpu.memref_slice %arg6[%dma_start3A_411, %dma_start3A_412] : memref<4x32xi32, #tpu.memory_space<vmem>> -> memref<1x32xi32, #tpu.memory_space<vmem>>
      %dma_start3A_414 = tpu.memref_squeeze %dma_start3A_413 : memref<1x32xi32, #tpu.memory_space<vmem>> -> memref<32xi32, #tpu.memory_space<vmem>>
      %dma_start3A_415 = arith.constant 0 : i32
      %dma_start3A_416 = arith.constant 0 : i32
      %dma_start3A_417 = tpu.memref_slice %arg7[%dma_start3A_415, %dma_start3A_416] : memref<12808x128xf32, #tpu.memory_space<vmem_shared>> -> memref<12808x128xf32, #tpu.memory_space<vmem_shared>>
      tpu.enqueue_indirect_dma source(%arg10 : memref<32x128xf32, #tpu.memory_space<vmem>>) target(%dma_start3A_417 : memref<12808x128xf32, #tpu.memory_space<vmem_shared>>) offsets(%dma_start3A_414 : memref<32xi32, #tpu.memory_space<vmem>>) semaphore(%arg22 : memref<!tpu.dma_semaphore, #tpu.memory_space<semaphore_mem>>) {add = true}
      %dma_wait3A_418 = arith.constant 0 : i32
      %dma_wait3A_419 = arith.constant 0 : i32
      %dma_wait3A_420 = tpu.memref_slice %arg6[%dma_wait3A_418, %dma_wait3A_419] : memref<4x32xi32, #tpu.memory_space<vmem>> -> memref<1x32xi32, #tpu.memory_space<vmem>>
      %dma_wait3A_421 = tpu.memref_squeeze %dma_wait3A_420 : memref<1x32xi32, #tpu.memory_space<vmem>> -> memref<32xi32, #tpu.memory_space<vmem>>
      %dma_wait3A_422 = arith.constant 0 : i32
      %dma_wait3A_423 = arith.constant 0 : i32
      %dma_wait3A_424 = tpu.memref_slice %arg7[%dma_wait3A_422, %dma_wait3A_423] : memref<12808x128xf32, #tpu.memory_space<vmem_shared>> -> memref<12808x128xf32, #tpu.memory_space<vmem_shared>>
      tpu.wait_indirect_dma semaphore(%arg20 : memref<!tpu.dma_semaphore, #tpu.memory_space<semaphore_mem>>) src(%arg8 : memref<32x128xf32, #tpu.memory_space<vmem>>) dst(%dma_wait3A_424 : memref<12808x128xf32, #tpu.memory_space<vmem_shared>>)
      %add3A_425 = arith.constant 2 : i32
      %add3A_426 = arith.addi %add3A_347, %add3A_425 : i32
      %lt3A_427 = arith.constant 68 : i32
      %lt3A_428 = arith.cmpi slt, %add3A_426, %lt3A_427 : i32
      %convert_element_type3A_429 = arith.extui %lt3A_428 : i1 to i32
      %cond3A_430 = arith.constant 0 : i32
      %cond3A_431 = arith.cmpi ne, %convert_element_type3A_429, %cond3A_430 : i32
      scf.if %cond3A_431 {
        %add3A_521 = arith.constant 2 : i32
        %add3A_522 = arith.addi %add3A_347, %add3A_521 : i32
        %mul3A_523 = arith.constant 32 : i32
        %mul3A_524 = arith.muli %add3A_522, %mul3A_523 : i32
        %add3A_525 = arith.addi %add3A_1, %mul3A_524 : i32
        %dma_start3A_526 = arith.constant 0 : i32
        %dma_start3A_527 = arith.constant 0 : i32
        %dma_start3A_528 = tpu.memref_slice %arg5[%dma_start3A_526, %dma_start3A_527] : memref<4x32xi32, #tpu.memory_space<vmem>> -> memref<1x32xi32, #tpu.memory_space<vmem>>
        %dma_start3A_529 = tpu.memref_squeeze %dma_start3A_528 : memref<1x32xi32, #tpu.memory_space<vmem>> -> memref<32xi32, #tpu.memory_space<vmem>>
        %dma_start3A_530 = tpu.memref_slice %arg3[%add3A_525] : memref<86016xi32, #tpu.memory_space<hbm>> -> memref<32xi32, #tpu.memory_space<hbm>>
        %dma_start3A_531 = arith.constant 0 : i32
        %dma_start3A_532 = tpu.memref_slice %arg5[%dma_start3A_526, %dma_start3A_531] : memref<4x32xi32, #tpu.memory_space<vmem>> -> memref<1x32xi32, #tpu.memory_space<vmem>>
        %dma_start3A_533 = tpu.memref_squeeze %dma_start3A_532 : memref<1x32xi32, #tpu.memory_space<vmem>> -> memref<32xi32, #tpu.memory_space<vmem>>
        %dma_start3A_534 = tpu.memref_slice %arg3[%add3A_525] : memref<86016xi32, #tpu.memory_space<hbm>> -> memref<32xi32, #tpu.memory_space<hbm>>
        tpu.enqueue_dma source(%dma_start3A_534 : memref<32xi32, #tpu.memory_space<hbm>>) target(%dma_start3A_533 : memref<32xi32, #tpu.memory_space<vmem>>) target_semaphore(%arg16 : memref<!tpu.dma_semaphore, #tpu.memory_space<semaphore_mem>>)
        %mul3A_535 = arith.constant 32 : i32
        %mul3A_536 = arith.muli %add3A_522, %mul3A_535 : i32
        %add3A_537 = arith.addi %add3A_1, %mul3A_536 : i32
        %dma_start3A_538 = arith.constant 0 : i32
        %dma_start3A_539 = tpu.memref_slice %arg2[%add3A_537, %dma_start3A_538] : memref<86016x128xf32, #tpu.memory_space<hbm>> -> memref<32x128xf32, #tpu.memory_space<hbm>>
        %dma_start3A_540 = arith.constant 0 : i32
        %dma_start3A_541 = tpu.memref_slice %arg2[%add3A_537, %dma_start3A_540] : memref<86016x128xf32, #tpu.memory_space<hbm>> -> memref<32x128xf32, #tpu.memory_space<hbm>>
        tpu.enqueue_dma source(%dma_start3A_541 : memref<32x128xf32, #tpu.memory_space<hbm>>) target(%arg8 : memref<32x128xf32, #tpu.memory_space<vmem>>) target_semaphore(%arg12 : memref<!tpu.dma_semaphore, #tpu.memory_space<semaphore_mem>>)
      } else {
      }
      %mul3A_432 = arith.constant 4 : i32
      %mul3A_433 = arith.muli %scan3A_179, %mul3A_432 : i32
      %add3A_434 = arith.constant 3 : i32
      %add3A_435 = arith.addi %mul3A_433, %add3A_434 : i32
      %dma_wait3A_436 = arith.constant 3 : i32
      %dma_wait3A_437 = arith.constant 0 : i32
      %dma_wait3A_438 = tpu.memref_slice %arg5[%dma_wait3A_436, %dma_wait3A_437] : memref<4x32xi32, #tpu.memory_space<vmem>> -> memref<1x32xi32, #tpu.memory_space<vmem>>
      %dma_wait3A_439 = tpu.memref_squeeze %dma_wait3A_438 : memref<1x32xi32, #tpu.memory_space<vmem>> -> memref<32xi32, #tpu.memory_space<vmem>>
      %dma_wait3A_440 = arith.constant 0 : i32
      %dma_wait3A_441 = tpu.memref_slice %arg3[%dma_wait3A_440] : memref<86016xi32, #tpu.memory_space<hbm>> -> memref<32xi32, #tpu.memory_space<hbm>>
      %dma_wait3A_442 = arith.constant 0 : i32
      %dma_wait3A_443 = tpu.memref_slice %arg5[%dma_wait3A_436, %dma_wait3A_442] : memref<4x32xi32, #tpu.memory_space<vmem>> -> memref<1x32xi32, #tpu.memory_space<vmem>>
      %dma_wait3A_444 = tpu.memref_squeeze %dma_wait3A_443 : memref<1x32xi32, #tpu.memory_space<vmem>> -> memref<32xi32, #tpu.memory_space<vmem>>
      %dma_wait3A_445 = arith.constant 0 : i32
      %dma_wait3A_446 = tpu.memref_slice %arg3[%dma_wait3A_445] : memref<86016xi32, #tpu.memory_space<hbm>> -> memref<32xi32, #tpu.memory_space<hbm>>
      tpu.wait_dma2 semaphore(%arg19 : memref<!tpu.dma_semaphore, #tpu.memory_space<semaphore_mem>>) src(%dma_wait3A_446 : memref<32xi32, #tpu.memory_space<hbm>>) dst(%dma_wait3A_444 : memref<32xi32, #tpu.memory_space<vmem>>)
      %get3A_447 = arith.constant 3 : i32
      %get3A_448 = arith.index_cast %get3A_447 : i32 to index
      %get3A_449 = arith.constant 0 : index
      %get3A_450 = tpu.vector_load %arg5[%get3A_448, %get3A_449] {strides = array<i32>} : memref<4x32xi32, #tpu.memory_space<vmem>>, vector<1x16xi32>,
      %get3A_451 = vector.shape_cast %get3A_450 : vector<1x16xi32> to vector<16xi32>
      %sub3A_452 = vector.broadcast %mul3A_7 : i32 to vector<16xi32>
      %sub3A_453 = arith.subi %get3A_451, %sub3A_452 : vector<16xi32>
      %ge3A_454 = arith.constant 0 : i32
      %ge3A_455 = vector.broadcast %ge3A_454 : i32 to vector<16xi32>
      %ge3A_456 = arith.cmpi sge, %sub3A_453, %ge3A_455 : vector<16xi32>
      %lt3A_457 = arith.constant 12800 : i32
      %lt3A_458 = vector.broadcast %lt3A_457 : i32 to vector<16xi32>
      %lt3A_459 = arith.cmpi slt, %sub3A_453, %lt3A_458 : vector<16xi32>
      %and3A_460 = arith.andi %ge3A_456, %lt3A_459 : vector<16xi1>
      %jit3A_461 = arith.constant 12800 : i32
      %broadcast_in_dim3A_462 = vector.broadcast %jit3A_461 : i32 to vector<16xi32>
      %select_n3A_463 = arith.select %and3A_460, %sub3A_453, %broadcast_in_dim3A_462 : vector<16xi1>, vector<16xi32>
      %swap3A_464 = arith.constant 3 : i32
      %swap3A_465 = arith.index_cast %swap3A_464 : i32 to index
      %swap3A_466 = arith.constant 0 : index
      %swap3A_467 = tpu.vector_load %arg6[%swap3A_465, %swap3A_466] {strides = array<i32>} : memref<4x32xi32, #tpu.memory_space<vmem>>, vector<1x16xi32>,
      %swap3A_468 = vector.shape_cast %swap3A_467 : vector<1x16xi32> to vector<16xi32>
      %swap3A_469 = vector.shape_cast %select_n3A_463 : vector<16xi32> to vector<1x16xi32>
      tpu.vector_store %arg6[%swap3A_465, %swap3A_466], %swap3A_469 {strides = array<i32>} : memref<4x32xi32, #tpu.memory_space<vmem>>, vector<1x16xi32>,
      %get3A_470 = arith.constant 3 : i32
      %get3A_471 = arith.index_cast %get3A_470 : i32 to index
      %get3A_472 = arith.constant 16 : index
      %get3A_473 = tpu.vector_load %arg5[%get3A_471, %get3A_472] {strides = array<i32>} : memref<4x32xi32, #tpu.memory_space<vmem>>, vector<1x16xi32>,
      %get3A_474 = vector.shape_cast %get3A_473 : vector<1x16xi32> to vector<16xi32>
      %sub3A_475 = vector.broadcast %mul3A_7 : i32 to vector<16xi32>
      %sub3A_476 = arith.subi %get3A_474, %sub3A_475 : vector<16xi32>
      %ge3A_477 = arith.constant 0 : i32
      %ge3A_478 = vector.broadcast %ge3A_477 : i32 to vector<16xi32>
      %ge3A_479 = arith.cmpi sge, %sub3A_476, %ge3A_478 : vector<16xi32>
      %lt3A_480 = arith.constant 12800 : i32
      %lt3A_481 = vector.broadcast %lt3A_480 : i32 to vector<16xi32>
      %lt3A_482 = arith.cmpi slt, %sub3A_476, %lt3A_481 : vector<16xi32>
      %and3A_483 = arith.andi %ge3A_479, %lt3A_482 : vector<16xi1>
      %jit3A_484 = arith.constant 12800 : i32
      %broadcast_in_dim3A_485 = vector.broadcast %jit3A_484 : i32 to vector<16xi32>
      %select_n3A_486 = arith.select %and3A_483, %sub3A_476, %broadcast_in_dim3A_485 : vector<16xi1>, vector<16xi32>
      %swap3A_487 = arith.constant 3 : i32
      %swap3A_488 = arith.index_cast %swap3A_487 : i32 to index
      %swap3A_489 = arith.constant 16 : index
      %swap3A_490 = tpu.vector_load %arg6[%swap3A_488, %swap3A_489] {strides = array<i32>} : memref<4x32xi32, #tpu.memory_space<vmem>>, vector<1x16xi32>,
      %swap3A_491 = vector.shape_cast %swap3A_490 : vector<1x16xi32> to vector<16xi32>
      %swap3A_492 = vector.shape_cast %select_n3A_486 : vector<16xi32> to vector<1x16xi32>
      tpu.vector_store %arg6[%swap3A_488, %swap3A_489], %swap3A_492 {strides = array<i32>} : memref<4x32xi32, #tpu.memory_space<vmem>>, vector<1x16xi32>,
      %dma_wait3A_493 = arith.constant 0 : i32
      %dma_wait3A_494 = arith.constant 0 : i32
      %dma_wait3A_495 = tpu.memref_slice %arg2[%dma_wait3A_493, %dma_wait3A_494] : memref<86016x128xf32, #tpu.memory_space<hbm>> -> memref<32x128xf32, #tpu.memory_space<hbm>>
      %dma_wait3A_496 = arith.constant 0 : i32
      %dma_wait3A_497 = arith.constant 0 : i32
      %dma_wait3A_498 = tpu.memref_slice %arg2[%dma_wait3A_496, %dma_wait3A_497] : memref<86016x128xf32, #tpu.memory_space<hbm>> -> memref<32x128xf32, #tpu.memory_space<hbm>>
      tpu.wait_dma2 semaphore(%arg15 : memref<!tpu.dma_semaphore, #tpu.memory_space<semaphore_mem>>) src(%dma_wait3A_498 : memref<32x128xf32, #tpu.memory_space<hbm>>) dst(%arg11 : memref<32x128xf32, #tpu.memory_space<vmem>>)
      %dma_start3A_499 = arith.constant 3 : i32
      %dma_start3A_500 = arith.constant 0 : i32
      %dma_start3A_501 = tpu.memref_slice %arg6[%dma_start3A_499, %dma_start3A_500] : memref<4x32xi32, #tpu.memory_space<vmem>> -> memref<1x32xi32, #tpu.memory_space<vmem>>
      %dma_start3A_502 = tpu.memref_squeeze %dma_start3A_501 : memref<1x32xi32, #tpu.memory_space<vmem>> -> memref<32xi32, #tpu.memory_space<vmem>>
      %dma_start3A_503 = arith.constant 0 : i32
      %dma_start3A_504 = arith.constant 0 : i32
      %dma_start3A_505 = tpu.memref_slice %arg7[%dma_start3A_503, %dma_start3A_504] : memref<12808x128xf32, #tpu.memory_space<vmem_shared>> -> memref<12808x128xf32, #tpu.memory_space<vmem_shared>>
      tpu.enqueue_indirect_dma source(%arg11 : memref<32x128xf32, #tpu.memory_space<vmem>>) target(%dma_start3A_505 : memref<12808x128xf32, #tpu.memory_space<vmem_shared>>) offsets(%dma_start3A_502 : memref<32xi32, #tpu.memory_space<vmem>>) semaphore(%arg23 : memref<!tpu.dma_semaphore, #tpu.memory_space<semaphore_mem>>) {add = true}
      %dma_wait3A_506 = arith.constant 1 : i32
      %dma_wait3A_507 = arith.constant 0 : i32
      %dma_wait3A_508 = tpu.memref_slice %arg6[%dma_wait3A_506, %dma_wait3A_507] : memref<4x32xi32, #tpu.memory_space<vmem>> -> memref<1x32xi32, #tpu.memory_space<vmem>>
      %dma_wait3A_509 = tpu.memref_squeeze %dma_wait3A_508 : memref<1x32xi32, #tpu.memory_space<vmem>> -> memref<32xi32, #tpu.memory_space<vmem>>
      %dma_wait3A_510 = arith.constant 0 : i32
      %dma_wait3A_511 = arith.constant 0 : i32
      %dma_wait3A_512 = tpu.memref_slice %arg7[%dma_wait3A_510, %dma_wait3A_511] : memref<12808x128xf32, #tpu.memory_space<vmem_shared>> -> memref<12808x128xf32, #tpu.memory_space<vmem_shared>>
      tpu.wait_indirect_dma semaphore(%arg21 : memref<!tpu.dma_semaphore, #tpu.memory_space<semaphore_mem>>) src(%arg9 : memref<32x128xf32, #tpu.memory_space<vmem>>) dst(%dma_wait3A_512 : memref<12808x128xf32, #tpu.memory_space<vmem_shared>>)
      %add3A_513 = arith.constant 2 : i32
      %add3A_514 = arith.addi %add3A_435, %add3A_513 : i32
      %lt3A_515 = arith.constant 68 : i32
      %lt3A_516 = arith.cmpi slt, %add3A_514, %lt3A_515 : i32
      %convert_element_type3A_517 = arith.extui %lt3A_516 : i1 to i32
      %cond3A_518 = arith.constant 0 : i32
      %cond3A_519 = arith.cmpi ne, %convert_element_type3A_517, %cond3A_518 : i32
      scf.if %cond3A_519 {
        %add3A_521 = arith.constant 2 : i32
        %add3A_522 = arith.addi %add3A_435, %add3A_521 : i32
        %mul3A_523 = arith.constant 32 : i32
        %mul3A_524 = arith.muli %add3A_522, %mul3A_523 : i32
        %add3A_525 = arith.addi %add3A_1, %mul3A_524 : i32
        %dma_start3A_526 = arith.constant 1 : i32
        %dma_start3A_527 = arith.constant 0 : i32
        %dma_start3A_528 = tpu.memref_slice %arg5[%dma_start3A_526, %dma_start3A_527] : memref<4x32xi32, #tpu.memory_space<vmem>> -> memref<1x32xi32, #tpu.memory_space<vmem>>
        %dma_start3A_529 = tpu.memref_squeeze %dma_start3A_528 : memref<1x32xi32, #tpu.memory_space<vmem>> -> memref<32xi32, #tpu.memory_space<vmem>>
        %dma_start3A_530 = tpu.memref_slice %arg3[%add3A_525] : memref<86016xi32, #tpu.memory_space<hbm>> -> memref<32xi32, #tpu.memory_space<hbm>>
        %dma_start3A_531 = arith.constant 0 : i32
        %dma_start3A_532 = tpu.memref_slice %arg5[%dma_start3A_526, %dma_start3A_531] : memref<4x32xi32, #tpu.memory_space<vmem>> -> memref<1x32xi32, #tpu.memory_space<vmem>>
        %dma_start3A_533 = tpu.memref_squeeze %dma_start3A_532 : memref<1x32xi32, #tpu.memory_space<vmem>> -> memref<32xi32, #tpu.memory_space<vmem>>
        %dma_start3A_534 = tpu.memref_slice %arg3[%add3A_525] : memref<86016xi32, #tpu.memory_space<hbm>> -> memref<32xi32, #tpu.memory_space<hbm>>
        tpu.enqueue_dma source(%dma_start3A_534 : memref<32xi32, #tpu.memory_space<hbm>>) target(%dma_start3A_533 : memref<32xi32, #tpu.memory_space<vmem>>) target_semaphore(%arg17 : memref<!tpu.dma_semaphore, #tpu.memory_space<semaphore_mem>>)
        %mul3A_535 = arith.constant 32 : i32
        %mul3A_536 = arith.muli %add3A_522, %mul3A_535 : i32
        %add3A_537 = arith.addi %add3A_1, %mul3A_536 : i32
        %dma_start3A_538 = arith.constant 0 : i32
        %dma_start3A_539 = tpu.memref_slice %arg2[%add3A_537, %dma_start3A_538] : memref<86016x128xf32, #tpu.memory_space<hbm>> -> memref<32x128xf32, #tpu.memory_space<hbm>>
        %dma_start3A_540 = arith.constant 0 : i32
        %dma_start3A_541 = tpu.memref_slice %arg2[%add3A_537, %dma_start3A_540] : memref<86016x128xf32, #tpu.memory_space<hbm>> -> memref<32x128xf32, #tpu.memory_space<hbm>>
        tpu.enqueue_dma source(%dma_start3A_541 : memref<32x128xf32, #tpu.memory_space<hbm>>) target(%arg9 : memref<32x128xf32, #tpu.memory_space<vmem>>) target_semaphore(%arg13 : memref<!tpu.dma_semaphore, #tpu.memory_space<semaphore_mem>>)
      } else {
      }
      %scan3A_520 = arith.constant 0 : i32
      scf.yield %scan3A_520 : i32
    }
    %scan3A_57 = arith.constant 17 : i32
    %dma_wait3A = arith.constant 2 : i32
    %dma_wait3A_58 = arith.constant 0 : i32
    %dma_wait3A_59 = tpu.memref_slice %arg6[%dma_wait3A, %dma_wait3A_58] : memref<4x32xi32, #tpu.memory_space<vmem>> -> memref<1x32xi32, #tpu.memory_space<vmem>>
    %dma_wait3A_60 = tpu.memref_squeeze %dma_wait3A_59 : memref<1x32xi32, #tpu.memory_space<vmem>> -> memref<32xi32, #tpu.memory_space<vmem>>
    %dma_wait3A_61 = arith.constant 0 : i32
    %dma_wait3A_62 = arith.constant 0 : i32
    %dma_wait3A_63 = tpu.memref_slice %arg7[%dma_wait3A_61, %dma_wait3A_62] : memref<12808x128xf32, #tpu.memory_space<vmem_shared>> -> memref<12808x128xf32, #tpu.memory_space<vmem_shared>>
    tpu.wait_indirect_dma semaphore(%arg22 : memref<!tpu.dma_semaphore, #tpu.memory_space<semaphore_mem>>) src(%arg10 : memref<32x128xf32, #tpu.memory_space<vmem>>) dst(%dma_wait3A_63 : memref<12808x128xf32, #tpu.memory_space<vmem_shared>>)
    %dma_wait3A_64 = arith.constant 3 : i32
    %dma_wait3A_65 = arith.constant 0 : i32
    %dma_wait3A_66 = tpu.memref_slice %arg6[%dma_wait3A_64, %dma_wait3A_65] : memref<4x32xi32, #tpu.memory_space<vmem>> -> memref<1x32xi32, #tpu.memory_space<vmem>>
    %dma_wait3A_67 = tpu.memref_squeeze %dma_wait3A_66 : memref<1x32xi32, #tpu.memory_space<vmem>> -> memref<32xi32, #tpu.memory_space<vmem>>
    %dma_wait3A_68 = arith.constant 0 : i32
    %dma_wait3A_69 = arith.constant 0 : i32
    %dma_wait3A_70 = tpu.memref_slice %arg7[%dma_wait3A_68, %dma_wait3A_69] : memref<12808x128xf32, #tpu.memory_space<vmem_shared>> -> memref<12808x128xf32, #tpu.memory_space<vmem_shared>>
    tpu.wait_indirect_dma semaphore(%arg23 : memref<!tpu.dma_semaphore, #tpu.memory_space<semaphore_mem>>) src(%arg11 : memref<32x128xf32, #tpu.memory_space<vmem>>) dst(%dma_wait3A_70 : memref<12808x128xf32, #tpu.memory_space<vmem_shared>>)
    %barrier3A_71 = arith.constant 0 : index
    tpu.barrier barrier_id(%barrier3A_71)
    %add3A_72 = arith.constant 0 : i32
    %add3A_73 = arith.addi %add3A_72, %arg1 : i32
    %lt3A_74 = arith.constant 25 : i32
    %lt3A_75 = arith.cmpi slt, %add3A_73, %lt3A_74 : i32
    %convert_element_type3A_76 = arith.extui %lt3A_75 : i1 to i32
    %cond3A_77 = arith.constant 0 : i32
    %cond3A_78 = arith.cmpi ne, %convert_element_type3A_76, %cond3A_77 : i32
    scf.if %cond3A_78 {
      %mul3A_179 = arith.constant 512 : i32
      %mul3A_180 = arith.muli %add3A_73, %mul3A_179 : i32
      %mul3A_181 = arith.constant 512 : i32
      %mul3A_182 = arith.muli %add3A_73, %mul3A_181 : i32
      %add3A_183 = arith.addi %mul3A_7, %mul3A_182 : i32
      "tpu.region"() ({
        %run_scoped3A = tpu.sem_alloc : memref<!tpu.dma_semaphore, #tpu.memory_space<semaphore_mem>>
        %dma_start3A_184 = arith.constant 0 : i32
        %dma_start3A_185 = tpu.memref_slice %arg4[%add3A_183, %dma_start3A_184] : memref<51200x128xf32, #tpu.memory_space<hbm>> -> memref<512x128xf32, #tpu.memory_space<hbm>>
        %dma_start3A_186 = arith.constant 0 : i32
        %dma_start3A_187 = tpu.memref_slice %arg7[%mul3A_180, %dma_start3A_186] : memref<12808x128xf32, #tpu.memory_space<vmem_shared>> -> memref<512x128xf32, #tpu.memory_space<vmem_shared>>
        tpu.enqueue_dma source(%dma_start3A_187 : memref<512x128xf32, #tpu.memory_space<vmem_shared>>) target(%dma_start3A_185 : memref<512x128xf32, #tpu.memory_space<hbm>>) target_semaphore(%run_scoped3A : memref<!tpu.dma_semaphore, #tpu.memory_space<semaphore_mem>>)
        %dma_wait3A_188 = arith.constant 0 : i32
        %dma_wait3A_189 = tpu.memref_slice %arg4[%add3A_183, %dma_wait3A_188] : memref<51200x128xf32, #tpu.memory_space<hbm>> -> memref<512x128xf32, #tpu.memory_space<hbm>>
        %dma_wait3A_190 = arith.constant 0 : i32
        %dma_wait3A_191 = tpu.memref_slice %arg7[%mul3A_180, %dma_wait3A_190] : memref<12808x128xf32, #tpu.memory_space<vmem_shared>> -> memref<512x128xf32, #tpu.memory_space<vmem_shared>>
        tpu.wait_dma2 semaphore(%run_scoped3A : memref<!tpu.dma_semaphore, #tpu.memory_space<semaphore_mem>>) src(%dma_wait3A_191 : memref<512x128xf32, #tpu.memory_space<vmem_shared>>) dst(%dma_wait3A_189 : memref<512x128xf32, #tpu.memory_space<hbm>>)
        tpu.yield
      }) : () -> ()
    } else {
    }
    %add3A_79 = arith.constant 16 : i32
    %add3A_80 = arith.addi %add3A_79, %arg1 : i32
    %lt3A_81 = arith.constant 25 : i32
    %lt3A_82 = arith.cmpi slt, %add3A_80, %lt3A_81 : i32
    %convert_element_type3A_83 = arith.extui %lt3A_82 : i1 to i32
    %cond3A_84 = arith.constant 0 : i32
    %cond3A_85 = arith.cmpi ne, %convert_element_type3A_83, %cond3A_84 : i32
    scf.if %cond3A_85 {
      %mul3A_179 = arith.constant 512 : i32
      %mul3A_180 = arith.muli %add3A_80, %mul3A_179 : i32
      %mul3A_181 = arith.constant 512 : i32
      %mul3A_182 = arith.muli %add3A_80, %mul3A_181 : i32
      %add3A_183 = arith.addi %mul3A_7, %mul3A_182 : i32
      "tpu.region"() ({
        %run_scoped3A = tpu.sem_alloc : memref<!tpu.dma_semaphore, #tpu.memory_space<semaphore_mem>>
        %dma_start3A_184 = arith.constant 0 : i32
        %dma_start3A_185 = tpu.memref_slice %arg4[%add3A_183, %dma_start3A_184] : memref<51200x128xf32, #tpu.memory_space<hbm>> -> memref<512x128xf32, #tpu.memory_space<hbm>>
        %dma_start3A_186 = arith.constant 0 : i32
        %dma_start3A_187 = tpu.memref_slice %arg7[%mul3A_180, %dma_start3A_186] : memref<12808x128xf32, #tpu.memory_space<vmem_shared>> -> memref<512x128xf32, #tpu.memory_space<vmem_shared>>
        tpu.enqueue_dma source(%dma_start3A_187 : memref<512x128xf32, #tpu.memory_space<vmem_shared>>) target(%dma_start3A_185 : memref<512x128xf32, #tpu.memory_space<hbm>>) target_semaphore(%run_scoped3A : memref<!tpu.dma_semaphore, #tpu.memory_space<semaphore_mem>>)
        %dma_wait3A_188 = arith.constant 0 : i32
        %dma_wait3A_189 = tpu.memref_slice %arg4[%add3A_183, %dma_wait3A_188] : memref<51200x128xf32, #tpu.memory_space<hbm>> -> memref<512x128xf32, #tpu.memory_space<hbm>>
        %dma_wait3A_190 = arith.constant 0 : i32
        %dma_wait3A_191 = tpu.memref_slice %arg7[%mul3A_180, %dma_wait3A_190] : memref<12808x128xf32, #tpu.memory_space<vmem_shared>> -> memref<512x128xf32, #tpu.memory_space<vmem_shared>>
        tpu.wait_dma2 semaphore(%run_scoped3A : memref<!tpu.dma_semaphore, #tpu.memory_space<semaphore_mem>>) src(%dma_wait3A_191 : memref<512x128xf32, #tpu.memory_space<vmem_shared>>) dst(%dma_wait3A_189 : memref<512x128xf32, #tpu.memory_space<hbm>>)
        tpu.yield
      }) : () -> ()
    } else {
    }
    %barrier3A_86 = arith.constant 0 : index
    tpu.barrier barrier_id(%barrier3A_86)
    %mul3A_87 = arith.constant 2 : i32
    %mul3A_88 = arith.muli %arg0, %mul3A_87 : i32
    %add3A_89 = arith.constant 1 : i32
    %add3A_90 = arith.addi %mul3A_88, %add3A_89 : i32
    %mul3A_91 = arith.constant 12800 : i32
    %mul3A_92 = arith.muli %add3A_90, %mul3A_91 : i32
    %add3A_93 = arith.constant 0 : i32
    %add3A_94 = arith.addi %add3A_93, %arg1 : i32
    %lt3A_95 = arith.constant 25 : i32
    %lt3A_96 = arith.cmpi slt, %add3A_94, %lt3A_95 : i32
    %convert_element_type3A_97 = arith.extui %lt3A_96 : i1 to i32
    %cond3A_98 = arith.constant 0 : i32
    %cond3A_99 = arith.cmpi ne, %convert_element_type3A_97, %cond3A_98 : i32
    scf.if %cond3A_99 {
      %mul3A_179 = arith.constant 512 : i32
      %mul3A_180 = arith.muli %add3A_94, %mul3A_179 : i32
      %add3A_181 = arith.addi %mul3A_92, %mul3A_180 : i32
      %mul3A_182 = arith.constant 512 : i32
      %mul3A_183 = arith.muli %add3A_94, %mul3A_182 : i32
      "tpu.region"() ({
        %run_scoped3A = tpu.sem_alloc : memref<!tpu.dma_semaphore, #tpu.memory_space<semaphore_mem>>
        %dma_start3A_184 = arith.constant 0 : i32
        %dma_start3A_185 = tpu.memref_slice %arg7[%mul3A_183, %dma_start3A_184] : memref<12808x128xf32, #tpu.memory_space<vmem_shared>> -> memref<512x128xf32, #tpu.memory_space<vmem_shared>>
        %dma_start3A_186 = arith.constant 0 : i32
        %dma_start3A_187 = tpu.memref_slice %arg2[%add3A_181, %dma_start3A_186] : memref<86016x128xf32, #tpu.memory_space<hbm>> -> memref<512x128xf32, #tpu.memory_space<hbm>>
        tpu.enqueue_dma source(%dma_start3A_187 : memref<512x128xf32, #tpu.memory_space<hbm>>) target(%dma_start3A_185 : memref<512x128xf32, #tpu.memory_space<vmem_shared>>) target_semaphore(%run_scoped3A : memref<!tpu.dma_semaphore, #tpu.memory_space<semaphore_mem>>)
        %dma_wait3A_188 = arith.constant 0 : i32
        %dma_wait3A_189 = tpu.memref_slice %arg7[%mul3A_183, %dma_wait3A_188] : memref<12808x128xf32, #tpu.memory_space<vmem_shared>> -> memref<512x128xf32, #tpu.memory_space<vmem_shared>>
        %dma_wait3A_190 = arith.constant 0 : i32
        %dma_wait3A_191 = tpu.memref_slice %arg2[%add3A_181, %dma_wait3A_190] : memref<86016x128xf32, #tpu.memory_space<hbm>> -> memref<512x128xf32, #tpu.memory_space<hbm>>
        tpu.wait_dma2 semaphore(%run_scoped3A : memref<!tpu.dma_semaphore, #tpu.memory_space<semaphore_mem>>) src(%dma_wait3A_191 : memref<512x128xf32, #tpu.memory_space<hbm>>) dst(%dma_wait3A_189 : memref<512x128xf32, #tpu.memory_space<vmem_shared>>)
        tpu.yield
      }) : () -> ()
    } else {
    }
    %add3A_100 = arith.constant 16 : i32
    %add3A_101 = arith.addi %add3A_100, %arg1 : i32
    %lt3A_102 = arith.constant 25 : i32
    %lt3A_103 = arith.cmpi slt, %add3A_101, %lt3A_102 : i32
    %convert_element_type3A_104 = arith.extui %lt3A_103 : i1 to i32
    %cond3A_105 = arith.constant 0 : i32
    %cond3A_106 = arith.cmpi ne, %convert_element_type3A_104, %cond3A_105 : i32
    scf.if %cond3A_106 {
      %mul3A_179 = arith.constant 512 : i32
      %mul3A_180 = arith.muli %add3A_101, %mul3A_179 : i32
      %add3A_181 = arith.addi %mul3A_92, %mul3A_180 : i32
      %mul3A_182 = arith.constant 512 : i32
      %mul3A_183 = arith.muli %add3A_101, %mul3A_182 : i32
      "tpu.region"() ({
        %run_scoped3A = tpu.sem_alloc : memref<!tpu.dma_semaphore, #tpu.memory_space<semaphore_mem>>
        %dma_start3A_184 = arith.constant 0 : i32
        %dma_start3A_185 = tpu.memref_slice %arg7[%mul3A_183, %dma_start3A_184] : memref<12808x128xf32, #tpu.memory_space<vmem_shared>> -> memref<512x128xf32, #tpu.memory_space<vmem_shared>>
        %dma_start3A_186 = arith.constant 0 : i32
        %dma_start3A_187 = tpu.memref_slice %arg2[%add3A_181, %dma_start3A_186] : memref<86016x128xf32, #tpu.memory_space<hbm>> -> memref<512x128xf32, #tpu.memory_space<hbm>>
        tpu.enqueue_dma source(%dma_start3A_187 : memref<512x128xf32, #tpu.memory_space<hbm>>) target(%dma_start3A_185 : memref<512x128xf32, #tpu.memory_space<vmem_shared>>) target_semaphore(%run_scoped3A : memref<!tpu.dma_semaphore, #tpu.memory_space<semaphore_mem>>)
        %dma_wait3A_188 = arith.constant 0 : i32
        %dma_wait3A_189 = tpu.memref_slice %arg7[%mul3A_183, %dma_wait3A_188] : memref<12808x128xf32, #tpu.memory_space<vmem_shared>> -> memref<512x128xf32, #tpu.memory_space<vmem_shared>>
        %dma_wait3A_190 = arith.constant 0 : i32
        %dma_wait3A_191 = tpu.memref_slice %arg2[%add3A_181, %dma_wait3A_190] : memref<86016x128xf32, #tpu.memory_space<hbm>> -> memref<512x128xf32, #tpu.memory_space<hbm>>
        tpu.wait_dma2 semaphore(%run_scoped3A : memref<!tpu.dma_semaphore, #tpu.memory_space<semaphore_mem>>) src(%dma_wait3A_191 : memref<512x128xf32, #tpu.memory_space<hbm>>) dst(%dma_wait3A_189 : memref<512x128xf32, #tpu.memory_space<vmem_shared>>)
        tpu.yield
      }) : () -> ()
    } else {
    }
    %barrier3A_107 = arith.constant 0 : index
    tpu.barrier barrier_id(%barrier3A_107)
    %add3A_108 = arith.constant 0 : i32
    %add3A_109 = arith.addi %add3A_1, %add3A_108 : i32
    %dma_start3A_110 = arith.constant 0 : i32
    %dma_start3A_111 = arith.constant 0 : i32
    %dma_start3A_112 = tpu.memref_slice %arg5[%dma_start3A_110, %dma_start3A_111] : memref<4x32xi32, #tpu.memory_space<vmem>> -> memref<1x32xi32, #tpu.memory_space<vmem>>
    %dma_start3A_113 = tpu.memref_squeeze %dma_start3A_112 : memref<1x32xi32, #tpu.memory_space<vmem>> -> memref<32xi32, #tpu.memory_space<vmem>>
    %dma_start3A_114 = tpu.memref_slice %arg3[%add3A_109] : memref<86016xi32, #tpu.memory_space<hbm>> -> memref<32xi32, #tpu.memory_space<hbm>>
    %dma_start3A_115 = arith.constant 0 : i32
    %dma_start3A_116 = tpu.memref_slice %arg5[%dma_start3A_110, %dma_start3A_115] : memref<4x32xi32, #tpu.memory_space<vmem>> -> memref<1x32xi32, #tpu.memory_space<vmem>>
    %dma_start3A_117 = tpu.memref_squeeze %dma_start3A_116 : memref<1x32xi32, #tpu.memory_space<vmem>> -> memref<32xi32, #tpu.memory_space<vmem>>
    %dma_start3A_118 = tpu.memref_slice %arg3[%add3A_109] : memref<86016xi32, #tpu.memory_space<hbm>> -> memref<32xi32, #tpu.memory_space<hbm>>
    tpu.enqueue_dma source(%dma_start3A_118 : memref<32xi32, #tpu.memory_space<hbm>>) target(%dma_start3A_117 : memref<32xi32, #tpu.memory_space<vmem>>) target_semaphore(%arg16 : memref<!tpu.dma_semaphore, #tpu.memory_space<semaphore_mem>>)
    %add3A_119 = arith.constant 0 : i32
    %add3A_120 = arith.addi %add3A_1, %add3A_119 : i32
    %dma_start3A_121 = arith.constant 0 : i32
    %dma_start3A_122 = tpu.memref_slice %arg2[%add3A_120, %dma_start3A_121] : memref<86016x128xf32, #tpu.memory_space<hbm>> -> memref<32x128xf32, #tpu.memory_space<hbm>>
    %dma_start3A_123 = arith.constant 0 : i32
    %dma_start3A_124 = tpu.memref_slice %arg2[%add3A_120, %dma_start3A_123] : memref<86016x128xf32, #tpu.memory_space<hbm>> -> memref<32x128xf32, #tpu.memory_space<hbm>>
    tpu.enqueue_dma source(%dma_start3A_124 : memref<32x128xf32, #tpu.memory_space<hbm>>) target(%arg8 : memref<32x128xf32, #tpu.memory_space<vmem>>) target_semaphore(%arg12 : memref<!tpu.dma_semaphore, #tpu.memory_space<semaphore_mem>>)
    %add3A_125 = arith.constant 32 : i32
    %add3A_126 = arith.addi %add3A_1, %add3A_125 : i32
    %dma_start3A_127 = arith.constant 1 : i32
    %dma_start3A_128 = arith.constant 0 : i32
    %dma_start3A_129 = tpu.memref_slice %arg5[%dma_start3A_127, %dma_start3A_128] : memref<4x32xi32, #tpu.memory_space<vmem>> -> memref<1x32xi32, #tpu.memory_space<vmem>>
    %dma_start3A_130 = tpu.memref_squeeze %dma_start3A_129 : memref<1x32xi32, #tpu.memory_space<vmem>> -> memref<32xi32, #tpu.memory_space<vmem>>
    %dma_start3A_131 = tpu.memref_slice %arg3[%add3A_126] : memref<86016xi32, #tpu.memory_space<hbm>> -> memref<32xi32, #tpu.memory_space<hbm>>
    %dma_start3A_132 = arith.constant 0 : i32
    %dma_start3A_133 = tpu.memref_slice %arg5[%dma_start3A_127, %dma_start3A_132] : memref<4x32xi32, #tpu.memory_space<vmem>> -> memref<1x32xi32, #tpu.memory_space<vmem>>
    %dma_start3A_134 = tpu.memref_squeeze %dma_start3A_133 : memref<1x32xi32, #tpu.memory_space<vmem>> -> memref<32xi32, #tpu.memory_space<vmem>>
    %dma_start3A_135 = tpu.memref_slice %arg3[%add3A_126] : memref<86016xi32, #tpu.memory_space<hbm>> -> memref<32xi32, #tpu.memory_space<hbm>>
    tpu.enqueue_dma source(%dma_start3A_135 : memref<32xi32, #tpu.memory_space<hbm>>) target(%dma_start3A_134 : memref<32xi32, #tpu.memory_space<vmem>>) target_semaphore(%arg17 : memref<!tpu.dma_semaphore, #tpu.memory_space<semaphore_mem>>)
    %add3A_136 = arith.constant 32 : i32
    %add3A_137 = arith.addi %add3A_1, %add3A_136 : i32
    %dma_start3A_138 = arith.constant 0 : i32
    %dma_start3A_139 = tpu.memref_slice %arg2[%add3A_137, %dma_start3A_138] : memref<86016x128xf32, #tpu.memory_space<hbm>> -> memref<32x128xf32, #tpu.memory_space<hbm>>
    %dma_start3A_140 = arith.constant 0 : i32
    %dma_start3A_141 = tpu.memref_slice %arg2[%add3A_137, %dma_start3A_140] : memref<86016x128xf32, #tpu.memory_space<hbm>> -> memref<32x128xf32, #tpu.memory_space<hbm>>
    tpu.enqueue_dma source(%dma_start3A_141 : memref<32x128xf32, #tpu.memory_space<hbm>>) target(%arg9 : memref<32x128xf32, #tpu.memory_space<vmem>>) target_semaphore(%arg13 : memref<!tpu.dma_semaphore, #tpu.memory_space<semaphore_mem>>)
    %scan3A_142 = arith.constant 0 : i32
    %scan3A_143 = arith.constant 0 : i32
    %scan3A_144 = arith.constant 17 : i32
    %scan3A_145 = arith.addi %scan3A_143, %scan3A_144 : i32
    %scan3A_146 = arith.constant 1 : i32
    %scan3A_147 = scf.for %scan3A_179 = %scan3A_143 to %scan3A_145 step %scan3A_146 iter_args(%scan3A_180 = %scan3A_142) -> (i32)  : i32 {
      %mul3A_181 = arith.constant 4 : i32
      %mul3A_182 = arith.muli %scan3A_179, %mul3A_181 : i32
      %add3A_183 = arith.constant 0 : i32
      %add3A_184 = arith.addi %mul3A_182, %add3A_183 : i32
      %dma_wait3A_185 = arith.constant 0 : i32
      %dma_wait3A_186 = arith.constant 0 : i32
      %dma_wait3A_187 = tpu.memref_slice %arg5[%dma_wait3A_185, %dma_wait3A_186] : memref<4x32xi32, #tpu.memory_space<vmem>> -> memref<1x32xi32, #tpu.memory_space<vmem>>
      %dma_wait3A_188 = tpu.memref_squeeze %dma_wait3A_187 : memref<1x32xi32, #tpu.memory_space<vmem>> -> memref<32xi32, #tpu.memory_space<vmem>>
      %dma_wait3A_189 = arith.constant 0 : i32
      %dma_wait3A_190 = tpu.memref_slice %arg3[%dma_wait3A_189] : memref<86016xi32, #tpu.memory_space<hbm>> -> memref<32xi32, #tpu.memory_space<hbm>>
      %dma_wait3A_191 = arith.constant 0 : i32
      %dma_wait3A_192 = tpu.memref_slice %arg5[%dma_wait3A_185, %dma_wait3A_191] : memref<4x32xi32, #tpu.memory_space<vmem>> -> memref<1x32xi32, #tpu.memory_space<vmem>>
      %dma_wait3A_193 = tpu.memref_squeeze %dma_wait3A_192 : memref<1x32xi32, #tpu.memory_space<vmem>> -> memref<32xi32, #tpu.memory_space<vmem>>
      %dma_wait3A_194 = arith.constant 0 : i32
      %dma_wait3A_195 = tpu.memref_slice %arg3[%dma_wait3A_194] : memref<86016xi32, #tpu.memory_space<hbm>> -> memref<32xi32, #tpu.memory_space<hbm>>
      tpu.wait_dma2 semaphore(%arg16 : memref<!tpu.dma_semaphore, #tpu.memory_space<semaphore_mem>>) src(%dma_wait3A_195 : memref<32xi32, #tpu.memory_space<hbm>>) dst(%dma_wait3A_193 : memref<32xi32, #tpu.memory_space<vmem>>)
      %get3A = arith.constant 0 : i32
      %get3A_196 = arith.index_cast %get3A : i32 to index
      %get3A_197 = arith.constant 0 : index
      %get3A_198 = tpu.vector_load %arg5[%get3A_196, %get3A_197] {strides = array<i32>} : memref<4x32xi32, #tpu.memory_space<vmem>>, vector<1x16xi32>,
      %get3A_199 = vector.shape_cast %get3A_198 : vector<1x16xi32> to vector<16xi32>
      %sub3A = vector.broadcast %mul3A_92 : i32 to vector<16xi32>
      %sub3A_200 = arith.subi %get3A_199, %sub3A : vector<16xi32>
      %ge3A = arith.constant 0 : i32
      %ge3A_201 = vector.broadcast %ge3A : i32 to vector<16xi32>
      %ge3A_202 = arith.cmpi sge, %sub3A_200, %ge3A_201 : vector<16xi32>
      %lt3A_203 = arith.constant 12800 : i32
      %lt3A_204 = vector.broadcast %lt3A_203 : i32 to vector<16xi32>
      %lt3A_205 = arith.cmpi slt, %sub3A_200, %lt3A_204 : vector<16xi32>
      %and3A = arith.andi %ge3A_202, %lt3A_205 : vector<16xi1>
      %jit3A = arith.constant 12800 : i32
      %broadcast_in_dim3A = vector.broadcast %jit3A : i32 to vector<16xi32>
      %select_n3A = arith.select %and3A, %sub3A_200, %broadcast_in_dim3A : vector<16xi1>, vector<16xi32>
      %swap3A = arith.constant 0 : i32
      %swap3A_206 = arith.index_cast %swap3A : i32 to index
      %swap3A_207 = arith.constant 0 : index
      %swap3A_208 = tpu.vector_load %arg6[%swap3A_206, %swap3A_207] {strides = array<i32>} : memref<4x32xi32, #tpu.memory_space<vmem>>, vector<1x16xi32>,
      %swap3A_209 = vector.shape_cast %swap3A_208 : vector<1x16xi32> to vector<16xi32>
      %swap3A_210 = vector.shape_cast %select_n3A : vector<16xi32> to vector<1x16xi32>
      tpu.vector_store %arg6[%swap3A_206, %swap3A_207], %swap3A_210 {strides = array<i32>} : memref<4x32xi32, #tpu.memory_space<vmem>>, vector<1x16xi32>,
      %get3A_211 = arith.constant 0 : i32
      %get3A_212 = arith.index_cast %get3A_211 : i32 to index
      %get3A_213 = arith.constant 16 : index
      %get3A_214 = tpu.vector_load %arg5[%get3A_212, %get3A_213] {strides = array<i32>} : memref<4x32xi32, #tpu.memory_space<vmem>>, vector<1x16xi32>,
      %get3A_215 = vector.shape_cast %get3A_214 : vector<1x16xi32> to vector<16xi32>
      %sub3A_216 = vector.broadcast %mul3A_92 : i32 to vector<16xi32>
      %sub3A_217 = arith.subi %get3A_215, %sub3A_216 : vector<16xi32>
      %ge3A_218 = arith.constant 0 : i32
      %ge3A_219 = vector.broadcast %ge3A_218 : i32 to vector<16xi32>
      %ge3A_220 = arith.cmpi sge, %sub3A_217, %ge3A_219 : vector<16xi32>
      %lt3A_221 = arith.constant 12800 : i32
      %lt3A_222 = vector.broadcast %lt3A_221 : i32 to vector<16xi32>
      %lt3A_223 = arith.cmpi slt, %sub3A_217, %lt3A_222 : vector<16xi32>
      %and3A_224 = arith.andi %ge3A_220, %lt3A_223 : vector<16xi1>
      %jit3A_225 = arith.constant 12800 : i32
      %broadcast_in_dim3A_226 = vector.broadcast %jit3A_225 : i32 to vector<16xi32>
      %select_n3A_227 = arith.select %and3A_224, %sub3A_217, %broadcast_in_dim3A_226 : vector<16xi1>, vector<16xi32>
      %swap3A_228 = arith.constant 0 : i32
      %swap3A_229 = arith.index_cast %swap3A_228 : i32 to index
      %swap3A_230 = arith.constant 16 : index
      %swap3A_231 = tpu.vector_load %arg6[%swap3A_229, %swap3A_230] {strides = array<i32>} : memref<4x32xi32, #tpu.memory_space<vmem>>, vector<1x16xi32>,
      %swap3A_232 = vector.shape_cast %swap3A_231 : vector<1x16xi32> to vector<16xi32>
      %swap3A_233 = vector.shape_cast %select_n3A_227 : vector<16xi32> to vector<1x16xi32>
      tpu.vector_store %arg6[%swap3A_229, %swap3A_230], %swap3A_233 {strides = array<i32>} : memref<4x32xi32, #tpu.memory_space<vmem>>, vector<1x16xi32>,
      %dma_wait3A_234 = arith.constant 0 : i32
      %dma_wait3A_235 = arith.constant 0 : i32
      %dma_wait3A_236 = tpu.memref_slice %arg2[%dma_wait3A_234, %dma_wait3A_235] : memref<86016x128xf32, #tpu.memory_space<hbm>> -> memref<32x128xf32, #tpu.memory_space<hbm>>
      %dma_wait3A_237 = arith.constant 0 : i32
      %dma_wait3A_238 = arith.constant 0 : i32
      %dma_wait3A_239 = tpu.memref_slice %arg2[%dma_wait3A_237, %dma_wait3A_238] : memref<86016x128xf32, #tpu.memory_space<hbm>> -> memref<32x128xf32, #tpu.memory_space<hbm>>
      tpu.wait_dma2 semaphore(%arg12 : memref<!tpu.dma_semaphore, #tpu.memory_space<semaphore_mem>>) src(%dma_wait3A_239 : memref<32x128xf32, #tpu.memory_space<hbm>>) dst(%arg8 : memref<32x128xf32, #tpu.memory_space<vmem>>)
      %dma_start3A_240 = arith.constant 0 : i32
      %dma_start3A_241 = arith.constant 0 : i32
      %dma_start3A_242 = tpu.memref_slice %arg6[%dma_start3A_240, %dma_start3A_241] : memref<4x32xi32, #tpu.memory_space<vmem>> -> memref<1x32xi32, #tpu.memory_space<vmem>>
      %dma_start3A_243 = tpu.memref_squeeze %dma_start3A_242 : memref<1x32xi32, #tpu.memory_space<vmem>> -> memref<32xi32, #tpu.memory_space<vmem>>
      %dma_start3A_244 = arith.constant 0 : i32
      %dma_start3A_245 = arith.constant 0 : i32
      %dma_start3A_246 = tpu.memref_slice %arg7[%dma_start3A_244, %dma_start3A_245] : memref<12808x128xf32, #tpu.memory_space<vmem_shared>> -> memref<12808x128xf32, #tpu.memory_space<vmem_shared>>
      tpu.enqueue_indirect_dma source(%arg8 : memref<32x128xf32, #tpu.memory_space<vmem>>) target(%dma_start3A_246 : memref<12808x128xf32, #tpu.memory_space<vmem_shared>>) offsets(%dma_start3A_243 : memref<32xi32, #tpu.memory_space<vmem>>) semaphore(%arg20 : memref<!tpu.dma_semaphore, #tpu.memory_space<semaphore_mem>>) {add = true}
      %gt3A = arith.constant 0 : i32
      %gt3A_247 = arith.cmpi sgt, %scan3A_179, %gt3A : i32
      %convert_element_type3A_248 = arith.extui %gt3A_247 : i1 to i32
      %cond3A_249 = arith.constant 0 : i32
      %cond3A_250 = arith.cmpi ne, %convert_element_type3A_248, %cond3A_249 : i32
      scf.if %cond3A_250 {
        %dma_wait3A_521 = arith.constant 2 : i32
        %dma_wait3A_522 = arith.constant 0 : i32
        %dma_wait3A_523 = tpu.memref_slice %arg6[%dma_wait3A_521, %dma_wait3A_522] : memref<4x32xi32, #tpu.memory_space<vmem>> -> memref<1x32xi32, #tpu.memory_space<vmem>>
        %dma_wait3A_524 = tpu.memref_squeeze %dma_wait3A_523 : memref<1x32xi32, #tpu.memory_space<vmem>> -> memref<32xi32, #tpu.memory_space<vmem>>
        %dma_wait3A_525 = arith.constant 0 : i32
        %dma_wait3A_526 = arith.constant 0 : i32
        %dma_wait3A_527 = tpu.memref_slice %arg7[%dma_wait3A_525, %dma_wait3A_526] : memref<12808x128xf32, #tpu.memory_space<vmem_shared>> -> memref<12808x128xf32, #tpu.memory_space<vmem_shared>>
        tpu.wait_indirect_dma semaphore(%arg22 : memref<!tpu.dma_semaphore, #tpu.memory_space<semaphore_mem>>) src(%arg10 : memref<32x128xf32, #tpu.memory_space<vmem>>) dst(%dma_wait3A_527 : memref<12808x128xf32, #tpu.memory_space<vmem_shared>>)
      } else {
      }
      %add3A_251 = arith.constant 2 : i32
      %add3A_252 = arith.addi %add3A_184, %add3A_251 : i32
      %lt3A_253 = arith.constant 68 : i32
      %lt3A_254 = arith.cmpi slt, %add3A_252, %lt3A_253 : i32
      %convert_element_type3A_255 = arith.extui %lt3A_254 : i1 to i32
      %cond3A_256 = arith.constant 0 : i32
      %cond3A_257 = arith.cmpi ne, %convert_element_type3A_255, %cond3A_256 : i32
      scf.if %cond3A_257 {
        %add3A_521 = arith.constant 2 : i32
        %add3A_522 = arith.addi %add3A_184, %add3A_521 : i32
        %mul3A_523 = arith.constant 32 : i32
        %mul3A_524 = arith.muli %add3A_522, %mul3A_523 : i32
        %add3A_525 = arith.addi %add3A_1, %mul3A_524 : i32
        %dma_start3A_526 = arith.constant 2 : i32
        %dma_start3A_527 = arith.constant 0 : i32
        %dma_start3A_528 = tpu.memref_slice %arg5[%dma_start3A_526, %dma_start3A_527] : memref<4x32xi32, #tpu.memory_space<vmem>> -> memref<1x32xi32, #tpu.memory_space<vmem>>
        %dma_start3A_529 = tpu.memref_squeeze %dma_start3A_528 : memref<1x32xi32, #tpu.memory_space<vmem>> -> memref<32xi32, #tpu.memory_space<vmem>>
        %dma_start3A_530 = tpu.memref_slice %arg3[%add3A_525] : memref<86016xi32, #tpu.memory_space<hbm>> -> memref<32xi32, #tpu.memory_space<hbm>>
        %dma_start3A_531 = arith.constant 0 : i32
        %dma_start3A_532 = tpu.memref_slice %arg5[%dma_start3A_526, %dma_start3A_531] : memref<4x32xi32, #tpu.memory_space<vmem>> -> memref<1x32xi32, #tpu.memory_space<vmem>>
        %dma_start3A_533 = tpu.memref_squeeze %dma_start3A_532 : memref<1x32xi32, #tpu.memory_space<vmem>> -> memref<32xi32, #tpu.memory_space<vmem>>
        %dma_start3A_534 = tpu.memref_slice %arg3[%add3A_525] : memref<86016xi32, #tpu.memory_space<hbm>> -> memref<32xi32, #tpu.memory_space<hbm>>
        tpu.enqueue_dma source(%dma_start3A_534 : memref<32xi32, #tpu.memory_space<hbm>>) target(%dma_start3A_533 : memref<32xi32, #tpu.memory_space<vmem>>) target_semaphore(%arg18 : memref<!tpu.dma_semaphore, #tpu.memory_space<semaphore_mem>>)
        %mul3A_535 = arith.constant 32 : i32
        %mul3A_536 = arith.muli %add3A_522, %mul3A_535 : i32
        %add3A_537 = arith.addi %add3A_1, %mul3A_536 : i32
        %dma_start3A_538 = arith.constant 0 : i32
        %dma_start3A_539 = tpu.memref_slice %arg2[%add3A_537, %dma_start3A_538] : memref<86016x128xf32, #tpu.memory_space<hbm>> -> memref<32x128xf32, #tpu.memory_space<hbm>>
        %dma_start3A_540 = arith.constant 0 : i32
        %dma_start3A_541 = tpu.memref_slice %arg2[%add3A_537, %dma_start3A_540] : memref<86016x128xf32, #tpu.memory_space<hbm>> -> memref<32x128xf32, #tpu.memory_space<hbm>>
        tpu.enqueue_dma source(%dma_start3A_541 : memref<32x128xf32, #tpu.memory_space<hbm>>) target(%arg10 : memref<32x128xf32, #tpu.memory_space<vmem>>) target_semaphore(%arg14 : memref<!tpu.dma_semaphore, #tpu.memory_space<semaphore_mem>>)
      } else {
      }
      %mul3A_258 = arith.constant 4 : i32
      %mul3A_259 = arith.muli %scan3A_179, %mul3A_258 : i32
      %add3A_260 = arith.constant 1 : i32
      %add3A_261 = arith.addi %mul3A_259, %add3A_260 : i32
      %dma_wait3A_262 = arith.constant 1 : i32
      %dma_wait3A_263 = arith.constant 0 : i32
      %dma_wait3A_264 = tpu.memref_slice %arg5[%dma_wait3A_262, %dma_wait3A_263] : memref<4x32xi32, #tpu.memory_space<vmem>> -> memref<1x32xi32, #tpu.memory_space<vmem>>
      %dma_wait3A_265 = tpu.memref_squeeze %dma_wait3A_264 : memref<1x32xi32, #tpu.memory_space<vmem>> -> memref<32xi32, #tpu.memory_space<vmem>>
      %dma_wait3A_266 = arith.constant 0 : i32
      %dma_wait3A_267 = tpu.memref_slice %arg3[%dma_wait3A_266] : memref<86016xi32, #tpu.memory_space<hbm>> -> memref<32xi32, #tpu.memory_space<hbm>>
      %dma_wait3A_268 = arith.constant 0 : i32
      %dma_wait3A_269 = tpu.memref_slice %arg5[%dma_wait3A_262, %dma_wait3A_268] : memref<4x32xi32, #tpu.memory_space<vmem>> -> memref<1x32xi32, #tpu.memory_space<vmem>>
      %dma_wait3A_270 = tpu.memref_squeeze %dma_wait3A_269 : memref<1x32xi32, #tpu.memory_space<vmem>> -> memref<32xi32, #tpu.memory_space<vmem>>
      %dma_wait3A_271 = arith.constant 0 : i32
      %dma_wait3A_272 = tpu.memref_slice %arg3[%dma_wait3A_271] : memref<86016xi32, #tpu.memory_space<hbm>> -> memref<32xi32, #tpu.memory_space<hbm>>
      tpu.wait_dma2 semaphore(%arg17 : memref<!tpu.dma_semaphore, #tpu.memory_space<semaphore_mem>>) src(%dma_wait3A_272 : memref<32xi32, #tpu.memory_space<hbm>>) dst(%dma_wait3A_270 : memref<32xi32, #tpu.memory_space<vmem>>)
      %get3A_273 = arith.constant 1 : i32
      %get3A_274 = arith.index_cast %get3A_273 : i32 to index
      %get3A_275 = arith.constant 0 : index
      %get3A_276 = tpu.vector_load %arg5[%get3A_274, %get3A_275] {strides = array<i32>} : memref<4x32xi32, #tpu.memory_space<vmem>>, vector<1x16xi32>,
      %get3A_277 = vector.shape_cast %get3A_276 : vector<1x16xi32> to vector<16xi32>
      %sub3A_278 = vector.broadcast %mul3A_92 : i32 to vector<16xi32>
      %sub3A_279 = arith.subi %get3A_277, %sub3A_278 : vector<16xi32>
      %ge3A_280 = arith.constant 0 : i32
      %ge3A_281 = vector.broadcast %ge3A_280 : i32 to vector<16xi32>
      %ge3A_282 = arith.cmpi sge, %sub3A_279, %ge3A_281 : vector<16xi32>
      %lt3A_283 = arith.constant 12800 : i32
      %lt3A_284 = vector.broadcast %lt3A_283 : i32 to vector<16xi32>
      %lt3A_285 = arith.cmpi slt, %sub3A_279, %lt3A_284 : vector<16xi32>
      %and3A_286 = arith.andi %ge3A_282, %lt3A_285 : vector<16xi1>
      %jit3A_287 = arith.constant 12800 : i32
      %broadcast_in_dim3A_288 = vector.broadcast %jit3A_287 : i32 to vector<16xi32>
      %select_n3A_289 = arith.select %and3A_286, %sub3A_279, %broadcast_in_dim3A_288 : vector<16xi1>, vector<16xi32>
      %swap3A_290 = arith.constant 1 : i32
      %swap3A_291 = arith.index_cast %swap3A_290 : i32 to index
      %swap3A_292 = arith.constant 0 : index
      %swap3A_293 = tpu.vector_load %arg6[%swap3A_291, %swap3A_292] {strides = array<i32>} : memref<4x32xi32, #tpu.memory_space<vmem>>, vector<1x16xi32>,
      %swap3A_294 = vector.shape_cast %swap3A_293 : vector<1x16xi32> to vector<16xi32>
      %swap3A_295 = vector.shape_cast %select_n3A_289 : vector<16xi32> to vector<1x16xi32>
      tpu.vector_store %arg6[%swap3A_291, %swap3A_292], %swap3A_295 {strides = array<i32>} : memref<4x32xi32, #tpu.memory_space<vmem>>, vector<1x16xi32>,
      %get3A_296 = arith.constant 1 : i32
      %get3A_297 = arith.index_cast %get3A_296 : i32 to index
      %get3A_298 = arith.constant 16 : index
      %get3A_299 = tpu.vector_load %arg5[%get3A_297, %get3A_298] {strides = array<i32>} : memref<4x32xi32, #tpu.memory_space<vmem>>, vector<1x16xi32>,
      %get3A_300 = vector.shape_cast %get3A_299 : vector<1x16xi32> to vector<16xi32>
      %sub3A_301 = vector.broadcast %mul3A_92 : i32 to vector<16xi32>
      %sub3A_302 = arith.subi %get3A_300, %sub3A_301 : vector<16xi32>
      %ge3A_303 = arith.constant 0 : i32
      %ge3A_304 = vector.broadcast %ge3A_303 : i32 to vector<16xi32>
      %ge3A_305 = arith.cmpi sge, %sub3A_302, %ge3A_304 : vector<16xi32>
      %lt3A_306 = arith.constant 12800 : i32
      %lt3A_307 = vector.broadcast %lt3A_306 : i32 to vector<16xi32>
      %lt3A_308 = arith.cmpi slt, %sub3A_302, %lt3A_307 : vector<16xi32>
      %and3A_309 = arith.andi %ge3A_305, %lt3A_308 : vector<16xi1>
      %jit3A_310 = arith.constant 12800 : i32
      %broadcast_in_dim3A_311 = vector.broadcast %jit3A_310 : i32 to vector<16xi32>
      %select_n3A_312 = arith.select %and3A_309, %sub3A_302, %broadcast_in_dim3A_311 : vector<16xi1>, vector<16xi32>
      %swap3A_313 = arith.constant 1 : i32
      %swap3A_314 = arith.index_cast %swap3A_313 : i32 to index
      %swap3A_315 = arith.constant 16 : index
      %swap3A_316 = tpu.vector_load %arg6[%swap3A_314, %swap3A_315] {strides = array<i32>} : memref<4x32xi32, #tpu.memory_space<vmem>>, vector<1x16xi32>,
      %swap3A_317 = vector.shape_cast %swap3A_316 : vector<1x16xi32> to vector<16xi32>
      %swap3A_318 = vector.shape_cast %select_n3A_312 : vector<16xi32> to vector<1x16xi32>
      tpu.vector_store %arg6[%swap3A_314, %swap3A_315], %swap3A_318 {strides = array<i32>} : memref<4x32xi32, #tpu.memory_space<vmem>>, vector<1x16xi32>,
      %dma_wait3A_319 = arith.constant 0 : i32
      %dma_wait3A_320 = arith.constant 0 : i32
      %dma_wait3A_321 = tpu.memref_slice %arg2[%dma_wait3A_319, %dma_wait3A_320] : memref<86016x128xf32, #tpu.memory_space<hbm>> -> memref<32x128xf32, #tpu.memory_space<hbm>>
      %dma_wait3A_322 = arith.constant 0 : i32
      %dma_wait3A_323 = arith.constant 0 : i32
      %dma_wait3A_324 = tpu.memref_slice %arg2[%dma_wait3A_322, %dma_wait3A_323] : memref<86016x128xf32, #tpu.memory_space<hbm>> -> memref<32x128xf32, #tpu.memory_space<hbm>>
      tpu.wait_dma2 semaphore(%arg13 : memref<!tpu.dma_semaphore, #tpu.memory_space<semaphore_mem>>) src(%dma_wait3A_324 : memref<32x128xf32, #tpu.memory_space<hbm>>) dst(%arg9 : memref<32x128xf32, #tpu.memory_space<vmem>>)
      %dma_start3A_325 = arith.constant 1 : i32
      %dma_start3A_326 = arith.constant 0 : i32
      %dma_start3A_327 = tpu.memref_slice %arg6[%dma_start3A_325, %dma_start3A_326] : memref<4x32xi32, #tpu.memory_space<vmem>> -> memref<1x32xi32, #tpu.memory_space<vmem>>
      %dma_start3A_328 = tpu.memref_squeeze %dma_start3A_327 : memref<1x32xi32, #tpu.memory_space<vmem>> -> memref<32xi32, #tpu.memory_space<vmem>>
      %dma_start3A_329 = arith.constant 0 : i32
      %dma_start3A_330 = arith.constant 0 : i32
      %dma_start3A_331 = tpu.memref_slice %arg7[%dma_start3A_329, %dma_start3A_330] : memref<12808x128xf32, #tpu.memory_space<vmem_shared>> -> memref<12808x128xf32, #tpu.memory_space<vmem_shared>>
      tpu.enqueue_indirect_dma source(%arg9 : memref<32x128xf32, #tpu.memory_space<vmem>>) target(%dma_start3A_331 : memref<12808x128xf32, #tpu.memory_space<vmem_shared>>) offsets(%dma_start3A_328 : memref<32xi32, #tpu.memory_space<vmem>>) semaphore(%arg21 : memref<!tpu.dma_semaphore, #tpu.memory_space<semaphore_mem>>) {add = true}
      %gt3A_332 = arith.constant 0 : i32
      %gt3A_333 = arith.cmpi sgt, %scan3A_179, %gt3A_332 : i32
      %convert_element_type3A_334 = arith.extui %gt3A_333 : i1 to i32
      %cond3A_335 = arith.constant 0 : i32
      %cond3A_336 = arith.cmpi ne, %convert_element_type3A_334, %cond3A_335 : i32
      scf.if %cond3A_336 {
        %dma_wait3A_521 = arith.constant 3 : i32
        %dma_wait3A_522 = arith.constant 0 : i32
        %dma_wait3A_523 = tpu.memref_slice %arg6[%dma_wait3A_521, %dma_wait3A_522] : memref<4x32xi32, #tpu.memory_space<vmem>> -> memref<1x32xi32, #tpu.memory_space<vmem>>
        %dma_wait3A_524 = tpu.memref_squeeze %dma_wait3A_523 : memref<1x32xi32, #tpu.memory_space<vmem>> -> memref<32xi32, #tpu.memory_space<vmem>>
        %dma_wait3A_525 = arith.constant 0 : i32
        %dma_wait3A_526 = arith.constant 0 : i32
        %dma_wait3A_527 = tpu.memref_slice %arg7[%dma_wait3A_525, %dma_wait3A_526] : memref<12808x128xf32, #tpu.memory_space<vmem_shared>> -> memref<12808x128xf32, #tpu.memory_space<vmem_shared>>
        tpu.wait_indirect_dma semaphore(%arg23 : memref<!tpu.dma_semaphore, #tpu.memory_space<semaphore_mem>>) src(%arg11 : memref<32x128xf32, #tpu.memory_space<vmem>>) dst(%dma_wait3A_527 : memref<12808x128xf32, #tpu.memory_space<vmem_shared>>)
      } else {
      }
      %add3A_337 = arith.constant 2 : i32
      %add3A_338 = arith.addi %add3A_261, %add3A_337 : i32
      %lt3A_339 = arith.constant 68 : i32
      %lt3A_340 = arith.cmpi slt, %add3A_338, %lt3A_339 : i32
      %convert_element_type3A_341 = arith.extui %lt3A_340 : i1 to i32
      %cond3A_342 = arith.constant 0 : i32
      %cond3A_343 = arith.cmpi ne, %convert_element_type3A_341, %cond3A_342 : i32
      scf.if %cond3A_343 {
        %add3A_521 = arith.constant 2 : i32
        %add3A_522 = arith.addi %add3A_261, %add3A_521 : i32
        %mul3A_523 = arith.constant 32 : i32
        %mul3A_524 = arith.muli %add3A_522, %mul3A_523 : i32
        %add3A_525 = arith.addi %add3A_1, %mul3A_524 : i32
        %dma_start3A_526 = arith.constant 3 : i32
        %dma_start3A_527 = arith.constant 0 : i32
        %dma_start3A_528 = tpu.memref_slice %arg5[%dma_start3A_526, %dma_start3A_527] : memref<4x32xi32, #tpu.memory_space<vmem>> -> memref<1x32xi32, #tpu.memory_space<vmem>>
        %dma_start3A_529 = tpu.memref_squeeze %dma_start3A_528 : memref<1x32xi32, #tpu.memory_space<vmem>> -> memref<32xi32, #tpu.memory_space<vmem>>
        %dma_start3A_530 = tpu.memref_slice %arg3[%add3A_525] : memref<86016xi32, #tpu.memory_space<hbm>> -> memref<32xi32, #tpu.memory_space<hbm>>
        %dma_start3A_531 = arith.constant 0 : i32
        %dma_start3A_532 = tpu.memref_slice %arg5[%dma_start3A_526, %dma_start3A_531] : memref<4x32xi32, #tpu.memory_space<vmem>> -> memref<1x32xi32, #tpu.memory_space<vmem>>
        %dma_start3A_533 = tpu.memref_squeeze %dma_start3A_532 : memref<1x32xi32, #tpu.memory_space<vmem>> -> memref<32xi32, #tpu.memory_space<vmem>>
        %dma_start3A_534 = tpu.memref_slice %arg3[%add3A_525] : memref<86016xi32, #tpu.memory_space<hbm>> -> memref<32xi32, #tpu.memory_space<hbm>>
        tpu.enqueue_dma source(%dma_start3A_534 : memref<32xi32, #tpu.memory_space<hbm>>) target(%dma_start3A_533 : memref<32xi32, #tpu.memory_space<vmem>>) target_semaphore(%arg19 : memref<!tpu.dma_semaphore, #tpu.memory_space<semaphore_mem>>)
        %mul3A_535 = arith.constant 32 : i32
        %mul3A_536 = arith.muli %add3A_522, %mul3A_535 : i32
        %add3A_537 = arith.addi %add3A_1, %mul3A_536 : i32
        %dma_start3A_538 = arith.constant 0 : i32
        %dma_start3A_539 = tpu.memref_slice %arg2[%add3A_537, %dma_start3A_538] : memref<86016x128xf32, #tpu.memory_space<hbm>> -> memref<32x128xf32, #tpu.memory_space<hbm>>
        %dma_start3A_540 = arith.constant 0 : i32
        %dma_start3A_541 = tpu.memref_slice %arg2[%add3A_537, %dma_start3A_540] : memref<86016x128xf32, #tpu.memory_space<hbm>> -> memref<32x128xf32, #tpu.memory_space<hbm>>
        tpu.enqueue_dma source(%dma_start3A_541 : memref<32x128xf32, #tpu.memory_space<hbm>>) target(%arg11 : memref<32x128xf32, #tpu.memory_space<vmem>>) target_semaphore(%arg15 : memref<!tpu.dma_semaphore, #tpu.memory_space<semaphore_mem>>)
      } else {
      }
      %mul3A_344 = arith.constant 4 : i32
      %mul3A_345 = arith.muli %scan3A_179, %mul3A_344 : i32
      %add3A_346 = arith.constant 2 : i32
      %add3A_347 = arith.addi %mul3A_345, %add3A_346 : i32
      %dma_wait3A_348 = arith.constant 2 : i32
      %dma_wait3A_349 = arith.constant 0 : i32
      %dma_wait3A_350 = tpu.memref_slice %arg5[%dma_wait3A_348, %dma_wait3A_349] : memref<4x32xi32, #tpu.memory_space<vmem>> -> memref<1x32xi32, #tpu.memory_space<vmem>>
      %dma_wait3A_351 = tpu.memref_squeeze %dma_wait3A_350 : memref<1x32xi32, #tpu.memory_space<vmem>> -> memref<32xi32, #tpu.memory_space<vmem>>
      %dma_wait3A_352 = arith.constant 0 : i32
      %dma_wait3A_353 = tpu.memref_slice %arg3[%dma_wait3A_352] : memref<86016xi32, #tpu.memory_space<hbm>> -> memref<32xi32, #tpu.memory_space<hbm>>
      %dma_wait3A_354 = arith.constant 0 : i32
      %dma_wait3A_355 = tpu.memref_slice %arg5[%dma_wait3A_348, %dma_wait3A_354] : memref<4x32xi32, #tpu.memory_space<vmem>> -> memref<1x32xi32, #tpu.memory_space<vmem>>
      %dma_wait3A_356 = tpu.memref_squeeze %dma_wait3A_355 : memref<1x32xi32, #tpu.memory_space<vmem>> -> memref<32xi32, #tpu.memory_space<vmem>>
      %dma_wait3A_357 = arith.constant 0 : i32
      %dma_wait3A_358 = tpu.memref_slice %arg3[%dma_wait3A_357] : memref<86016xi32, #tpu.memory_space<hbm>> -> memref<32xi32, #tpu.memory_space<hbm>>
      tpu.wait_dma2 semaphore(%arg18 : memref<!tpu.dma_semaphore, #tpu.memory_space<semaphore_mem>>) src(%dma_wait3A_358 : memref<32xi32, #tpu.memory_space<hbm>>) dst(%dma_wait3A_356 : memref<32xi32, #tpu.memory_space<vmem>>)
      %get3A_359 = arith.constant 2 : i32
      %get3A_360 = arith.index_cast %get3A_359 : i32 to index
      %get3A_361 = arith.constant 0 : index
      %get3A_362 = tpu.vector_load %arg5[%get3A_360, %get3A_361] {strides = array<i32>} : memref<4x32xi32, #tpu.memory_space<vmem>>, vector<1x16xi32>,
      %get3A_363 = vector.shape_cast %get3A_362 : vector<1x16xi32> to vector<16xi32>
      %sub3A_364 = vector.broadcast %mul3A_92 : i32 to vector<16xi32>
      %sub3A_365 = arith.subi %get3A_363, %sub3A_364 : vector<16xi32>
      %ge3A_366 = arith.constant 0 : i32
      %ge3A_367 = vector.broadcast %ge3A_366 : i32 to vector<16xi32>
      %ge3A_368 = arith.cmpi sge, %sub3A_365, %ge3A_367 : vector<16xi32>
      %lt3A_369 = arith.constant 12800 : i32
      %lt3A_370 = vector.broadcast %lt3A_369 : i32 to vector<16xi32>
      %lt3A_371 = arith.cmpi slt, %sub3A_365, %lt3A_370 : vector<16xi32>
      %and3A_372 = arith.andi %ge3A_368, %lt3A_371 : vector<16xi1>
      %jit3A_373 = arith.constant 12800 : i32
      %broadcast_in_dim3A_374 = vector.broadcast %jit3A_373 : i32 to vector<16xi32>
      %select_n3A_375 = arith.select %and3A_372, %sub3A_365, %broadcast_in_dim3A_374 : vector<16xi1>, vector<16xi32>
      %swap3A_376 = arith.constant 2 : i32
      %swap3A_377 = arith.index_cast %swap3A_376 : i32 to index
      %swap3A_378 = arith.constant 0 : index
      %swap3A_379 = tpu.vector_load %arg6[%swap3A_377, %swap3A_378] {strides = array<i32>} : memref<4x32xi32, #tpu.memory_space<vmem>>, vector<1x16xi32>,
      %swap3A_380 = vector.shape_cast %swap3A_379 : vector<1x16xi32> to vector<16xi32>
      %swap3A_381 = vector.shape_cast %select_n3A_375 : vector<16xi32> to vector<1x16xi32>
      tpu.vector_store %arg6[%swap3A_377, %swap3A_378], %swap3A_381 {strides = array<i32>} : memref<4x32xi32, #tpu.memory_space<vmem>>, vector<1x16xi32>,
      %get3A_382 = arith.constant 2 : i32
      %get3A_383 = arith.index_cast %get3A_382 : i32 to index
      %get3A_384 = arith.constant 16 : index
      %get3A_385 = tpu.vector_load %arg5[%get3A_383, %get3A_384] {strides = array<i32>} : memref<4x32xi32, #tpu.memory_space<vmem>>, vector<1x16xi32>,
      %get3A_386 = vector.shape_cast %get3A_385 : vector<1x16xi32> to vector<16xi32>
      %sub3A_387 = vector.broadcast %mul3A_92 : i32 to vector<16xi32>
      %sub3A_388 = arith.subi %get3A_386, %sub3A_387 : vector<16xi32>
      %ge3A_389 = arith.constant 0 : i32
      %ge3A_390 = vector.broadcast %ge3A_389 : i32 to vector<16xi32>
      %ge3A_391 = arith.cmpi sge, %sub3A_388, %ge3A_390 : vector<16xi32>
      %lt3A_392 = arith.constant 12800 : i32
      %lt3A_393 = vector.broadcast %lt3A_392 : i32 to vector<16xi32>
      %lt3A_394 = arith.cmpi slt, %sub3A_388, %lt3A_393 : vector<16xi32>
      %and3A_395 = arith.andi %ge3A_391, %lt3A_394 : vector<16xi1>
      %jit3A_396 = arith.constant 12800 : i32
      %broadcast_in_dim3A_397 = vector.broadcast %jit3A_396 : i32 to vector<16xi32>
      %select_n3A_398 = arith.select %and3A_395, %sub3A_388, %broadcast_in_dim3A_397 : vector<16xi1>, vector<16xi32>
      %swap3A_399 = arith.constant 2 : i32
      %swap3A_400 = arith.index_cast %swap3A_399 : i32 to index
      %swap3A_401 = arith.constant 16 : index
      %swap3A_402 = tpu.vector_load %arg6[%swap3A_400, %swap3A_401] {strides = array<i32>} : memref<4x32xi32, #tpu.memory_space<vmem>>, vector<1x16xi32>,
      %swap3A_403 = vector.shape_cast %swap3A_402 : vector<1x16xi32> to vector<16xi32>
      %swap3A_404 = vector.shape_cast %select_n3A_398 : vector<16xi32> to vector<1x16xi32>
      tpu.vector_store %arg6[%swap3A_400, %swap3A_401], %swap3A_404 {strides = array<i32>} : memref<4x32xi32, #tpu.memory_space<vmem>>, vector<1x16xi32>,
      %dma_wait3A_405 = arith.constant 0 : i32
      %dma_wait3A_406 = arith.constant 0 : i32
      %dma_wait3A_407 = tpu.memref_slice %arg2[%dma_wait3A_405, %dma_wait3A_406] : memref<86016x128xf32, #tpu.memory_space<hbm>> -> memref<32x128xf32, #tpu.memory_space<hbm>>
      %dma_wait3A_408 = arith.constant 0 : i32
      %dma_wait3A_409 = arith.constant 0 : i32
      %dma_wait3A_410 = tpu.memref_slice %arg2[%dma_wait3A_408, %dma_wait3A_409] : memref<86016x128xf32, #tpu.memory_space<hbm>> -> memref<32x128xf32, #tpu.memory_space<hbm>>
      tpu.wait_dma2 semaphore(%arg14 : memref<!tpu.dma_semaphore, #tpu.memory_space<semaphore_mem>>) src(%dma_wait3A_410 : memref<32x128xf32, #tpu.memory_space<hbm>>) dst(%arg10 : memref<32x128xf32, #tpu.memory_space<vmem>>)
      %dma_start3A_411 = arith.constant 2 : i32
      %dma_start3A_412 = arith.constant 0 : i32
      %dma_start3A_413 = tpu.memref_slice %arg6[%dma_start3A_411, %dma_start3A_412] : memref<4x32xi32, #tpu.memory_space<vmem>> -> memref<1x32xi32, #tpu.memory_space<vmem>>
      %dma_start3A_414 = tpu.memref_squeeze %dma_start3A_413 : memref<1x32xi32, #tpu.memory_space<vmem>> -> memref<32xi32, #tpu.memory_space<vmem>>
      %dma_start3A_415 = arith.constant 0 : i32
      %dma_start3A_416 = arith.constant 0 : i32
      %dma_start3A_417 = tpu.memref_slice %arg7[%dma_start3A_415, %dma_start3A_416] : memref<12808x128xf32, #tpu.memory_space<vmem_shared>> -> memref<12808x128xf32, #tpu.memory_space<vmem_shared>>
      tpu.enqueue_indirect_dma source(%arg10 : memref<32x128xf32, #tpu.memory_space<vmem>>) target(%dma_start3A_417 : memref<12808x128xf32, #tpu.memory_space<vmem_shared>>) offsets(%dma_start3A_414 : memref<32xi32, #tpu.memory_space<vmem>>) semaphore(%arg22 : memref<!tpu.dma_semaphore, #tpu.memory_space<semaphore_mem>>) {add = true}
      %dma_wait3A_418 = arith.constant 0 : i32
      %dma_wait3A_419 = arith.constant 0 : i32
      %dma_wait3A_420 = tpu.memref_slice %arg6[%dma_wait3A_418, %dma_wait3A_419] : memref<4x32xi32, #tpu.memory_space<vmem>> -> memref<1x32xi32, #tpu.memory_space<vmem>>
      %dma_wait3A_421 = tpu.memref_squeeze %dma_wait3A_420 : memref<1x32xi32, #tpu.memory_space<vmem>> -> memref<32xi32, #tpu.memory_space<vmem>>
      %dma_wait3A_422 = arith.constant 0 : i32
      %dma_wait3A_423 = arith.constant 0 : i32
      %dma_wait3A_424 = tpu.memref_slice %arg7[%dma_wait3A_422, %dma_wait3A_423] : memref<12808x128xf32, #tpu.memory_space<vmem_shared>> -> memref<12808x128xf32, #tpu.memory_space<vmem_shared>>
      tpu.wait_indirect_dma semaphore(%arg20 : memref<!tpu.dma_semaphore, #tpu.memory_space<semaphore_mem>>) src(%arg8 : memref<32x128xf32, #tpu.memory_space<vmem>>) dst(%dma_wait3A_424 : memref<12808x128xf32, #tpu.memory_space<vmem_shared>>)
      %add3A_425 = arith.constant 2 : i32
      %add3A_426 = arith.addi %add3A_347, %add3A_425 : i32
      %lt3A_427 = arith.constant 68 : i32
      %lt3A_428 = arith.cmpi slt, %add3A_426, %lt3A_427 : i32
      %convert_element_type3A_429 = arith.extui %lt3A_428 : i1 to i32
      %cond3A_430 = arith.constant 0 : i32
      %cond3A_431 = arith.cmpi ne, %convert_element_type3A_429, %cond3A_430 : i32
      scf.if %cond3A_431 {
        %add3A_521 = arith.constant 2 : i32
        %add3A_522 = arith.addi %add3A_347, %add3A_521 : i32
        %mul3A_523 = arith.constant 32 : i32
        %mul3A_524 = arith.muli %add3A_522, %mul3A_523 : i32
        %add3A_525 = arith.addi %add3A_1, %mul3A_524 : i32
        %dma_start3A_526 = arith.constant 0 : i32
        %dma_start3A_527 = arith.constant 0 : i32
        %dma_start3A_528 = tpu.memref_slice %arg5[%dma_start3A_526, %dma_start3A_527] : memref<4x32xi32, #tpu.memory_space<vmem>> -> memref<1x32xi32, #tpu.memory_space<vmem>>
        %dma_start3A_529 = tpu.memref_squeeze %dma_start3A_528 : memref<1x32xi32, #tpu.memory_space<vmem>> -> memref<32xi32, #tpu.memory_space<vmem>>
        %dma_start3A_530 = tpu.memref_slice %arg3[%add3A_525] : memref<86016xi32, #tpu.memory_space<hbm>> -> memref<32xi32, #tpu.memory_space<hbm>>
        %dma_start3A_531 = arith.constant 0 : i32
        %dma_start3A_532 = tpu.memref_slice %arg5[%dma_start3A_526, %dma_start3A_531] : memref<4x32xi32, #tpu.memory_space<vmem>> -> memref<1x32xi32, #tpu.memory_space<vmem>>
        %dma_start3A_533 = tpu.memref_squeeze %dma_start3A_532 : memref<1x32xi32, #tpu.memory_space<vmem>> -> memref<32xi32, #tpu.memory_space<vmem>>
        %dma_start3A_534 = tpu.memref_slice %arg3[%add3A_525] : memref<86016xi32, #tpu.memory_space<hbm>> -> memref<32xi32, #tpu.memory_space<hbm>>
        tpu.enqueue_dma source(%dma_start3A_534 : memref<32xi32, #tpu.memory_space<hbm>>) target(%dma_start3A_533 : memref<32xi32, #tpu.memory_space<vmem>>) target_semaphore(%arg16 : memref<!tpu.dma_semaphore, #tpu.memory_space<semaphore_mem>>)
        %mul3A_535 = arith.constant 32 : i32
        %mul3A_536 = arith.muli %add3A_522, %mul3A_535 : i32
        %add3A_537 = arith.addi %add3A_1, %mul3A_536 : i32
        %dma_start3A_538 = arith.constant 0 : i32
        %dma_start3A_539 = tpu.memref_slice %arg2[%add3A_537, %dma_start3A_538] : memref<86016x128xf32, #tpu.memory_space<hbm>> -> memref<32x128xf32, #tpu.memory_space<hbm>>
        %dma_start3A_540 = arith.constant 0 : i32
        %dma_start3A_541 = tpu.memref_slice %arg2[%add3A_537, %dma_start3A_540] : memref<86016x128xf32, #tpu.memory_space<hbm>> -> memref<32x128xf32, #tpu.memory_space<hbm>>
        tpu.enqueue_dma source(%dma_start3A_541 : memref<32x128xf32, #tpu.memory_space<hbm>>) target(%arg8 : memref<32x128xf32, #tpu.memory_space<vmem>>) target_semaphore(%arg12 : memref<!tpu.dma_semaphore, #tpu.memory_space<semaphore_mem>>)
      } else {
      }
      %mul3A_432 = arith.constant 4 : i32
      %mul3A_433 = arith.muli %scan3A_179, %mul3A_432 : i32
      %add3A_434 = arith.constant 3 : i32
      %add3A_435 = arith.addi %mul3A_433, %add3A_434 : i32
      %dma_wait3A_436 = arith.constant 3 : i32
      %dma_wait3A_437 = arith.constant 0 : i32
      %dma_wait3A_438 = tpu.memref_slice %arg5[%dma_wait3A_436, %dma_wait3A_437] : memref<4x32xi32, #tpu.memory_space<vmem>> -> memref<1x32xi32, #tpu.memory_space<vmem>>
      %dma_wait3A_439 = tpu.memref_squeeze %dma_wait3A_438 : memref<1x32xi32, #tpu.memory_space<vmem>> -> memref<32xi32, #tpu.memory_space<vmem>>
      %dma_wait3A_440 = arith.constant 0 : i32
      %dma_wait3A_441 = tpu.memref_slice %arg3[%dma_wait3A_440] : memref<86016xi32, #tpu.memory_space<hbm>> -> memref<32xi32, #tpu.memory_space<hbm>>
      %dma_wait3A_442 = arith.constant 0 : i32
      %dma_wait3A_443 = tpu.memref_slice %arg5[%dma_wait3A_436, %dma_wait3A_442] : memref<4x32xi32, #tpu.memory_space<vmem>> -> memref<1x32xi32, #tpu.memory_space<vmem>>
      %dma_wait3A_444 = tpu.memref_squeeze %dma_wait3A_443 : memref<1x32xi32, #tpu.memory_space<vmem>> -> memref<32xi32, #tpu.memory_space<vmem>>
      %dma_wait3A_445 = arith.constant 0 : i32
      %dma_wait3A_446 = tpu.memref_slice %arg3[%dma_wait3A_445] : memref<86016xi32, #tpu.memory_space<hbm>> -> memref<32xi32, #tpu.memory_space<hbm>>
      tpu.wait_dma2 semaphore(%arg19 : memref<!tpu.dma_semaphore, #tpu.memory_space<semaphore_mem>>) src(%dma_wait3A_446 : memref<32xi32, #tpu.memory_space<hbm>>) dst(%dma_wait3A_444 : memref<32xi32, #tpu.memory_space<vmem>>)
      %get3A_447 = arith.constant 3 : i32
      %get3A_448 = arith.index_cast %get3A_447 : i32 to index
      %get3A_449 = arith.constant 0 : index
      %get3A_450 = tpu.vector_load %arg5[%get3A_448, %get3A_449] {strides = array<i32>} : memref<4x32xi32, #tpu.memory_space<vmem>>, vector<1x16xi32>,
      %get3A_451 = vector.shape_cast %get3A_450 : vector<1x16xi32> to vector<16xi32>
      %sub3A_452 = vector.broadcast %mul3A_92 : i32 to vector<16xi32>
      %sub3A_453 = arith.subi %get3A_451, %sub3A_452 : vector<16xi32>
      %ge3A_454 = arith.constant 0 : i32
      %ge3A_455 = vector.broadcast %ge3A_454 : i32 to vector<16xi32>
      %ge3A_456 = arith.cmpi sge, %sub3A_453, %ge3A_455 : vector<16xi32>
      %lt3A_457 = arith.constant 12800 : i32
      %lt3A_458 = vector.broadcast %lt3A_457 : i32 to vector<16xi32>
      %lt3A_459 = arith.cmpi slt, %sub3A_453, %lt3A_458 : vector<16xi32>
      %and3A_460 = arith.andi %ge3A_456, %lt3A_459 : vector<16xi1>
      %jit3A_461 = arith.constant 12800 : i32
      %broadcast_in_dim3A_462 = vector.broadcast %jit3A_461 : i32 to vector<16xi32>
      %select_n3A_463 = arith.select %and3A_460, %sub3A_453, %broadcast_in_dim3A_462 : vector<16xi1>, vector<16xi32>
      %swap3A_464 = arith.constant 3 : i32
      %swap3A_465 = arith.index_cast %swap3A_464 : i32 to index
      %swap3A_466 = arith.constant 0 : index
      %swap3A_467 = tpu.vector_load %arg6[%swap3A_465, %swap3A_466] {strides = array<i32>} : memref<4x32xi32, #tpu.memory_space<vmem>>, vector<1x16xi32>,
      %swap3A_468 = vector.shape_cast %swap3A_467 : vector<1x16xi32> to vector<16xi32>
      %swap3A_469 = vector.shape_cast %select_n3A_463 : vector<16xi32> to vector<1x16xi32>
      tpu.vector_store %arg6[%swap3A_465, %swap3A_466], %swap3A_469 {strides = array<i32>} : memref<4x32xi32, #tpu.memory_space<vmem>>, vector<1x16xi32>,
      %get3A_470 = arith.constant 3 : i32
      %get3A_471 = arith.index_cast %get3A_470 : i32 to index
      %get3A_472 = arith.constant 16 : index
      %get3A_473 = tpu.vector_load %arg5[%get3A_471, %get3A_472] {strides = array<i32>} : memref<4x32xi32, #tpu.memory_space<vmem>>, vector<1x16xi32>,
      %get3A_474 = vector.shape_cast %get3A_473 : vector<1x16xi32> to vector<16xi32>
      %sub3A_475 = vector.broadcast %mul3A_92 : i32 to vector<16xi32>
      %sub3A_476 = arith.subi %get3A_474, %sub3A_475 : vector<16xi32>
      %ge3A_477 = arith.constant 0 : i32
      %ge3A_478 = vector.broadcast %ge3A_477 : i32 to vector<16xi32>
      %ge3A_479 = arith.cmpi sge, %sub3A_476, %ge3A_478 : vector<16xi32>
      %lt3A_480 = arith.constant 12800 : i32
      %lt3A_481 = vector.broadcast %lt3A_480 : i32 to vector<16xi32>
      %lt3A_482 = arith.cmpi slt, %sub3A_476, %lt3A_481 : vector<16xi32>
      %and3A_483 = arith.andi %ge3A_479, %lt3A_482 : vector<16xi1>
      %jit3A_484 = arith.constant 12800 : i32
      %broadcast_in_dim3A_485 = vector.broadcast %jit3A_484 : i32 to vector<16xi32>
      %select_n3A_486 = arith.select %and3A_483, %sub3A_476, %broadcast_in_dim3A_485 : vector<16xi1>, vector<16xi32>
      %swap3A_487 = arith.constant 3 : i32
      %swap3A_488 = arith.index_cast %swap3A_487 : i32 to index
      %swap3A_489 = arith.constant 16 : index
      %swap3A_490 = tpu.vector_load %arg6[%swap3A_488, %swap3A_489] {strides = array<i32>} : memref<4x32xi32, #tpu.memory_space<vmem>>, vector<1x16xi32>,
      %swap3A_491 = vector.shape_cast %swap3A_490 : vector<1x16xi32> to vector<16xi32>
      %swap3A_492 = vector.shape_cast %select_n3A_486 : vector<16xi32> to vector<1x16xi32>
      tpu.vector_store %arg6[%swap3A_488, %swap3A_489], %swap3A_492 {strides = array<i32>} : memref<4x32xi32, #tpu.memory_space<vmem>>, vector<1x16xi32>,
      %dma_wait3A_493 = arith.constant 0 : i32
      %dma_wait3A_494 = arith.constant 0 : i32
      %dma_wait3A_495 = tpu.memref_slice %arg2[%dma_wait3A_493, %dma_wait3A_494] : memref<86016x128xf32, #tpu.memory_space<hbm>> -> memref<32x128xf32, #tpu.memory_space<hbm>>
      %dma_wait3A_496 = arith.constant 0 : i32
      %dma_wait3A_497 = arith.constant 0 : i32
      %dma_wait3A_498 = tpu.memref_slice %arg2[%dma_wait3A_496, %dma_wait3A_497] : memref<86016x128xf32, #tpu.memory_space<hbm>> -> memref<32x128xf32, #tpu.memory_space<hbm>>
      tpu.wait_dma2 semaphore(%arg15 : memref<!tpu.dma_semaphore, #tpu.memory_space<semaphore_mem>>) src(%dma_wait3A_498 : memref<32x128xf32, #tpu.memory_space<hbm>>) dst(%arg11 : memref<32x128xf32, #tpu.memory_space<vmem>>)
      %dma_start3A_499 = arith.constant 3 : i32
      %dma_start3A_500 = arith.constant 0 : i32
      %dma_start3A_501 = tpu.memref_slice %arg6[%dma_start3A_499, %dma_start3A_500] : memref<4x32xi32, #tpu.memory_space<vmem>> -> memref<1x32xi32, #tpu.memory_space<vmem>>
      %dma_start3A_502 = tpu.memref_squeeze %dma_start3A_501 : memref<1x32xi32, #tpu.memory_space<vmem>> -> memref<32xi32, #tpu.memory_space<vmem>>
      %dma_start3A_503 = arith.constant 0 : i32
      %dma_start3A_504 = arith.constant 0 : i32
      %dma_start3A_505 = tpu.memref_slice %arg7[%dma_start3A_503, %dma_start3A_504] : memref<12808x128xf32, #tpu.memory_space<vmem_shared>> -> memref<12808x128xf32, #tpu.memory_space<vmem_shared>>
      tpu.enqueue_indirect_dma source(%arg11 : memref<32x128xf32, #tpu.memory_space<vmem>>) target(%dma_start3A_505 : memref<12808x128xf32, #tpu.memory_space<vmem_shared>>) offsets(%dma_start3A_502 : memref<32xi32, #tpu.memory_space<vmem>>) semaphore(%arg23 : memref<!tpu.dma_semaphore, #tpu.memory_space<semaphore_mem>>) {add = true}
      %dma_wait3A_506 = arith.constant 1 : i32
      %dma_wait3A_507 = arith.constant 0 : i32
      %dma_wait3A_508 = tpu.memref_slice %arg6[%dma_wait3A_506, %dma_wait3A_507] : memref<4x32xi32, #tpu.memory_space<vmem>> -> memref<1x32xi32, #tpu.memory_space<vmem>>
      %dma_wait3A_509 = tpu.memref_squeeze %dma_wait3A_508 : memref<1x32xi32, #tpu.memory_space<vmem>> -> memref<32xi32, #tpu.memory_space<vmem>>
      %dma_wait3A_510 = arith.constant 0 : i32
      %dma_wait3A_511 = arith.constant 0 : i32
      %dma_wait3A_512 = tpu.memref_slice %arg7[%dma_wait3A_510, %dma_wait3A_511] : memref<12808x128xf32, #tpu.memory_space<vmem_shared>> -> memref<12808x128xf32, #tpu.memory_space<vmem_shared>>
      tpu.wait_indirect_dma semaphore(%arg21 : memref<!tpu.dma_semaphore, #tpu.memory_space<semaphore_mem>>) src(%arg9 : memref<32x128xf32, #tpu.memory_space<vmem>>) dst(%dma_wait3A_512 : memref<12808x128xf32, #tpu.memory_space<vmem_shared>>)
      %add3A_513 = arith.constant 2 : i32
      %add3A_514 = arith.addi %add3A_435, %add3A_513 : i32
      %lt3A_515 = arith.constant 68 : i32
      %lt3A_516 = arith.cmpi slt, %add3A_514, %lt3A_515 : i32
      %convert_element_type3A_517 = arith.extui %lt3A_516 : i1 to i32
      %cond3A_518 = arith.constant 0 : i32
      %cond3A_519 = arith.cmpi ne, %convert_element_type3A_517, %cond3A_518 : i32
      scf.if %cond3A_519 {
        %add3A_521 = arith.constant 2 : i32
        %add3A_522 = arith.addi %add3A_435, %add3A_521 : i32
        %mul3A_523 = arith.constant 32 : i32
        %mul3A_524 = arith.muli %add3A_522, %mul3A_523 : i32
        %add3A_525 = arith.addi %add3A_1, %mul3A_524 : i32
        %dma_start3A_526 = arith.constant 1 : i32
        %dma_start3A_527 = arith.constant 0 : i32
        %dma_start3A_528 = tpu.memref_slice %arg5[%dma_start3A_526, %dma_start3A_527] : memref<4x32xi32, #tpu.memory_space<vmem>> -> memref<1x32xi32, #tpu.memory_space<vmem>>
        %dma_start3A_529 = tpu.memref_squeeze %dma_start3A_528 : memref<1x32xi32, #tpu.memory_space<vmem>> -> memref<32xi32, #tpu.memory_space<vmem>>
        %dma_start3A_530 = tpu.memref_slice %arg3[%add3A_525] : memref<86016xi32, #tpu.memory_space<hbm>> -> memref<32xi32, #tpu.memory_space<hbm>>
        %dma_start3A_531 = arith.constant 0 : i32
        %dma_start3A_532 = tpu.memref_slice %arg5[%dma_start3A_526, %dma_start3A_531] : memref<4x32xi32, #tpu.memory_space<vmem>> -> memref<1x32xi32, #tpu.memory_space<vmem>>
        %dma_start3A_533 = tpu.memref_squeeze %dma_start3A_532 : memref<1x32xi32, #tpu.memory_space<vmem>> -> memref<32xi32, #tpu.memory_space<vmem>>
        %dma_start3A_534 = tpu.memref_slice %arg3[%add3A_525] : memref<86016xi32, #tpu.memory_space<hbm>> -> memref<32xi32, #tpu.memory_space<hbm>>
        tpu.enqueue_dma source(%dma_start3A_534 : memref<32xi32, #tpu.memory_space<hbm>>) target(%dma_start3A_533 : memref<32xi32, #tpu.memory_space<vmem>>) target_semaphore(%arg17 : memref<!tpu.dma_semaphore, #tpu.memory_space<semaphore_mem>>)
        %mul3A_535 = arith.constant 32 : i32
        %mul3A_536 = arith.muli %add3A_522, %mul3A_535 : i32
        %add3A_537 = arith.addi %add3A_1, %mul3A_536 : i32
        %dma_start3A_538 = arith.constant 0 : i32
        %dma_start3A_539 = tpu.memref_slice %arg2[%add3A_537, %dma_start3A_538] : memref<86016x128xf32, #tpu.memory_space<hbm>> -> memref<32x128xf32, #tpu.memory_space<hbm>>
        %dma_start3A_540 = arith.constant 0 : i32
        %dma_start3A_541 = tpu.memref_slice %arg2[%add3A_537, %dma_start3A_540] : memref<86016x128xf32, #tpu.memory_space<hbm>> -> memref<32x128xf32, #tpu.memory_space<hbm>>
        tpu.enqueue_dma source(%dma_start3A_541 : memref<32x128xf32, #tpu.memory_space<hbm>>) target(%arg9 : memref<32x128xf32, #tpu.memory_space<vmem>>) target_semaphore(%arg13 : memref<!tpu.dma_semaphore, #tpu.memory_space<semaphore_mem>>)
      } else {
      }
      %scan3A_520 = arith.constant 0 : i32
      scf.yield %scan3A_520 : i32
    }
    %scan3A_148 = arith.constant 17 : i32
    %dma_wait3A_149 = arith.constant 2 : i32
    %dma_wait3A_150 = arith.constant 0 : i32
    %dma_wait3A_151 = tpu.memref_slice %arg6[%dma_wait3A_149, %dma_wait3A_150] : memref<4x32xi32, #tpu.memory_space<vmem>> -> memref<1x32xi32, #tpu.memory_space<vmem>>
    %dma_wait3A_152 = tpu.memref_squeeze %dma_wait3A_151 : memref<1x32xi32, #tpu.memory_space<vmem>> -> memref<32xi32, #tpu.memory_space<vmem>>
    %dma_wait3A_153 = arith.constant 0 : i32
    %dma_wait3A_154 = arith.constant 0 : i32
    %dma_wait3A_155 = tpu.memref_slice %arg7[%dma_wait3A_153, %dma_wait3A_154] : memref<12808x128xf32, #tpu.memory_space<vmem_shared>> -> memref<12808x128xf32, #tpu.memory_space<vmem_shared>>
    tpu.wait_indirect_dma semaphore(%arg22 : memref<!tpu.dma_semaphore, #tpu.memory_space<semaphore_mem>>) src(%arg10 : memref<32x128xf32, #tpu.memory_space<vmem>>) dst(%dma_wait3A_155 : memref<12808x128xf32, #tpu.memory_space<vmem_shared>>)
    %dma_wait3A_156 = arith.constant 3 : i32
    %dma_wait3A_157 = arith.constant 0 : i32
    %dma_wait3A_158 = tpu.memref_slice %arg6[%dma_wait3A_156, %dma_wait3A_157] : memref<4x32xi32, #tpu.memory_space<vmem>> -> memref<1x32xi32, #tpu.memory_space<vmem>>
    %dma_wait3A_159 = tpu.memref_squeeze %dma_wait3A_158 : memref<1x32xi32, #tpu.memory_space<vmem>> -> memref<32xi32, #tpu.memory_space<vmem>>
    %dma_wait3A_160 = arith.constant 0 : i32
    %dma_wait3A_161 = arith.constant 0 : i32
    %dma_wait3A_162 = tpu.memref_slice %arg7[%dma_wait3A_160, %dma_wait3A_161] : memref<12808x128xf32, #tpu.memory_space<vmem_shared>> -> memref<12808x128xf32, #tpu.memory_space<vmem_shared>>
    tpu.wait_indirect_dma semaphore(%arg23 : memref<!tpu.dma_semaphore, #tpu.memory_space<semaphore_mem>>) src(%arg11 : memref<32x128xf32, #tpu.memory_space<vmem>>) dst(%dma_wait3A_162 : memref<12808x128xf32, #tpu.memory_space<vmem_shared>>)
    %barrier3A_163 = arith.constant 0 : index
    tpu.barrier barrier_id(%barrier3A_163)
    %add3A_164 = arith.constant 0 : i32
    %add3A_165 = arith.addi %add3A_164, %arg1 : i32
    %lt3A_166 = arith.constant 25 : i32
    %lt3A_167 = arith.cmpi slt, %add3A_165, %lt3A_166 : i32
    %convert_element_type3A_168 = arith.extui %lt3A_167 : i1 to i32
    %cond3A_169 = arith.constant 0 : i32
    %cond3A_170 = arith.cmpi ne, %convert_element_type3A_168, %cond3A_169 : i32
    scf.if %cond3A_170 {
      %mul3A_179 = arith.constant 512 : i32
      %mul3A_180 = arith.muli %add3A_165, %mul3A_179 : i32
      %mul3A_181 = arith.constant 512 : i32
      %mul3A_182 = arith.muli %add3A_165, %mul3A_181 : i32
      %add3A_183 = arith.addi %mul3A_92, %mul3A_182 : i32
      "tpu.region"() ({
        %run_scoped3A = tpu.sem_alloc : memref<!tpu.dma_semaphore, #tpu.memory_space<semaphore_mem>>
        %dma_start3A_184 = arith.constant 0 : i32
        %dma_start3A_185 = tpu.memref_slice %arg4[%add3A_183, %dma_start3A_184] : memref<51200x128xf32, #tpu.memory_space<hbm>> -> memref<512x128xf32, #tpu.memory_space<hbm>>
        %dma_start3A_186 = arith.constant 0 : i32
        %dma_start3A_187 = tpu.memref_slice %arg7[%mul3A_180, %dma_start3A_186] : memref<12808x128xf32, #tpu.memory_space<vmem_shared>> -> memref<512x128xf32, #tpu.memory_space<vmem_shared>>
        tpu.enqueue_dma source(%dma_start3A_187 : memref<512x128xf32, #tpu.memory_space<vmem_shared>>) target(%dma_start3A_185 : memref<512x128xf32, #tpu.memory_space<hbm>>) target_semaphore(%run_scoped3A : memref<!tpu.dma_semaphore, #tpu.memory_space<semaphore_mem>>)
        %dma_wait3A_188 = arith.constant 0 : i32
        %dma_wait3A_189 = tpu.memref_slice %arg4[%add3A_183, %dma_wait3A_188] : memref<51200x128xf32, #tpu.memory_space<hbm>> -> memref<512x128xf32, #tpu.memory_space<hbm>>
        %dma_wait3A_190 = arith.constant 0 : i32
        %dma_wait3A_191 = tpu.memref_slice %arg7[%mul3A_180, %dma_wait3A_190] : memref<12808x128xf32, #tpu.memory_space<vmem_shared>> -> memref<512x128xf32, #tpu.memory_space<vmem_shared>>
        tpu.wait_dma2 semaphore(%run_scoped3A : memref<!tpu.dma_semaphore, #tpu.memory_space<semaphore_mem>>) src(%dma_wait3A_191 : memref<512x128xf32, #tpu.memory_space<vmem_shared>>) dst(%dma_wait3A_189 : memref<512x128xf32, #tpu.memory_space<hbm>>)
        tpu.yield
      }) : () -> ()
    } else {
    }
    %add3A_171 = arith.constant 16 : i32
    %add3A_172 = arith.addi %add3A_171, %arg1 : i32
    %lt3A_173 = arith.constant 25 : i32
    %lt3A_174 = arith.cmpi slt, %add3A_172, %lt3A_173 : i32
    %convert_element_type3A_175 = arith.extui %lt3A_174 : i1 to i32
    %cond3A_176 = arith.constant 0 : i32
    %cond3A_177 = arith.cmpi ne, %convert_element_type3A_175, %cond3A_176 : i32
    scf.if %cond3A_177 {
      %mul3A_179 = arith.constant 512 : i32
      %mul3A_180 = arith.muli %add3A_172, %mul3A_179 : i32
      %mul3A_181 = arith.constant 512 : i32
      %mul3A_182 = arith.muli %add3A_172, %mul3A_181 : i32
      %add3A_183 = arith.addi %mul3A_92, %mul3A_182 : i32
      "tpu.region"() ({
        %run_scoped3A = tpu.sem_alloc : memref<!tpu.dma_semaphore, #tpu.memory_space<semaphore_mem>>
        %dma_start3A_184 = arith.constant 0 : i32
        %dma_start3A_185 = tpu.memref_slice %arg4[%add3A_183, %dma_start3A_184] : memref<51200x128xf32, #tpu.memory_space<hbm>> -> memref<512x128xf32, #tpu.memory_space<hbm>>
        %dma_start3A_186 = arith.constant 0 : i32
        %dma_start3A_187 = tpu.memref_slice %arg7[%mul3A_180, %dma_start3A_186] : memref<12808x128xf32, #tpu.memory_space<vmem_shared>> -> memref<512x128xf32, #tpu.memory_space<vmem_shared>>
        tpu.enqueue_dma source(%dma_start3A_187 : memref<512x128xf32, #tpu.memory_space<vmem_shared>>) target(%dma_start3A_185 : memref<512x128xf32, #tpu.memory_space<hbm>>) target_semaphore(%run_scoped3A : memref<!tpu.dma_semaphore, #tpu.memory_space<semaphore_mem>>)
        %dma_wait3A_188 = arith.constant 0 : i32
        %dma_wait3A_189 = tpu.memref_slice %arg4[%add3A_183, %dma_wait3A_188] : memref<51200x128xf32, #tpu.memory_space<hbm>> -> memref<512x128xf32, #tpu.memory_space<hbm>>
        %dma_wait3A_190 = arith.constant 0 : i32
        %dma_wait3A_191 = tpu.memref_slice %arg7[%mul3A_180, %dma_wait3A_190] : memref<12808x128xf32, #tpu.memory_space<vmem_shared>> -> memref<512x128xf32, #tpu.memory_space<vmem_shared>>
        tpu.wait_dma2 semaphore(%run_scoped3A : memref<!tpu.dma_semaphore, #tpu.memory_space<semaphore_mem>>) src(%dma_wait3A_191 : memref<512x128xf32, #tpu.memory_space<vmem_shared>>) dst(%dma_wait3A_189 : memref<512x128xf32, #tpu.memory_space<hbm>>)
        tpu.yield
      }) : () -> ()
    } else {
    }
    %barrier3A_178 = arith.constant 0 : index
    tpu.barrier barrier_id(%barrier3A_178)
    return
  }
}

module attributes {stable_mosaic.version = 14 : i64} {
  func.func @_stats_body(%arg0: i32, %arg1: memref<2000x128xf32, #tpu.memory_space<vmem>>, %arg2: memref<2x128xf32, #tpu.memory_space<vmem>>) attributes {dimension_semantics = [#tpu.dimension_semantics<arbitrary>], iteration_bounds = array<i64: 25>, scalar_prefetch = 0 : i64, scratch_operands = 0 : i64, tpu.core_type = #tpu.core_type<tc>, window_params = [{transform_indices = @transform_0, window_bounds = array<i64: 2000, 128>}, {pipeline_mode = #tpu.pipeline_mode<synchronous>, transform_indices = @transform_1, window_bounds = array<i64: 2, 128>}]} {
    %eq3A = arith.constant 0 : i32
    %eq3A_0 = arith.cmpi eq, %arg0, %eq3A : i32
    %convert_element_type3A = arith.extui %eq3A_0 : i1 to i32
    %cond3A = arith.constant 0 : i32
    %cond3A_1 = arith.cmpi ne, %convert_element_type3A, %cond3A : i32
    scf.if %cond3A_1 {
      %broadcast_in_dim3A = arith.constant 0.000000e+00 : f32
      %broadcast_in_dim3A_14 = vector.broadcast %broadcast_in_dim3A : f32 to vector<2x128xf32>
      %swap3A_15 = arith.constant 0 : index
      %swap3A_16 = arith.constant 0 : index
      %swap3A_17 = vector.load %arg2[%swap3A_15, %swap3A_16] : memref<2x128xf32, #tpu.memory_space<vmem>>, vector<2x128xf32>
      tpu.vector_store %arg2[%swap3A_15, %swap3A_16], %broadcast_in_dim3A_14 {strides = array<i32>} : memref<2x128xf32, #tpu.memory_space<vmem>>, vector<2x128xf32>,
    } else {
    }
    %get3A = arith.constant 0 : index
    %get3A_2 = arith.constant 0 : index
    %get3A_3 = vector.load %arg1[%get3A, %get3A_2] : memref<2000x128xf32, #tpu.memory_space<vmem>>, vector<2000x128xf32>
    %reduce_sum3A = arith.constant dense<0.000000e+00> : vector<128xf32>
    %reduce_sum3A_4 = vector.multi_reduction <add>, %get3A_3, %reduce_sum3A [0] : vector<2000x128xf32> to vector<128xf32>
    %mul3A = arith.mulf %get3A_3, %get3A_3 : vector<2000x128xf32>
    %reduce_sum3A_5 = arith.constant dense<0.000000e+00> : vector<128xf32>
    %reduce_sum3A_6 = vector.multi_reduction <add>, %mul3A, %reduce_sum3A_5 [0] : vector<2000x128xf32> to vector<128xf32>
    %get3A_7 = arith.constant 0 : index
    %get3A_8 = arith.constant 0 : index
    %get3A_9 = vector.load %arg2[%get3A_7, %get3A_8] : memref<2x128xf32, #tpu.memory_space<vmem>>, vector<2x128xf32>
    %stack3A = vector.shape_cast %reduce_sum3A_4 : vector<128xf32> to vector<1x128xf32>
    %stack3A_10 = vector.shape_cast %reduce_sum3A_6 : vector<128xf32> to vector<1x128xf32>
    %stack3A_11 = tpu.concatenate %stack3A, %stack3A_10 in 0 : vector<1x128xf32>, vector<1x128xf32> -> vector<2x128xf32>
    %add3A = arith.addf %get3A_9, %stack3A_11 : vector<2x128xf32>
    %swap3A = arith.constant 0 : index
    %swap3A_12 = arith.constant 0 : index
    %swap3A_13 = vector.load %arg2[%swap3A, %swap3A_12] : memref<2x128xf32, #tpu.memory_space<vmem>>, vector<2x128xf32>
    tpu.vector_store %arg2[%swap3A, %swap3A_12], %add3A {strides = array<i32>} : memref<2x128xf32, #tpu.memory_space<vmem>>, vector<2x128xf32>,
    return
  }
  func.func @transform_0(%arg0: i32) -> (i32, i32) {
    %c0_i32 = arith.constant 0 : i32
    %c0_i32_0 = arith.constant 0 : i32
    return %arg0, %c0_i32 : i32, i32
  }
  func.func @transform_1(%arg0: i32) -> (i32, i32) {
    %c0_i32 = arith.constant 0 : i32
    %c0_i32_0 = arith.constant 0 : i32
    %c0_i32_1 = arith.constant 0 : i32
    return %c0_i32, %c0_i32_0 : i32, i32
  }
}

module attributes {stable_mosaic.version = 14 : i64} {
  func.func @_norm_silu_body(%arg0: i32, %arg1: memref<2000x128xf32, #tpu.memory_space<vmem>>, %arg2: memref<2x128xf32, #tpu.memory_space<vmem>>, %arg3: memref<1x128xf32, #tpu.memory_space<vmem>>, %arg4: memref<1x128xf32, #tpu.memory_space<vmem>>, %arg5: memref<2000x128xf32, #tpu.memory_space<vmem>>) attributes {dimension_semantics = [#tpu.dimension_semantics<arbitrary>], iteration_bounds = array<i64: 25>, scalar_prefetch = 0 : i64, scratch_operands = 0 : i64, tpu.core_type = #tpu.core_type<tc>, window_params = [{transform_indices = @transform_0, window_bounds = array<i64: 2000, 128>}, {pipeline_mode = #tpu.pipeline_mode<synchronous>, transform_indices = @transform_1, window_bounds = array<i64: 2, 128>}, {pipeline_mode = #tpu.pipeline_mode<synchronous>, transform_indices = @transform_2, window_bounds = array<i64: 1, 128>}, {pipeline_mode = #tpu.pipeline_mode<synchronous>, transform_indices = @transform_3, window_bounds = array<i64: 1, 128>}, {transform_indices = @transform_4, window_bounds = array<i64: 2000, 128>}]} {
    %get3A = arith.constant 0 : index
    %get3A_0 = arith.constant 0 : index
    %get3A_1 = vector.load %arg2[%get3A, %get3A_0] : memref<2x128xf32, #tpu.memory_space<vmem>>, vector<2x128xf32>
    %slice3A = vector.extract_strided_slice %get3A_1 {offsets = [0, 0], sizes = [1, 128], strides = [1, 1]} : vector<2x128xf32> to vector<1x128xf32>
    %squeeze3A = vector.shape_cast %slice3A : vector<1x128xf32> to vector<128xf32>
    %div3A = arith.constant 5.000000e+04 : f32
    %div3A_2 = vector.broadcast %div3A : f32 to vector<128xf32>
    %div3A_3 = arith.divf %squeeze3A, %div3A_2 : vector<128xf32>
    %slice3A_4 = vector.extract_strided_slice %get3A_1 {offsets = [1, 0], sizes = [1, 128], strides = [1, 1]} : vector<2x128xf32> to vector<1x128xf32>
    %squeeze3A_5 = vector.shape_cast %slice3A_4 : vector<1x128xf32> to vector<128xf32>
    %div3A_6 = arith.constant 5.000000e+04 : f32
    %div3A_7 = vector.broadcast %div3A_6 : f32 to vector<128xf32>
    %div3A_8 = arith.divf %squeeze3A_5, %div3A_7 : vector<128xf32>
    %mul3A = arith.mulf %div3A_3, %div3A_3 : vector<128xf32>
    %sub3A = arith.subf %div3A_8, %mul3A : vector<128xf32>
    %get3A_9 = arith.constant 0 : index
    %get3A_10 = arith.constant 0 : index
    %get3A_11 = vector.load %arg3[%get3A_9, %get3A_10] : memref<1x128xf32, #tpu.memory_space<vmem>>, vector<1x128xf32>
    %get3A_12 = vector.shape_cast %get3A_11 : vector<1x128xf32> to vector<128xf32>
    %add3A = arith.constant 9.99999974E-6 : f32
    %add3A_13 = vector.broadcast %add3A : f32 to vector<128xf32>
    %add3A_14 = arith.addf %sub3A, %add3A_13 : vector<128xf32>
    %rsqrt3A = math.rsqrt %add3A_14 : vector<128xf32>
    %mul3A_15 = arith.mulf %get3A_12, %rsqrt3A : vector<128xf32>
    %get3A_16 = arith.constant 0 : index
    %get3A_17 = arith.constant 0 : index
    %get3A_18 = vector.load %arg4[%get3A_16, %get3A_17] : memref<1x128xf32, #tpu.memory_space<vmem>>, vector<1x128xf32>
    %get3A_19 = vector.shape_cast %get3A_18 : vector<1x128xf32> to vector<128xf32>
    %mul3A_20 = arith.mulf %div3A_3, %mul3A_15 : vector<128xf32>
    %sub3A_21 = arith.subf %get3A_19, %mul3A_20 : vector<128xf32>
    %get3A_22 = arith.constant 0 : index
    %get3A_23 = arith.constant 0 : index
    %get3A_24 = vector.load %arg1[%get3A_22, %get3A_23] : memref<2000x128xf32, #tpu.memory_space<vmem>>, vector<2000x128xf32>
    %broadcast_in_dim3A = vector.shape_cast %mul3A_15 : vector<128xf32> to vector<1x128xf32>
    %mul3A_25 = vector.broadcast %broadcast_in_dim3A : vector<1x128xf32> to vector<2000x128xf32>
    %mul3A_26 = arith.mulf %get3A_24, %mul3A_25 : vector<2000x128xf32>
    %broadcast_in_dim3A_27 = vector.shape_cast %sub3A_21 : vector<128xf32> to vector<1x128xf32>
    %add3A_28 = vector.broadcast %broadcast_in_dim3A_27 : vector<1x128xf32> to vector<2000x128xf32>
    %add3A_29 = arith.addf %mul3A_26, %add3A_28 : vector<2000x128xf32>
    %logistic3A = arith.negf %add3A_29 : vector<2000x128xf32>
    %logistic3A_30 = math.exp %logistic3A : vector<2000x128xf32>
    %logistic3A_31 = arith.constant 1.000000e+00 : f32
    %logistic3A_32 = vector.broadcast %logistic3A_31 : f32 to vector<2000x128xf32>
    %logistic3A_33 = arith.addf %logistic3A_32, %logistic3A_30 : vector<2000x128xf32>
    %logistic3A_34 = arith.divf %logistic3A_32, %logistic3A_33 : vector<2000x128xf32>
    %mul3A_35 = arith.mulf %add3A_29, %logistic3A_34 : vector<2000x128xf32>
    %swap3A = arith.constant 0 : index
    %swap3A_36 = arith.constant 0 : index
    %swap3A_37 = vector.load %arg5[%swap3A, %swap3A_36] : memref<2000x128xf32, #tpu.memory_space<vmem>>, vector<2000x128xf32>
    tpu.vector_store %arg5[%swap3A, %swap3A_36], %mul3A_35 {strides = array<i32>} : memref<2000x128xf32, #tpu.memory_space<vmem>>, vector<2000x128xf32>,
    return
  }
  func.func @transform_0(%arg0: i32) -> (i32, i32) {
    %c0_i32 = arith.constant 0 : i32
    %c0_i32_0 = arith.constant 0 : i32
    return %arg0, %c0_i32 : i32, i32
  }
  func.func @transform_1(%arg0: i32) -> (i32, i32) {
    %c0_i32 = arith.constant 0 : i32
    %c0_i32_0 = arith.constant 0 : i32
    %c0_i32_1 = arith.constant 0 : i32
    return %c0_i32, %c0_i32_0 : i32, i32
  }
  func.func @transform_2(%arg0: i32) -> (i32, i32) {
    %c0_i32 = arith.constant 0 : i32
    %c0_i32_0 = arith.constant 0 : i32
    %c0_i32_1 = arith.constant 0 : i32
    return %c0_i32, %c0_i32_0 : i32, i32
  }
  func.func @transform_3(%arg0: i32) -> (i32, i32) {
    %c0_i32 = arith.constant 0 : i32
    %c0_i32_0 = arith.constant 0 : i32
    %c0_i32_1 = arith.constant 0 : i32
    return %c0_i32, %c0_i32_0 : i32, i32
  }
  func.func @transform_4(%arg0: i32) -> (i32, i32) {
    %c0_i32 = arith.constant 0 : i32
    %c0_i32_0 = arith.constant 0 : i32
    return %arg0, %c0_i32 : i32, i32
  }
}

module attributes {stable_mosaic.version = 14 : i64} {
  func.func @_mm_body(%arg0: i32, %arg1: memref<672xi32, #tpu.memory_space<smem>>, %arg2: memref<128x128xf32, #tpu.memory_space<vmem>>, %arg3: memref<1x128x128xf32, #tpu.memory_space<vmem>>, %arg4: memref<128x128xf32, #tpu.memory_space<vmem>>) attributes {dimension_semantics = [#tpu.dimension_semantics<arbitrary>], iteration_bounds = array<i64: 672>, scalar_prefetch = 1 : i64, scratch_operands = 0 : i64, tpu.core_type = #tpu.core_type<tc>, window_params = [{transform_indices = @transform_0, window_bounds = array<i64: 128, 128>}, {transform_indices = @transform_1, window_bounds = array<i64: 1, 128, 128>}, {transform_indices = @transform_2, window_bounds = array<i64: 128, 128>}]} {
    %get3A = arith.constant 0 : index
    %get3A_0 = arith.constant 0 : index
    %get3A_1 = vector.load %arg2[%get3A, %get3A_0] : memref<128x128xf32, #tpu.memory_space<vmem>>, vector<128x128xf32>
    %get3A_2 = arith.constant 0 : index
    %get3A_3 = arith.constant 0 : index
    %get3A_4 = arith.constant 0 : index
    %get3A_5 = vector.load %arg3[%get3A_2, %get3A_3, %get3A_4] : memref<1x128x128xf32, #tpu.memory_space<vmem>>, vector<1x128x128xf32>
    %get3A_6 = vector.shape_cast %get3A_5 : vector<1x128x128xf32> to vector<128x128xf32>
    %dot_general3A = arith.constant dense<0.000000e+00> : vector<128x128xf32>
    %dot_general3A_7 = tpu.matmul %get3A_1, %get3A_6, %dot_general3A {dimension_numbers = #tpu.dot_dimension_numbers<[1], [0], [0], [1], [0, 0, 1, 1], [], []>, transpose_lhs_hint = false} : vector<128x128xf32>, vector<128x128xf32>, vector<128x128xf32> -> vector<128x128xf32>
    %swap3A = arith.constant 0 : index
    %swap3A_8 = arith.constant 0 : index
    %swap3A_9 = vector.load %arg4[%swap3A, %swap3A_8] : memref<128x128xf32, #tpu.memory_space<vmem>>, vector<128x128xf32>
    tpu.vector_store %arg4[%swap3A, %swap3A_8], %dot_general3A_7 {strides = array<i32>} : memref<128x128xf32, #tpu.memory_space<vmem>>, vector<128x128xf32>,
    return
  }
  func.func @transform_0(%arg0: i32, %arg1: memref<672xi32, #tpu.memory_space<smem>>) -> (i32, i32) {
    %c0_i32 = arith.constant 0 : i32
    %c0_i32_0 = arith.constant 0 : i32
    return %arg0, %c0_i32 : i32, i32
  }
  func.func @transform_1(%arg0: i32, %arg1: memref<672xi32, #tpu.memory_space<smem>>) -> (i32, i32, i32) {
    %get3A = arith.index_cast %arg0 : i32 to index
    %get3A_0 = memref.load %arg1[%get3A] : memref<672xi32, #tpu.memory_space<smem>>
    %c0_i32 = arith.constant 0 : i32
    %c0_i32_1 = arith.constant 0 : i32
    %c0_i32_2 = arith.constant 0 : i32
    return %get3A_0, %c0_i32, %c0_i32_1 : i32, i32, i32
  }
  func.func @transform_2(%arg0: i32, %arg1: memref<672xi32, #tpu.memory_space<smem>>) -> (i32, i32) {
    %c0_i32 = arith.constant 0 : i32
    %c0_i32_0 = arith.constant 0 : i32
    return %arg0, %c0_i32 : i32, i32
  }
}

</mosaic_0001>

<sc_bundles>
// kernel: gather_offload_async_start.1
scs
__scs_entry_jumppad:
0x0: {  	(pc) =	sbr.rel $0x88, $3  }
0x1: {  	(tag) =	ssettag $0x0;
	lr =	simm.s32 $0x1  }
0x2: {  	[smem:$0x3F9A] =	sst lr;
	_ =	strace $0xD0000000  }
0x3: {  	_ = 	snop  }
0x4: {  	_ = 	snop  }
0x5: {  	_ = 	snop  }
0x6: {  	_ = 	snop  }
0x7: {  	_ = 	snop  }
__scs_overlays_trampoline_lowered:
0x8: {  	[smem:$0x3FA9] =	sst s0  }
0x9: {  	[smem:$0x3FAA] =	sst s1  }
0xa: {  	[smem:$0x3FAB] =	sst s2  }
0xb: {  	[smem:$0x3FAC] =	sst s3  }
0xc: {  	[smem:$0x3FAD] =	sst s4  }
0xd: {  	[smem:$0x3FAE] =	sst s5  }
0xe: {  	[smem:$0x3FAF] =	sst s6  }
0xf: {  	[smem:$0x3FB0] =	sst s7  }
0x10: {  	[smem:$0x3FB1] =	sst s8  }
0x11: {  	[smem:$0x3FB2] =	sst s9;
	s0 =	simm.s32 @!p0 $0x0  }
0x12: {  	s1 =	sld [smem:$0x3F98];
	s0 =	simm.s32 @p0 $0x1  }
0x13: {  	[smem:$0x3FB3] =	sst s0;
	s0 =	simm.s32 @!p1 $0x0  }
0x14: {  	s2 =	sld [smem:$0x3F97];
	s0 =	simm.s32 @p1 $0x1  }
0x15: {  	[smem:$0x3FB4] =	sst s0;
	s0 =	simm.s32 @!p2 $0x0  }
0x16: {  	s3 =	sld [smem:$0x3FDB];
	s0 =	simm.s32 @p2 $0x1  }
0x17: {  	s4 =	simm.s32 $0x1BF5;
	[smem:$0x3FB6] =	sst s0  }
0x18: {  	s0 =	sld [smem:$0x3F99];
	_ =	swait.ge [sflag:s4], $0x0  }
0x19: {  	s7 =	sld [smem:$0x3F9A]  }
0x1a: {  	s8 =	sadd.s32 $0xFFFFE003, lr  }
0x1b: {  	s9 =	sadd.s32 $0xFFFFFEF7, lr;
	s5 =	simm.s32 $0xFFFFFFFF;
	p2 =	slt.u32 s8, $0xFFFFF086  }
0x1c: {  	p1 =	slt.u32 s9, $0xF7A;
	s5 =	simm.s32 @!p2 $0x0  }
0x1d: {  	s5 =	simm.s32 @p1 $0x1;
	p0 =	seq.s32 s7, s2  }
0x1e: {  	s7 =	smul.u32 @!p0 $0xF7A, s2;
	p2 =	seq.s32 @!p0 s5, $0x0  }
0x1f: {  	s9 =	smul.u32 $0xF7A, s1;
	s8 =	simm.s32 @!p0 $0x1BF5;
	p2 =	por !p2, p0  }
0x20: {  	[sflag:s8] =	ssyncset.s32 @!p0 $0xFFFFF086;
	s6 =	sadd.s32 @!p0 s3, s7;
	s7 =	simm.s32 @!p0 $0x108  }
0x21: {  	s3 =	sadd.s32 s3, s9;
	s6 =	sadd.s32 @!p0 $0x88, s6;
	s7 =	simm.s32 @p2 $0x1082  }
0x22: {  	[simem:s7], [sflag:s8] =	dma.local @!p0 [hbm:s6], $0xF7A  }
0x23: {  	s9 =	sor.u32 $0xD0000000, s2;
	s6 =	simm.s32 $0x108;
	_ =	swait.ge @!p0 [sflag:s8], $0x0  }
0x24: {  	s3 =	sadd.s32 $0x88, s3;
	s6 =	simm.s32 @!p1 $0x1082;
	[sflag:s4] =	ssyncset.s32 $0xFFFFF086  }
0x25: {  	[simem:s6], [sflag:s4] =	dma.local [hbm:s3], $0xF7A  }
0x26: {  	[smem:$0x3F9A] =	sst s1;
	(tag) =	ssettag s2;
	_ =	strace s9  }
0x27: {  	s1 =	sld [smem:$0x3FAA]  }
0x28: {  	s2 =	sld [smem:$0x3FAB]  }
0x29: {  	s4 =	sld [smem:$0x3FAD]  }
0x2a: {  	p0 =	seq.s32 s5, $0x0;
	s5 =	sld [smem:$0x3FAE]  }
0x2b: {  	s6 =	sld [smem:$0x3FAF]  }
0x2c: {  	s7 =	sld [smem:$0x3FB0]  }
0x2d: {  	s3 =	simm.s32 $0x108;
	s8 =	sld [smem:$0x3FB1]  }
0x2e: {  	s3 =	simm.s32 @!p0 $0x1082;
	s9 =	sld [smem:$0x3FB2]  }
0x2f: {  	lr =	sadd.s32 s0, s3;
	s0 =	sld [smem:$0x3FA9]  }
0x30: {  	s3 =	sld [smem:$0x3FAC]  }
0x31: {  	[smem:$0x3FB5] =	sst s10  }
0x32: {  	s10 =	sld [smem:$0x3FB3];
	_ =	sdelay $0x3  }
0x33: {  	p0 =	seq.s32 s10, $0x1;
	s10 =	sld [smem:$0x3FB5];
	_ =	sdelay $0x3  }
0x34: {  	[smem:$0x3FB5] =	sst s10  }
0x35: {  	s10 =	sld [smem:$0x3FB4];
	_ =	sdelay $0x3  }
0x36: {  	p1 =	seq.s32 s10, $0x1;
	s10 =	sld [smem:$0x3FB5];
	_ =	sdelay $0x3  }
0x37: {  	[smem:$0x3FB5] =	sst s10  }
0x38: {  	s10 =	sld [smem:$0x3FB6]  }
0x39: {  	_ = 	snop;
	(pc) =	sbr.ind lr, $3  }
0x3a: {  	_ = 	snop  }
0x3b: {  	_ = 	snop  }
0x3c: {  	p2 =	seq.s32 s10, $0x1;
	s10 =	sld [smem:$0x3FB5]  }
0x3d: {  	_ =	shalt  }
0x3e: {  	_ =	shalt  }
0x3f: {  	_ =	shalt  }
0x40: {  	_ =	shalt  }
0x41: {  	_ =	shalt  }
0x42: {  	_ =	shalt  }
0x43: {  	_ =	shalt  }
0x44: {  	_ =	shalt  }
0x45: {  	_ =	shalt  }
0x46: {  	_ =	shalt  }
0x47: {  	_ =	shalt  }
0x48: {  	_ =	shalt  }
0x49: {  	_ =	shalt  }
0x4a: {  	_ =	shalt  }
0x4b: {  	_ =	shalt  }
0x4c: {  	_ =	shalt  }
0x4d: {  	_ =	shalt  }
0x4e: {  	_ =	shalt  }
0x4f: {  	_ =	shalt  }
0x50: {  	_ =	shalt  }
0x51: {  	_ =	shalt  }
0x52: {  	_ =	shalt  }
0x53: {  	_ =	shalt  }
0x54: {  	_ =	shalt  }
0x55: {  	_ =	shalt  }
0x56: {  	_ =	shalt  }
0x57: {  	_ =	shalt  }
0x58: {  	_ =	shalt  }
0x59: {  	_ =	shalt  }
0x5a: {  	_ =	shalt  }
0x5b: {  	_ =	shalt  }
0x5c: {  	_ =	shalt  }
0x5d: {  	_ =	shalt  }
0x5e: {  	_ =	shalt  }
0x5f: {  	_ =	shalt  }
0x60: {  	_ =	shalt  }
0x61: {  	_ =	shalt  }
0x62: {  	_ =	shalt  }
0x63: {  	_ =	shalt  }
0x64: {  	_ =	shalt  }
0x65: {  	_ =	shalt  }
0x66: {  	_ =	shalt  }
0x67: {  	_ =	shalt  }
0x68: {  	_ =	shalt  }
0x69: {  	_ =	shalt  }
0x6a: {  	_ =	shalt  }
0x6b: {  	_ =	shalt  }
0x6c: {  	_ =	shalt  }
0x6d: {  	_ =	shalt  }
0x6e: {  	_ =	shalt  }
0x6f: {  	_ =	shalt  }
0x70: {  	_ =	shalt  }
0x71: {  	_ =	shalt  }
0x72: {  	_ =	shalt  }
0x73: {  	_ =	shalt  }
0x74: {  	_ =	shalt  }
0x75: {  	_ =	shalt  }
0x76: {  	_ =	shalt  }
0x77: {  	_ =	shalt  }
0x78: {  	_ =	shalt  }
0x79: {  	_ =	shalt  }
0x7a: {  	_ =	shalt  }
0x7b: {  	_ =	shalt  }
0x7c: {  	_ =	shalt  }
0x7d: {  	_ =	shalt  }
0x7e: {  	_ =	shalt  }
0x7f: {  	_ =	shalt  }
0x80: {  	_ =	shalt  }
0x81: {  	_ =	shalt  }
0x82: {  	_ =	shalt  }
0x83: {  	_ =	shalt  }
0x84: {  	_ =	shalt  }
0x85: {  	_ =	shalt  }
0x86: {  	_ =	shalt  }
0x87: {  	_ =	shalt  }
.Lfunc_end0:
.L_simem_size_0:
called_computation.1_lowered:
.L_overlay_start_0:
0x88: {  	s2 =	sld [smem:$0x3FD9]  }
0x89: {  	s3 =	sld [smem:$0x3FFE];
	_ =	sdelay $0x1  }
0x8a: {  	s1 =	srdreg.scid  }
0x8b: {  	s0 =	sand.u32 $0x1, s1  }
0x8c: {  	s17 =	sshll.u32 s0, $0xA;
	s2 =	sadd.s32 s3, s2  }
0x8d: {  	s2 =	sadd.s32 s2, s17  }
0x8e: {  	[smem:$0x3FC1] =	sst s2  }
0x8f: {  	_ = 	snop  }
0x90: {  	s18 =	sld [smem:$0x3FC4];
	(tm) =	ssettm $0x1  }
0x91: {  	s19 =	sld [smem:$0x3FFB];
	_ =	sdelay $0x3  }
0x92: {  	_ =	strace s19  }
0x93: {  	s2 =	sld [smem:$0x3FFC];
	_ =	sdelay $0x3  }
0x94: {  	_ =	strace s2  }
0x95: {  	s2 =	sld [smem:$0x3FFD];
	_ =	sdelay $0x3  }
0x96: {  	_ =	strace s2  }
0x97: {  	_ =	strace $0x8FFFFFFF  }
0x98: {  	s20 =	sld [smem:$0x3FDB];
	_ =	sdelay $0x1  }
0x99: {  	s4 =	simm.s32 $_scs_section_size  }
0x9a: {  	s5 =	simm.s32 $_size__tile_overlayer_lowered;
	s6 =	simm.s32 $_tile_overlayer_lowered  }
0x9b: {  	s7 =	simm.s32 $0x1BFF;
	s21 =	sshll.u32 s6, $0x1;
	s4 =	sadd.s32 s4, s20  }
0x9c: {  	s22 =	simm.s32 $0x0;
	s5 =	sshll.u32 s5, $0x1;
	s6 =	sadd.s32 s21, s4  }
0x9d: {  	[timem:s22], [sflag:s7] =	dma.local [hbm:s6], s5  }
0x9e: {  	_ =	swait.ge [sflag:s7], s5  }
0x9f: {  	s5 =	ssub.s32 $0x0, s5;
	[sflag:s7] =	ssyncset.done $0x0  }
0xa0: {  	[sflag:s7] =	ssyncadd.s32 s5;
	_ =	sdelay $0x1  }
0xa1: {  	s23 =	simm.s32 $0x1B8B  }
0xa2: {  	_ =	swait.ge [sflag:s23], $0x1  }
0xa3: {  	[sflag:s23] =	ssyncset.done $0x0  }
0xa4: {  	[sflag:s23] =	ssyncadd.s32 $0xFFFFFFFF  }
0xa5: {  	s5 =	sld [smem:$0x0]  }
0xa6: {  	s6 =	sand.u32 $0xFFFFFFFE, s1  }
0xa7: {  	p0 =	sne.s32 s1, s6  }
0xa8: {  	s6 =	sshll.u32 @p0 s6, $0xE  }
0xa9: {  	s6 =	sadd.s32 @p0 $0x11B8D, s6;
	s7 =	sshll.u32 @p0 s5, $0x11  }
0xaa: {  	s6 =	sor.u32 @p0 s7, s6  }
0xab: {  	[sflag:s6] =	ssyncadd.remote.s32 @p0 $0x1;
	_ =	sdelay $0x1  }
0xac: {  	s6 =	simm.s32 @p0 $0x1B8D  }
0xad: {  	_ =	swait.eq @p0 [sflag:s6], $0x1  }
0xae: {  	[sflag:s6] =	ssyncadd.s32 @p0 $0xFFFFFFFF  }
0xaf: {  	s7 =	sshll.u32 @!p0 s1, $0xE  }
0xb0: {  	s7 =	sor.u32 @!p0 $0x4000, s7;
	s6 =	simm.s32 @!p0 $0x1B8D  }
0xb1: {  	s5 =	sshll.u32 @!p0 s5, $0x11;
	s7 =	sadd.s32 @!p0 $0x11B8D, s7;
	_ =	swait.eq @!p0 [sflag:s6], $0x1  }
0xb2: {  	s5 =	sor.u32 @!p0 s5, s7;
	[sflag:s6] =	ssyncadd.s32 @!p0 $0xFFFFFFFF  }
0xb3: {  	s25 =	simm.s32 $0x1B8E;
	s24 =	sld [smem:$0x3FFE];
	[sflag:s5] =	ssyncadd.remote.s32 @!p0 $0x1  }
0xb4: {  	s26 =	simm.s32 $execute0_lowered;
	[smem:$0x3FD2] =	sst s25  }
0xb5: {  	s6 =	sshll.u32 s26, $0x1;
	_ =	strace $0x80000049;
	[dreg:$0x1] =	wrdreg $0xFFFFFFFF  }
0xb6: {  	s28 =	simm.s32 $_size_execute0_lowered;
	s4 =	sadd.s32 s4, s6;
	[dreg:$0x0] =	wrdreg $0x0  }
0xb7: {  	s6 =	sshll.u32 s28, $0x1;
	[dreg:$0x2] =	wrdreg s4  }
0xb8: {  	[dreg:$0x3] =	wrdreg s6  }
0xb9: {  	[dreg:$0x4] =	wrdreg $0xC0  }
0xba: {  	_ =	task [dreg:s22], $0x5FFFF  }
0xbb: {  	[dreg:$0x1] =	wrdreg $0xFFFFFFFF  }
0xbc: {  	[dreg:$0x0] =	wrdreg $0x60  }
0xbd: {  	[dreg:$0x2] =	wrdreg s18  }
0xbe: {  	[dreg:$0x3] =	wrdreg s24  }
0xbf: {  	[dreg:$0x4] =	wrdreg $0x9  }
0xc0: {  	_ =	task.clear_ibuf [dreg:s22], $0x5FFFF;
	_ =	strace $0x90000049  }
0xc1: {  	s29 =	simm.s32 $0x9;
	_ =	strace $0x8000004B  }
0xc2: {  	_ =	swait.ge [sflag:s29], $0x1  }
0xc3: {  	[sflag:s29] =	ssyncadd.s32 $0xFFFFFFFF  }
0xc4: {  	_ =	strace $0x9000004B  }
0xc5: {  	_ =	sfence  }
0xc6: {  	s30 =	sld [smem:$0x0];
	_ =	sdelay $0x2  }
0xc7: {  	s31 =	sshll.u32 s1, $0xD;
	s1 =	sshrl.u32 s1, $0x2  }
0xc8: {  	s4 =	sand.u32 $0x4000, s31;
	s1 =	sadd.s32 s1, s30  }
0xc9: {  	s0 =	sor.u32 s4, s0;
	s1 =	sshll.u32 s1, $0x11  }
0xca: {  	s0 =	sor.u32 s1, s0  }
0xcb: {  	s0 =	sadd.s32 $0x8F2B, s0  }
0xcc: {  	[sflag:s0] =	ssyncadd.remote.s32 $0x1  }
0xcd: {  	_ =	sfence.sel $0xFFFF  }
0xce: {  	[dreg:$0x0] =	wrdreg $0xFFFFFFFF;
	(pc) =	sbr.abs _section_cstart, $3  }
0xcf: {  	[dreg:$0x1] =	wrdreg $0xFFFFFFFF  }
0xd0: {  	_ =	task.clear_ibuf [dreg:s22], $0x2FFFF;
	_ =	strace $0x9FFFFFFF  }
0xd1: {  	(tm) =	ssettm $0x7FFFFFFF  }
tec
execute0_lowered:
.L_overlay_start_1:
0x0: {  	(tag) =	ssettag $0x1  }
0x1: {  	s1 =	srdreg.scid;
	s2 =	rddreg [dreg:$0x0]  }
0x2: {  	s0 =	stileid.u32;
	s5 =	rddreg [dreg:$0x1];
	s6 =	simm.s32 $0x1  }
0x3: {  	s9 =	simm.s32 $0x1;
	s10 =	simm.s32 $0x3;
	s1 =	sshll.u32 s1, $0xB  }
0x4: {  	s13 =	simm.s32 $0x0;
	s3 =	sshll.u32 s0, $0xC;
	s4 =	sand.u32 $0x800, s1  }
0x5: {  	s12 =	simm.s32 $0x0;
	s1 =	rddreg [dreg:$0x2];
	s3 =	sor.u32 s3, s4  }
0x6: {  	_ =	strace $0x8000004A;
	s4 =	sadd.s32 $0x7600, s5;
	s8 =	ssub.s32 $0x15000, s3  }
.Ltmp0:
0x7: {  	s5 =	sadd.s32 $0xCA00, s5;
	s7 =	sand.u32 $0xF800, s8;
	(pc) =	sbr.rel .LBB2_1-.Ltmp0, $4  }
0x8: {  	[sflag:s6] =	ssyncpa.u1 $0x0;
	s11 =	smov.u32 s3;
	p0 =	sne.s32 s7, $0x0  }
0x9: {  	s8 =	sshrl.u32 s8, $0x10;
	s7 =	simm.s32 $0x2;
	s9 =	simm.s32 @!p0 $0x0  }
0xa: {  	[sflag:s7] =	ssyncpa.u1 $0x0;
	p0 =	por $0x0, $0x0;
	s8 =	sadd.s32 s9, s8  }
0xb: {  	vm0 =	vmmov $0xffff;
	[sflag:s10] =	ssyncpa.u1 $0x0;
	s10 =	simm.s32 $0x0;
	s9 =	sadd.s32 $0x1, s8  }
.LBB2_4:
0xc: {  	v2 =	vnsel vm1, $0x0, v2  }
0xd: {  	vm1 =	vgt.s32 v0, $0x0;
	v2 =	vmin.u32 v2, $0x13867  }
0xe: {  	v0 =	vnsel vm1, $0x0, v0  }
0xf: {  	v0 =	vmin.u32 v0, $0x13867  }
0x10: {  	[tilespmem:s15], [sflag:$0x1] =	stream.indirect_vreg.gather [hbm4b:s2+s10], $0x1, v1, vm0, $0x4038;
	[tilespmem:$0x2000] =	vst v63  }
0x11: {  	(ifvalue) =	ssetifvalue $0x7FFFFFFF  }
0x12: {  	[tilespmem:s16], [sflag:$0x1] =	stream.indirect_vreg.gather [hbm4b:s2+s10], $0x1, v2, vm0, $0x4038;
	[tilespmem:$0x2000] =	vst v63  }
0x13: {  	s29 =	sadd.s32 $0x10, s16;
	(ifvalue) =	ssetifvalue $0x7FFFFFFF  }
0x14: {  	[tilespmem:s29], [sflag:$0x1] =	stream.indirect_vreg.gather [hbm4b:s2+s10], $0x1, v0, vm0, $0x4038;
	[tilespmem:$0x2000] =	vst v63  }
0x15: {  	_ =	swait.ge [sflag:s6], $0x800  }
0x16: {  	s30 =	sshrl.u32 s13, $0x3;
	[sflag:s6] =	ssyncset.done $0x0  }
0x17: {  	s31 =	sand.u32 $0x7, s13;
	s15 =	sadd.s32 s5, s30;
	[sflag:s6] =	ssyncadd.s32 $0xFFFFF800  }
0x18: {  	[hbm4b:s15+s31] =	stream.linear.scatter [tilespmem:s14], [sflag:$0x3], $0x800, $0x38;
	[tilespmem:$0x2000] =	vst v63  }
.LBB2_5:
0x19: {  	s15 =	sadd.s32 $0x10000, s11  }
0x1a: {  	p2 =	sgt.s32 s15, $0x14FFF  }
0x1b: {  	s15 =	smov.u32 @p2 s3;
	p2 =	sne.s32 s12, s9  }
.Ltmp1:
0x1c: {  	p1 =	slt.u32 s12, $0x2;
	(pc) =	sbr.rel @!p2 .LBB2_6-.Ltmp1, $4  }
0x1d: {  	s14 =	simm.s32 @!p1 $0x3  }
0x1e: {  	s16 =	sadd.s32 $0x1, s12;
	_ =	swait.ge @!p1 [sflag:s14], $0x800  }
0x1f: {  	s13 =	smov.u32 s11;
	p0 =	por !p0, !p0;
	[sflag:s14] =	ssyncset.done @!p1 $0x0  }
0x20: {  	s12 =	smov.u32 s16;
	s11 =	smov.u32 s15;
	[sflag:s14] =	ssyncadd.s32 @!p1 $0xFFFFF800  }
.LBB2_1:
0x21: {  	p1 =	sge.u32 s12, s8  }
0x22: {  	s14 =	sxor.u32 @!p1 $0xFFFFFFFF, s12  }
0x23: {  	s31 =	sadd.s32 $0xFFFFFFFF, s12;
	s15 =	sshrl.u32 @!p1 s11, $0x3;
	s14 =	sshll.u32 @!p1 s14, $0xB  }
0x24: {  	s16 =	sand.u32 @!p1 $0x7, s11;
	s15 =	sadd.s32 @!p1 s4, s15;
	s14 =	sand.u32 @!p1 $0x800, s14  }
0x25: {  	[tilespmem:s14], [sflag:$0x2] =	stream.linear.gather @!p1 [hbm4b:s15+s16], $0x800, $0x38;
	[tilespmem:$0x2000] =	vst v63  }
0x26: {  	p1 =	sge.u32 s31, s8  }
.Ltmp2:
0x27: {  	_ = 	snop;
	(pc) =	sbr.rel @p1 .LBB2_5-.Ltmp2, $1  }
0x28: {  	_ =	sdelay $0x3  }
0x29: {  	s14 =	simm.s32 $0x1  }
0x2a: {  	_ =	swait.ge [sflag:s7], $0x800;
	s14 =	simm.s32 @!p0 $0x0  }
0x2b: {  	[sflag:s7] =	ssyncset.done $0x0;
	s14 =	sshll.u32 s14, $0xB  }
0x2c: {  	[sflag:s7] =	ssyncadd.s32 $0xFFFFF800;
	(ifvalue) =	ssetifvalue $0x7FFFFFFF;
	v0 =	vld.msk [tilespmem:s14+$0x0 ss:$0x1], $0xffff;
	_ =	sdelay $0x4  }
0x2d: {  	s15 =	sadd.s32 $0x10, s14;
	vm1 =	vgt.s32 v0, $0x0  }
0x2e: {  	v2 =	vld.msk [tilespmem:s15+$0x0 ss:$0x1], $0xffff;
	v1 =	vnsel vm1, $0x0, v0  }
0x2f: {  	v1 =	vmin.u32 v1, $0x13867;
	_ =	sdelay $0x1  }
0x30: {  	s16 =	sshll.u32 s12, $0xB;
	s18 =	simm.s32 $0x20  }
0x31: {  	s16 =	sand.u32 $0x800, s16;
	s17 =	sadd.s32 $0x10, s15;
	s15 =	sor.u32 $0x1000, s14  }
0x32: {  	s14 =	sor.u32 $0x1000, s16;
	s16 =	sadd.s32 $0x10, s15;
	v0 =	vld.msk [tilespmem:s17+$0x0 ss:$0x1], $0xffff;
	vm1 =	vgt.s32 v2, $0x0;
	(ifvalue) =	ssetifvalue $0x7FFFFFFF  }
.LBB2_3:
0x33: {  	[tilespmem:s15], [sflag:$0x1] =	stream.indirect_vreg.gather [hbm4b:s2+s10], $0x1, v1, vm0, $0x4038;
	[tilespmem:$0x2000] =	vst v63  }
0x34: {  	s18 =	sadd.s32 $0x10, s18  }
0x35: {  	v2 =	vnsel vm1, $0x0, v2;
	p1 =	slt.u32 s18, $0x7F0  }
.Ltmp3:
0x36: {  	s15 =	smov.u32 s16;
	v1 =	vmin.u32 v2, $0x13867;
	(pc) =	sbr.rel @p1 .LBB2_3-.Ltmp3, $3  }
0x37: {  	_ =	sdelay $0x1  }
0x38: {  	s17 =	sadd.s32 $0x10, s17  }
0x39: {  	vm1 =	vgt.s32 v0, $0x0;
	s16 =	sadd.s32 $0x10, s16;
	v2 =	vmov v0;
	(ifvalue) =	ssetifvalue $0x7FFFFFFF;
	v0 =	vld.msk [tilespmem:s17+$0x0 ss:$0x1], $0xffff  }
.Ltmp4:
0x3a: {  	_ = 	snop;
	(pc) =	sbr.rel .LBB2_4-.Ltmp4, $1  }
0x3b: {  	_ =	sdelay $0x3  }
.LBB2_6:
0x3c: {  	_ =	sfence.sel $0x180000  }
0x3d: {  	s2 =	simm.s32 $0x2;
	[bflag:$0x0] =	sbarrier.arrive $0xFFFF  }
0x3e: {  	s30 =	simm.s32 $0x3;
	[sflag:s2] =	ssyncpa.u1 $0x1  }
0x3f: {  	s31 =	simm.s32 $0x1;
	[sflag:s30] =	ssyncpa.u1 $0x1  }
0x40: {  	[sflag:s31] =	ssyncpa.u1 $0x1  }
0x41: {  	p0 =	sne.s32 s0, $0x0;
	_ =	strace $0x9000004A  }
0x42: {  	s0 =	sadd.s32 @!p0 $0x100000, s1;
	[bflag:$0x2] =	sbarrier.arrive $0xFFFF  }
0x43: {  	[sflag:s0] =	ssyncadd.tile.s32 @!p0 $0x1;
	_ =	shalt  }
.Lfunc_end2:
_tile_overlayer_lowered:
.L_overlay_start_2:
0x44: {  	(tag) =	ssettag $0x2  }
0x45: {  	s0 =	rddreg [dreg:$0x0];
	s2 =	stileid.u32  }
0x46: {  	s1 =	rddreg [dreg:$0x1];
	p0 =	sne.s32 s2, $0x0  }
0x47: {  	s3 =	rddreg [dreg:$0x2];
	[bflag:$0x3] =	sbarrier.arrive $0xFFFF;
	s2 =	simm.s32 @!p0 $0x1C01  }
0x48: {  	[timem:s3], [sflag:s2] =	dma.local @!p0 [hbm:s0], s1  }
0x49: {  	s0 =	simm.s32 @!p0 $0x1  }
0x4a: {  	_ =	swait.ge @!p0 [sflag:s0], s1  }
0x4b: {  	s1 =	ssub.s32 @!p0 $0x0, s1;
	[sflag:s0] =	ssyncset.done @!p0 $0x0  }
0x4c: {  	[sflag:s0] =	ssyncadd.s32 @!p0 s1  }
0x4d: {  	[bflag:$0x3] =	sbarrier.arrive $0xFFFF  }
0x4e: {  	_ =	shalt  }

// kernel: gather_offload_async_start
scs
__scs_entry_jumppad:
0x0: {  	(pc) =	sbr.rel $0x88, $3  }
0x1: {  	(tag) =	ssettag $0x0;
	lr =	simm.s32 $0x1  }
0x2: {  	[smem:$0x3F9A] =	sst lr;
	_ =	strace $0xD0000000  }
0x3: {  	_ = 	snop  }
0x4: {  	_ = 	snop  }
0x5: {  	_ = 	snop  }
0x6: {  	_ = 	snop  }
0x7: {  	_ = 	snop  }
__scs_overlays_trampoline_lowered:
0x8: {  	[smem:$0x3FA9] =	sst s0  }
0x9: {  	[smem:$0x3FAA] =	sst s1  }
0xa: {  	[smem:$0x3FAB] =	sst s2  }
0xb: {  	[smem:$0x3FAC] =	sst s3  }
0xc: {  	[smem:$0x3FAD] =	sst s4  }
0xd: {  	[smem:$0x3FAE] =	sst s5  }
0xe: {  	[smem:$0x3FAF] =	sst s6  }
0xf: {  	[smem:$0x3FB0] =	sst s7  }
0x10: {  	[smem:$0x3FB1] =	sst s8  }
0x11: {  	[smem:$0x3FB2] =	sst s9;
	s0 =	simm.s32 @!p0 $0x0  }
0x12: {  	s1 =	sld [smem:$0x3F98];
	s0 =	simm.s32 @p0 $0x1  }
0x13: {  	[smem:$0x3FB3] =	sst s0;
	s0 =	simm.s32 @!p1 $0x0  }
0x14: {  	s2 =	sld [smem:$0x3F97];
	s0 =	simm.s32 @p1 $0x1  }
0x15: {  	[smem:$0x3FB4] =	sst s0;
	s0 =	simm.s32 @!p2 $0x0  }
0x16: {  	s3 =	sld [smem:$0x3FDB];
	s0 =	simm.s32 @p2 $0x1  }
0x17: {  	s4 =	simm.s32 $0x1BF5;
	[smem:$0x3FB6] =	sst s0  }
0x18: {  	s0 =	sld [smem:$0x3F99];
	_ =	swait.ge [sflag:s4], $0x0  }
0x19: {  	s7 =	sld [smem:$0x3F9A]  }
0x1a: {  	s8 =	sadd.s32 $0xFFFFE003, lr  }
0x1b: {  	s9 =	sadd.s32 $0xFFFFFEF7, lr;
	s5 =	simm.s32 $0xFFFFFFFF;
	p2 =	slt.u32 s8, $0xFFFFF086  }
0x1c: {  	p1 =	slt.u32 s9, $0xF7A;
	s5 =	simm.s32 @!p2 $0x0  }
0x1d: {  	s5 =	simm.s32 @p1 $0x1;
	p0 =	seq.s32 s7, s2  }
0x1e: {  	s7 =	smul.u32 @!p0 $0xF7A, s2;
	p2 =	seq.s32 @!p0 s5, $0x0  }
0x1f: {  	s9 =	smul.u32 $0xF7A, s1;
	s8 =	simm.s32 @!p0 $0x1BF5;
	p2 =	por !p2, p0  }
0x20: {  	[sflag:s8] =	ssyncset.s32 @!p0 $0xFFFFF086;
	s6 =	sadd.s32 @!p0 s3, s7;
	s7 =	simm.s32 @!p0 $0x108  }
0x21: {  	s3 =	sadd.s32 s3, s9;
	s6 =	sadd.s32 @!p0 $0x88, s6;
	s7 =	simm.s32 @p2 $0x1082  }
0x22: {  	[simem:s7], [sflag:s8] =	dma.local @!p0 [hbm:s6], $0xF7A  }
0x23: {  	s9 =	sor.u32 $0xD0000000, s2;
	s6 =	simm.s32 $0x108;
	_ =	swait.ge @!p0 [sflag:s8], $0x0  }
0x24: {  	s3 =	sadd.s32 $0x88, s3;
	s6 =	simm.s32 @!p1 $0x1082;
	[sflag:s4] =	ssyncset.s32 $0xFFFFF086  }
0x25: {  	[simem:s6], [sflag:s4] =	dma.local [hbm:s3], $0xF7A  }
0x26: {  	[smem:$0x3F9A] =	sst s1;
	(tag) =	ssettag s2;
	_ =	strace s9  }
0x27: {  	s1 =	sld [smem:$0x3FAA]  }
0x28: {  	s2 =	sld [smem:$0x3FAB]  }
0x29: {  	s4 =	sld [smem:$0x3FAD]  }
0x2a: {  	p0 =	seq.s32 s5, $0x0;
	s5 =	sld [smem:$0x3FAE]  }
0x2b: {  	s6 =	sld [smem:$0x3FAF]  }
0x2c: {  	s7 =	sld [smem:$0x3FB0]  }
0x2d: {  	s3 =	simm.s32 $0x108;
	s8 =	sld [smem:$0x3FB1]  }
0x2e: {  	s3 =	simm.s32 @!p0 $0x1082;
	s9 =	sld [smem:$0x3FB2]  }
0x2f: {  	lr =	sadd.s32 s0, s3;
	s0 =	sld [smem:$0x3FA9]  }
0x30: {  	s3 =	sld [smem:$0x3FAC]  }
0x31: {  	[smem:$0x3FB5] =	sst s10  }
0x32: {  	s10 =	sld [smem:$0x3FB3];
	_ =	sdelay $0x3  }
0x33: {  	p0 =	seq.s32 s10, $0x1;
	s10 =	sld [smem:$0x3FB5];
	_ =	sdelay $0x3  }
0x34: {  	[smem:$0x3FB5] =	sst s10  }
0x35: {  	s10 =	sld [smem:$0x3FB4];
	_ =	sdelay $0x3  }
0x36: {  	p1 =	seq.s32 s10, $0x1;
	s10 =	sld [smem:$0x3FB5];
	_ =	sdelay $0x3  }
0x37: {  	[smem:$0x3FB5] =	sst s10  }
0x38: {  	s10 =	sld [smem:$0x3FB6]  }
0x39: {  	_ = 	snop;
	(pc) =	sbr.ind lr, $3  }
0x3a: {  	_ = 	snop  }
0x3b: {  	_ = 	snop  }
0x3c: {  	p2 =	seq.s32 s10, $0x1;
	s10 =	sld [smem:$0x3FB5]  }
0x3d: {  	_ =	shalt  }
0x3e: {  	_ =	shalt  }
0x3f: {  	_ =	shalt  }
0x40: {  	_ =	shalt  }
0x41: {  	_ =	shalt  }
0x42: {  	_ =	shalt  }
0x43: {  	_ =	shalt  }
0x44: {  	_ =	shalt  }
0x45: {  	_ =	shalt  }
0x46: {  	_ =	shalt  }
0x47: {  	_ =	shalt  }
0x48: {  	_ =	shalt  }
0x49: {  	_ =	shalt  }
0x4a: {  	_ =	shalt  }
0x4b: {  	_ =	shalt  }
0x4c: {  	_ =	shalt  }
0x4d: {  	_ =	shalt  }
0x4e: {  	_ =	shalt  }
0x4f: {  	_ =	shalt  }
0x50: {  	_ =	shalt  }
0x51: {  	_ =	shalt  }
0x52: {  	_ =	shalt  }
0x53: {  	_ =	shalt  }
0x54: {  	_ =	shalt  }
0x55: {  	_ =	shalt  }
0x56: {  	_ =	shalt  }
0x57: {  	_ =	shalt  }
0x58: {  	_ =	shalt  }
0x59: {  	_ =	shalt  }
0x5a: {  	_ =	shalt  }
0x5b: {  	_ =	shalt  }
0x5c: {  	_ =	shalt  }
0x5d: {  	_ =	shalt  }
0x5e: {  	_ =	shalt  }
0x5f: {  	_ =	shalt  }
0x60: {  	_ =	shalt  }
0x61: {  	_ =	shalt  }
0x62: {  	_ =	shalt  }
0x63: {  	_ =	shalt  }
0x64: {  	_ =	shalt  }
0x65: {  	_ =	shalt  }
0x66: {  	_ =	shalt  }
0x67: {  	_ =	shalt  }
0x68: {  	_ =	shalt  }
0x69: {  	_ =	shalt  }
0x6a: {  	_ =	shalt  }
0x6b: {  	_ =	shalt  }
0x6c: {  	_ =	shalt  }
0x6d: {  	_ =	shalt  }
0x6e: {  	_ =	shalt  }
0x6f: {  	_ =	shalt  }
0x70: {  	_ =	shalt  }
0x71: {  	_ =	shalt  }
0x72: {  	_ =	shalt  }
0x73: {  	_ =	shalt  }
0x74: {  	_ =	shalt  }
0x75: {  	_ =	shalt  }
0x76: {  	_ =	shalt  }
0x77: {  	_ =	shalt  }
0x78: {  	_ =	shalt  }
0x79: {  	_ =	shalt  }
0x7a: {  	_ =	shalt  }
0x7b: {  	_ =	shalt  }
0x7c: {  	_ =	shalt  }
0x7d: {  	_ =	shalt  }
0x7e: {  	_ =	shalt  }
0x7f: {  	_ =	shalt  }
0x80: {  	_ =	shalt  }
0x81: {  	_ =	shalt  }
0x82: {  	_ =	shalt  }
0x83: {  	_ =	shalt  }
0x84: {  	_ =	shalt  }
0x85: {  	_ =	shalt  }
0x86: {  	_ =	shalt  }
0x87: {  	_ =	shalt  }
.Lfunc_end0:
.L_simem_size_0:
called_computation_lowered:
.L_overlay_start_0:
0x88: {  	s2 =	sld [smem:$0x3FD9]  }
0x89: {  	s3 =	sld [smem:$0x3FFE];
	_ =	sdelay $0x1  }
0x8a: {  	s1 =	srdreg.scid  }
0x8b: {  	s0 =	sand.u32 $0x1, s1  }
0x8c: {  	s17 =	sshll.u32 s0, $0xA;
	s2 =	sadd.s32 s3, s2  }
0x8d: {  	s2 =	sadd.s32 s2, s17  }
0x8e: {  	[smem:$0x3FC1] =	sst s2  }
0x8f: {  	_ = 	snop  }
0x90: {  	s2 =	sld [smem:$0x3FC5];
	(tm) =	ssettm $0x1  }
0x91: {  	s18 =	sld [smem:$0x3FFB];
	_ =	sdelay $0x3  }
0x92: {  	_ =	strace s18  }
0x93: {  	s3 =	sld [smem:$0x3FFC];
	_ =	sdelay $0x3  }
0x94: {  	_ =	strace s3  }
0x95: {  	s3 =	sld [smem:$0x3FFD];
	_ =	sdelay $0x3  }
0x96: {  	_ =	strace s3  }
0x97: {  	_ =	strace $0x8FFFFFFF  }
0x98: {  	s19 =	sld [smem:$0x3FDB];
	_ =	sdelay $0x1  }
0x99: {  	s4 =	simm.s32 $_scs_section_size  }
0x9a: {  	s5 =	simm.s32 $_size__tile_overlayer_lowered;
	s6 =	simm.s32 $_tile_overlayer_lowered  }
0x9b: {  	s22 =	simm.s32 $0x1BFF;
	s21 =	sshll.u32 s6, $0x1;
	s3 =	sadd.s32 s4, s19  }
0x9c: {  	s7 =	simm.s32 $0x0;
	s20 =	sshll.u32 s5, $0x1;
	s5 =	sadd.s32 s21, s3  }
0x9d: {  	[timem:s7], [sflag:s22] =	dma.local [hbm:s5], s20  }
0x9e: {  	_ =	swait.ge [sflag:s22], s20  }
0x9f: {  	s4 =	ssub.s32 $0x0, s20;
	[sflag:s22] =	ssyncset.done $0x0  }
0xa0: {  	[sflag:s22] =	ssyncadd.s32 s4;
	_ =	sdelay $0x1  }
0xa1: {  	s23 =	simm.s32 $0x1B8B  }
0xa2: {  	_ =	swait.ge [sflag:s23], $0x1  }
0xa3: {  	[sflag:s23] =	ssyncset.done $0x0  }
0xa4: {  	s25 =	simm.s32 $0x1B8E;
	s24 =	sld [smem:$0x3FFE];
	[sflag:s23] =	ssyncadd.s32 $0xFFFFFFFF  }
0xa5: {  	s26 =	simm.s32 $execute0_lowered;
	[smem:$0x3FD2] =	sst s25  }
0xa6: {  	s5 =	sshll.u32 s26, $0x1;
	_ =	strace $0x80000046;
	[dreg:$0x1] =	wrdreg $0xFFFFFFFF  }
0xa7: {  	s28 =	simm.s32 $_size_execute0_lowered;
	s3 =	sadd.s32 s3, s5;
	[dreg:$0x0] =	wrdreg $0x0  }
0xa8: {  	s5 =	sshll.u32 s28, $0x1;
	[dreg:$0x2] =	wrdreg s3  }
0xa9: {  	[dreg:$0x3] =	wrdreg s5  }
0xaa: {  	[dreg:$0x4] =	wrdreg $0xC0  }
0xab: {  	_ =	task [dreg:s7], $0x5FFFF  }
0xac: {  	[dreg:$0x1] =	wrdreg $0xFFFFFFFF  }
0xad: {  	[dreg:$0x0] =	wrdreg $0x60  }
0xae: {  	[dreg:$0x2] =	wrdreg s2  }
0xaf: {  	[dreg:$0x3] =	wrdreg s24  }
0xb0: {  	[dreg:$0x4] =	wrdreg $0xA  }
0xb1: {  	_ =	task.clear_ibuf [dreg:s7], $0x5FFFF;
	_ =	strace $0x90000046  }
0xb2: {  	s29 =	simm.s32 $0xA;
	_ =	strace $0x80000048  }
0xb3: {  	_ =	swait.ge [sflag:s29], $0x1  }
0xb4: {  	[sflag:s29] =	ssyncadd.s32 $0xFFFFFFFF  }
0xb5: {  	_ =	strace $0x90000048  }
0xb6: {  	_ =	sfence  }
0xb7: {  	s30 =	sld [smem:$0x0];
	_ =	sdelay $0x2  }
0xb8: {  	s31 =	sshll.u32 s1, $0xD;
	s1 =	sshrl.u32 s1, $0x2  }
0xb9: {  	s3 =	sand.u32 $0x4000, s31;
	s1 =	sadd.s32 s1, s30  }
0xba: {  	s0 =	sor.u32 s3, s0;
	s1 =	sshll.u32 s1, $0x11  }
0xbb: {  	s0 =	sor.u32 s1, s0  }
0xbc: {  	s0 =	sadd.s32 $0x8F2B, s0  }
0xbd: {  	[sflag:s0] =	ssyncadd.remote.s32 $0x1  }
0xbe: {  	_ =	sfence.sel $0xFFFF  }
0xbf: {  	[dreg:$0x0] =	wrdreg $0xFFFFFFFF;
	(pc) =	sbr.abs _section_cstart, $3  }
0xc0: {  	[dreg:$0x1] =	wrdreg $0xFFFFFFFF  }
0xc1: {  	_ =	task.clear_ibuf [dreg:s7], $0x2FFFF;
	_ =	strace $0x9FFFFFFF  }
0xc2: {  	(tm) =	ssettm $0x7FFFFFFF  }
0xc3: {  	_ =	shalt  }
tec
execute0_lowered:
.L_overlay_start_1:
0x0: {  	(tag) =	ssettag $0x1  }
0x1: {  	s1 =	srdreg.scid;
	s2 =	rddreg [dreg:$0x0]  }
0x2: {  	s0 =	stileid.u32;
	s5 =	rddreg [dreg:$0x1];
	s6 =	simm.s32 $0x1  }
0x3: {  	s9 =	simm.s32 $0x1;
	s10 =	simm.s32 $0x3;
	s1 =	sshll.u32 s1, $0xB  }
0x4: {  	s13 =	simm.s32 $0x0;
	s3 =	sshll.u32 s0, $0xC;
	s4 =	sand.u32 $0x800, s1  }
0x5: {  	s12 =	simm.s32 $0x0;
	s1 =	rddreg [dreg:$0x2];
	s3 =	sor.u32 s3, s4  }
0x6: {  	_ =	strace $0x80000047;
	s4 =	sadd.s32 $0x7600, s5;
	s8 =	ssub.s32 $0x15000, s3  }
.Ltmp0:
0x7: {  	s5 =	sadd.s32 $0xA000, s5;
	s7 =	sand.u32 $0xF800, s8;
	(pc) =	sbr.rel .LBB2_1-.Ltmp0, $4  }
0x8: {  	[sflag:s6] =	ssyncpa.u1 $0x0;
	s11 =	smov.u32 s3;
	p0 =	sne.s32 s7, $0x0  }
0x9: {  	s8 =	sshrl.u32 s8, $0x10;
	s7 =	simm.s32 $0x2;
	s9 =	simm.s32 @!p0 $0x0  }
0xa: {  	[sflag:s7] =	ssyncpa.u1 $0x0;
	p0 =	por $0x0, $0x0;
	s8 =	sadd.s32 s9, s8  }
0xb: {  	vm0 =	vmmov $0xffff;
	[sflag:s10] =	ssyncpa.u1 $0x0;
	s10 =	simm.s32 $0x0;
	s9 =	sadd.s32 $0x1, s8  }
.LBB2_4:
0xc: {  	v2 =	vnsel vm1, $0x0, v2  }
0xd: {  	vm1 =	vgt.s32 v0, $0x0;
	v2 =	vmin.u32 v2, $0x13867  }
0xe: {  	v0 =	vnsel vm1, $0x0, v0  }
0xf: {  	v0 =	vmin.u32 v0, $0x13867  }
0x10: {  	[tilespmem:s15], [sflag:$0x1] =	stream.indirect_vreg.gather [hbm4b:s2+s10], $0x1, v1, vm0, $0x4038;
	[tilespmem:$0x2000] =	vst v63  }
0x11: {  	(ifvalue) =	ssetifvalue $0x7FFFFFFF  }
0x12: {  	[tilespmem:s16], [sflag:$0x1] =	stream.indirect_vreg.gather [hbm4b:s2+s10], $0x1, v2, vm0, $0x4038;
	[tilespmem:$0x2000] =	vst v63  }
0x13: {  	s29 =	sadd.s32 $0x10, s16;
	(ifvalue) =	ssetifvalue $0x7FFFFFFF  }
0x14: {  	[tilespmem:s29], [sflag:$0x1] =	stream.indirect_vreg.gather [hbm4b:s2+s10], $0x1, v0, vm0, $0x4038;
	[tilespmem:$0x2000] =	vst v63  }
0x15: {  	_ =	swait.ge [sflag:s6], $0x800  }
0x16: {  	s30 =	sshrl.u32 s13, $0x3;
	[sflag:s6] =	ssyncset.done $0x0  }
0x17: {  	s31 =	sand.u32 $0x7, s13;
	s15 =	sadd.s32 s5, s30;
	[sflag:s6] =	ssyncadd.s32 $0xFFFFF800  }
0x18: {  	[hbm4b:s15+s31] =	stream.linear.scatter [tilespmem:s14], [sflag:$0x3], $0x800, $0x38;
	[tilespmem:$0x2000] =	vst v63  }
.LBB2_5:
0x19: {  	s15 =	sadd.s32 $0x10000, s11  }
0x1a: {  	p2 =	sgt.s32 s15, $0x14FFF  }
0x1b: {  	s15 =	smov.u32 @p2 s3;
	p2 =	sne.s32 s12, s9  }
.Ltmp1:
0x1c: {  	p1 =	slt.u32 s12, $0x2;
	(pc) =	sbr.rel @!p2 .LBB2_6-.Ltmp1, $4  }
0x1d: {  	s14 =	simm.s32 @!p1 $0x3  }
0x1e: {  	s16 =	sadd.s32 $0x1, s12;
	_ =	swait.ge @!p1 [sflag:s14], $0x800  }
0x1f: {  	s13 =	smov.u32 s11;
	p0 =	por !p0, !p0;
	[sflag:s14] =	ssyncset.done @!p1 $0x0  }
0x20: {  	s12 =	smov.u32 s16;
	s11 =	smov.u32 s15;
	[sflag:s14] =	ssyncadd.s32 @!p1 $0xFFFFF800  }
.LBB2_1:
0x21: {  	p1 =	sge.u32 s12, s8  }
0x22: {  	s14 =	sxor.u32 @!p1 $0xFFFFFFFF, s12  }
0x23: {  	s31 =	sadd.s32 $0xFFFFFFFF, s12;
	s15 =	sshrl.u32 @!p1 s11, $0x3;
	s14 =	sshll.u32 @!p1 s14, $0xB  }
0x24: {  	s16 =	sand.u32 @!p1 $0x7, s11;
	s15 =	sadd.s32 @!p1 s4, s15;
	s14 =	sand.u32 @!p1 $0x800, s14  }
0x25: {  	[tilespmem:s14], [sflag:$0x2] =	stream.linear.gather @!p1 [hbm4b:s15+s16], $0x800, $0x38;
	[tilespmem:$0x2000] =	vst v63  }
0x26: {  	p1 =	sge.u32 s31, s8  }
.Ltmp2:
0x27: {  	_ = 	snop;
	(pc) =	sbr.rel @p1 .LBB2_5-.Ltmp2, $1  }
0x28: {  	_ =	sdelay $0x3  }
0x29: {  	s14 =	simm.s32 $0x1  }
0x2a: {  	_ =	swait.ge [sflag:s7], $0x800;
	s14 =	simm.s32 @!p0 $0x0  }
0x2b: {  	[sflag:s7] =	ssyncset.done $0x0;
	s14 =	sshll.u32 s14, $0xB  }
0x2c: {  	[sflag:s7] =	ssyncadd.s32 $0xFFFFF800;
	(ifvalue) =	ssetifvalue $0x7FFFFFFF;
	v0 =	vld.msk [tilespmem:s14+$0x0 ss:$0x1], $0xffff;
	_ =	sdelay $0x4  }
0x2d: {  	s15 =	sadd.s32 $0x10, s14;
	vm1 =	vgt.s32 v0, $0x0  }
0x2e: {  	v2 =	vld.msk [tilespmem:s15+$0x0 ss:$0x1], $0xffff;
	v1 =	vnsel vm1, $0x0, v0  }
0x2f: {  	v1 =	vmin.u32 v1, $0x13867;
	_ =	sdelay $0x1  }
0x30: {  	s16 =	sshll.u32 s12, $0xB;
	s18 =	simm.s32 $0x20  }
0x31: {  	s16 =	sand.u32 $0x800, s16;
	s17 =	sadd.s32 $0x10, s15;
	s15 =	sor.u32 $0x1000, s14  }
0x32: {  	s14 =	sor.u32 $0x1000, s16;
	s16 =	sadd.s32 $0x10, s15;
	v0 =	vld.msk [tilespmem:s17+$0x0 ss:$0x1], $0xffff;
	vm1 =	vgt.s32 v2, $0x0;
	(ifvalue) =	ssetifvalue $0x7FFFFFFF  }
.LBB2_3:
0x33: {  	[tilespmem:s15], [sflag:$0x1] =	stream.indirect_vreg.gather [hbm4b:s2+s10], $0x1, v1, vm0, $0x4038;
	[tilespmem:$0x2000] =	vst v63  }
0x34: {  	s18 =	sadd.s32 $0x10, s18  }
0x35: {  	v2 =	vnsel vm1, $0x0, v2;
	p1 =	slt.u32 s18, $0x7F0  }
.Ltmp3:
0x36: {  	s15 =	smov.u32 s16;
	v1 =	vmin.u32 v2, $0x13867;
	(pc) =	sbr.rel @p1 .LBB2_3-.Ltmp3, $3  }
0x37: {  	_ =	sdelay $0x1  }
0x38: {  	s17 =	sadd.s32 $0x10, s17  }
0x39: {  	vm1 =	vgt.s32 v0, $0x0;
	s16 =	sadd.s32 $0x10, s16;
	v2 =	vmov v0;
	(ifvalue) =	ssetifvalue $0x7FFFFFFF;
	v0 =	vld.msk [tilespmem:s17+$0x0 ss:$0x1], $0xffff  }
.Ltmp4:
0x3a: {  	_ = 	snop;
	(pc) =	sbr.rel .LBB2_4-.Ltmp4, $1  }
0x3b: {  	_ =	sdelay $0x3  }
.LBB2_6:
0x3c: {  	_ =	sfence.sel $0x180000  }
0x3d: {  	s2 =	simm.s32 $0x2;
	[bflag:$0x0] =	sbarrier.arrive $0xFFFF  }
0x3e: {  	s30 =	simm.s32 $0x3;
	[sflag:s2] =	ssyncpa.u1 $0x1  }
0x3f: {  	s31 =	simm.s32 $0x1;
	[sflag:s30] =	ssyncpa.u1 $0x1  }
0x40: {  	[sflag:s31] =	ssyncpa.u1 $0x1  }
0x41: {  	p0 =	sne.s32 s0, $0x0;
	_ =	strace $0x90000047  }
0x42: {  	s0 =	sadd.s32 @!p0 $0x100000, s1;
	[bflag:$0x2] =	sbarrier.arrive $0xFFFF  }
0x43: {  	[sflag:s0] =	ssyncadd.tile.s32 @!p0 $0x1;
	_ =	shalt  }
.Lfunc_end2:
_tile_overlayer_lowered:
.L_overlay_start_2:
0x44: {  	(tag) =	ssettag $0x2  }
0x45: {  	s0 =	rddreg [dreg:$0x0];
	s2 =	stileid.u32  }
0x46: {  	s1 =	rddreg [dreg:$0x1];
	p0 =	sne.s32 s2, $0x0  }
0x47: {  	s3 =	rddreg [dreg:$0x2];
	[bflag:$0x3] =	sbarrier.arrive $0xFFFF;
	s2 =	simm.s32 @!p0 $0x1C01  }
0x48: {  	[timem:s3], [sflag:s2] =	dma.local @!p0 [hbm:s0], s1  }
0x49: {  	s0 =	simm.s32 @!p0 $0x1  }
0x4a: {  	_ =	swait.ge @!p0 [sflag:s0], s1  }
0x4b: {  	s1 =	ssub.s32 @!p0 $0x0, s1;
	[sflag:s0] =	ssyncset.done @!p0 $0x0  }
0x4c: {  	[sflag:s0] =	ssyncadd.s32 @!p0 s1  }
0x4d: {  	[bflag:$0x3] =	sbarrier.arrive $0xFFFF  }
0x4e: {  	_ =	shalt  }

// kernel: kernel.10.cloned.1.call-start
scs
__scs_entry_jumppad:
0x0: {  	(pc) =	sbr.rel $0x88, $3  }
0x1: {  	(tag) =	ssettag $0x0;
	lr =	simm.s32 $0x1  }
0x2: {  	[smem:$0x3F9A] =	sst lr;
	_ =	strace $0xD0000000  }
0x3: {  	_ = 	snop  }
0x4: {  	_ = 	snop  }
0x5: {  	_ = 	snop  }
0x6: {  	_ = 	snop  }
0x7: {  	_ = 	snop  }
__scs_overlays_trampoline_lowered:
0x8: {  	[smem:$0x3FA9] =	sst s0  }
0x9: {  	[smem:$0x3FAA] =	sst s1  }
0xa: {  	[smem:$0x3FAB] =	sst s2  }
0xb: {  	[smem:$0x3FAC] =	sst s3  }
0xc: {  	[smem:$0x3FAD] =	sst s4  }
0xd: {  	[smem:$0x3FAE] =	sst s5  }
0xe: {  	[smem:$0x3FAF] =	sst s6  }
0xf: {  	[smem:$0x3FB0] =	sst s7  }
0x10: {  	[smem:$0x3FB1] =	sst s8  }
0x11: {  	[smem:$0x3FB2] =	sst s9;
	s0 =	simm.s32 @!p0 $0x0  }
0x12: {  	s1 =	sld [smem:$0x3F98];
	s0 =	simm.s32 @p0 $0x1  }
0x13: {  	[smem:$0x3FB3] =	sst s0;
	s0 =	simm.s32 @!p1 $0x0  }
0x14: {  	s2 =	sld [smem:$0x3F97];
	s0 =	simm.s32 @p1 $0x1  }
0x15: {  	[smem:$0x3FB4] =	sst s0;
	s0 =	simm.s32 @!p2 $0x0  }
0x16: {  	s3 =	sld [smem:$0x3FDB];
	s0 =	simm.s32 @p2 $0x1  }
0x17: {  	s4 =	simm.s32 $0x1BF5;
	[smem:$0x3FB6] =	sst s0  }
0x18: {  	s0 =	sld [smem:$0x3F99];
	_ =	swait.ge [sflag:s4], $0x0  }
0x19: {  	s7 =	sld [smem:$0x3F9A]  }
0x1a: {  	s8 =	sadd.s32 $0xFFFFE003, lr  }
0x1b: {  	s9 =	sadd.s32 $0xFFFFFEF7, lr;
	s5 =	simm.s32 $0xFFFFFFFF;
	p2 =	slt.u32 s8, $0xFFFFF086  }
0x1c: {  	p1 =	slt.u32 s9, $0xF7A;
	s5 =	simm.s32 @!p2 $0x0  }
0x1d: {  	s5 =	simm.s32 @p1 $0x1;
	p0 =	seq.s32 s7, s2  }
0x1e: {  	s7 =	smul.u32 @!p0 $0xF7A, s2;
	p2 =	seq.s32 @!p0 s5, $0x0  }
0x1f: {  	s9 =	smul.u32 $0xF7A, s1;
	s8 =	simm.s32 @!p0 $0x1BF5;
	p2 =	por !p2, p0  }
0x20: {  	[sflag:s8] =	ssyncset.s32 @!p0 $0xFFFFF086;
	s6 =	sadd.s32 @!p0 s3, s7;
	s7 =	simm.s32 @!p0 $0x108  }
0x21: {  	s3 =	sadd.s32 s3, s9;
	s6 =	sadd.s32 @!p0 $0x88, s6;
	s7 =	simm.s32 @p2 $0x1082  }
0x22: {  	[simem:s7], [sflag:s8] =	dma.local @!p0 [hbm:s6], $0xF7A  }
0x23: {  	s9 =	sor.u32 $0xD0000000, s2;
	s6 =	simm.s32 $0x108;
	_ =	swait.ge @!p0 [sflag:s8], $0x0  }
0x24: {  	s3 =	sadd.s32 $0x88, s3;
	s6 =	simm.s32 @!p1 $0x1082;
	[sflag:s4] =	ssyncset.s32 $0xFFFFF086  }
0x25: {  	[simem:s6], [sflag:s4] =	dma.local [hbm:s3], $0xF7A  }
0x26: {  	[smem:$0x3F9A] =	sst s1;
	(tag) =	ssettag s2;
	_ =	strace s9  }
0x27: {  	s1 =	sld [smem:$0x3FAA]  }
0x28: {  	s2 =	sld [smem:$0x3FAB]  }
0x29: {  	s4 =	sld [smem:$0x3FAD]  }
0x2a: {  	p0 =	seq.s32 s5, $0x0;
	s5 =	sld [smem:$0x3FAE]  }
0x2b: {  	s6 =	sld [smem:$0x3FAF]  }
0x2c: {  	s7 =	sld [smem:$0x3FB0]  }
0x2d: {  	s3 =	simm.s32 $0x108;
	s8 =	sld [smem:$0x3FB1]  }
0x2e: {  	s3 =	simm.s32 @!p0 $0x1082;
	s9 =	sld [smem:$0x3FB2]  }
0x2f: {  	lr =	sadd.s32 s0, s3;
	s0 =	sld [smem:$0x3FA9]  }
0x30: {  	s3 =	sld [smem:$0x3FAC]  }
0x31: {  	[smem:$0x3FB5] =	sst s10  }
0x32: {  	s10 =	sld [smem:$0x3FB3];
	_ =	sdelay $0x3  }
0x33: {  	p0 =	seq.s32 s10, $0x1;
	s10 =	sld [smem:$0x3FB5];
	_ =	sdelay $0x3  }
0x34: {  	[smem:$0x3FB5] =	sst s10  }
0x35: {  	s10 =	sld [smem:$0x3FB4];
	_ =	sdelay $0x3  }
0x36: {  	p1 =	seq.s32 s10, $0x1;
	s10 =	sld [smem:$0x3FB5];
	_ =	sdelay $0x3  }
0x37: {  	[smem:$0x3FB5] =	sst s10  }
0x38: {  	s10 =	sld [smem:$0x3FB6]  }
0x39: {  	_ = 	snop;
	(pc) =	sbr.ind lr, $3  }
0x3a: {  	_ = 	snop  }
0x3b: {  	_ = 	snop  }
0x3c: {  	p2 =	seq.s32 s10, $0x1;
	s10 =	sld [smem:$0x3FB5]  }
0x3d: {  	_ =	shalt  }
0x3e: {  	_ =	shalt  }
0x3f: {  	_ =	shalt  }
0x40: {  	_ =	shalt  }
0x41: {  	_ =	shalt  }
0x42: {  	_ =	shalt  }
0x43: {  	_ =	shalt  }
0x44: {  	_ =	shalt  }
0x45: {  	_ =	shalt  }
0x46: {  	_ =	shalt  }
0x47: {  	_ =	shalt  }
0x48: {  	_ =	shalt  }
0x49: {  	_ =	shalt  }
0x4a: {  	_ =	shalt  }
0x4b: {  	_ =	shalt  }
0x4c: {  	_ =	shalt  }
0x4d: {  	_ =	shalt  }
0x4e: {  	_ =	shalt  }
0x4f: {  	_ =	shalt  }
0x50: {  	_ =	shalt  }
0x51: {  	_ =	shalt  }
0x52: {  	_ =	shalt  }
0x53: {  	_ =	shalt  }
0x54: {  	_ =	shalt  }
0x55: {  	_ =	shalt  }
0x56: {  	_ =	shalt  }
0x57: {  	_ =	shalt  }
0x58: {  	_ =	shalt  }
0x59: {  	_ =	shalt  }
0x5a: {  	_ =	shalt  }
0x5b: {  	_ =	shalt  }
0x5c: {  	_ =	shalt  }
0x5d: {  	_ =	shalt  }
0x5e: {  	_ =	shalt  }
0x5f: {  	_ =	shalt  }
0x60: {  	_ =	shalt  }
0x61: {  	_ =	shalt  }
0x62: {  	_ =	shalt  }
0x63: {  	_ =	shalt  }
0x64: {  	_ =	shalt  }
0x65: {  	_ =	shalt  }
0x66: {  	_ =	shalt  }
0x67: {  	_ =	shalt  }
0x68: {  	_ =	shalt  }
0x69: {  	_ =	shalt  }
0x6a: {  	_ =	shalt  }
0x6b: {  	_ =	shalt  }
0x6c: {  	_ =	shalt  }
0x6d: {  	_ =	shalt  }
0x6e: {  	_ =	shalt  }
0x6f: {  	_ =	shalt  }
0x70: {  	_ =	shalt  }
0x71: {  	_ =	shalt  }
0x72: {  	_ =	shalt  }
0x73: {  	_ =	shalt  }
0x74: {  	_ =	shalt  }
0x75: {  	_ =	shalt  }
0x76: {  	_ =	shalt  }
0x77: {  	_ =	shalt  }
0x78: {  	_ =	shalt  }
0x79: {  	_ =	shalt  }
0x7a: {  	_ =	shalt  }
0x7b: {  	_ =	shalt  }
0x7c: {  	_ =	shalt  }
0x7d: {  	_ =	shalt  }
0x7e: {  	_ =	shalt  }
0x7f: {  	_ =	shalt  }
0x80: {  	_ =	shalt  }
0x81: {  	_ =	shalt  }
0x82: {  	_ =	shalt  }
0x83: {  	_ =	shalt  }
0x84: {  	_ =	shalt  }
0x85: {  	_ =	shalt  }
0x86: {  	_ =	shalt  }
0x87: {  	_ =	shalt  }
.Lfunc_end0:
.L_simem_size_0:
called_computation.3_lowered:
.L_overlay_start_0:
0x88: {  	s2 =	sld [smem:$0x3FD9]  }
0x89: {  	s3 =	sld [smem:$0x3FFE];
	_ =	sdelay $0x1  }
0x8a: {  	s1 =	srdreg.scid  }
0x8b: {  	s0 =	sand.u32 $0x1, s1  }
0x8c: {  	s16 =	sshll.u32 s0, $0xA;
	s2 =	sadd.s32 s3, s2  }
0x8d: {  	s2 =	sadd.s32 s2, s16  }
0x8e: {  	[smem:$0x3FC1] =	sst s2  }
0x8f: {  	_ = 	snop  }
0x90: {  	(tm) =	ssettm $0x1  }
0x91: {  	s17 =	sld [smem:$0x3FFB];
	_ =	sdelay $0x3  }
0x92: {  	_ =	strace s17  }
0x93: {  	s2 =	sld [smem:$0x3FFC];
	_ =	sdelay $0x3  }
0x94: {  	_ =	strace s2  }
0x95: {  	s2 =	sld [smem:$0x3FFD];
	_ =	sdelay $0x3  }
0x96: {  	_ =	strace s2  }
0x97: {  	_ =	strace $0x8FFFFFFF  }
0x98: {  	s18 =	sld [smem:$0x3FDB];
	_ =	sdelay $0x1  }
0x99: {  	s19 =	simm.s32 $_scs_section_size  }
0x9a: {  	s4 =	simm.s32 $_size__tile_overlayer_lowered;
	s5 =	simm.s32 $_tile_overlayer_lowered  }
0x9b: {  	s22 =	simm.s32 $0x1BFF;
	s21 =	sshll.u32 s5, $0x1;
	s2 =	sadd.s32 s19, s18  }
0x9c: {  	s6 =	simm.s32 $0x0;
	s20 =	sshll.u32 s4, $0x1;
	s4 =	sadd.s32 s21, s2  }
0x9d: {  	[timem:s6], [sflag:s22] =	dma.local [hbm:s4], s20  }
0x9e: {  	_ =	swait.ge [sflag:s22], s20  }
0x9f: {  	s3 =	ssub.s32 $0x0, s20;
	[sflag:s22] =	ssyncset.done $0x0  }
0xa0: {  	[sflag:s22] =	ssyncadd.s32 s3;
	_ =	sdelay $0x1  }
0xa1: {  	s23 =	simm.s32 $0x1B8B  }
0xa2: {  	_ =	swait.ge [sflag:s23], $0x1  }
0xa3: {  	[sflag:s23] =	ssyncset.done $0x0  }
0xa4: {  	s25 =	simm.s32 $0x1B8E;
	s24 =	sld [smem:$0x3FFE];
	[sflag:s23] =	ssyncadd.s32 $0xFFFFFFFF  }
0xa5: {  	s26 =	simm.s32 $execute0_lowered;
	[smem:$0x3FD2] =	sst s25  }
0xa6: {  	s4 =	sshll.u32 s26, $0x1;
	_ =	strace $0x8000004F;
	[dreg:$0x1] =	wrdreg $0xFFFFFFFF  }
0xa7: {  	s28 =	simm.s32 $_size_execute0_lowered;
	s2 =	sadd.s32 s2, s4;
	[dreg:$0x0] =	wrdreg $0x0  }
0xa8: {  	s4 =	sshll.u32 s28, $0x1;
	[dreg:$0x2] =	wrdreg s2  }
0xa9: {  	[dreg:$0x3] =	wrdreg s4  }
0xaa: {  	[dreg:$0x4] =	wrdreg $0xC0  }
0xab: {  	_ =	task [dreg:s6], $0x5FFFF  }
0xac: {  	[dreg:$0x1] =	wrdreg $0xFFFFFFFF  }
0xad: {  	[dreg:$0x0] =	wrdreg $0x60  }
0xae: {  	[dreg:$0x2] =	wrdreg s24  }
0xaf: {  	[dreg:$0x3] =	wrdreg $0x4000  }
0xb0: {  	[dreg:$0x4] =	wrdreg $0x9  }
0xb1: {  	_ =	task.clear_ibuf [dreg:s6], $0x5FFFF;
	_ =	strace $0x9000004F  }
0xb2: {  	s29 =	simm.s32 $0x9;
	_ =	strace $0x80000051  }
0xb3: {  	_ =	swait.ge [sflag:s29], $0x1  }
0xb4: {  	[sflag:s29] =	ssyncadd.s32 $0xFFFFFFFF  }
0xb5: {  	_ =	strace $0x90000051  }
0xb6: {  	_ =	sfence  }
0xb7: {  	s30 =	sld [smem:$0x0];
	_ =	sdelay $0x2  }
0xb8: {  	s31 =	sshll.u32 s1, $0xD;
	s1 =	sshrl.u32 s1, $0x2  }
0xb9: {  	s3 =	sand.u32 $0x4000, s31;
	s1 =	sadd.s32 s1, s30  }
0xba: {  	s0 =	sor.u32 s3, s0;
	s1 =	sshll.u32 s1, $0x11  }
0xbb: {  	s0 =	sor.u32 s1, s0  }
0xbc: {  	s0 =	sadd.s32 $0x8F2B, s0  }
0xbd: {  	[sflag:s0] =	ssyncadd.remote.s32 $0x1  }
0xbe: {  	_ =	sfence.sel $0xFFFF  }
0xbf: {  	[dreg:$0x0] =	wrdreg $0xFFFFFFFF;
	(pc) =	sbr.abs _section_cstart, $3  }
0xc0: {  	[dreg:$0x1] =	wrdreg $0xFFFFFFFF  }
0xc1: {  	_ =	task.clear_ibuf [dreg:s6], $0x2FFFF;
	_ =	strace $0x9FFFFFFF  }
0xc2: {  	(tm) =	ssettm $0x7FFFFFFF  }
0xc3: {  	_ =	shalt  }
tec
execute0_lowered:
.L_overlay_start_1:
0x0: {  	(tag) =	ssettag $0x1  }
0x1: {  	s0 =	rddreg [dreg:$0x0]  }
0x2: {  	s1 =	rddreg [dreg:$0x1]  }
0x3: {  	s2 =	simm.s32 $0x0;
	s3 =	srdreg.scid;
	s15 =	stileid.u32  }
0x4: {  	s28 =	simm.s32 $0x1;
	s29 =	simm.s32 $0x20;
	s30 =	simm.s32 $0x200  }
0x5: {  	s31 =	simm.s32 $0x100;
	[smem:$0x7FF] =	sst s2;
	s3 =	sand.u32 $0x1, s3  }
0x6: {  	s5 =	sadd.s32 $0x161E00, s0;
	s7 =	sadd.s32 $0x7600, s0;
	s8 =	smul.u32 $0x880, s15  }
0x7: {  	s0 =	sadd.s32 $0xA000, s0;
	s19 =	sshll.u32 s15, $0x10;
	s13 =	sshll.u32 s15, $0x6  }
0x8: {  	p0 =	sgt.u32 s15, $0x8;
	_ =	strace $0x80000050;
	s4 =	ssub.s32 $0x2, s3  }
0x9: {  	s18 =	smul.u32 $0x320000, s3;
	s12 =	sadd.s32 s19, s1;
	s20 =	sor.u32 $0x100000, s19  }
0xa: {  	s6 =	sshrl.u32 s4, $0x1;
	s10 =	sadd.s32 $0xC800, s8;
	[dreg:$0x3] =	wrdreg s12  }
0xb: {  	s24 =	sadd.s32 s20, s1;
	s8 =	sadd.s32 $0xC820, s8;
	s12 =	simm.s32 $0xD  }
0xc: {  	s9 =	ssub.s32 s4, s6;
	s4 =	smul.u32 $0x6400, s3;
	s11 =	sadd.s32 s18, s19  }
0xd: {  	s14 =	sadd.s32 s18, s20;
	s6 =	sor.u32 $0x1C0D, s13;
	[dreg:$0x6] =	wrdreg s24  }
0xe: {  	s26 =	sshrl.u32 s10, $0x3;
	s10 =	sshll.u32 s10, $0x4;
	s16 =	sshrl.u32 s8, $0x3  }
0xf: {  	s23 =	sshrl.u32 s14, $0x3;
	s14 =	sadd.s32 s7, s26;
	[dreg:$0x5] =	wrdreg s6  }
0x10: {  	s8 =	sshll.u32 s8, $0x4;
	s10 =	sadd.s32 s5, s10;
	[dreg:$0x8] =	wrdreg s14  }
0x11: {  	s13 =	simm.s32 $0x180;
	s8 =	sadd.s32 s5, s8;
	[dreg:$0x9] =	wrdreg s10  }
0x12: {  	s11 =	sshrl.u32 s11, $0x3;
	s24 =	smax.u32 s9, $0x1;
	[dreg:$0xb] =	wrdreg s8  }
0x13: {  	s9 =	simm.s32 $0x4;
	s22 =	sadd.s32 s5, s11;
	[dreg:$0x12] =	wrdreg s24  }
0x14: {  	s25 =	sadd.s32 s5, s23;
	s21 =	sadd.s32 $0x3200, s4;
	[dreg:$0x4] =	wrdreg s22  }
0x15: {  	s10 =	sadd.s32 s7, s16;
	s18 =	sadd.s32 s0, s11;
	[dreg:$0x7] =	wrdreg s25  }
0x16: {  	s24 =	simm.s32 $0x80;
	s14 =	simm.s32 $0x1C440;
	[dreg:$0xa] =	wrdreg s10  }
0x17: {  	s16 =	simm.s32 $0x7;
	s17 =	sshll.u32 s21, $0x7;
	[dreg:$0xc] =	wrdreg s18  }
0x18: {  	s22 =	smul.u32 $0x110, s15;
	s18 =	simm.s32 $0x8;
	s10 =	simm.s32 $0xA  }
0x19: {  	s3 =	sadd.s32 s19, s17;
	s19 =	sadd.s32 s0, s23;
	s20 =	sadd.s32 s20, s17  }
0x1a: {  	s23 =	smul.u32 $0x8800, s15;
	s17 =	simm.s32 $0x3;
	s15 =	simm.s32 $0x9  }
0x1b: {  	[dreg:$0xd] =	wrdreg s19;
	s3 =	sshrl.u32 s3, $0x3;
	s8 =	sshrl.u32 s20, $0x3  }
0x1c: {  	s25 =	sadd.s32 s22, s7;
	s19 =	simm.s32 $0x300;
	s7 =	simm.s32 $0x380  }
0x1d: {  	s11 =	sadd.s32 s5, s3;
	s3 =	sadd.s32 s0, s3;
	s0 =	sadd.s32 s0, s8  }
0x1e: {  	s8 =	sadd.s32 s5, s8;
	s20 =	sadd.s32 s23, s5;
	[dreg:$0xf] =	wrdreg s3  }
.Ltmp0:
0x1f: {  	s26 =	sadd.s32 $0x1914, s25;
	[dreg:$0x10] =	wrdreg s0;
	(pc) =	sbr.rel .LBB2_1-.Ltmp0, $4  }
0x20: {  	s23 =	simm.s32 $0x19440;
	s25 =	simm.s32 $0x1A440;
	[dreg:$0x13] =	wrdreg s26  }
0x21: {  	s5 =	simm.s32 $0x2;
	[dreg:$0xe] =	wrdreg s11;
	s8 =	smov.u32 @p0 s11  }
0x22: {  	s26 =	simm.s32 $0x5;
	s0 =	simm.s32 $0x1B440;
	s3 =	simm.s32 $0x6  }
0x23: {  	v0 =	vmov s4;
	v1 =	vmov s21;
	s11 =	simm.s32 $0x0;
	[dreg:$0x11] =	wrdreg s8;
	s8 =	simm.s32 $0x280  }
.LBB2_7:
0x24: {  	s4 =	simm.s32 $0xB  }
0x25: {  	_ =	swait.ge [sflag:s4], $0x1000  }
0x26: {  	[sflag:s4] =	ssyncset.done $0x0  }
0x27: {  	s11 =	simm.s32 $0xC;
	[sflag:s4] =	ssyncadd.s32 $0xFFFFF000  }
0x28: {  	_ =	swait.ge [sflag:s11], $0x1000  }
0x29: {  	[sflag:s11] =	ssyncset.done $0x0  }
0x2a: {  	[sflag:s11] =	ssyncadd.s32 $0xFFFFF000  }
0x2b: {  	[bflag:$0x0] =	sbarrier.arrive $0xFFFF  }
0x2c: {  	s6 =	rddreg [dreg:$0x5]  }
0x2d: {  	s12 =	rddreg [dreg:$0xf]  }
0x2e: {  	s11 =	rddreg [dreg:$0x15]  }
0x2f: {  	[hbm:s12], [sflag:s6] =	dma.local [spmem:s11], $0x2000  }
0x30: {  	s12 =	simm.s32 $0xD  }
0x31: {  	_ =	swait.ge [sflag:s12], $0x2000  }
0x32: {  	[sflag:s12] =	ssyncset.done $0x0;
	s4 =	rddreg [dreg:$0x10]  }
0x33: {  	s11 =	rddreg [dreg:$0x16];
	[sflag:s12] =	ssyncadd.s32 $0xFFFFE000  }
0x34: {  	[hbm:s4], [sflag:s6] =	dma.local @!p0 [spmem:s11], $0x2000  }
0x35: {  	s4 =	simm.s32 @!p0 $0xD  }
0x36: {  	_ =	swait.ge @!p0 [sflag:s4], $0x2000  }
0x37: {  	s21 =	rddreg [dreg:$0x14]  }
0x38: {  	s22 =	rddreg [dreg:$0x12];
	s11 =	sadd.s32 $0x1, s21  }
0x39: {  	p1 =	sne.s32 s11, s22  }
.Ltmp1:
0x3a: {  	_ = 	snop;
	(pc) =	sbr.rel @!p1 .LBB2_8-.Ltmp1, $3  }
0x3b: {  	[sflag:s4] =	ssyncset.done @!p0 $0x0  }
0x3c: {  	[sflag:s4] =	ssyncadd.s32 @!p0 $0xFFFFE000  }
0x3d: {  	[bflag:$0x0] =	sbarrier.arrive $0xFFFF;
	_ =	sdelay $0x1  }
.LBB2_1:
0x3e: {  	[dreg:$0x14] =	wrdreg s11  }
0x3f: {  	s4 =	rddreg [dreg:$0x3]  }
0x40: {  	s22 =	rddreg [dreg:$0x4];
	s21 =	sshrl.u32 s4, $0x3  }
0x41: {  	[dreg:$0x15] =	wrdreg s21  }
0x42: {  	[spmem:s21], [sflag:s6] =	dma.local [hbm:s22], $0x2000  }
0x43: {  	_ =	swait.ge [sflag:s12], $0x2000  }
0x44: {  	s4 =	rddreg [dreg:$0x6]  }
0x45: {  	[sflag:s12] =	ssyncset.done $0x0;
	s11 =	sshrl.u32 @!p0 s4, $0x3;
	s4 =	rddreg [dreg:$0x7]  }
0x46: {  	[sflag:s12] =	ssyncadd.s32 $0xFFFFE000;
	[dreg:$0x16] =	wrdreg s11  }
0x47: {  	[spmem:s11], [sflag:s6] =	dma.local @!p0 [hbm:s4], $0x2000  }
0x48: {  	s4 =	simm.s32 @!p0 $0xD  }
0x49: {  	_ =	swait.ge @!p0 [sflag:s4], $0x2000  }
0x4a: {  	[sflag:s4] =	ssyncset.done @!p0 $0x0  }
0x4b: {  	[sflag:s4] =	ssyncadd.s32 @!p0 $0xFFFFE000  }
0x4c: {  	[bflag:$0x0] =	sbarrier.arrive $0xFFFF  }
0x4d: {  	s11 =	rddreg [dreg:$0x8]  }
0x4e: {  	s12 =	rddreg [dreg:$0x9]  }
0x4f: {  	[tilespmem:s2], [sflag:$0x5] =	stream.linear.gather [hbm4b:s11+s2], $0x20, $0x38;
	[tilespmem:$0x1D440] =	vst v63  }
0x50: {  	s21 =	rddreg [dreg:$0xa]  }
0x51: {  	[tilespmem:s23], [sflag:$0x1] =	stream.linear.gather [hbm4b:s12+s2], $0x1000, $0x38;
	[tilespmem:$0x1D440] =	vst v63  }
0x52: {  	s22 =	rddreg [dreg:$0xb]  }
0x53: {  	[tilespmem:s24], [sflag:$0x6] =	stream.linear.gather [hbm4b:s21+s2], $0x20, $0x38;
	[tilespmem:$0x1D440] =	vst v63  }
0x54: {  	s4 =	simm.s32 $0x0;
	s12 =	rddreg [dreg:$0x13]  }
0x55: {  	[tilespmem:s25], [sflag:$0x2] =	stream.linear.gather [hbm4b:s22+s2], $0x1000, $0x38;
	[tilespmem:$0x1D440] =	vst v63  }
.LBB2_2:
0x56: {  	_ =	swait.ge [sflag:s26], $0x20  }
0x57: {  	[sflag:s26] =	ssyncset.done $0x0  }
0x58: {  	[sflag:s26] =	ssyncadd.s32 $0xFFFFFFE0  }
0x59: {  	v2 =	vld [tilespmem:$0x0]  }
0x5a: {  	v3 =	vld [tilespmem:$0x10];
	_ =	sdelay $0x3  }
0x5b: {  	v2 =	vsub.s32 v2, v0  }
0x5c: {  	v3 =	vsub.s32 v3, v0;
	v2 =	vmin.u32 v2, $0x3200  }
0x5d: {  	[tilespmem:$0x200] =	vst v2;
	v2 =	vmin.u32 v3, $0x3200  }
0x5e: {  	[tilespmem:$0x210] =	vst v2  }
0x5f: {  	_ =	swait.ge [sflag:s28], $0x1000  }
0x60: {  	p1 =	seq.s32 s4, $0x0;
	[sflag:s28] =	ssyncset.done $0x0  }
0x61: {  	s11 =	simm.s32 @!p1 $0xB;
	[sflag:s28] =	ssyncadd.s32 $0xFFFFF000  }
0x62: {  	[spmem:s1] =	stream.indirect.scatter.add.f32 [tilespmem:s23], [sflag:$0x9], $0x80, s30, s29, $0xb8;
	[tilespmem:$0x1D440] =	vst v63  }
0x63: {  	_ =	swait.ge @!p1 [sflag:s11], $0x1000  }
0x64: {  	[sflag:s11] =	ssyncset.done @!p1 $0x0  }
0x65: {  	s22 =	sadd.s32 $0xFFFFFFF4, s12;
	[sflag:s11] =	ssyncadd.s32 @!p1 $0xFFFFF000;
	s11 =	sadd.s32 s4, s20  }
0x66: {  	[tilespmem:s31], [sflag:$0x7] =	stream.linear.gather [hbm4b:s22+s2], $0x20, $0x38;
	[tilespmem:$0x1D440] =	vst v63  }
0x67: {  	s22 =	sadd.s32 $0xC8400, s11  }
0x68: {  	[tilespmem:s0], [sflag:$0x3] =	stream.linear.gather [hbm4b:s22+s2], $0x1000, $0x38;
	[tilespmem:$0x1D440] =	vst v63  }
0x69: {  	_ =	swait.ge [sflag:s3], $0x20  }
0x6a: {  	[sflag:s3] =	ssyncset.done $0x0  }
0x6b: {  	[sflag:s3] =	ssyncadd.s32 $0xFFFFFFE0  }
0x6c: {  	v2 =	vld [tilespmem:$0x80]  }
0x6d: {  	v3 =	vld [tilespmem:$0x90];
	_ =	sdelay $0x3  }
0x6e: {  	v2 =	vsub.s32 v2, v0  }
0x6f: {  	v3 =	vsub.s32 v3, v0;
	v2 =	vmin.u32 v2, $0x3200  }
0x70: {  	[tilespmem:$0x280] =	vst v2;
	v2 =	vmin.u32 v3, $0x3200  }
0x71: {  	[tilespmem:$0x290] =	vst v2  }
0x72: {  	_ =	swait.ge [sflag:s5], $0x1000  }
0x73: {  	[sflag:s5] =	ssyncset.done $0x0  }
0x74: {  	s22 =	simm.s32 @!p1 $0xC;
	[sflag:s5] =	ssyncadd.s32 $0xFFFFF000  }
0x75: {  	[spmem:s1] =	stream.indirect.scatter.add.f32 [tilespmem:s25], [sflag:$0xA], $0x80, s8, s29, $0xb8;
	[tilespmem:$0x1D440] =	vst v63  }
0x76: {  	_ =	swait.ge @!p1 [sflag:s22], $0x1000  }
0x77: {  	[sflag:s22] =	ssyncset.done @!p1 $0x0  }
0x78: {  	s6 =	sadd.s32 $0xFFFFFFF8, s12;
	[sflag:s22] =	ssyncadd.s32 @!p1 $0xFFFFF000  }
0x79: {  	[tilespmem:s13], [sflag:$0x8] =	stream.linear.gather [hbm4b:s6+s2], $0x20, $0x38;
	[tilespmem:$0x1D440] =	vst v63  }
0x7a: {  	s21 =	sadd.s32 $0xC8600, s11  }
0x7b: {  	[tilespmem:s14], [sflag:$0x4] =	stream.linear.gather [hbm4b:s21+s2], $0x1000, $0x38;
	[tilespmem:$0x1D440] =	vst v63  }
0x7c: {  	_ =	swait.ge [sflag:s16], $0x20  }
0x7d: {  	[sflag:s16] =	ssyncset.done $0x0  }
0x7e: {  	[sflag:s16] =	ssyncadd.s32 $0xFFFFFFE0  }
0x7f: {  	v2 =	vld [tilespmem:$0x100]  }
0x80: {  	v3 =	vld [tilespmem:$0x110];
	_ =	sdelay $0x3  }
0x81: {  	v2 =	vsub.s32 v2, v0  }
0x82: {  	v3 =	vsub.s32 v3, v0;
	v2 =	vmin.u32 v2, $0x3200  }
0x83: {  	[tilespmem:$0x300] =	vst v2;
	v2 =	vmin.u32 v3, $0x3200  }
0x84: {  	[tilespmem:$0x310] =	vst v2  }
0x85: {  	_ =	swait.ge [sflag:s17], $0x1000  }
0x86: {  	[sflag:s17] =	ssyncset.done $0x0  }
0x87: {  	[sflag:s17] =	ssyncadd.s32 $0xFFFFF000  }
0x88: {  	[spmem:s1] =	stream.indirect.scatter.add.f32 [tilespmem:s0], [sflag:$0xB], $0x80, s19, s29, $0xb8;
	[tilespmem:$0x1D440] =	vst v63  }
0x89: {  	_ =	swait.ge [sflag:s15], $0x1000  }
0x8a: {  	p1 =	seq.s32 s4, $0x8000;
	[sflag:s15] =	ssyncset.done $0x0  }
0x8b: {  	s22 =	sadd.s32 @!p1 $0xFFFFFFFC, s12;
	s6 =	simm.s32 @!p1 $0x0;
	[sflag:s15] =	ssyncadd.s32 $0xFFFFF000  }
0x8c: {  	[tilespmem:s6], [sflag:$0x5] =	stream.linear.gather @!p1 [hbm4b:s22+s6], $0x20, $0x38;
	[tilespmem:$0x1D440] =	vst v63  }
0x8d: {  	s22 =	sadd.s32 @!p1 s4, s20  }
0x8e: {  	s21 =	simm.s32 @!p1 $0x19440;
	s22 =	sadd.s32 @!p1 $0xC8800, s22  }
0x8f: {  	[tilespmem:s21], [sflag:$0x1] =	stream.linear.gather @!p1 [hbm4b:s22+s6], $0x1000, $0x38;
	[tilespmem:$0x1D440] =	vst v63  }
0x90: {  	_ =	swait.ge [sflag:s18], $0x20  }
0x91: {  	[sflag:s18] =	ssyncset.done $0x0  }
0x92: {  	[sflag:s18] =	ssyncadd.s32 $0xFFFFFFE0  }
0x93: {  	v2 =	vld [tilespmem:$0x180]  }
0x94: {  	v3 =	vld [tilespmem:$0x190];
	_ =	sdelay $0x3  }
0x95: {  	v2 =	vsub.s32 v2, v0  }
0x96: {  	v3 =	vsub.s32 v3, v0;
	v2 =	vmin.u32 v2, $0x3200  }
0x97: {  	[tilespmem:$0x380] =	vst v2;
	v2 =	vmin.u32 v3, $0x3200  }
0x98: {  	[tilespmem:$0x390] =	vst v2  }
0x99: {  	_ =	swait.ge [sflag:s9], $0x1000  }
0x9a: {  	[sflag:s9] =	ssyncset.done $0x0  }
.Ltmp2:
0x9b: {  	[sflag:s9] =	ssyncadd.s32 $0xFFFFF000;
	(pc) =	sbr.rel @p1 .LBB2_4-.Ltmp2, $4  }
0x9c: {  	[spmem:s1] =	stream.indirect.scatter.add.f32 [tilespmem:s14], [sflag:$0xC], $0x80, s7, s29, $0xb8;
	[tilespmem:$0x1D440] =	vst v63  }
0x9d: {  	_ =	swait.ge [sflag:s10], $0x1000  }
0x9e: {  	[sflag:s10] =	ssyncset.done $0x0  }
0x9f: {  	[sflag:s10] =	ssyncadd.s32 $0xFFFFF000  }
.Ltmp3:
0xa0: {  	(pc) =	sbr.rel .LBB2_2-.Ltmp3, $4  }
0xa1: {  	_ = 	snop  }
0xa2: {  	[tilespmem:s24], [sflag:$0x6] =	stream.linear.gather [hbm4b:s12+s2], $0x20, $0x38;
	[tilespmem:$0x1D440] =	vst v63  }
0xa3: {  	s6 =	sadd.s32 $0xC8A00, s11;
	s4 =	sadd.s32 $0x800, s4;
	s12 =	sadd.s32 $0x10, s12  }
0xa4: {  	[tilespmem:s25], [sflag:$0x2] =	stream.linear.gather [hbm4b:s6+s2], $0x1000, $0x38;
	[tilespmem:$0x1D440] =	vst v63  }
.LBB2_4:
0xa5: {  	s4 =	simm.s32 $0xB  }
0xa6: {  	_ =	swait.ge [sflag:s4], $0x1000  }
0xa7: {  	[sflag:s4] =	ssyncset.done $0x0  }
0xa8: {  	s21 =	simm.s32 $0xC;
	[sflag:s4] =	ssyncadd.s32 $0xFFFFF000  }
0xa9: {  	_ =	swait.ge [sflag:s21], $0x1000  }
0xaa: {  	[sflag:s21] =	ssyncset.done $0x0  }
0xab: {  	[sflag:s21] =	ssyncadd.s32 $0xFFFFF000  }
0xac: {  	[bflag:$0x0] =	sbarrier.arrive $0xFFFF  }
0xad: {  	s12 =	rddreg [dreg:$0x5]  }
0xae: {  	s22 =	rddreg [dreg:$0xc]  }
0xaf: {  	s6 =	rddreg [dreg:$0x15]  }
0xb0: {  	[hbm:s22], [sflag:s12] =	dma.local [spmem:s6], $0x2000  }
0xb1: {  	s22 =	simm.s32 $0xD  }
0xb2: {  	_ =	swait.ge [sflag:s22], $0x2000  }
0xb3: {  	[sflag:s22] =	ssyncset.done $0x0  }
0xb4: {  	[sflag:s22] =	ssyncadd.s32 $0xFFFFE000  }
0xb5: {  	[bflag:$0x0] =	sbarrier.arrive @p0 $0xFFFF  }
0xb6: {  	s4 =	rddreg [dreg:$0xd]  }
0xb7: {  	s6 =	rddreg [dreg:$0x16]  }
0xb8: {  	[hbm:s4], [sflag:s12] =	dma.local @!p0 [spmem:s6], $0x2000  }
0xb9: {  	s4 =	simm.s32 @!p0 $0xD  }
0xba: {  	_ =	swait.ge @!p0 [sflag:s4], $0x2000  }
0xbb: {  	[sflag:s4] =	ssyncset.done @!p0 $0x0  }
0xbc: {  	[sflag:s4] =	ssyncadd.s32 @!p0 $0xFFFFE000  }
0xbd: {  	[bflag:$0x0] =	sbarrier.arrive @!p0 $0xFFFF  }
0xbe: {  	s11 =	rddreg [dreg:$0x3]  }
0xbf: {  	s21 =	rddreg [dreg:$0xe];
	s6 =	sshrl.u32 @!p0 s11, $0x3  }
0xc0: {  	[spmem:s6], [sflag:s12] =	dma.local @!p0 [hbm:s21], $0x2000  }
0xc1: {  	_ =	swait.ge @!p0 [sflag:s4], $0x2000  }
0xc2: {  	s6 =	rddreg [dreg:$0x6]  }
0xc3: {  	[sflag:s4] =	ssyncset.done @!p0 $0x0;
	s6 =	smov.u32 @p0 s11  }
0xc4: {  	s21 =	rddreg [dreg:$0x11];
	[sflag:s4] =	ssyncadd.s32 @!p0 $0xFFFFE000;
	s11 =	sshrl.u32 s6, $0x3  }
0xc5: {  	[spmem:s11], [sflag:s12] =	dma.local [hbm:s21], $0x2000  }
0xc6: {  	_ =	swait.ge [sflag:s22], $0x2000  }
0xc7: {  	[sflag:s22] =	ssyncset.done $0x0  }
0xc8: {  	[sflag:s22] =	ssyncadd.s32 $0xFFFFE000  }
0xc9: {  	[bflag:$0x0] =	sbarrier.arrive $0xFFFF  }
0xca: {  	s6 =	rddreg [dreg:$0x8]  }
0xcb: {  	s12 =	simm.s32 $0x0;
	s11 =	rddreg [dreg:$0x9]  }
0xcc: {  	[tilespmem:s12], [sflag:$0x5] =	stream.linear.gather [hbm4b:s6+s12], $0x20, $0x38;
	[tilespmem:$0x1D440] =	vst v63  }
0xcd: {  	s21 =	rddreg [dreg:$0xa]  }
0xce: {  	[tilespmem:s23], [sflag:$0x1] =	stream.linear.gather [hbm4b:s11+s12], $0x1000, $0x38;
	[tilespmem:$0x1D440] =	vst v63  }
0xcf: {  	s22 =	rddreg [dreg:$0xb]  }
0xd0: {  	[tilespmem:s24], [sflag:$0x6] =	stream.linear.gather [hbm4b:s21+s12], $0x20, $0x38;
	[tilespmem:$0x1D440] =	vst v63  }
0xd1: {  	s4 =	rddreg [dreg:$0x13]  }
0xd2: {  	[tilespmem:s25], [sflag:$0x2] =	stream.linear.gather [hbm4b:s22+s12], $0x1000, $0x38;
	[tilespmem:$0x1D440] =	vst v63  }
.LBB2_5:
0xd3: {  	_ =	swait.ge [sflag:s26], $0x20  }
0xd4: {  	[sflag:s26] =	ssyncset.done $0x0  }
0xd5: {  	[sflag:s26] =	ssyncadd.s32 $0xFFFFFFE0  }
0xd6: {  	v2 =	vld [tilespmem:$0x0]  }
0xd7: {  	v3 =	vld [tilespmem:$0x10];
	_ =	sdelay $0x3  }
0xd8: {  	v2 =	vsub.s32 v2, v1  }
0xd9: {  	v3 =	vsub.s32 v3, v1;
	v2 =	vmin.u32 v2, $0x3200  }
0xda: {  	[tilespmem:$0x200] =	vst v2;
	v2 =	vmin.u32 v3, $0x3200  }
0xdb: {  	[tilespmem:$0x210] =	vst v2  }
0xdc: {  	_ =	swait.ge [sflag:s28], $0x1000  }
0xdd: {  	p1 =	seq.s32 s12, $0x0;
	[sflag:s28] =	ssyncset.done $0x0  }
0xde: {  	s6 =	simm.s32 @!p1 $0xB;
	[sflag:s28] =	ssyncadd.s32 $0xFFFFF000  }
0xdf: {  	[spmem:s1] =	stream.indirect.scatter.add.f32 [tilespmem:s23], [sflag:$0x9], $0x80, s30, s29, $0xb8;
	[tilespmem:$0x1D440] =	vst v63  }
0xe0: {  	_ =	swait.ge @!p1 [sflag:s6], $0x1000  }
0xe1: {  	[sflag:s6] =	ssyncset.done @!p1 $0x0  }
0xe2: {  	s21 =	sadd.s32 $0xFFFFFFF4, s4;
	s11 =	sadd.s32 s12, s20;
	[sflag:s6] =	ssyncadd.s32 @!p1 $0xFFFFF000  }
0xe3: {  	[tilespmem:s31], [sflag:$0x7] =	stream.linear.gather [hbm4b:s21+s2], $0x20, $0x38;
	[tilespmem:$0x1D440] =	vst v63  }
0xe4: {  	s22 =	sadd.s32 $0xC8400, s11  }
0xe5: {  	[tilespmem:s0], [sflag:$0x3] =	stream.linear.gather [hbm4b:s22+s2], $0x1000, $0x38;
	[tilespmem:$0x1D440] =	vst v63  }
0xe6: {  	_ =	swait.ge [sflag:s3], $0x20  }
0xe7: {  	[sflag:s3] =	ssyncset.done $0x0  }
0xe8: {  	[sflag:s3] =	ssyncadd.s32 $0xFFFFFFE0  }
0xe9: {  	v2 =	vld [tilespmem:$0x80]  }
0xea: {  	v3 =	vld [tilespmem:$0x90];
	_ =	sdelay $0x3  }
0xeb: {  	v2 =	vsub.s32 v2, v1  }
0xec: {  	v3 =	vsub.s32 v3, v1;
	v2 =	vmin.u32 v2, $0x3200  }
0xed: {  	[tilespmem:$0x280] =	vst v2;
	v2 =	vmin.u32 v3, $0x3200  }
0xee: {  	[tilespmem:$0x290] =	vst v2  }
0xef: {  	_ =	swait.ge [sflag:s5], $0x1000  }
0xf0: {  	[sflag:s5] =	ssyncset.done $0x0  }
0xf1: {  	s6 =	simm.s32 @!p1 $0xC;
	[sflag:s5] =	ssyncadd.s32 $0xFFFFF000  }
0xf2: {  	[spmem:s1] =	stream.indirect.scatter.add.f32 [tilespmem:s25], [sflag:$0xA], $0x80, s8, s29, $0xb8;
	[tilespmem:$0x1D440] =	vst v63  }
0xf3: {  	_ =	swait.ge @!p1 [sflag:s6], $0x1000  }
0xf4: {  	[sflag:s6] =	ssyncset.done @!p1 $0x0  }
0xf5: {  	s21 =	sadd.s32 $0xFFFFFFF8, s4;
	[sflag:s6] =	ssyncadd.s32 @!p1 $0xFFFFF000  }
0xf6: {  	[tilespmem:s13], [sflag:$0x8] =	stream.linear.gather [hbm4b:s21+s2], $0x20, $0x38;
	[tilespmem:$0x1D440] =	vst v63  }
0xf7: {  	s22 =	sadd.s32 $0xC8600, s11  }
0xf8: {  	[tilespmem:s14], [sflag:$0x4] =	stream.linear.gather [hbm4b:s22+s2], $0x1000, $0x38;
	[tilespmem:$0x1D440] =	vst v63  }
0xf9: {  	_ =	swait.ge [sflag:s16], $0x20  }
0xfa: {  	[sflag:s16] =	ssyncset.done $0x0  }
0xfb: {  	[sflag:s16] =	ssyncadd.s32 $0xFFFFFFE0  }
0xfc: {  	v2 =	vld [tilespmem:$0x100]  }
0xfd: {  	v3 =	vld [tilespmem:$0x110];
	_ =	sdelay $0x3  }
0xfe: {  	v2 =	vsub.s32 v2, v1  }
0xff: {  	v3 =	vsub.s32 v3, v1;
	v2 =	vmin.u32 v2, $0x3200  }
0x100: {  	[tilespmem:$0x300] =	vst v2;
	v2 =	vmin.u32 v3, $0x3200  }
0x101: {  	[tilespmem:$0x310] =	vst v2  }
0x102: {  	_ =	swait.ge [sflag:s17], $0x1000  }
0x103: {  	[sflag:s17] =	ssyncset.done $0x0  }
0x104: {  	[sflag:s17] =	ssyncadd.s32 $0xFFFFF000  }
0x105: {  	[spmem:s1] =	stream.indirect.scatter.add.f32 [tilespmem:s0], [sflag:$0xB], $0x80, s19, s29, $0xb8;
	[tilespmem:$0x1D440] =	vst v63  }
0x106: {  	_ =	swait.ge [sflag:s15], $0x1000  }
0x107: {  	p1 =	seq.s32 s12, $0x8000;
	[sflag:s15] =	ssyncset.done $0x0  }
0x108: {  	s6 =	sadd.s32 @!p1 $0xFFFFFFFC, s4;
	s21 =	simm.s32 @!p1 $0x0;
	[sflag:s15] =	ssyncadd.s32 $0xFFFFF000  }
0x109: {  	[tilespmem:s21], [sflag:$0x5] =	stream.linear.gather @!p1 [hbm4b:s6+s21], $0x20, $0x38;
	[tilespmem:$0x1D440] =	vst v63  }
0x10a: {  	s6 =	sadd.s32 @!p1 s12, s20  }
0x10b: {  	s22 =	simm.s32 @!p1 $0x19440;
	s6 =	sadd.s32 @!p1 $0xC8800, s6  }
0x10c: {  	[tilespmem:s22], [sflag:$0x1] =	stream.linear.gather @!p1 [hbm4b:s6+s21], $0x1000, $0x38;
	[tilespmem:$0x1D440] =	vst v63  }
0x10d: {  	_ =	swait.ge [sflag:s18], $0x20  }
0x10e: {  	[sflag:s18] =	ssyncset.done $0x0  }
0x10f: {  	[sflag:s18] =	ssyncadd.s32 $0xFFFFFFE0  }
0x110: {  	v2 =	vld [tilespmem:$0x180]  }
0x111: {  	v3 =	vld [tilespmem:$0x190];
	_ =	sdelay $0x3  }
0x112: {  	v2 =	vsub.s32 v2, v1  }
0x113: {  	v3 =	vsub.s32 v3, v1;
	v2 =	vmin.u32 v2, $0x3200  }
0x114: {  	[tilespmem:$0x380] =	vst v2;
	v2 =	vmin.u32 v3, $0x3200  }
0x115: {  	[tilespmem:$0x390] =	vst v2  }
0x116: {  	_ =	swait.ge [sflag:s9], $0x1000  }
0x117: {  	[sflag:s9] =	ssyncset.done $0x0  }
.Ltmp4:
0x118: {  	[sflag:s9] =	ssyncadd.s32 $0xFFFFF000;
	(pc) =	sbr.rel @p1 .LBB2_7-.Ltmp4, $4  }
0x119: {  	[spmem:s1] =	stream.indirect.scatter.add.f32 [tilespmem:s14], [sflag:$0xC], $0x80, s7, s29, $0xb8;
	[tilespmem:$0x1D440] =	vst v63  }
0x11a: {  	_ =	swait.ge [sflag:s10], $0x1000  }
0x11b: {  	[sflag:s10] =	ssyncset.done $0x0  }
0x11c: {  	[sflag:s10] =	ssyncadd.s32 $0xFFFFF000  }
.Ltmp5:
0x11d: {  	(pc) =	sbr.rel .LBB2_5-.Ltmp5, $4  }
0x11e: {  	_ = 	snop  }
0x11f: {  	[tilespmem:s24], [sflag:$0x6] =	stream.linear.gather [hbm4b:s4+s2], $0x20, $0x38;
	[tilespmem:$0x1D440] =	vst v63  }
0x120: {  	s6 =	sadd.s32 $0xC8A00, s11;
	s12 =	sadd.s32 $0x800, s12;
	s4 =	sadd.s32 $0x10, s4  }
0x121: {  	[tilespmem:s25], [sflag:$0x2] =	stream.linear.gather [hbm4b:s6+s2], $0x1000, $0x38;
	[tilespmem:$0x1D440] =	vst v63  }
.LBB2_8:
0x122: {  	_ =	sfence.sel $0x180000  }
0x123: {  	[bflag:$0x0] =	sbarrier.arrive $0xFFFF  }
0x124: {  	_ =	strace $0x90000050  }
0x125: {  	s0 =	stileid.u32;
	[bflag:$0x2] =	sbarrier.arrive $0xFFFF  }
0x126: {  	p0 =	sne.s32 s0, $0x0;
	s0 =	rddreg [dreg:$0x2]  }
0x127: {  	s0 =	sadd.s32 @!p0 $0x100000, s0  }
0x128: {  	[sflag:s0] =	ssyncadd.tile.s32 @!p0 $0x1;
	_ =	shalt  }
.Lfunc_end2:
_tile_overlayer_lowered:
.L_overlay_start_2:
0x129: {  	(tag) =	ssettag $0x2  }
0x12a: {  	s0 =	rddreg [dreg:$0x0];
	s2 =	stileid.u32  }
0x12b: {  	s1 =	rddreg [dreg:$0x1];
	p0 =	sne.s32 s2, $0x0  }
0x12c: {  	s3 =	rddreg [dreg:$0x2];
	[bflag:$0x3] =	sbarrier.arrive $0xFFFF;
	s2 =	simm.s32 @!p0 $0x1C0D  }
0x12d: {  	[timem:s3], [sflag:s2] =	dma.local @!p0 [hbm:s0], s1  }
0x12e: {  	s0 =	simm.s32 @!p0 $0xD  }
0x12f: {  	_ =	swait.ge @!p0 [sflag:s0], s1  }
0x130: {  	s1 =	ssub.s32 @!p0 $0x0, s1;
	[sflag:s0] =	ssyncset.done @!p0 $0x0  }
0x131: {  	[sflag:s0] =	ssyncadd.s32 @!p0 s1  }
0x132: {  	[bflag:$0x3] =	sbarrier.arrive $0xFFFF  }
0x133: {  	_ =	shalt  }

// kernel: kernel.7.cloned.1.call-start
scs
__scs_entry_jumppad:
0x0: {  	(pc) =	sbr.rel $0x88, $3  }
0x1: {  	(tag) =	ssettag $0x0;
	lr =	simm.s32 $0x1  }
0x2: {  	[smem:$0x3F9A] =	sst lr;
	_ =	strace $0xD0000000  }
0x3: {  	_ = 	snop  }
0x4: {  	_ = 	snop  }
0x5: {  	_ = 	snop  }
0x6: {  	_ = 	snop  }
0x7: {  	_ = 	snop  }
__scs_overlays_trampoline_lowered:
0x8: {  	[smem:$0x3FA9] =	sst s0  }
0x9: {  	[smem:$0x3FAA] =	sst s1  }
0xa: {  	[smem:$0x3FAB] =	sst s2  }
0xb: {  	[smem:$0x3FAC] =	sst s3  }
0xc: {  	[smem:$0x3FAD] =	sst s4  }
0xd: {  	[smem:$0x3FAE] =	sst s5  }
0xe: {  	[smem:$0x3FAF] =	sst s6  }
0xf: {  	[smem:$0x3FB0] =	sst s7  }
0x10: {  	[smem:$0x3FB1] =	sst s8  }
0x11: {  	[smem:$0x3FB2] =	sst s9;
	s0 =	simm.s32 @!p0 $0x0  }
0x12: {  	s1 =	sld [smem:$0x3F98];
	s0 =	simm.s32 @p0 $0x1  }
0x13: {  	[smem:$0x3FB3] =	sst s0;
	s0 =	simm.s32 @!p1 $0x0  }
0x14: {  	s2 =	sld [smem:$0x3F97];
	s0 =	simm.s32 @p1 $0x1  }
0x15: {  	[smem:$0x3FB4] =	sst s0;
	s0 =	simm.s32 @!p2 $0x0  }
0x16: {  	s3 =	sld [smem:$0x3FDB];
	s0 =	simm.s32 @p2 $0x1  }
0x17: {  	s4 =	simm.s32 $0x1BF5;
	[smem:$0x3FB6] =	sst s0  }
0x18: {  	s0 =	sld [smem:$0x3F99];
	_ =	swait.ge [sflag:s4], $0x0  }
0x19: {  	s7 =	sld [smem:$0x3F9A]  }
0x1a: {  	s8 =	sadd.s32 $0xFFFFE003, lr  }
0x1b: {  	s9 =	sadd.s32 $0xFFFFFEF7, lr;
	s5 =	simm.s32 $0xFFFFFFFF;
	p2 =	slt.u32 s8, $0xFFFFF086  }
0x1c: {  	p1 =	slt.u32 s9, $0xF7A;
	s5 =	simm.s32 @!p2 $0x0  }
0x1d: {  	s5 =	simm.s32 @p1 $0x1;
	p0 =	seq.s32 s7, s2  }
0x1e: {  	s7 =	smul.u32 @!p0 $0xF7A, s2;
	p2 =	seq.s32 @!p0 s5, $0x0  }
0x1f: {  	s9 =	smul.u32 $0xF7A, s1;
	s8 =	simm.s32 @!p0 $0x1BF5;
	p2 =	por !p2, p0  }
0x20: {  	[sflag:s8] =	ssyncset.s32 @!p0 $0xFFFFF086;
	s6 =	sadd.s32 @!p0 s3, s7;
	s7 =	simm.s32 @!p0 $0x108  }
0x21: {  	s3 =	sadd.s32 s3, s9;
	s6 =	sadd.s32 @!p0 $0x88, s6;
	s7 =	simm.s32 @p2 $0x1082  }
0x22: {  	[simem:s7], [sflag:s8] =	dma.local @!p0 [hbm:s6], $0xF7A  }
0x23: {  	s9 =	sor.u32 $0xD0000000, s2;
	s6 =	simm.s32 $0x108;
	_ =	swait.ge @!p0 [sflag:s8], $0x0  }
0x24: {  	s3 =	sadd.s32 $0x88, s3;
	s6 =	simm.s32 @!p1 $0x1082;
	[sflag:s4] =	ssyncset.s32 $0xFFFFF086  }
0x25: {  	[simem:s6], [sflag:s4] =	dma.local [hbm:s3], $0xF7A  }
0x26: {  	[smem:$0x3F9A] =	sst s1;
	(tag) =	ssettag s2;
	_ =	strace s9  }
0x27: {  	s1 =	sld [smem:$0x3FAA]  }
0x28: {  	s2 =	sld [smem:$0x3FAB]  }
0x29: {  	s4 =	sld [smem:$0x3FAD]  }
0x2a: {  	p0 =	seq.s32 s5, $0x0;
	s5 =	sld [smem:$0x3FAE]  }
0x2b: {  	s6 =	sld [smem:$0x3FAF]  }
0x2c: {  	s7 =	sld [smem:$0x3FB0]  }
0x2d: {  	s3 =	simm.s32 $0x108;
	s8 =	sld [smem:$0x3FB1]  }
0x2e: {  	s3 =	simm.s32 @!p0 $0x1082;
	s9 =	sld [smem:$0x3FB2]  }
0x2f: {  	lr =	sadd.s32 s0, s3;
	s0 =	sld [smem:$0x3FA9]  }
0x30: {  	s3 =	sld [smem:$0x3FAC]  }
0x31: {  	[smem:$0x3FB5] =	sst s10  }
0x32: {  	s10 =	sld [smem:$0x3FB3];
	_ =	sdelay $0x3  }
0x33: {  	p0 =	seq.s32 s10, $0x1;
	s10 =	sld [smem:$0x3FB5];
	_ =	sdelay $0x3  }
0x34: {  	[smem:$0x3FB5] =	sst s10  }
0x35: {  	s10 =	sld [smem:$0x3FB4];
	_ =	sdelay $0x3  }
0x36: {  	p1 =	seq.s32 s10, $0x1;
	s10 =	sld [smem:$0x3FB5];
	_ =	sdelay $0x3  }
0x37: {  	[smem:$0x3FB5] =	sst s10  }
0x38: {  	s10 =	sld [smem:$0x3FB6]  }
0x39: {  	_ = 	snop;
	(pc) =	sbr.ind lr, $3  }
0x3a: {  	_ = 	snop  }
0x3b: {  	_ = 	snop  }
0x3c: {  	p2 =	seq.s32 s10, $0x1;
	s10 =	sld [smem:$0x3FB5]  }
0x3d: {  	_ =	shalt  }
0x3e: {  	_ =	shalt  }
0x3f: {  	_ =	shalt  }
0x40: {  	_ =	shalt  }
0x41: {  	_ =	shalt  }
0x42: {  	_ =	shalt  }
0x43: {  	_ =	shalt  }
0x44: {  	_ =	shalt  }
0x45: {  	_ =	shalt  }
0x46: {  	_ =	shalt  }
0x47: {  	_ =	shalt  }
0x48: {  	_ =	shalt  }
0x49: {  	_ =	shalt  }
0x4a: {  	_ =	shalt  }
0x4b: {  	_ =	shalt  }
0x4c: {  	_ =	shalt  }
0x4d: {  	_ =	shalt  }
0x4e: {  	_ =	shalt  }
0x4f: {  	_ =	shalt  }
0x50: {  	_ =	shalt  }
0x51: {  	_ =	shalt  }
0x52: {  	_ =	shalt  }
0x53: {  	_ =	shalt  }
0x54: {  	_ =	shalt  }
0x55: {  	_ =	shalt  }
0x56: {  	_ =	shalt  }
0x57: {  	_ =	shalt  }
0x58: {  	_ =	shalt  }
0x59: {  	_ =	shalt  }
0x5a: {  	_ =	shalt  }
0x5b: {  	_ =	shalt  }
0x5c: {  	_ =	shalt  }
0x5d: {  	_ =	shalt  }
0x5e: {  	_ =	shalt  }
0x5f: {  	_ =	shalt  }
0x60: {  	_ =	shalt  }
0x61: {  	_ =	shalt  }
0x62: {  	_ =	shalt  }
0x63: {  	_ =	shalt  }
0x64: {  	_ =	shalt  }
0x65: {  	_ =	shalt  }
0x66: {  	_ =	shalt  }
0x67: {  	_ =	shalt  }
0x68: {  	_ =	shalt  }
0x69: {  	_ =	shalt  }
0x6a: {  	_ =	shalt  }
0x6b: {  	_ =	shalt  }
0x6c: {  	_ =	shalt  }
0x6d: {  	_ =	shalt  }
0x6e: {  	_ =	shalt  }
0x6f: {  	_ =	shalt  }
0x70: {  	_ =	shalt  }
0x71: {  	_ =	shalt  }
0x72: {  	_ =	shalt  }
0x73: {  	_ =	shalt  }
0x74: {  	_ =	shalt  }
0x75: {  	_ =	shalt  }
0x76: {  	_ =	shalt  }
0x77: {  	_ =	shalt  }
0x78: {  	_ =	shalt  }
0x79: {  	_ =	shalt  }
0x7a: {  	_ =	shalt  }
0x7b: {  	_ =	shalt  }
0x7c: {  	_ =	shalt  }
0x7d: {  	_ =	shalt  }
0x7e: {  	_ =	shalt  }
0x7f: {  	_ =	shalt  }
0x80: {  	_ =	shalt  }
0x81: {  	_ =	shalt  }
0x82: {  	_ =	shalt  }
0x83: {  	_ =	shalt  }
0x84: {  	_ =	shalt  }
0x85: {  	_ =	shalt  }
0x86: {  	_ =	shalt  }
0x87: {  	_ =	shalt  }
.Lfunc_end0:
.L_simem_size_0:
called_computation.2_lowered:
.L_overlay_start_0:
0x88: {  	s2 =	sld [smem:$0x3FD9]  }
0x89: {  	s3 =	sld [smem:$0x3FFE];
	_ =	sdelay $0x1  }
0x8a: {  	s1 =	srdreg.scid  }
0x8b: {  	s0 =	sand.u32 $0x1, s1  }
0x8c: {  	s17 =	sshll.u32 s0, $0xA;
	s2 =	sadd.s32 s3, s2  }
0x8d: {  	s2 =	sadd.s32 s2, s17  }
0x8e: {  	[smem:$0x3FC1] =	sst s2  }
0x8f: {  	_ = 	snop  }
0x90: {  	s18 =	sld [smem:$0x3FD0];
	(tm) =	ssettm $0x1  }
0x91: {  	s19 =	sld [smem:$0x3FFB];
	_ =	sdelay $0x3  }
0x92: {  	_ =	strace s19  }
0x93: {  	s2 =	sld [smem:$0x3FFC];
	_ =	sdelay $0x3  }
0x94: {  	_ =	strace s2  }
0x95: {  	s2 =	sld [smem:$0x3FFD];
	_ =	sdelay $0x3  }
0x96: {  	_ =	strace s2  }
0x97: {  	_ =	strace $0x8FFFFFFF  }
0x98: {  	s20 =	sld [smem:$0x3FDB];
	_ =	sdelay $0x1  }
0x99: {  	s4 =	simm.s32 $_scs_section_size  }
0x9a: {  	s5 =	simm.s32 $_size__tile_overlayer_lowered;
	s6 =	simm.s32 $_tile_overlayer_lowered  }
0x9b: {  	s7 =	simm.s32 $0x1BFF;
	s21 =	sshll.u32 s6, $0x1;
	s4 =	sadd.s32 s4, s20  }
0x9c: {  	s22 =	simm.s32 $0x0;
	s5 =	sshll.u32 s5, $0x1;
	s6 =	sadd.s32 s21, s4  }
0x9d: {  	[timem:s22], [sflag:s7] =	dma.local [hbm:s6], s5  }
0x9e: {  	_ =	swait.ge [sflag:s7], s5  }
0x9f: {  	s5 =	ssub.s32 $0x0, s5;
	[sflag:s7] =	ssyncset.done $0x0  }
0xa0: {  	[sflag:s7] =	ssyncadd.s32 s5;
	_ =	sdelay $0x1  }
0xa1: {  	s23 =	simm.s32 $0x1B8B  }
0xa2: {  	_ =	swait.ge [sflag:s23], $0x1  }
0xa3: {  	[sflag:s23] =	ssyncset.done $0x0  }
0xa4: {  	[sflag:s23] =	ssyncadd.s32 $0xFFFFFFFF  }
0xa5: {  	s5 =	sld [smem:$0x0]  }
0xa6: {  	s6 =	sand.u32 $0xFFFFFFFE, s1  }
0xa7: {  	p0 =	sne.s32 s1, s6  }
0xa8: {  	s6 =	sshll.u32 @p0 s6, $0xE  }
0xa9: {  	s6 =	sadd.s32 @p0 $0x11B8D, s6;
	s7 =	sshll.u32 @p0 s5, $0x11  }
0xaa: {  	s6 =	sor.u32 @p0 s7, s6  }
0xab: {  	[sflag:s6] =	ssyncadd.remote.s32 @p0 $0x1;
	_ =	sdelay $0x1  }
0xac: {  	s6 =	simm.s32 @p0 $0x1B8D  }
0xad: {  	_ =	swait.eq @p0 [sflag:s6], $0x1  }
0xae: {  	[sflag:s6] =	ssyncadd.s32 @p0 $0xFFFFFFFF  }
0xaf: {  	s7 =	sshll.u32 @!p0 s1, $0xE  }
0xb0: {  	s7 =	sor.u32 @!p0 $0x4000, s7;
	s6 =	simm.s32 @!p0 $0x1B8D  }
0xb1: {  	s5 =	sshll.u32 @!p0 s5, $0x11;
	s7 =	sadd.s32 @!p0 $0x11B8D, s7;
	_ =	swait.eq @!p0 [sflag:s6], $0x1  }
0xb2: {  	s5 =	sor.u32 @!p0 s5, s7;
	[sflag:s6] =	ssyncadd.s32 @!p0 $0xFFFFFFFF  }
0xb3: {  	s25 =	simm.s32 $0x1B8E;
	s24 =	sld [smem:$0x3FFE];
	[sflag:s5] =	ssyncadd.remote.s32 @!p0 $0x1  }
0xb4: {  	s26 =	simm.s32 $execute0_lowered;
	[smem:$0x3FD2] =	sst s25  }
0xb5: {  	s6 =	sshll.u32 s26, $0x1;
	_ =	strace $0x8000004C;
	[dreg:$0x1] =	wrdreg $0xFFFFFFFF  }
0xb6: {  	s28 =	simm.s32 $_size_execute0_lowered;
	s4 =	sadd.s32 s4, s6;
	[dreg:$0x0] =	wrdreg $0x0  }
0xb7: {  	s6 =	sshll.u32 s28, $0x1;
	[dreg:$0x2] =	wrdreg s4  }
0xb8: {  	[dreg:$0x3] =	wrdreg s6  }
0xb9: {  	[dreg:$0x4] =	wrdreg $0xC0  }
0xba: {  	_ =	task [dreg:s22], $0x5FFFF  }
0xbb: {  	[dreg:$0x1] =	wrdreg $0xFFFFFFFF  }
0xbc: {  	[dreg:$0x0] =	wrdreg $0x60  }
0xbd: {  	[dreg:$0x2] =	wrdreg s18  }
0xbe: {  	[dreg:$0x3] =	wrdreg s24  }
0xbf: {  	[dreg:$0x4] =	wrdreg $0xA  }
0xc0: {  	_ =	task.clear_ibuf [dreg:s22], $0x5FFFF;
	_ =	strace $0x9000004C  }
0xc1: {  	s29 =	simm.s32 $0xA;
	_ =	strace $0x8000004E  }
0xc2: {  	_ =	swait.ge [sflag:s29], $0x1  }
0xc3: {  	[sflag:s29] =	ssyncadd.s32 $0xFFFFFFFF  }
0xc4: {  	_ =	strace $0x9000004E  }
0xc5: {  	_ =	sfence  }
0xc6: {  	s30 =	sld [smem:$0x0];
	_ =	sdelay $0x2  }
0xc7: {  	s31 =	sshll.u32 s1, $0xD;
	s1 =	sshrl.u32 s1, $0x2  }
0xc8: {  	s4 =	sand.u32 $0x4000, s31;
	s1 =	sadd.s32 s1, s30  }
0xc9: {  	s0 =	sor.u32 s4, s0;
	s1 =	sshll.u32 s1, $0x11  }
0xca: {  	s0 =	sor.u32 s1, s0  }
0xcb: {  	s0 =	sadd.s32 $0x8F2B, s0  }
0xcc: {  	[sflag:s0] =	ssyncadd.remote.s32 $0x1  }
0xcd: {  	_ =	sfence.sel $0xFFFF  }
0xce: {  	[dreg:$0x0] =	wrdreg $0xFFFFFFFF;
	(pc) =	sbr.abs _section_cstart, $3  }
0xcf: {  	[dreg:$0x1] =	wrdreg $0xFFFFFFFF  }
0xd0: {  	_ =	task.clear_ibuf [dreg:s22], $0x2FFFF;
	_ =	strace $0x9FFFFFFF  }
0xd1: {  	(tm) =	ssettm $0x7FFFFFFF  }
tec
execute0_lowered:
.L_overlay_start_1:
0x0: {  	(tag) =	ssettag $0x1  }
0x1: {  	s0 =	srdreg.scid;
	s23 =	stileid.u32  }
0x2: {  	s0 =	sand.u32 $0x1, s0;
	s1 =	sshll.u32 s23, $0x1  }
0x3: {  	s3 =	rddreg [dreg:$0x0];
	s1 =	sor.u32 s0, s1  }
0x4: {  	s4 =	rddreg [dreg:$0x1];
	s2 =	simm.s32 $0x0;
	s5 =	smul.u32 $0x150, s1  }
0x5: {  	[smem:$0x7FF] =	sst s2;
	s6 =	smul.u32 $0x54000, s1  }
0x6: {  	_ =	strace $0x8000004D;
	s1 =	smul.u32 $0xA800, s1;
	s5 =	sadd.s32 s5, s4  }
0x7: {  	s4 =	sadd.s32 $0x11E00, s4;
	s6 =	sshrl.u32 s6, $0x3;
	s5 =	sadd.s32 $0xF400, s5  }
0x8: {  	s1 =	sadd.s32 s4, s1;
	s4 =	sadd.s32 s4, s6;
	[dreg:$0x3] =	wrdreg s5  }
0x9: {  	[dreg:$0x4] =	wrdreg s1;
	s24 =	sadd.s32 $0x800, s4  }
0xa: {  	s25 =	sadd.s32 $0x1000, s4;
	[dreg:$0x5] =	wrdreg s24  }
0xb: {  	s26 =	sadd.s32 $0x1800, s4;
	[dreg:$0x6] =	wrdreg s25  }
0xc: {  	s5 =	sadd.s32 $0x2000, s4;
	[dreg:$0x7] =	wrdreg s26  }
0xd: {  	s6 =	sadd.s32 $0x2800, s4;
	[dreg:$0x8] =	wrdreg s5  }
0xe: {  	s7 =	sadd.s32 $0x3000, s4;
	[dreg:$0x9] =	wrdreg s6  }
0xf: {  	s8 =	sadd.s32 $0x3800, s4;
	[dreg:$0xa] =	wrdreg s7  }
0x10: {  	s9 =	sadd.s32 $0x4000, s4;
	[dreg:$0xb] =	wrdreg s8  }
0x11: {  	s31 =	simm.s32 $0xD;
	s10 =	sadd.s32 $0x4800, s4;
	[dreg:$0xc] =	wrdreg s9  }
0x12: {  	p0 =	por $0x0, $0x0;
	s11 =	sadd.s32 $0x5000, s4;
	[dreg:$0xd] =	wrdreg s10  }
0x13: {  	s30 =	simm.s32 $0x780;
	s12 =	sadd.s32 $0x5800, s4;
	[dreg:$0xe] =	wrdreg s11  }
0x14: {  	s29 =	simm.s32 $0x800;
	s13 =	sadd.s32 $0x6000, s4;
	[dreg:$0xf] =	wrdreg s12  }
0x15: {  	s28 =	simm.s32 $0x880;
	s14 =	sadd.s32 $0x6800, s4;
	[dreg:$0x10] =	wrdreg s13  }
0x16: {  	s0 =	ssub.s32 $0x2, s0;
	s15 =	sadd.s32 $0x7000, s4;
	[dreg:$0x11] =	wrdreg s14  }
0x17: {  	s20 =	sshrl.u32 s0, $0x1;
	s16 =	sadd.s32 $0x7800, s4;
	[dreg:$0x12] =	wrdreg s15  }
0x18: {  	s0 =	ssub.s32 s0, s20;
	s17 =	sadd.s32 $0x8000, s4;
	[dreg:$0x13] =	wrdreg s16  }
0x19: {  	s20 =	simm.s32 $0x5;
	s18 =	sadd.s32 $0x8800, s4;
	[dreg:$0x14] =	wrdreg s17  }
0x1a: {  	s0 =	smax.u32 s0, $0x1;
	s19 =	sadd.s32 $0x9000, s4;
	[dreg:$0x15] =	wrdreg s18  }
0x1b: {  	p1 =	sne.s32 s0, $0x1;
	s21 =	sadd.s32 $0x9800, s4;
	[dreg:$0x16] =	wrdreg s19  }
0x1c: {  	s22 =	sadd.s32 $0xA000, s4;
	s4 =	simm.s32 $0x8A80;
	[dreg:$0x17] =	wrdreg s21  }
0x1d: {  	s1 =	sadd.s32 $0xFFFFFFFF, s0;
	[dreg:$0x18] =	wrdreg s22;
	s16 =	simm.s32 $0x80  }
0x1e: {  	s6 =	simm.s32 $0xA80;
	s24 =	simm.s32 $0x100;
	s5 =	simm.s32 $0x4A80  }
0x1f: {  	s25 =	simm.s32 $0x180;
	s26 =	simm.s32 $0x200;
	s0 =	rddreg [dreg:$0x3]  }
0x20: {  	s19 =	simm.s32 $0xCA80;
	s7 =	simm.s32 $0x280;
	[dreg:$0x19] =	wrdreg s24  }
0x21: {  	s18 =	simm.s32 $0x10A80;
	s15 =	simm.s32 $0x1;
	[dreg:$0x1a] =	wrdreg s25  }
0x22: {  	s17 =	simm.s32 $0x14A80;
	s13 =	simm.s32 $0x2;
	[dreg:$0x1b] =	wrdreg s26  }
0x23: {  	s8 =	simm.s32 $0x300;
	s9 =	simm.s32 $0x380;
	[dreg:$0x1c] =	wrdreg s7  }
0x24: {  	s14 =	simm.s32 $0x3;
	s22 =	simm.s32 $0x4;
	[dreg:$0x1d] =	wrdreg s8  }
0x25: {  	s10 =	simm.s32 $0x400;
	s11 =	simm.s32 $0x480;
	[dreg:$0x1e] =	wrdreg s9  }
0x26: {  	s12 =	simm.s32 $0x500;
	s21 =	simm.s32 $0x6;
	[dreg:$0x1f] =	wrdreg s10  }
0x27: {  	s7 =	simm.s32 $0x7;
	s8 =	simm.s32 $0x8;
	[smem:$0x7F9] =	sst s11  }
.Ltmp0:
0x28: {  	[smem:$0x7FA] =	sst s12;
	s24 =	simm.s32 $0x580;
	(pc) =	sbr.rel @!p1 .LBB2_1-.Ltmp0, $4  }
0x29: {  	s9 =	simm.s32 $0x9;
	s25 =	simm.s32 $0x600;
	[smem:$0x7FB] =	sst s24  }
0x2a: {  	s10 =	simm.s32 $0xA;
	s26 =	simm.s32 $0x680;
	[smem:$0x7FC] =	sst s25  }
0x2b: {  	s11 =	simm.s32 $0xB;
	s12 =	simm.s32 $0xC;
	[smem:$0x7FD] =	sst s26  }
0x2c: {  	s26 =	simm.s32 $0x900;
	s25 =	simm.s32 $0x980;
	s24 =	simm.s32 $0xA00  }
0x2d: {  	[tilespmem:s2], [sflag:$0xD] =	stream.linear.gather [hbm4b:s0+s2], $0xA80, $0x38;
	[tilespmem:$0x18A80] =	vst v63  }
0x2e: {  	_ =	swait.ge [sflag:s31], $0xA80  }
0x2f: {  	[sflag:s31] =	ssyncset.done $0x0  }
0x30: {  	[sflag:s31] =	ssyncadd.s32 $0xFFFFF580  }
0x31: {  	[tilespmem:s6], [sflag:$0x1] =	stream.indirect.gather [hbm4b:s3+s16], $0x80, s2, s16, $0xb8;
	[tilespmem:$0x18A80] =	vst v63  }
0x32: {  	_ = 	snop  }
0x33: {  	[tilespmem:s5], [sflag:$0x2] =	stream.indirect.gather [hbm4b:s3+s16], $0x80, s16, s16, $0xb8;
	[tilespmem:$0x18A80] =	vst v63  }
0x34: {  	s0 =	rddreg [dreg:$0x19]  }
0x35: {  	[tilespmem:s4], [sflag:$0x3] =	stream.indirect.gather [hbm4b:s3+s16], $0x80, s0, s16, $0xb8;
	[tilespmem:$0x18A80] =	vst v63  }
0x36: {  	s23 =	smov.u32 s1;
	s1 =	rddreg [dreg:$0x1a]  }
0x37: {  	[tilespmem:s19], [sflag:$0x4] =	stream.indirect.gather [hbm4b:s3+s16], $0x80, s1, s16, $0xb8;
	[tilespmem:$0x18A80] =	vst v63  }
0x38: {  	s0 =	rddreg [dreg:$0x1b]  }
0x39: {  	[tilespmem:s18], [sflag:$0x5] =	stream.indirect.gather [hbm4b:s3+s16], $0x80, s0, s16, $0xb8;
	[tilespmem:$0x18A80] =	vst v63  }
0x3a: {  	_ =	swait.ge [sflag:s15], $0x4000  }
0x3b: {  	[sflag:s15] =	ssyncset.done $0x0  }
0x3c: {  	s0 =	rddreg [dreg:$0x4];
	[sflag:s15] =	ssyncadd.s32 $0xFFFFC000  }
0x3d: {  	[hbm4b:s0+s2] =	stream.linear.scatter [tilespmem:s6], [sflag:$0x7], $0x4000, $0x38;
	[tilespmem:$0x18A80] =	vst v63  }
0x3e: {  	s1 =	rddreg [dreg:$0x1c]  }
0x3f: {  	[tilespmem:s17], [sflag:$0x6] =	stream.indirect.gather [hbm4b:s3+s16], $0x80, s1, s16, $0xb8;
	[tilespmem:$0x18A80] =	vst v63  }
0x40: {  	_ =	swait.ge [sflag:s13], $0x4000  }
0x41: {  	[sflag:s13] =	ssyncset.done $0x0  }
0x42: {  	s1 =	rddreg [dreg:$0x5];
	[sflag:s13] =	ssyncadd.s32 $0xFFFFC000  }
0x43: {  	[hbm4b:s1+s2] =	stream.linear.scatter [tilespmem:s5], [sflag:$0x8], $0x4000, $0x38;
	[tilespmem:$0x18A80] =	vst v63  }
0x44: {  	_ =	swait.ge [sflag:s7], $0x4000  }
0x45: {  	[sflag:s7] =	ssyncset.done $0x0  }
0x46: {  	s1 =	rddreg [dreg:$0x1d];
	[sflag:s7] =	ssyncadd.s32 $0xFFFFC000  }
0x47: {  	[tilespmem:s6], [sflag:$0x1] =	stream.indirect.gather [hbm4b:s3+s16], $0x80, s1, s16, $0xb8;
	[tilespmem:$0x18A80] =	vst v63  }
0x48: {  	_ =	swait.ge [sflag:s14], $0x4000  }
0x49: {  	[sflag:s14] =	ssyncset.done $0x0  }
0x4a: {  	s1 =	rddreg [dreg:$0x6];
	[sflag:s14] =	ssyncadd.s32 $0xFFFFC000  }
0x4b: {  	[hbm4b:s1+s2] =	stream.linear.scatter [tilespmem:s4], [sflag:$0x9], $0x4000, $0x38;
	[tilespmem:$0x18A80] =	vst v63  }
0x4c: {  	_ =	swait.ge [sflag:s8], $0x4000  }
0x4d: {  	[sflag:s8] =	ssyncset.done $0x0  }
0x4e: {  	s1 =	rddreg [dreg:$0x1e];
	[sflag:s8] =	ssyncadd.s32 $0xFFFFC000  }
0x4f: {  	[tilespmem:s5], [sflag:$0x2] =	stream.indirect.gather [hbm4b:s3+s16], $0x80, s1, s16, $0xb8;
	[tilespmem:$0x18A80] =	vst v63  }
0x50: {  	_ =	swait.ge [sflag:s22], $0x4000  }
0x51: {  	[sflag:s22] =	ssyncset.done $0x0  }
0x52: {  	s1 =	rddreg [dreg:$0x7];
	[sflag:s22] =	ssyncadd.s32 $0xFFFFC000  }
0x53: {  	[hbm4b:s1+s2] =	stream.linear.scatter [tilespmem:s19], [sflag:$0xA], $0x4000, $0x38;
	[tilespmem:$0x18A80] =	vst v63  }
0x54: {  	_ =	swait.ge [sflag:s9], $0x4000  }
0x55: {  	[sflag:s9] =	ssyncset.done $0x0  }
0x56: {  	s1 =	rddreg [dreg:$0x1f];
	[sflag:s9] =	ssyncadd.s32 $0xFFFFC000  }
0x57: {  	[tilespmem:s4], [sflag:$0x3] =	stream.indirect.gather [hbm4b:s3+s16], $0x80, s1, s16, $0xb8;
	[tilespmem:$0x18A80] =	vst v63  }
0x58: {  	_ =	swait.ge [sflag:s20], $0x4000  }
0x59: {  	[sflag:s20] =	ssyncset.done $0x0  }
0x5a: {  	s1 =	rddreg [dreg:$0x8];
	[sflag:s20] =	ssyncadd.s32 $0xFFFFC000  }
0x5b: {  	[hbm4b:s1+s2] =	stream.linear.scatter [tilespmem:s18], [sflag:$0xB], $0x4000, $0x38;
	[tilespmem:$0x18A80] =	vst v63  }
0x5c: {  	_ =	swait.ge [sflag:s10], $0x4000  }
0x5d: {  	s1 =	sld [smem:$0x7F9]  }
0x5e: {  	[sflag:s10] =	ssyncset.done $0x0  }
0x5f: {  	[sflag:s10] =	ssyncadd.s32 $0xFFFFC000  }
0x60: {  	[tilespmem:s19], [sflag:$0x4] =	stream.indirect.gather [hbm4b:s3+s16], $0x80, s1, s16, $0xb8;
	[tilespmem:$0x18A80] =	vst v63  }
0x61: {  	_ =	swait.ge [sflag:s21], $0x4000  }
0x62: {  	[sflag:s21] =	ssyncset.done $0x0  }
0x63: {  	s1 =	rddreg [dreg:$0x9];
	[sflag:s21] =	ssyncadd.s32 $0xFFFFC000  }
0x64: {  	[hbm4b:s1+s2] =	stream.linear.scatter [tilespmem:s17], [sflag:$0xC], $0x4000, $0x38;
	[tilespmem:$0x18A80] =	vst v63  }
0x65: {  	_ =	swait.ge [sflag:s11], $0x4000  }
0x66: {  	s1 =	sld [smem:$0x7FA]  }
0x67: {  	[sflag:s11] =	ssyncset.done $0x0  }
0x68: {  	[sflag:s11] =	ssyncadd.s32 $0xFFFFC000  }
0x69: {  	[tilespmem:s18], [sflag:$0x5] =	stream.indirect.gather [hbm4b:s3+s16], $0x80, s1, s16, $0xb8;
	[tilespmem:$0x18A80] =	vst v63  }
0x6a: {  	_ =	swait.ge [sflag:s15], $0x4000  }
0x6b: {  	[sflag:s15] =	ssyncset.done $0x0  }
0x6c: {  	s1 =	rddreg [dreg:$0xa];
	[sflag:s15] =	ssyncadd.s32 $0xFFFFC000  }
0x6d: {  	[hbm4b:s1+s2] =	stream.linear.scatter [tilespmem:s6], [sflag:$0x7], $0x4000, $0x38;
	[tilespmem:$0x18A80] =	vst v63  }
0x6e: {  	_ =	swait.ge [sflag:s12], $0x4000  }
0x6f: {  	s1 =	sld [smem:$0x7FB]  }
0x70: {  	[sflag:s12] =	ssyncset.done $0x0  }
0x71: {  	[sflag:s12] =	ssyncadd.s32 $0xFFFFC000  }
0x72: {  	[tilespmem:s17], [sflag:$0x6] =	stream.indirect.gather [hbm4b:s3+s16], $0x80, s1, s16, $0xb8;
	[tilespmem:$0x18A80] =	vst v63  }
0x73: {  	_ =	swait.ge [sflag:s13], $0x4000  }
0x74: {  	[sflag:s13] =	ssyncset.done $0x0  }
0x75: {  	s1 =	rddreg [dreg:$0xb];
	[sflag:s13] =	ssyncadd.s32 $0xFFFFC000  }
0x76: {  	[hbm4b:s1+s2] =	stream.linear.scatter [tilespmem:s5], [sflag:$0x8], $0x4000, $0x38;
	[tilespmem:$0x18A80] =	vst v63  }
0x77: {  	_ =	swait.ge [sflag:s7], $0x4000  }
0x78: {  	s1 =	sld [smem:$0x7FC]  }
0x79: {  	[sflag:s7] =	ssyncset.done $0x0  }
0x7a: {  	[sflag:s7] =	ssyncadd.s32 $0xFFFFC000  }
0x7b: {  	[tilespmem:s6], [sflag:$0x1] =	stream.indirect.gather [hbm4b:s3+s16], $0x80, s1, s16, $0xb8;
	[tilespmem:$0x18A80] =	vst v63  }
0x7c: {  	_ =	swait.ge [sflag:s14], $0x4000  }
0x7d: {  	[sflag:s14] =	ssyncset.done $0x0  }
0x7e: {  	s1 =	rddreg [dreg:$0xc];
	[sflag:s14] =	ssyncadd.s32 $0xFFFFC000  }
0x7f: {  	[hbm4b:s1+s2] =	stream.linear.scatter [tilespmem:s4], [sflag:$0x9], $0x4000, $0x38;
	[tilespmem:$0x18A80] =	vst v63  }
0x80: {  	_ =	swait.ge [sflag:s8], $0x4000  }
0x81: {  	s1 =	sld [smem:$0x7FD]  }
0x82: {  	[sflag:s8] =	ssyncset.done $0x0  }
0x83: {  	[sflag:s8] =	ssyncadd.s32 $0xFFFFC000  }
0x84: {  	[tilespmem:s5], [sflag:$0x2] =	stream.indirect.gather [hbm4b:s3+s16], $0x80, s1, s16, $0xb8;
	[tilespmem:$0x18A80] =	vst v63  }
0x85: {  	_ =	swait.ge [sflag:s22], $0x4000  }
0x86: {  	[sflag:s22] =	ssyncset.done $0x0  }
0x87: {  	s1 =	rddreg [dreg:$0xd];
	[sflag:s22] =	ssyncadd.s32 $0xFFFFC000  }
0x88: {  	[hbm4b:s1+s2] =	stream.linear.scatter [tilespmem:s19], [sflag:$0xA], $0x4000, $0x38;
	[tilespmem:$0x18A80] =	vst v63  }
0x89: {  	_ =	swait.ge [sflag:s9], $0x4000  }
0x8a: {  	[sflag:s9] =	ssyncset.done $0x0  }
0x8b: {  	s1 =	simm.s32 $0x700;
	[sflag:s9] =	ssyncadd.s32 $0xFFFFC000  }
0x8c: {  	[tilespmem:s4], [sflag:$0x3] =	stream.indirect.gather [hbm4b:s3+s16], $0x80, s1, s16, $0xb8;
	[tilespmem:$0x18A80] =	vst v63  }
0x8d: {  	_ =	swait.ge [sflag:s20], $0x4000  }
0x8e: {  	[sflag:s20] =	ssyncset.done $0x0  }
0x8f: {  	s1 =	rddreg [dreg:$0xe];
	[sflag:s20] =	ssyncadd.s32 $0xFFFFC000  }
0x90: {  	[hbm4b:s1+s2] =	stream.linear.scatter [tilespmem:s18], [sflag:$0xB], $0x4000, $0x38;
	[tilespmem:$0x18A80] =	vst v63  }
0x91: {  	_ =	swait.ge [sflag:s10], $0x4000  }
0x92: {  	[sflag:s10] =	ssyncset.done $0x0  }
0x93: {  	[sflag:s10] =	ssyncadd.s32 $0xFFFFC000  }
0x94: {  	[tilespmem:s19], [sflag:$0x4] =	stream.indirect.gather [hbm4b:s3+s16], $0x80, s30, s16, $0xb8;
	[tilespmem:$0x18A80] =	vst v63  }
0x95: {  	_ =	swait.ge [sflag:s21], $0x4000  }
0x96: {  	[sflag:s21] =	ssyncset.done $0x0  }
0x97: {  	s1 =	rddreg [dreg:$0xf];
	[sflag:s21] =	ssyncadd.s32 $0xFFFFC000  }
0x98: {  	[hbm4b:s1+s2] =	stream.linear.scatter [tilespmem:s17], [sflag:$0xC], $0x4000, $0x38;
	[tilespmem:$0x18A80] =	vst v63  }
0x99: {  	_ =	swait.ge [sflag:s11], $0x4000  }
0x9a: {  	[sflag:s11] =	ssyncset.done $0x0  }
0x9b: {  	[sflag:s11] =	ssyncadd.s32 $0xFFFFC000  }
0x9c: {  	[tilespmem:s18], [sflag:$0x5] =	stream.indirect.gather [hbm4b:s3+s16], $0x80, s29, s16, $0xb8;
	[tilespmem:$0x18A80] =	vst v63  }
0x9d: {  	_ =	swait.ge [sflag:s15], $0x4000  }
0x9e: {  	[sflag:s15] =	ssyncset.done $0x0  }
0x9f: {  	s1 =	rddreg [dreg:$0x10];
	[sflag:s15] =	ssyncadd.s32 $0xFFFFC000  }
0xa0: {  	[hbm4b:s1+s2] =	stream.linear.scatter [tilespmem:s6], [sflag:$0x7], $0x4000, $0x38;
	[tilespmem:$0x18A80] =	vst v63  }
0xa1: {  	_ =	swait.ge [sflag:s12], $0x4000  }
0xa2: {  	[sflag:s12] =	ssyncset.done $0x0  }
0xa3: {  	[sflag:s12] =	ssyncadd.s32 $0xFFFFC000  }
0xa4: {  	[tilespmem:s17], [sflag:$0x6] =	stream.indirect.gather [hbm4b:s3+s16], $0x80, s28, s16, $0xb8;
	[tilespmem:$0x18A80] =	vst v63  }
0xa5: {  	_ =	swait.ge [sflag:s13], $0x4000  }
0xa6: {  	[sflag:s13] =	ssyncset.done $0x0  }
0xa7: {  	s1 =	rddreg [dreg:$0x11];
	[sflag:s13] =	ssyncadd.s32 $0xFFFFC000  }
0xa8: {  	[hbm4b:s1+s2] =	stream.linear.scatter [tilespmem:s5], [sflag:$0x8], $0x4000, $0x38;
	[tilespmem:$0x18A80] =	vst v63  }
0xa9: {  	_ =	swait.ge [sflag:s7], $0x4000  }
0xaa: {  	[sflag:s7] =	ssyncset.done $0x0  }
0xab: {  	[sflag:s7] =	ssyncadd.s32 $0xFFFFC000  }
0xac: {  	[tilespmem:s6], [sflag:$0x1] =	stream.indirect.gather [hbm4b:s3+s16], $0x80, s26, s16, $0xb8;
	[tilespmem:$0x18A80] =	vst v63  }
0xad: {  	_ =	swait.ge [sflag:s14], $0x4000  }
0xae: {  	[sflag:s14] =	ssyncset.done $0x0  }
0xaf: {  	s1 =	rddreg [dreg:$0x12];
	[sflag:s14] =	ssyncadd.s32 $0xFFFFC000  }
0xb0: {  	[hbm4b:s1+s2] =	stream.linear.scatter [tilespmem:s4], [sflag:$0x9], $0x4000, $0x38;
	[tilespmem:$0x18A80] =	vst v63  }
0xb1: {  	_ =	swait.ge [sflag:s8], $0x4000  }
0xb2: {  	[sflag:s8] =	ssyncset.done $0x0  }
0xb3: {  	[sflag:s8] =	ssyncadd.s32 $0xFFFFC000  }
0xb4: {  	[tilespmem:s5], [sflag:$0x2] =	stream.indirect.gather [hbm4b:s3+s16], $0x80, s25, s16, $0xb8;
	[tilespmem:$0x18A80] =	vst v63  }
0xb5: {  	_ =	swait.ge [sflag:s22], $0x4000  }
0xb6: {  	[sflag:s22] =	ssyncset.done $0x0  }
0xb7: {  	s1 =	rddreg [dreg:$0x13];
	[sflag:s22] =	ssyncadd.s32 $0xFFFFC000  }
0xb8: {  	[hbm4b:s1+s2] =	stream.linear.scatter [tilespmem:s19], [sflag:$0xA], $0x4000, $0x38;
	[tilespmem:$0x18A80] =	vst v63  }
0xb9: {  	_ =	swait.ge [sflag:s9], $0x4000  }
0xba: {  	[sflag:s9] =	ssyncset.done $0x0  }
0xbb: {  	[sflag:s9] =	ssyncadd.s32 $0xFFFFC000  }
0xbc: {  	[tilespmem:s4], [sflag:$0x3] =	stream.indirect.gather [hbm4b:s3+s16], $0x80, s24, s16, $0xb8;
	[tilespmem:$0x18A80] =	vst v63  }
0xbd: {  	_ =	swait.ge [sflag:s20], $0x4000  }
0xbe: {  	[sflag:s20] =	ssyncset.done $0x0  }
0xbf: {  	s1 =	rddreg [dreg:$0x14];
	[sflag:s20] =	ssyncadd.s32 $0xFFFFC000  }
0xc0: {  	[hbm4b:s1+s2] =	stream.linear.scatter [tilespmem:s18], [sflag:$0xB], $0x4000, $0x38;
	[tilespmem:$0x18A80] =	vst v63  }
0xc1: {  	_ =	swait.ge [sflag:s21], $0x4000  }
0xc2: {  	[sflag:s21] =	ssyncset.done $0x0  }
0xc3: {  	s1 =	rddreg [dreg:$0x15];
	[sflag:s21] =	ssyncadd.s32 $0xFFFFC000  }
0xc4: {  	[hbm4b:s1+s2] =	stream.linear.scatter [tilespmem:s17], [sflag:$0xC], $0x4000, $0x38;
	[tilespmem:$0x18A80] =	vst v63  }
0xc5: {  	_ =	swait.ge [sflag:s15], $0x4000  }
0xc6: {  	[sflag:s15] =	ssyncset.done $0x0  }
0xc7: {  	s1 =	rddreg [dreg:$0x16];
	[sflag:s15] =	ssyncadd.s32 $0xFFFFC000  }
0xc8: {  	[hbm4b:s1+s2] =	stream.linear.scatter [tilespmem:s6], [sflag:$0x7], $0x4000, $0x38;
	[tilespmem:$0x18A80] =	vst v63  }
0xc9: {  	_ =	swait.ge [sflag:s13], $0x4000  }
0xca: {  	[sflag:s13] =	ssyncset.done $0x0  }
0xcb: {  	s1 =	rddreg [dreg:$0x17];
	[sflag:s13] =	ssyncadd.s32 $0xFFFFC000  }
0xcc: {  	[hbm4b:s1+s2] =	stream.linear.scatter [tilespmem:s5], [sflag:$0x8], $0x4000, $0x38;
	[tilespmem:$0x18A80] =	vst v63  }
0xcd: {  	_ =	swait.ge [sflag:s14], $0x4000  }
0xce: {  	[sflag:s14] =	ssyncset.done $0x0  }
0xcf: {  	s1 =	rddreg [dreg:$0x18];
	[sflag:s14] =	ssyncadd.s32 $0xFFFFC000  }
0xd0: {  	[hbm4b:s1+s2] =	stream.linear.scatter [tilespmem:s4], [sflag:$0x9], $0x4000, $0x38;
	[tilespmem:$0x18A80] =	vst v63  }
0xd1: {  	_ =	swait.ge [sflag:s7], $0x4000  }
0xd2: {  	[sflag:s7] =	ssyncset.done $0x0  }
0xd3: {  	[sflag:s7] =	ssyncadd.s32 $0xFFFFC000  }
0xd4: {  	_ =	swait.ge [sflag:s8], $0x4000  }
0xd5: {  	[sflag:s8] =	ssyncset.done $0x0  }
0xd6: {  	[sflag:s8] =	ssyncadd.s32 $0xFFFFC000  }
0xd7: {  	_ =	swait.ge [sflag:s9], $0x4000  }
0xd8: {  	[sflag:s9] =	ssyncset.done $0x0  }
0xd9: {  	[sflag:s9] =	ssyncadd.s32 $0xFFFFC000  }
0xda: {  	_ =	swait.ge [sflag:s10], $0x4000  }
0xdb: {  	[sflag:s10] =	ssyncset.done $0x0  }
0xdc: {  	p1 =	sne.s32 s23, $0x1;
	[sflag:s10] =	ssyncadd.s32 $0xFFFFC000  }
.Ltmp1:
0xdd: {  	_ =	swait.ge [sflag:s11], $0x4000;
	(pc) =	sbr.rel @!p1 .LBB2_3-.Ltmp1, $4  }
0xde: {  	[sflag:s11] =	ssyncset.done $0x0  }
0xdf: {  	[sflag:s11] =	ssyncadd.s32 $0xFFFFC000  }
0xe0: {  	p0 =	por $0x1, $0x1;
	_ =	swait.ge [sflag:s12], $0x4000  }
0xe1: {  	s1 =	sadd.s32 $0xFFFFFFFF, s23;
	s0 =	rddreg [dreg:$0x3];
	[sflag:s12] =	ssyncset.done $0x0  }
.LBB2_4:
0xe2: {  	[sflag:s12] =	ssyncadd.s32 $0xFFFFC000  }
0xe3: {  	[tilespmem:s2], [sflag:$0xD] =	stream.linear.gather [hbm4b:s0+s2], $0xA80, $0x38;
	[tilespmem:$0x18A80] =	vst v63  }
0xe4: {  	_ =	swait.ge [sflag:s31], $0xA80  }
0xe5: {  	[sflag:s31] =	ssyncset.done $0x0  }
0xe6: {  	[sflag:s31] =	ssyncadd.s32 $0xFFFFF580  }
0xe7: {  	[tilespmem:s6], [sflag:$0x1] =	stream.indirect.gather [hbm4b:s3+s16], $0x80, s2, s16, $0xb8;
	[tilespmem:$0x18A80] =	vst v63  }
0xe8: {  	_ = 	snop  }
0xe9: {  	[tilespmem:s5], [sflag:$0x2] =	stream.indirect.gather [hbm4b:s3+s16], $0x80, s16, s16, $0xb8;
	[tilespmem:$0x18A80] =	vst v63  }
0xea: {  	s0 =	rddreg [dreg:$0x19]  }
0xeb: {  	[tilespmem:s4], [sflag:$0x3] =	stream.indirect.gather [hbm4b:s3+s16], $0x80, s0, s16, $0xb8;
	[tilespmem:$0x18A80] =	vst v63  }
0xec: {  	s23 =	rddreg [dreg:$0x1a]  }
0xed: {  	[tilespmem:s19], [sflag:$0x4] =	stream.indirect.gather [hbm4b:s3+s16], $0x80, s23, s16, $0xb8;
	[tilespmem:$0x18A80] =	vst v63  }
0xee: {  	s0 =	rddreg [dreg:$0x1b]  }
0xef: {  	[tilespmem:s18], [sflag:$0x5] =	stream.indirect.gather [hbm4b:s3+s16], $0x80, s0, s16, $0xb8;
	[tilespmem:$0x18A80] =	vst v63  }
0xf0: {  	_ =	swait.ge [sflag:s15], $0x4000  }
0xf1: {  	[sflag:s15] =	ssyncset.done $0x0  }
0xf2: {  	s0 =	rddreg [dreg:$0x4];
	[sflag:s15] =	ssyncadd.s32 $0xFFFFC000  }
0xf3: {  	[hbm4b:s0+s2] =	stream.linear.scatter [tilespmem:s6], [sflag:$0x7], $0x4000, $0x38;
	[tilespmem:$0x18A80] =	vst v63  }
0xf4: {  	s23 =	rddreg [dreg:$0x1c]  }
0xf5: {  	[tilespmem:s17], [sflag:$0x6] =	stream.indirect.gather [hbm4b:s3+s16], $0x80, s23, s16, $0xb8;
	[tilespmem:$0x18A80] =	vst v63  }
0xf6: {  	_ =	swait.ge [sflag:s13], $0x4000  }
0xf7: {  	[sflag:s13] =	ssyncset.done $0x0  }
0xf8: {  	s23 =	rddreg [dreg:$0x5];
	[sflag:s13] =	ssyncadd.s32 $0xFFFFC000  }
0xf9: {  	[hbm4b:s23+s2] =	stream.linear.scatter [tilespmem:s5], [sflag:$0x8], $0x4000, $0x38;
	[tilespmem:$0x18A80] =	vst v63  }
0xfa: {  	_ =	swait.ge [sflag:s7], $0x4000  }
0xfb: {  	[sflag:s7] =	ssyncset.done $0x0  }
0xfc: {  	s23 =	rddreg [dreg:$0x1d];
	[sflag:s7] =	ssyncadd.s32 $0xFFFFC000  }
0xfd: {  	[tilespmem:s6], [sflag:$0x1] =	stream.indirect.gather [hbm4b:s3+s16], $0x80, s23, s16, $0xb8;
	[tilespmem:$0x18A80] =	vst v63  }
0xfe: {  	_ =	swait.ge [sflag:s14], $0x4000  }
0xff: {  	[sflag:s14] =	ssyncset.done $0x0  }
0x100: {  	s23 =	rddreg [dreg:$0x6];
	[sflag:s14] =	ssyncadd.s32 $0xFFFFC000  }
0x101: {  	[hbm4b:s23+s2] =	stream.linear.scatter [tilespmem:s4], [sflag:$0x9], $0x4000, $0x38;
	[tilespmem:$0x18A80] =	vst v63  }
0x102: {  	_ =	swait.ge [sflag:s8], $0x4000  }
0x103: {  	[sflag:s8] =	ssyncset.done $0x0  }
0x104: {  	s23 =	rddreg [dreg:$0x1e];
	[sflag:s8] =	ssyncadd.s32 $0xFFFFC000  }
0x105: {  	[tilespmem:s5], [sflag:$0x2] =	stream.indirect.gather [hbm4b:s3+s16], $0x80, s23, s16, $0xb8;
	[tilespmem:$0x18A80] =	vst v63  }
0x106: {  	_ =	swait.ge [sflag:s22], $0x4000  }
0x107: {  	[sflag:s22] =	ssyncset.done $0x0  }
0x108: {  	s23 =	rddreg [dreg:$0x7];
	[sflag:s22] =	ssyncadd.s32 $0xFFFFC000  }
0x109: {  	[hbm4b:s23+s2] =	stream.linear.scatter [tilespmem:s19], [sflag:$0xA], $0x4000, $0x38;
	[tilespmem:$0x18A80] =	vst v63  }
0x10a: {  	_ =	swait.ge [sflag:s9], $0x4000  }
0x10b: {  	[sflag:s9] =	ssyncset.done $0x0  }
0x10c: {  	s23 =	rddreg [dreg:$0x1f];
	[sflag:s9] =	ssyncadd.s32 $0xFFFFC000  }
0x10d: {  	[tilespmem:s4], [sflag:$0x3] =	stream.indirect.gather [hbm4b:s3+s16], $0x80, s23, s16, $0xb8;
	[tilespmem:$0x18A80] =	vst v63  }
0x10e: {  	_ =	swait.ge [sflag:s20], $0x4000  }
0x10f: {  	[sflag:s20] =	ssyncset.done $0x0  }
0x110: {  	s23 =	rddreg [dreg:$0x8];
	[sflag:s20] =	ssyncadd.s32 $0xFFFFC000  }
0x111: {  	[hbm4b:s23+s2] =	stream.linear.scatter [tilespmem:s18], [sflag:$0xB], $0x4000, $0x38;
	[tilespmem:$0x18A80] =	vst v63  }
0x112: {  	_ =	swait.ge [sflag:s10], $0x4000  }
0x113: {  	s23 =	sld [smem:$0x7F9]  }
0x114: {  	[sflag:s10] =	ssyncset.done $0x0  }
0x115: {  	[sflag:s10] =	ssyncadd.s32 $0xFFFFC000  }
0x116: {  	[tilespmem:s19], [sflag:$0x4] =	stream.indirect.gather [hbm4b:s3+s16], $0x80, s23, s16, $0xb8;
	[tilespmem:$0x18A80] =	vst v63  }
0x117: {  	_ =	swait.ge [sflag:s21], $0x4000  }
0x118: {  	[sflag:s21] =	ssyncset.done $0x0  }
0x119: {  	s23 =	rddreg [dreg:$0x9];
	[sflag:s21] =	ssyncadd.s32 $0xFFFFC000  }
0x11a: {  	[hbm4b:s23+s2] =	stream.linear.scatter [tilespmem:s17], [sflag:$0xC], $0x4000, $0x38;
	[tilespmem:$0x18A80] =	vst v63  }
0x11b: {  	_ =	swait.ge [sflag:s11], $0x4000  }
0x11c: {  	s23 =	sld [smem:$0x7FA]  }
0x11d: {  	[sflag:s11] =	ssyncset.done $0x0  }
0x11e: {  	[sflag:s11] =	ssyncadd.s32 $0xFFFFC000  }
0x11f: {  	[tilespmem:s18], [sflag:$0x5] =	stream.indirect.gather [hbm4b:s3+s16], $0x80, s23, s16, $0xb8;
	[tilespmem:$0x18A80] =	vst v63  }
0x120: {  	_ =	swait.ge [sflag:s15], $0x4000  }
0x121: {  	[sflag:s15] =	ssyncset.done $0x0  }
0x122: {  	s23 =	rddreg [dreg:$0xa];
	[sflag:s15] =	ssyncadd.s32 $0xFFFFC000  }
0x123: {  	[hbm4b:s23+s2] =	stream.linear.scatter [tilespmem:s6], [sflag:$0x7], $0x4000, $0x38;
	[tilespmem:$0x18A80] =	vst v63  }
0x124: {  	_ =	swait.ge [sflag:s12], $0x4000  }
0x125: {  	s23 =	sld [smem:$0x7FB]  }
0x126: {  	[sflag:s12] =	ssyncset.done $0x0  }
0x127: {  	[sflag:s12] =	ssyncadd.s32 $0xFFFFC000  }
0x128: {  	[tilespmem:s17], [sflag:$0x6] =	stream.indirect.gather [hbm4b:s3+s16], $0x80, s23, s16, $0xb8;
	[tilespmem:$0x18A80] =	vst v63  }
0x129: {  	_ =	swait.ge [sflag:s13], $0x4000  }
0x12a: {  	[sflag:s13] =	ssyncset.done $0x0  }
0x12b: {  	s23 =	rddreg [dreg:$0xb];
	[sflag:s13] =	ssyncadd.s32 $0xFFFFC000  }
0x12c: {  	[hbm4b:s23+s2] =	stream.linear.scatter [tilespmem:s5], [sflag:$0x8], $0x4000, $0x38;
	[tilespmem:$0x18A80] =	vst v63  }
0x12d: {  	_ =	swait.ge [sflag:s7], $0x4000  }
0x12e: {  	s23 =	sld [smem:$0x7FC]  }
0x12f: {  	[sflag:s7] =	ssyncset.done $0x0  }
0x130: {  	[sflag:s7] =	ssyncadd.s32 $0xFFFFC000  }
0x131: {  	[tilespmem:s6], [sflag:$0x1] =	stream.indirect.gather [hbm4b:s3+s16], $0x80, s23, s16, $0xb8;
	[tilespmem:$0x18A80] =	vst v63  }
0x132: {  	_ =	swait.ge [sflag:s14], $0x4000  }
0x133: {  	[sflag:s14] =	ssyncset.done $0x0  }
0x134: {  	s23 =	rddreg [dreg:$0xc];
	[sflag:s14] =	ssyncadd.s32 $0xFFFFC000  }
0x135: {  	[hbm4b:s23+s2] =	stream.linear.scatter [tilespmem:s4], [sflag:$0x9], $0x4000, $0x38;
	[tilespmem:$0x18A80] =	vst v63  }
0x136: {  	_ =	swait.ge [sflag:s8], $0x4000  }
0x137: {  	s23 =	sld [smem:$0x7FD]  }
0x138: {  	[sflag:s8] =	ssyncset.done $0x0  }
0x139: {  	[sflag:s8] =	ssyncadd.s32 $0xFFFFC000  }
0x13a: {  	[tilespmem:s5], [sflag:$0x2] =	stream.indirect.gather [hbm4b:s3+s16], $0x80, s23, s16, $0xb8;
	[tilespmem:$0x18A80] =	vst v63  }
0x13b: {  	_ =	swait.ge [sflag:s22], $0x4000  }
0x13c: {  	[sflag:s22] =	ssyncset.done $0x0  }
0x13d: {  	s23 =	rddreg [dreg:$0xd];
	[sflag:s22] =	ssyncadd.s32 $0xFFFFC000  }
0x13e: {  	[hbm4b:s23+s2] =	stream.linear.scatter [tilespmem:s19], [sflag:$0xA], $0x4000, $0x38;
	[tilespmem:$0x18A80] =	vst v63  }
0x13f: {  	_ =	swait.ge [sflag:s9], $0x4000  }
0x140: {  	[sflag:s9] =	ssyncset.done $0x0  }
0x141: {  	s23 =	simm.s32 $0x700;
	[sflag:s9] =	ssyncadd.s32 $0xFFFFC000  }
0x142: {  	[tilespmem:s4], [sflag:$0x3] =	stream.indirect.gather [hbm4b:s3+s16], $0x80, s23, s16, $0xb8;
	[tilespmem:$0x18A80] =	vst v63  }
0x143: {  	_ =	swait.ge [sflag:s20], $0x4000  }
0x144: {  	[sflag:s20] =	ssyncset.done $0x0  }
0x145: {  	s23 =	rddreg [dreg:$0xe];
	[sflag:s20] =	ssyncadd.s32 $0xFFFFC000  }
0x146: {  	[hbm4b:s23+s2] =	stream.linear.scatter [tilespmem:s18], [sflag:$0xB], $0x4000, $0x38;
	[tilespmem:$0x18A80] =	vst v63  }
0x147: {  	_ =	swait.ge [sflag:s10], $0x4000  }
0x148: {  	[sflag:s10] =	ssyncset.done $0x0  }
0x149: {  	[sflag:s10] =	ssyncadd.s32 $0xFFFFC000  }
0x14a: {  	[tilespmem:s19], [sflag:$0x4] =	stream.indirect.gather [hbm4b:s3+s16], $0x80, s30, s16, $0xb8;
	[tilespmem:$0x18A80] =	vst v63  }
0x14b: {  	_ =	swait.ge [sflag:s21], $0x4000  }
0x14c: {  	[sflag:s21] =	ssyncset.done $0x0  }
0x14d: {  	s23 =	rddreg [dreg:$0xf];
	[sflag:s21] =	ssyncadd.s32 $0xFFFFC000  }
0x14e: {  	[hbm4b:s23+s2] =	stream.linear.scatter [tilespmem:s17], [sflag:$0xC], $0x4000, $0x38;
	[tilespmem:$0x18A80] =	vst v63  }
0x14f: {  	_ =	swait.ge [sflag:s11], $0x4000  }
0x150: {  	[sflag:s11] =	ssyncset.done $0x0  }
0x151: {  	[sflag:s11] =	ssyncadd.s32 $0xFFFFC000  }
0x152: {  	[tilespmem:s18], [sflag:$0x5] =	stream.indirect.gather [hbm4b:s3+s16], $0x80, s29, s16, $0xb8;
	[tilespmem:$0x18A80] =	vst v63  }
0x153: {  	_ =	swait.ge [sflag:s15], $0x4000  }
0x154: {  	[sflag:s15] =	ssyncset.done $0x0  }
0x155: {  	s23 =	rddreg [dreg:$0x10];
	[sflag:s15] =	ssyncadd.s32 $0xFFFFC000  }
0x156: {  	[hbm4b:s23+s2] =	stream.linear.scatter [tilespmem:s6], [sflag:$0x7], $0x4000, $0x38;
	[tilespmem:$0x18A80] =	vst v63  }
0x157: {  	_ =	swait.ge [sflag:s12], $0x4000  }
0x158: {  	[sflag:s12] =	ssyncset.done $0x0  }
0x159: {  	[sflag:s12] =	ssyncadd.s32 $0xFFFFC000  }
0x15a: {  	[tilespmem:s17], [sflag:$0x6] =	stream.indirect.gather [hbm4b:s3+s16], $0x80, s28, s16, $0xb8;
	[tilespmem:$0x18A80] =	vst v63  }
0x15b: {  	_ =	swait.ge [sflag:s13], $0x4000  }
0x15c: {  	[sflag:s13] =	ssyncset.done $0x0  }
0x15d: {  	s23 =	rddreg [dreg:$0x11];
	[sflag:s13] =	ssyncadd.s32 $0xFFFFC000  }
0x15e: {  	[hbm4b:s23+s2] =	stream.linear.scatter [tilespmem:s5], [sflag:$0x8], $0x4000, $0x38;
	[tilespmem:$0x18A80] =	vst v63  }
0x15f: {  	_ =	swait.ge [sflag:s7], $0x4000  }
0x160: {  	[sflag:s7] =	ssyncset.done $0x0  }
0x161: {  	[sflag:s7] =	ssyncadd.s32 $0xFFFFC000  }
0x162: {  	[tilespmem:s6], [sflag:$0x1] =	stream.indirect.gather [hbm4b:s3+s16], $0x80, s26, s16, $0xb8;
	[tilespmem:$0x18A80] =	vst v63  }
0x163: {  	_ =	swait.ge [sflag:s14], $0x4000  }
0x164: {  	[sflag:s14] =	ssyncset.done $0x0  }
0x165: {  	s23 =	rddreg [dreg:$0x12];
	[sflag:s14] =	ssyncadd.s32 $0xFFFFC000  }
0x166: {  	[hbm4b:s23+s2] =	stream.linear.scatter [tilespmem:s4], [sflag:$0x9], $0x4000, $0x38;
	[tilespmem:$0x18A80] =	vst v63  }
0x167: {  	_ =	swait.ge [sflag:s8], $0x4000  }
0x168: {  	[sflag:s8] =	ssyncset.done $0x0  }
0x169: {  	[sflag:s8] =	ssyncadd.s32 $0xFFFFC000  }
0x16a: {  	[tilespmem:s5], [sflag:$0x2] =	stream.indirect.gather [hbm4b:s3+s16], $0x80, s25, s16, $0xb8;
	[tilespmem:$0x18A80] =	vst v63  }
0x16b: {  	_ =	swait.ge [sflag:s22], $0x4000  }
0x16c: {  	[sflag:s22] =	ssyncset.done $0x0  }
0x16d: {  	s23 =	rddreg [dreg:$0x13];
	[sflag:s22] =	ssyncadd.s32 $0xFFFFC000  }
0x16e: {  	[hbm4b:s23+s2] =	stream.linear.scatter [tilespmem:s19], [sflag:$0xA], $0x4000, $0x38;
	[tilespmem:$0x18A80] =	vst v63  }
0x16f: {  	_ =	swait.ge [sflag:s9], $0x4000  }
0x170: {  	[sflag:s9] =	ssyncset.done $0x0  }
0x171: {  	[sflag:s9] =	ssyncadd.s32 $0xFFFFC000  }
0x172: {  	[tilespmem:s4], [sflag:$0x3] =	stream.indirect.gather [hbm4b:s3+s16], $0x80, s24, s16, $0xb8;
	[tilespmem:$0x18A80] =	vst v63  }
0x173: {  	_ =	swait.ge [sflag:s20], $0x4000  }
0x174: {  	[sflag:s20] =	ssyncset.done $0x0  }
0x175: {  	s23 =	rddreg [dreg:$0x14];
	[sflag:s20] =	ssyncadd.s32 $0xFFFFC000  }
0x176: {  	[hbm4b:s23+s2] =	stream.linear.scatter [tilespmem:s18], [sflag:$0xB], $0x4000, $0x38;
	[tilespmem:$0x18A80] =	vst v63  }
0x177: {  	_ =	swait.ge [sflag:s21], $0x4000  }
0x178: {  	[sflag:s21] =	ssyncset.done $0x0  }
0x179: {  	s23 =	rddreg [dreg:$0x15];
	[sflag:s21] =	ssyncadd.s32 $0xFFFFC000  }
0x17a: {  	[hbm4b:s23+s2] =	stream.linear.scatter [tilespmem:s17], [sflag:$0xC], $0x4000, $0x38;
	[tilespmem:$0x18A80] =	vst v63  }
0x17b: {  	_ =	swait.ge [sflag:s15], $0x4000  }
0x17c: {  	[sflag:s15] =	ssyncset.done $0x0  }
0x17d: {  	s23 =	rddreg [dreg:$0x16];
	[sflag:s15] =	ssyncadd.s32 $0xFFFFC000  }
0x17e: {  	[hbm4b:s23+s2] =	stream.linear.scatter [tilespmem:s6], [sflag:$0x7], $0x4000, $0x38;
	[tilespmem:$0x18A80] =	vst v63  }
0x17f: {  	_ =	swait.ge [sflag:s13], $0x4000  }
0x180: {  	[sflag:s13] =	ssyncset.done $0x0  }
0x181: {  	s23 =	rddreg [dreg:$0x17];
	[sflag:s13] =	ssyncadd.s32 $0xFFFFC000  }
0x182: {  	[hbm4b:s23+s2] =	stream.linear.scatter [tilespmem:s5], [sflag:$0x8], $0x4000, $0x38;
	[tilespmem:$0x18A80] =	vst v63  }
0x183: {  	_ =	swait.ge [sflag:s14], $0x4000  }
0x184: {  	[sflag:s14] =	ssyncset.done $0x0  }
0x185: {  	s23 =	rddreg [dreg:$0x18];
	[sflag:s14] =	ssyncadd.s32 $0xFFFFC000  }
0x186: {  	[hbm4b:s23+s2] =	stream.linear.scatter [tilespmem:s4], [sflag:$0x9], $0x4000, $0x38;
	[tilespmem:$0x18A80] =	vst v63  }
0x187: {  	_ =	swait.ge [sflag:s7], $0x4000  }
0x188: {  	[sflag:s7] =	ssyncset.done $0x0  }
0x189: {  	[sflag:s7] =	ssyncadd.s32 $0xFFFFC000  }
0x18a: {  	_ =	swait.ge [sflag:s8], $0x4000  }
0x18b: {  	[sflag:s8] =	ssyncset.done $0x0  }
0x18c: {  	[sflag:s8] =	ssyncadd.s32 $0xFFFFC000  }
0x18d: {  	_ =	swait.ge [sflag:s9], $0x4000  }
0x18e: {  	[sflag:s9] =	ssyncset.done $0x0  }
0x18f: {  	[sflag:s9] =	ssyncadd.s32 $0xFFFFC000  }
0x190: {  	_ =	swait.ge [sflag:s10], $0x4000  }
0x191: {  	[sflag:s10] =	ssyncset.done $0x0  }
0x192: {  	p1 =	sne.s32 s1, $0x1;
	[sflag:s10] =	ssyncadd.s32 $0xFFFFC000  }
.Ltmp2:
0x193: {  	_ =	swait.ge [sflag:s11], $0x4000;
	(pc) =	sbr.rel @p1 .LBB2_4-.Ltmp2, $4  }
0x194: {  	[sflag:s11] =	ssyncset.done $0x0  }
0x195: {  	[sflag:s11] =	ssyncadd.s32 $0xFFFFC000  }
0x196: {  	_ =	swait.ge [sflag:s12], $0x4000  }
0x197: {  	s1 =	sadd.s32 $0xFFFFFFFF, s1;
	s0 =	rddreg [dreg:$0x3];
	[sflag:s12] =	ssyncset.done $0x0  }
0x198: {  	s24 =	simm.s32 $0x700  }
0x199: {  	s30 =	simm.s32 $0x780;
	s29 =	simm.s32 $0x800;
	s28 =	simm.s32 $0x880  }
0x19a: {  	s26 =	simm.s32 $0x900;
	s25 =	simm.s32 $0x980;
	s23 =	stileid.u32  }
.LBB2_6:
0x19b: {  	[sflag:s12] =	ssyncadd.s32 @p0 $0xFFFFC000  }
0x19c: {  	[tilespmem:s2], [sflag:$0xD] =	stream.linear.gather [hbm4b:s0+s2], $0xA80, $0x38;
	[tilespmem:$0x18A80] =	vst v63  }
0x19d: {  	_ =	swait.ge [sflag:s31], $0xA80  }
0x19e: {  	[sflag:s31] =	ssyncset.done $0x0  }
0x19f: {  	[sflag:s31] =	ssyncadd.s32 $0xFFFFF580  }
0x1a0: {  	[tilespmem:s6], [sflag:$0x1] =	stream.indirect.gather [hbm4b:s3+s16], $0x80, s2, s16, $0xb8;
	[tilespmem:$0x18A80] =	vst v63  }
0x1a1: {  	_ = 	snop  }
0x1a2: {  	[tilespmem:s5], [sflag:$0x2] =	stream.indirect.gather [hbm4b:s3+s16], $0x80, s16, s16, $0xb8;
	[tilespmem:$0x18A80] =	vst v63  }
0x1a3: {  	s31 =	rddreg [dreg:$0x19]  }
0x1a4: {  	[tilespmem:s4], [sflag:$0x3] =	stream.indirect.gather [hbm4b:s3+s16], $0x80, s31, s16, $0xb8;
	[tilespmem:$0x18A80] =	vst v63  }
0x1a5: {  	s1 =	rddreg [dreg:$0x1a]  }
0x1a6: {  	[tilespmem:s19], [sflag:$0x4] =	stream.indirect.gather [hbm4b:s3+s16], $0x80, s1, s16, $0xb8;
	[tilespmem:$0x18A80] =	vst v63  }
0x1a7: {  	s31 =	rddreg [dreg:$0x1b]  }
0x1a8: {  	[tilespmem:s18], [sflag:$0x5] =	stream.indirect.gather [hbm4b:s3+s16], $0x80, s31, s16, $0xb8;
	[tilespmem:$0x18A80] =	vst v63  }
0x1a9: {  	_ =	swait.ge [sflag:s15], $0x4000  }
0x1aa: {  	[sflag:s15] =	ssyncset.done $0x0  }
0x1ab: {  	s1 =	rddreg [dreg:$0x4];
	[sflag:s15] =	ssyncadd.s32 $0xFFFFC000  }
0x1ac: {  	[hbm4b:s1+s2] =	stream.linear.scatter [tilespmem:s6], [sflag:$0x7], $0x4000, $0x38;
	[tilespmem:$0x18A80] =	vst v63  }
0x1ad: {  	s31 =	rddreg [dreg:$0x1c]  }
0x1ae: {  	[tilespmem:s17], [sflag:$0x6] =	stream.indirect.gather [hbm4b:s3+s16], $0x80, s31, s16, $0xb8;
	[tilespmem:$0x18A80] =	vst v63  }
0x1af: {  	_ =	swait.ge [sflag:s13], $0x4000  }
0x1b0: {  	[sflag:s13] =	ssyncset.done $0x0  }
0x1b1: {  	s31 =	rddreg [dreg:$0x5];
	[sflag:s13] =	ssyncadd.s32 $0xFFFFC000  }
0x1b2: {  	[hbm4b:s31+s2] =	stream.linear.scatter [tilespmem:s5], [sflag:$0x8], $0x4000, $0x38;
	[tilespmem:$0x18A80] =	vst v63  }
0x1b3: {  	_ =	swait.ge [sflag:s7], $0x4000  }
0x1b4: {  	[sflag:s7] =	ssyncset.done $0x0  }
0x1b5: {  	s1 =	rddreg [dreg:$0x1d];
	[sflag:s7] =	ssyncadd.s32 $0xFFFFC000  }
0x1b6: {  	[tilespmem:s6], [sflag:$0x1] =	stream.indirect.gather [hbm4b:s3+s16], $0x80, s1, s16, $0xb8;
	[tilespmem:$0x18A80] =	vst v63  }
0x1b7: {  	_ =	swait.ge [sflag:s14], $0x4000  }
0x1b8: {  	[sflag:s14] =	ssyncset.done $0x0  }
0x1b9: {  	s31 =	rddreg [dreg:$0x6];
	[sflag:s14] =	ssyncadd.s32 $0xFFFFC000  }
0x1ba: {  	[hbm4b:s31+s2] =	stream.linear.scatter [tilespmem:s4], [sflag:$0x9], $0x4000, $0x38;
	[tilespmem:$0x18A80] =	vst v63  }
0x1bb: {  	_ =	swait.ge [sflag:s8], $0x4000  }
0x1bc: {  	[sflag:s8] =	ssyncset.done $0x0  }
0x1bd: {  	s1 =	rddreg [dreg:$0x1e];
	[sflag:s8] =	ssyncadd.s32 $0xFFFFC000  }
0x1be: {  	[tilespmem:s5], [sflag:$0x2] =	stream.indirect.gather [hbm4b:s3+s16], $0x80, s1, s16, $0xb8;
	[tilespmem:$0x18A80] =	vst v63  }
0x1bf: {  	_ =	swait.ge [sflag:s22], $0x4000  }
0x1c0: {  	[sflag:s22] =	ssyncset.done $0x0  }
0x1c1: {  	s31 =	rddreg [dreg:$0x7];
	[sflag:s22] =	ssyncadd.s32 $0xFFFFC000  }
0x1c2: {  	[hbm4b:s31+s2] =	stream.linear.scatter [tilespmem:s19], [sflag:$0xA], $0x4000, $0x38;
	[tilespmem:$0x18A80] =	vst v63  }
0x1c3: {  	_ =	swait.ge [sflag:s9], $0x4000  }
0x1c4: {  	[sflag:s9] =	ssyncset.done $0x0  }
0x1c5: {  	s1 =	rddreg [dreg:$0x1f];
	[sflag:s9] =	ssyncadd.s32 $0xFFFFC000  }
0x1c6: {  	[tilespmem:s4], [sflag:$0x3] =	stream.indirect.gather [hbm4b:s3+s16], $0x80, s1, s16, $0xb8;
	[tilespmem:$0x18A80] =	vst v63  }
0x1c7: {  	_ =	swait.ge [sflag:s20], $0x4000  }
0x1c8: {  	[sflag:s20] =	ssyncset.done $0x0  }
0x1c9: {  	s31 =	rddreg [dreg:$0x8];
	[sflag:s20] =	ssyncadd.s32 $0xFFFFC000  }
0x1ca: {  	[hbm4b:s31+s2] =	stream.linear.scatter [tilespmem:s18], [sflag:$0xB], $0x4000, $0x38;
	[tilespmem:$0x18A80] =	vst v63  }
0x1cb: {  	_ =	swait.ge [sflag:s10], $0x4000  }
0x1cc: {  	s1 =	sld [smem:$0x7F9]  }
0x1cd: {  	[sflag:s10] =	ssyncset.done $0x0  }
0x1ce: {  	[sflag:s10] =	ssyncadd.s32 $0xFFFFC000  }
0x1cf: {  	[tilespmem:s19], [sflag:$0x4] =	stream.indirect.gather [hbm4b:s3+s16], $0x80, s1, s16, $0xb8;
	[tilespmem:$0x18A80] =	vst v63  }
0x1d0: {  	_ =	swait.ge [sflag:s21], $0x4000  }
0x1d1: {  	[sflag:s21] =	ssyncset.done $0x0  }
0x1d2: {  	s31 =	rddreg [dreg:$0x9];
	[sflag:s21] =	ssyncadd.s32 $0xFFFFC000  }
0x1d3: {  	[hbm4b:s31+s2] =	stream.linear.scatter [tilespmem:s17], [sflag:$0xC], $0x4000, $0x38;
	[tilespmem:$0x18A80] =	vst v63  }
0x1d4: {  	_ =	swait.ge [sflag:s11], $0x4000  }
0x1d5: {  	s1 =	sld [smem:$0x7FA]  }
0x1d6: {  	[sflag:s11] =	ssyncset.done $0x0  }
0x1d7: {  	[sflag:s11] =	ssyncadd.s32 $0xFFFFC000  }
0x1d8: {  	[tilespmem:s18], [sflag:$0x5] =	stream.indirect.gather [hbm4b:s3+s16], $0x80, s1, s16, $0xb8;
	[tilespmem:$0x18A80] =	vst v63  }
0x1d9: {  	_ =	swait.ge [sflag:s15], $0x4000  }
0x1da: {  	[sflag:s15] =	ssyncset.done $0x0  }
0x1db: {  	s31 =	rddreg [dreg:$0xa];
	[sflag:s15] =	ssyncadd.s32 $0xFFFFC000  }
0x1dc: {  	[hbm4b:s31+s2] =	stream.linear.scatter [tilespmem:s6], [sflag:$0x7], $0x4000, $0x38;
	[tilespmem:$0x18A80] =	vst v63  }
0x1dd: {  	_ =	swait.ge [sflag:s12], $0x4000  }
0x1de: {  	s1 =	sld [smem:$0x7FB]  }
0x1df: {  	[sflag:s12] =	ssyncset.done $0x0  }
0x1e0: {  	[sflag:s12] =	ssyncadd.s32 $0xFFFFC000  }
0x1e1: {  	[tilespmem:s17], [sflag:$0x6] =	stream.indirect.gather [hbm4b:s3+s16], $0x80, s1, s16, $0xb8;
	[tilespmem:$0x18A80] =	vst v63  }
0x1e2: {  	_ =	swait.ge [sflag:s13], $0x4000  }
0x1e3: {  	[sflag:s13] =	ssyncset.done $0x0  }
0x1e4: {  	s31 =	rddreg [dreg:$0xb];
	[sflag:s13] =	ssyncadd.s32 $0xFFFFC000  }
0x1e5: {  	[hbm4b:s31+s2] =	stream.linear.scatter [tilespmem:s5], [sflag:$0x8], $0x4000, $0x38;
	[tilespmem:$0x18A80] =	vst v63  }
0x1e6: {  	_ =	swait.ge [sflag:s7], $0x4000  }
0x1e7: {  	s1 =	sld [smem:$0x7FC]  }
0x1e8: {  	[sflag:s7] =	ssyncset.done $0x0  }
0x1e9: {  	[sflag:s7] =	ssyncadd.s32 $0xFFFFC000  }
0x1ea: {  	[tilespmem:s6], [sflag:$0x1] =	stream.indirect.gather [hbm4b:s3+s16], $0x80, s1, s16, $0xb8;
	[tilespmem:$0x18A80] =	vst v63  }
0x1eb: {  	_ =	swait.ge [sflag:s14], $0x4000  }
0x1ec: {  	[sflag:s14] =	ssyncset.done $0x0  }
0x1ed: {  	s31 =	rddreg [dreg:$0xc];
	[sflag:s14] =	ssyncadd.s32 $0xFFFFC000  }
0x1ee: {  	[hbm4b:s31+s2] =	stream.linear.scatter [tilespmem:s4], [sflag:$0x9], $0x4000, $0x38;
	[tilespmem:$0x18A80] =	vst v63  }
0x1ef: {  	_ =	swait.ge [sflag:s8], $0x4000  }
0x1f0: {  	s1 =	sld [smem:$0x7FD]  }
0x1f1: {  	[sflag:s8] =	ssyncset.done $0x0  }
0x1f2: {  	[sflag:s8] =	ssyncadd.s32 $0xFFFFC000  }
0x1f3: {  	[tilespmem:s5], [sflag:$0x2] =	stream.indirect.gather [hbm4b:s3+s16], $0x80, s1, s16, $0xb8;
	[tilespmem:$0x18A80] =	vst v63  }
0x1f4: {  	_ =	swait.ge [sflag:s22], $0x4000  }
0x1f5: {  	[sflag:s22] =	ssyncset.done $0x0  }
0x1f6: {  	s31 =	rddreg [dreg:$0xd];
	[sflag:s22] =	ssyncadd.s32 $0xFFFFC000  }
0x1f7: {  	[hbm4b:s31+s2] =	stream.linear.scatter [tilespmem:s19], [sflag:$0xA], $0x4000, $0x38;
	[tilespmem:$0x18A80] =	vst v63  }
0x1f8: {  	_ =	swait.ge [sflag:s9], $0x4000  }
0x1f9: {  	[sflag:s9] =	ssyncset.done $0x0  }
0x1fa: {  	[sflag:s9] =	ssyncadd.s32 $0xFFFFC000  }
0x1fb: {  	[tilespmem:s4], [sflag:$0x3] =	stream.indirect.gather [hbm4b:s3+s16], $0x80, s24, s16, $0xb8;
	[tilespmem:$0x18A80] =	vst v63  }
0x1fc: {  	_ =	swait.ge [sflag:s20], $0x4000  }
0x1fd: {  	[sflag:s20] =	ssyncset.done $0x0  }
0x1fe: {  	s1 =	rddreg [dreg:$0xe];
	[sflag:s20] =	ssyncadd.s32 $0xFFFFC000  }
0x1ff: {  	[hbm4b:s1+s2] =	stream.linear.scatter [tilespmem:s18], [sflag:$0xB], $0x4000, $0x38;
	[tilespmem:$0x18A80] =	vst v63  }
0x200: {  	_ =	swait.ge [sflag:s10], $0x4000  }
0x201: {  	[sflag:s10] =	ssyncset.done $0x0  }
0x202: {  	[sflag:s10] =	ssyncadd.s32 $0xFFFFC000  }
0x203: {  	[tilespmem:s19], [sflag:$0x4] =	stream.indirect.gather [hbm4b:s3+s16], $0x80, s30, s16, $0xb8;
	[tilespmem:$0x18A80] =	vst v63  }
0x204: {  	_ =	swait.ge [sflag:s21], $0x4000  }
0x205: {  	[sflag:s21] =	ssyncset.done $0x0  }
0x206: {  	s24 =	rddreg [dreg:$0xf];
	[sflag:s21] =	ssyncadd.s32 $0xFFFFC000  }
0x207: {  	[hbm4b:s24+s2] =	stream.linear.scatter [tilespmem:s17], [sflag:$0xC], $0x4000, $0x38;
	[tilespmem:$0x18A80] =	vst v63  }
0x208: {  	_ =	swait.ge [sflag:s11], $0x4000  }
0x209: {  	[sflag:s11] =	ssyncset.done $0x0  }
0x20a: {  	[sflag:s11] =	ssyncadd.s32 $0xFFFFC000  }
0x20b: {  	[tilespmem:s18], [sflag:$0x5] =	stream.indirect.gather [hbm4b:s3+s16], $0x80, s29, s16, $0xb8;
	[tilespmem:$0x18A80] =	vst v63  }
0x20c: {  	_ =	swait.ge [sflag:s15], $0x4000  }
0x20d: {  	[sflag:s15] =	ssyncset.done $0x0  }
0x20e: {  	s30 =	rddreg [dreg:$0x10];
	[sflag:s15] =	ssyncadd.s32 $0xFFFFC000  }
0x20f: {  	[hbm4b:s30+s2] =	stream.linear.scatter [tilespmem:s6], [sflag:$0x7], $0x4000, $0x38;
	[tilespmem:$0x18A80] =	vst v63  }
0x210: {  	_ =	swait.ge [sflag:s12], $0x4000  }
0x211: {  	[sflag:s12] =	ssyncset.done $0x0  }
0x212: {  	[sflag:s12] =	ssyncadd.s32 $0xFFFFC000  }
0x213: {  	[tilespmem:s17], [sflag:$0x6] =	stream.indirect.gather [hbm4b:s3+s16], $0x80, s28, s16, $0xb8;
	[tilespmem:$0x18A80] =	vst v63  }
0x214: {  	_ =	swait.ge [sflag:s13], $0x4000  }
0x215: {  	[sflag:s13] =	ssyncset.done $0x0  }
0x216: {  	s31 =	rddreg [dreg:$0x11];
	[sflag:s13] =	ssyncadd.s32 $0xFFFFC000  }
0x217: {  	[hbm4b:s31+s2] =	stream.linear.scatter [tilespmem:s5], [sflag:$0x8], $0x4000, $0x38;
	[tilespmem:$0x18A80] =	vst v63  }
0x218: {  	_ =	swait.ge [sflag:s7], $0x4000  }
0x219: {  	[sflag:s7] =	ssyncset.done $0x0  }
0x21a: {  	[sflag:s7] =	ssyncadd.s32 $0xFFFFC000  }
0x21b: {  	[tilespmem:s6], [sflag:$0x1] =	stream.indirect.gather [hbm4b:s3+s16], $0x80, s26, s16, $0xb8;
	[tilespmem:$0x18A80] =	vst v63  }
0x21c: {  	_ =	swait.ge [sflag:s14], $0x4000  }
0x21d: {  	[sflag:s14] =	ssyncset.done $0x0  }
0x21e: {  	s1 =	rddreg [dreg:$0x12];
	[sflag:s14] =	ssyncadd.s32 $0xFFFFC000  }
0x21f: {  	[hbm4b:s1+s2] =	stream.linear.scatter [tilespmem:s4], [sflag:$0x9], $0x4000, $0x38;
	[tilespmem:$0x18A80] =	vst v63  }
0x220: {  	_ =	swait.ge [sflag:s8], $0x4000  }
0x221: {  	[sflag:s8] =	ssyncset.done $0x0  }
0x222: {  	[sflag:s8] =	ssyncadd.s32 $0xFFFFC000  }
0x223: {  	[tilespmem:s5], [sflag:$0x2] =	stream.indirect.gather [hbm4b:s3+s16], $0x80, s25, s16, $0xb8;
	[tilespmem:$0x18A80] =	vst v63  }
0x224: {  	_ =	swait.ge [sflag:s22], $0x4000  }
0x225: {  	[sflag:s22] =	ssyncset.done $0x0  }
0x226: {  	s24 =	rddreg [dreg:$0x13];
	[sflag:s22] =	ssyncadd.s32 $0xFFFFC000  }
0x227: {  	[hbm4b:s24+s2] =	stream.linear.scatter [tilespmem:s19], [sflag:$0xA], $0x4000, $0x38;
	[tilespmem:$0x18A80] =	vst v63  }
0x228: {  	_ =	swait.ge [sflag:s9], $0x4000  }
0x229: {  	[sflag:s9] =	ssyncset.done $0x0  }
0x22a: {  	s25 =	simm.s32 $0xA00;
	[sflag:s9] =	ssyncadd.s32 $0xFFFFC000  }
0x22b: {  	[tilespmem:s4], [sflag:$0x3] =	stream.indirect.gather [hbm4b:s3+s16], $0x80, s25, s16, $0xb8;
	[tilespmem:$0x18A80] =	vst v63  }
0x22c: {  	_ =	swait.ge [sflag:s20], $0x4000  }
0x22d: {  	[sflag:s20] =	ssyncset.done $0x0  }
0x22e: {  	s26 =	rddreg [dreg:$0x14];
	[sflag:s20] =	ssyncadd.s32 $0xFFFFC000  }
0x22f: {  	[hbm4b:s26+s2] =	stream.linear.scatter [tilespmem:s18], [sflag:$0xB], $0x4000, $0x38;
	[tilespmem:$0x18A80] =	vst v63  }
0x230: {  	_ =	swait.ge [sflag:s21], $0x4000  }
0x231: {  	[sflag:s21] =	ssyncset.done $0x0  }
0x232: {  	s28 =	rddreg [dreg:$0x15];
	[sflag:s21] =	ssyncadd.s32 $0xFFFFC000  }
0x233: {  	[hbm4b:s28+s2] =	stream.linear.scatter [tilespmem:s17], [sflag:$0xC], $0x4000, $0x38;
	[tilespmem:$0x18A80] =	vst v63  }
0x234: {  	_ =	swait.ge [sflag:s15], $0x4000  }
0x235: {  	[sflag:s15] =	ssyncset.done $0x0  }
0x236: {  	s29 =	rddreg [dreg:$0x16];
	[sflag:s15] =	ssyncadd.s32 $0xFFFFC000  }
0x237: {  	[hbm4b:s29+s2] =	stream.linear.scatter [tilespmem:s6], [sflag:$0x7], $0x4000, $0x38;
	[tilespmem:$0x18A80] =	vst v63  }
0x238: {  	_ =	swait.ge [sflag:s13], $0x4000  }
0x239: {  	[sflag:s13] =	ssyncset.done $0x0  }
0x23a: {  	s30 =	rddreg [dreg:$0x17];
	[sflag:s13] =	ssyncadd.s32 $0xFFFFC000  }
0x23b: {  	[hbm4b:s30+s2] =	stream.linear.scatter [tilespmem:s5], [sflag:$0x8], $0x4000, $0x38;
	[tilespmem:$0x18A80] =	vst v63  }
0x23c: {  	_ =	swait.ge [sflag:s14], $0x4000  }
0x23d: {  	[sflag:s14] =	ssyncset.done $0x0  }
0x23e: {  	s31 =	rddreg [dreg:$0x18];
	[sflag:s14] =	ssyncadd.s32 $0xFFFFC000  }
0x23f: {  	[hbm4b:s31+s2] =	stream.linear.scatter [tilespmem:s4], [sflag:$0x9], $0x4000, $0x38;
	[tilespmem:$0x18A80] =	vst v63  }
0x240: {  	_ =	swait.ge [sflag:s7], $0x4000  }
0x241: {  	[sflag:s7] =	ssyncset.done $0x0  }
0x242: {  	[sflag:s7] =	ssyncadd.s32 $0xFFFFC000  }
0x243: {  	_ =	swait.ge [sflag:s8], $0x4000  }
0x244: {  	[sflag:s8] =	ssyncset.done $0x0  }
0x245: {  	[sflag:s8] =	ssyncadd.s32 $0xFFFFC000  }
0x246: {  	_ =	swait.ge [sflag:s9], $0x4000  }
0x247: {  	[sflag:s9] =	ssyncset.done $0x0  }
0x248: {  	[sflag:s9] =	ssyncadd.s32 $0xFFFFC000  }
0x249: {  	_ =	swait.ge [sflag:s10], $0x4000  }
0x24a: {  	[sflag:s10] =	ssyncset.done $0x0  }
0x24b: {  	[sflag:s10] =	ssyncadd.s32 $0xFFFFC000  }
0x24c: {  	_ =	swait.ge [sflag:s11], $0x4000  }
0x24d: {  	[sflag:s11] =	ssyncset.done $0x0  }
0x24e: {  	[sflag:s11] =	ssyncadd.s32 $0xFFFFC000  }
0x24f: {  	_ =	swait.ge [sflag:s12], $0x4000  }
0x250: {  	[sflag:s12] =	ssyncset.done $0x0  }
0x251: {  	[sflag:s12] =	ssyncadd.s32 $0xFFFFC000  }
0x252: {  	_ =	sfence.sel $0x180000  }
0x253: {  	[bflag:$0x0] =	sbarrier.arrive $0xFFFF  }
0x254: {  	_ =	strace $0x9000004D  }
0x255: {  	[bflag:$0x2] =	sbarrier.arrive $0xFFFF  }
0x256: {  	p0 =	sne.s32 s23, $0x0;
	s0 =	rddreg [dreg:$0x2]  }
0x257: {  	s0 =	sadd.s32 @!p0 $0x100000, s0  }
0x258: {  	[sflag:s0] =	ssyncadd.tile.s32 @!p0 $0x1;
	_ =	shalt  }
.LBB2_1:
.Ltmp3:
0x259: {  	(pc) =	sbr.rel .LBB2_6-.Ltmp3, $3  }
0x25a: {  	_ =	sdelay $0x1  }
0x25b: {  	s24 =	simm.s32 $0x700;
	s30 =	simm.s32 $0x780;
	s29 =	simm.s32 $0x800  }
0x25c: {  	s28 =	simm.s32 $0x880;
	s26 =	simm.s32 $0x900;
	s25 =	simm.s32 $0x980  }
.LBB2_3:
.Ltmp4:
0x25d: {  	(pc) =	sbr.rel .LBB2_6-.Ltmp4, $4  }
0x25e: {  	_ = 	snop  }
0x25f: {  	s24 =	simm.s32 $0x700  }
0x260: {  	s30 =	simm.s32 $0x780;
	s29 =	simm.s32 $0x800;
	s28 =	simm.s32 $0x880  }
0x261: {  	s26 =	simm.s32 $0x900;
	s25 =	simm.s32 $0x980;
	s23 =	stileid.u32  }
.Lfunc_end2:
_tile_overlayer_lowered:
.L_overlay_start_2:
0x262: {  	(tag) =	ssettag $0x2  }
0x263: {  	s0 =	rddreg [dreg:$0x0];
	s2 =	stileid.u32  }
0x264: {  	s1 =	rddreg [dreg:$0x1];
	p0 =	sne.s32 s2, $0x0  }
0x265: {  	s3 =	rddreg [dreg:$0x2];
	[bflag:$0x3] =	sbarrier.arrive $0xFFFF;
	s2 =	simm.s32 @!p0 $0x1C0D  }
0x266: {  	[timem:s3], [sflag:s2] =	dma.local @!p0 [hbm:s0], s1  }
0x267: {  	s0 =	simm.s32 @!p0 $0xD  }
0x268: {  	_ =	swait.ge @!p0 [sflag:s0], s1  }
0x269: {  	s1 =	ssub.s32 @!p0 $0x0, s1;
	[sflag:s0] =	ssyncset.done @!p0 $0x0  }
0x26a: {  	[sflag:s0] =	ssyncadd.s32 @!p0 s1  }
0x26b: {  	[bflag:$0x3] =	sbarrier.arrive $0xFFFF  }
0x26c: {  	_ =	shalt  }

</sc_bundles>
